<compile_context>
chip_gen: v7x
topology: tpu7x:2x2x1
jax: 0.10.2.dev20260603
libtpu: 0.0.44.dev20260713+nightly
codegen_flags: <defaults>
</compile_context>

<pallas_src>
import functools

import jax
import jax.numpy as jnp
from jax import lax
from jax.experimental import pallas as pl
from jax.experimental.pallas import tpu as pltpu
from jax.experimental.pallas import tpu_sc as plsc

N = 50000
E = 800000
B = 512
NF = 64
NG = 50
GAMMA = 10.0

NPAD = 50176
EPAD = 819200
NB = 512
EB = 1024
C = 128
TRASH = N

NC, NS = 2, 16
LOG2 = 0.6931471805599453


def _bdot(a, b):
    return jnp.dot(a.astype(jnp.bfloat16), b.astype(jnp.bfloat16),
                   preferred_element_type=jnp.float32)


def _ssp(x):
    return jnp.log(1.0 + jnp.exp(-jnp.abs(x))) + jnp.maximum(x, 0.0) - LOG2



def _emb_kernel(z_ref, emb_ref, w_ref, b_ref, x_ref, ma_ref, mb_ref):
    z = z_ref[...]
    onehot = (z == lax.broadcasted_iota(jnp.int32, (1, 100), 1)).astype(jnp.float32)
    x = jnp.dot(onehot, emb_ref[...], preferred_element_type=jnp.float32,
                precision=lax.Precision.HIGHEST)
    x_ref[...] = x
    m = _bdot(x, w_ref[...]) + b_ref[...]
    ma_ref[...] = m[:, :32]
    mb_ref[...] = m[:, 32:]


def _g_kernel(d2_ref, u_ref, w11_ref, b11_ref, w12_ref, b12_ref,
              w21_ref, b21_ref, w22_ref, b22_ref,
              g1a_ref, g1b_ref, g2a_ref, g2b_ref):
    d = jnp.sqrt(d2_ref[...] + 1e-12).reshape(EB, 1)
    rbf = jnp.exp(-GAMMA * jnp.square(d - u_ref[...]))
    g1 = _ssp(_bdot(rbf, w11_ref[...]) + b11_ref[...])
    g1 = _ssp(_bdot(g1, w12_ref[...]) + b12_ref[...])
    g2 = _ssp(_bdot(rbf, w21_ref[...]) + b21_ref[...])
    g2 = _ssp(_bdot(g2, w22_ref[...]) + b22_ref[...])
    g1a_ref[...] = g1[:, :32]
    g1b_ref[...] = g1[:, 32:]
    g2a_ref[...] = g2[:, :32]
    g2b_ref[...] = g2[:, 32:]


def _node_kernel(va_ref, vb_ref, x_ref, w1_ref, b1_ref, w2_ref, b2_ref,
                 nw_ref, nb_ref, x2_ref, ma_ref, mb_ref):
    v = jnp.concatenate([va_ref[...], vb_ref[...]], axis=1)
    h = _ssp(_bdot(v, w1_ref[...]) + b1_ref[...])
    h = _bdot(h, w2_ref[...]) + b2_ref[...]
    x2 = x_ref[...] + h
    x2_ref[...] = x2
    m2 = _bdot(x2, nw_ref[...]) + nb_ref[...]
    ma_ref[...] = m2[:, :32]
    mb_ref[...] = m2[:, 32:]


def _post_kernel(va_ref, vb_ref, x_ref, w1_ref, b1_ref, w2_ref, b2_ref,
                 pw1_ref, pb1_ref, pw2_ref, pb2_ref, p_ref):
    v = jnp.concatenate([va_ref[...], vb_ref[...]], axis=1)
    h = _ssp(_bdot(v, w1_ref[...]) + b1_ref[...])
    h = _bdot(h, w2_ref[...]) + b2_ref[...]
    x3 = x_ref[...] + h
    p = _ssp(_bdot(x3, pw1_ref[...]) + pb1_ref[...])
    p_ref[...] = _bdot(p, pw2_ref[...]) + pb2_ref[...]


def _head_kernel(p_ref, batch_ref, solv_ref, embs_ref, sw1_ref, sb1_ref,
                 sw2_ref, sb2_ref, qw1a_ref, qw1b_ref, qb1_ref,
                 qw2_ref, qb2_ref, qw3_ref, qb3_ref, out_ref,
                 acc_ref, cnt_ref):
    i = pl.program_id(0)

    @pl.when(i == 0)
    def _init():
        acc_ref[...] = jnp.zeros_like(acc_ref)
        cnt_ref[...] = jnp.zeros_like(cnt_ref)

    onehot = (lax.broadcasted_iota(jnp.int32, (B, 1), 0) == batch_ref[...]
              ).astype(jnp.float32)
    acc_ref[...] += jnp.dot(onehot, p_ref[...], preferred_element_type=jnp.float32,
                            precision=lax.Precision.HIGHEST)
    cnt_ref[...] += jnp.sum(onehot, axis=1, keepdims=True)

    @pl.when(i == NPAD // NB - 1)
    def _final():
        xg = acc_ref[...] / jnp.maximum(cnt_ref[...], 1.0)
        oh = (solv_ref[...] == lax.broadcasted_iota(jnp.int32, (1, 4), 1)
              ).astype(jnp.float32)
        s = jnp.dot(oh, embs_ref[...], preferred_element_type=jnp.float32,
                    precision=lax.Precision.HIGHEST)
        s = _ssp(_bdot(s, sw1_ref[...]) + sb1_ref[...])
        s = _bdot(s, sw2_ref[...]) + sb2_ref[...]
        h = _ssp(_bdot(xg, qw1a_ref[...])
                 + _bdot(s, qw1b_ref[...])
                 + qb1_ref[...])
        h = _ssp(_bdot(h, qw2_ref[...]) + qb2_ref[...])
        out_ref[...] = _bdot(h, qw3_ref[...]) + qb3_ref[...]


def _full(shape):
    return pl.BlockSpec(shape, lambda i: tuple(0 for _ in shape))



_MESH = plsc.VectorSubcoreMesh(core_axis_name="c", subcore_axis_name="s",
                               num_cores=NC, num_subcores=NS)


@functools.partial(
    pl.kernel,
    out_type=jax.ShapeDtypeStruct((EPAD,), jnp.float32),
    mesh=_MESH,
    scratch_types=[
        pltpu.VMEM((2, C), jnp.int32),
        pltpu.VMEM((2, C), jnp.int32),
        pltpu.VMEM((C, 16), jnp.float32),
        pltpu.VMEM((C, 16), jnp.float32),
        pltpu.VMEM((C,), jnp.float32),
        pltpu.SemaphoreType.DMA,
        pltpu.SemaphoreType.DMA,
    ],
    compiler_params=pltpu.CompilerParams(needs_layout_passes=False,
                                         use_tc_tiling_on_sc=False),
)
def _sc_dist(pos_hbm, src_hbm, dst_hbm, d2_hbm,
             sidx, didx, ps, pd, d2v, sem1, sem2):
    c = lax.axis_index("c")
    s = lax.axis_index("s")
    wid = s * NC + c
    per_w = EPAD // (NC * NS)
    nchunks = per_w // C

    def idx_start(j, b):
        base = wid * per_w + j * C
        pltpu.async_copy(src_hbm.at[pl.ds(base, C)], sidx.at[b], sem2)
        pltpu.async_copy(dst_hbm.at[pl.ds(base, C)], didx.at[b], sem2)

    def idx_wait(j, b):
        base = wid * per_w + j * C
        pltpu.make_async_copy(src_hbm.at[pl.ds(base, C)], sidx.at[b], sem2).wait()
        pltpu.make_async_copy(dst_hbm.at[pl.ds(base, C)], didx.at[b], sem2).wait()

    idx_start(0, 0)

    def chunk(j, _):
        b = lax.rem(j, 2)
        base = wid * per_w + j * C
        idx_wait(j, b)
        cp1 = pltpu.async_copy(pos_hbm.at[sidx.at[b]], ps, sem1)
        cp2 = pltpu.async_copy(pos_hbm.at[didx.at[b]], pd, sem1)

        @pl.when(j + 1 < nchunks)
        def _pre():
            idx_start(j + 1, lax.rem(j + 1, 2))

        cp1.wait()
        cp2.wait()
        lanes = lax.iota(jnp.int32, 16)
        for i in range(C // 16):
            rows = lanes + (i * 16)
            c0 = jnp.zeros((16,), jnp.int32)
            c1 = jnp.full((16,), 1, jnp.int32)
            c2 = jnp.full((16,), 2, jnp.int32)
            dx = (plsc.load_gather(ps, [rows, c0])
                  - plsc.load_gather(pd, [rows, c0]))
            dy = (plsc.load_gather(ps, [rows, c1])
                  - plsc.load_gather(pd, [rows, c1]))
            dz = (plsc.load_gather(ps, [rows, c2])
                  - plsc.load_gather(pd, [rows, c2]))
            d2v[pl.ds(i * 16, 16)] = dx * dx + dy * dy + dz * dz
        pltpu.sync_copy(d2v, d2_hbm.at[pl.ds(base, C)])
        return 0

    lax.fori_loop(0, nchunks, chunk, 0)


@functools.partial(
    pl.kernel,
    out_type=[jax.ShapeDtypeStruct((NPAD, 32), jnp.float32),
              jax.ShapeDtypeStruct((NPAD, 32), jnp.float32)],
    mesh=_MESH,
    scratch_types=[
        pltpu.VMEM((2, C), jnp.int32),
        pltpu.VMEM((2, C), jnp.int32),
        pltpu.VMEM((2, C), jnp.int32),
        pltpu.VMEM((2, C), jnp.int32),
        pltpu.VMEM((C, 32), jnp.float32),
        pltpu.VMEM((C, 32), jnp.float32),
        pltpu.VMEM((2 * C, 32), jnp.float32),
        pltpu.VMEM((2 * C, 32), jnp.float32),
        pltpu.VMEM_SHARED((NPAD, 32), jnp.float32),
        pltpu.SemaphoreType.DMA,
        pltpu.SemaphoreType.DMA,
    ],
    compiler_params=pltpu.CompilerParams(use_tc_tiling_on_sc=False),
)
def _sc_msg(ma_hbm, mb_hbm, ga_hbm, gb_hbm, src_hbm, dst_hbm, zeros_hbm,
            va_hbm, vb_hbm,
            sidx0, sidx1, didx0, didx1, rows0, rows1, gv, msg, acc, gsem, isem):
    c = lax.axis_index("c")
    s = lax.axis_index("s")
    stripe = NPAD // NS
    per_s = EPAD // NS
    nchunks = per_s // (2 * C)

    def idx_start(j, b):
        base = s * per_s + j * (2 * C)
        pltpu.async_copy(src_hbm.at[pl.ds(base, C)], sidx0.at[b], isem)
        pltpu.async_copy(src_hbm.at[pl.ds(base + C, C)], sidx1.at[b], isem)
        pltpu.async_copy(dst_hbm.at[pl.ds(base, C)], didx0.at[b], isem)
        pltpu.async_copy(dst_hbm.at[pl.ds(base + C, C)], didx1.at[b], isem)

    def idx_wait(j, b):
        base = s * per_s + j * (2 * C)
        pltpu.make_async_copy(src_hbm.at[pl.ds(base, C)], sidx0.at[b], isem).wait()
        pltpu.make_async_copy(src_hbm.at[pl.ds(base + C, C)], sidx1.at[b], isem).wait()
        pltpu.make_async_copy(dst_hbm.at[pl.ds(base, C)], didx0.at[b], isem).wait()
        pltpu.make_async_copy(dst_hbm.at[pl.ds(base + C, C)], didx1.at[b], isem).wait()

    idx_start(0, 0)
    pltpu.sync_copy(zeros_hbm.at[pl.ds(s * stripe, stripe)],
                    acc.at[pl.ds(s * stripe, stripe)])
    plsc.subcore_barrier()

    def chunk(j, _):
        b = lax.rem(j, 2)
        nb2 = lax.rem(j + 1, 2)
        base = s * per_s + j * (2 * C)
        idx_wait(j, b)

        @pl.when(c == 0)
        def _ca():
            pltpu.async_copy(ma_hbm.at[sidx0.at[b]], rows0, gsem)
            pltpu.async_copy(ma_hbm.at[sidx1.at[b]], rows1, gsem)

        @pl.when(c == 1)
        def _cb():
            pltpu.async_copy(mb_hbm.at[sidx0.at[b]], rows0, gsem)
            pltpu.async_copy(mb_hbm.at[sidx1.at[b]], rows1, gsem)

        @pl.when(j + 1 < nchunks)
        def _pre():
            idx_start(j + 1, nb2)

        @pl.when(c == 0)
        def _ga():
            pltpu.sync_copy(ga_hbm.at[pl.ds(base, 2 * C)], gv)

        @pl.when(c == 1)
        def _gb():
            pltpu.sync_copy(gb_hbm.at[pl.ds(base, 2 * C)], gv)

        pltpu.make_async_copy(ma_hbm.at[sidx0.at[b]], rows0, gsem).wait()
        pltpu.make_async_copy(ma_hbm.at[sidx1.at[b]], rows1, gsem).wait()

        def mrow(i, _):
            msg[i, 0:16] = rows0[i, 0:16] * gv[i, 0:16]
            msg[i, 16:32] = rows0[i, 16:32] * gv[i, 16:32]
            k = i + C
            msg[k, 0:16] = rows1[i, 0:16] * gv[k, 0:16]
            msg[k, 16:32] = rows1[i, 16:32] * gv[k, 16:32]
            return 0

        lax.fori_loop(0, C, mrow, 0, unroll=4)
        pltpu.sync_copy(msg.at[pl.ds(0, C)], acc.at[didx0.at[b]], add=True)
        pltpu.sync_copy(msg.at[pl.ds(C, C)], acc.at[didx1.at[b]], add=True)
        return 0

    lax.fori_loop(0, nchunks, chunk, 0)
    plsc.subcore_barrier()

    @pl.when(c == 0)
    def _oa():
        pltpu.sync_copy(acc.at[pl.ds(s * stripe, stripe)],
                        va_hbm.at[pl.ds(s * stripe, stripe)])

    @pl.when(c == 1)
    def _ob():
        pltpu.sync_copy(acc.at[pl.ds(s * stripe, stripe)],
                        vb_hbm.at[pl.ds(s * stripe, stripe)])



def kernel(position, params, z, edge_index, batch, solvent):
    p = params
    f32 = jnp.float32

    pos_pad = jnp.zeros((NPAD, 16), f32).at[:N, :3].set(position)
    src = edge_index[0].astype(jnp.int32)
    dst = edge_index[1].astype(jnp.int32)
    src_pad = jnp.concatenate([src, jnp.zeros((EPAD - E,), jnp.int32)])
    dst_pad = jnp.concatenate([dst, jnp.full((EPAD - E,), TRASH, jnp.int32)])
    zeros_nodes = jnp.zeros((NPAD, 32), f32)
    z_pad = jnp.concatenate([z.astype(jnp.int32), jnp.zeros((NPAD - N,), jnp.int32)])
    z2d = z_pad.reshape(NPAD, 1)
    batch_row = jnp.concatenate([batch.astype(jnp.int32),
                                 jnp.full((NPAD - N,), B, jnp.int32)]).reshape(1, NPAD)
    solv2d = solvent.astype(jnp.int32).reshape(B, 1)
    u_k = jnp.arange(0.0, 5.0, 0.1, dtype=f32).reshape(1, NG)

    ngrid = NPAD // NB
    egrid = EPAD // EB

    nhalf = pl.BlockSpec((NB, 32), lambda i: (i, 0))
    sds_nh = jax.ShapeDtypeStruct((NPAD, 32), f32)

    x, m1a, m1b = pl.pallas_call(
        _emb_kernel,
        grid=(ngrid,),
        in_specs=[pl.BlockSpec((NB, 1), lambda i: (i, 0)),
                  _full((100, NF)), _full((NF, NF)), _full((1, NF))],
        out_specs=[pl.BlockSpec((NB, NF), lambda i: (i, 0)), nhalf, nhalf],
        out_shape=[jax.ShapeDtypeStruct((NPAD, NF), f32), sds_nh, sds_nh],
    )(z2d, p['emb_z'], p['inter'][0]['lin1_w'],
      p['inter'][0]['lin1_b'].reshape(1, NF))

    d2 = _sc_dist(pos_pad, src_pad, dst_pad)

    wspecs = [_full((1, NG)), _full((NG, NF)), _full((1, NF)), _full((NF, NF)),
              _full((1, NF)), _full((NG, NF)), _full((1, NF)), _full((NF, NF)),
              _full((1, NF))]
    ehalf = pl.BlockSpec((EB, 32), lambda i: (i, 0))
    sds_eh = jax.ShapeDtypeStruct((EPAD, 32), f32)
    g1a, g1b, g2a, g2b = pl.pallas_call(
        _g_kernel,
        grid=(egrid,),
        in_specs=[pl.BlockSpec((EB,), lambda i: (i,))] + wspecs,
        out_specs=[ehalf, ehalf, ehalf, ehalf],
        out_shape=[sds_eh, sds_eh, sds_eh, sds_eh],
    )(d2, u_k,
      p['inter'][0]['g_w1'], p['inter'][0]['g_b1'].reshape(1, NF),
      p['inter'][0]['g_w2'], p['inter'][0]['g_b2'].reshape(1, NF),
      p['inter'][1]['g_w1'], p['inter'][1]['g_b1'].reshape(1, NF),
      p['inter'][1]['g_w2'], p['inter'][1]['g_b2'].reshape(1, NF))

    v1a, v1b = _sc_msg(m1a, m1b, g1a, g1b, src_pad, dst_pad, zeros_nodes)

    lp0, lp1 = p['inter'][0], p['inter'][1]
    x2, m2a, m2b = pl.pallas_call(
        _node_kernel,
        grid=(ngrid,),
        in_specs=[nhalf, nhalf,
                  pl.BlockSpec((NB, NF), lambda i: (i, 0)),
                  _full((NF, NF)), _full((1, NF)), _full((NF, NF)), _full((1, NF)),
                  _full((NF, NF)), _full((1, NF))],
        out_specs=[pl.BlockSpec((NB, NF), lambda i: (i, 0)), nhalf, nhalf],
        out_shape=[jax.ShapeDtypeStruct((NPAD, NF), f32), sds_nh, sds_nh],
    )(v1a, v1b, x, lp0['m_w1'], lp0['m_b1'].reshape(1, NF),
      lp0['m_w2'], lp0['m_b2'].reshape(1, NF),
      lp1['lin1_w'], lp1['lin1_b'].reshape(1, NF))

    v2a, v2b = _sc_msg(m2a, m2b, g2a, g2b, src_pad, dst_pad, zeros_nodes)

    post = pl.pallas_call(
        _post_kernel,
        grid=(ngrid,),
        in_specs=[nhalf, nhalf,
                  pl.BlockSpec((NB, NF), lambda i: (i, 0)),
                  _full((NF, NF)), _full((1, NF)), _full((NF, NF)), _full((1, NF)),
                  _full((NF, NF)), _full((1, NF)), _full((NF, 64)), _full((1, 64))],
        out_specs=pl.BlockSpec((NB, 64), lambda i: (i, 0)),
        out_shape=jax.ShapeDtypeStruct((NPAD, 64), f32),
    )(v2a, v2b, x2, lp1['m_w1'], lp1['m_b1'].reshape(1, NF),
      lp1['m_w2'], lp1['m_b2'].reshape(1, NF),
      p['post_w1'], p['post_b1'].reshape(1, NF),
      p['post_w2'], p['post_b2'].reshape(1, 64))

    out = pl.pallas_call(
        _head_kernel,
        grid=(ngrid,),
        in_specs=[pl.BlockSpec((NB, 64), lambda i: (i, 0)),
                  pl.BlockSpec((1, NB), lambda i: (0, i)),
                  _full((B, 1)), _full((4, 64)), _full((64, 64)), _full((1, 64)),
                  _full((64, 32)), _full((1, 32)),
                  _full((64, 128)), _full((32, 128)), _full((1, 128)),
                  _full((128, 32)), _full((1, 32)), _full((32, 1)), _full((1, 1))],
        out_specs=_full((B, 1)),
        out_shape=jax.ShapeDtypeStruct((B, 1), f32),
        scratch_shapes=[pltpu.VMEM((B, 64), f32), pltpu.VMEM((B, 1), f32)],
    )(post, batch_row, solv2d, p['emb_solv'],
      p['solv_w1'], p['solv_b1'].reshape(1, 64),
      p['solv_w2'], p['solv_b2'].reshape(1, 32),
      p['q_w1'][:64], p['q_w1'][64:], p['q_b1'].reshape(1, 128),
      p['q_w2'], p['q_b2'].reshape(1, 32),
      p['q_w3'], p['q_b3'].reshape(1, 1))

    return out

# --- scband reference (transcript-rebuilt; emitter-appended) ---
"""Pipeline reference for scband-sch-net-avg-15676630630708 (READ-ONLY COPY).

The authoritative reference and input builder live on the scoring server;
editing this copy changes nothing except your own understanding.
"""

import jax, jax.numpy as jnp
import numpy as np

N = 50000
E = 800000
B = 512
NF = 64
NG = 50  # int(u_max / step) = int(5.0 / 0.1)
GAMMA = 10.0


def ssp(x):
    # SSPlus: softplus(x) - log(2)
    return jax.nn.softplus(x) - jnp.log(2.0)


def _p(key, shape):
    return jax.random.normal(key, shape, dtype=jnp.float32) * 0.1


def _make_params(key):
    ks = iter(jax.random.split(key, 64))
    params = {
        'emb_z': _p(next(ks), (100, NF)),
        'emb_solv': _p(next(ks), (4, 64)),
        'solv_w1': _p(next(ks), (64, 64)), 'solv_b1': jnp.zeros((64,), jnp.float32),
        'solv_w2': _p(next(ks), (64, 32)), 'solv_b2': jnp.zeros((32,), jnp.float32),
        'post_w1': _p(next(ks), (NF, NF)), 'post_b1': jnp.zeros((NF,), jnp.float32),
        'post_w2': _p(next(ks), (NF, 64)), 'post_b2': jnp.zeros((64,), jnp.float32),
        'q_w1': _p(next(ks), (64 + 32, 128)), 'q_b1': jnp.zeros((128,), jnp.float32),
        'q_w2': _p(next(ks), (128, 32)), 'q_b2': jnp.zeros((32,), jnp.float32),
        'q_w3': _p(next(ks), (32, 1)), 'q_b3': jnp.zeros((1,), jnp.float32),
        'inter': [],
    }
    for _ in range(2):
        params['inter'].append({
            'lin1_w': _p(next(ks), (NF, NF)), 'lin1_b': jnp.zeros((NF,), jnp.float32),
            'g_w1': _p(next(ks), (NG, NF)), 'g_b1': jnp.zeros((NF,), jnp.float32),
            'g_w2': _p(next(ks), (NF, NF)), 'g_b2': jnp.zeros((NF,), jnp.float32),
            'm_w1': _p(next(ks), (NF, NF)), 'm_b1': jnp.zeros((NF,), jnp.float32),
            'm_w2': _p(next(ks), (NF, NF)), 'm_b2': jnp.zeros((NF,), jnp.float32),
        })
    return params


def setup_inputs(seed: int = 0):
    key = jax.random.key(seed)
    ks = jax.random.split(key, 8)
    z = jax.random.randint(ks[0], (N,), 0, 100)
    position = jax.random.normal(ks[1], (N, 3), dtype=jnp.float32) * 3.0
    edge_index = jax.random.randint(ks[2], (2, E), 0, N)
    batch = jnp.sort(jax.random.randint(ks[3], (N,), 0, B))
    solvent = jax.random.randint(ks[4], (B,), 0, 4)
    params = _make_params(ks[5])
    return {'position': position, 'params': params, 'z': z,
            'edge_index': edge_index, 'batch': batch, 'solvent': solvent}


def _forward(position, params, z, edge_index, batch, solvent):
    x = params['emb_z'][z]                       # embedding_z(z)
    s = params['emb_solv'][solvent]              # embedding_solv(solvent)
    s = ssp(s @ params['solv_w1'] + params['solv_b1']) @ params['solv_w2'] + params['solv_b2']
    src = edge_index[0]
    dst = edge_index[1]
    u_k = jnp.arange(0.0, 5.0, 0.1, dtype=jnp.float32)[None, :]  # [1, 50]
    for lp in params['inter']:
        m = x @ lp['lin1_w'] + lp['lin1_b']      # lin_1
        pi = position[dst]
        pj = position[src]
        d = jnp.sqrt(jnp.sum(jnp.square(pi - pj), axis=1, keepdims=True) + 1e-12)
        g = jnp.exp(-GAMMA * jnp.square(d - u_k))  # gaussian RBF expansion [E, 50]
        g = ssp(g @ lp['g_w1'] + lp['g_b1'])
        g = ssp(g @ lp['g_w2'] + lp['g_b2'])
        msg = m[src] * g                          # x_j * filter
        v = jax.ops.segment_sum(msg, dst, num_segments=N)  # scatter-sum aggregate
        v = ssp(v @ lp['m_w1'] + lp['m_b1']) @ lp['m_w2'] + lp['m_b2']
        x = x + v                                 # residual
    x = ssp(x @ params['post_w1'] + params['post_b1']) @ params['post_w2'] + params['post_b2']
    sums = jax.ops.segment_sum(x, batch, num_segments=B)
    cnt = jax.ops.segment_sum(jnp.ones((N, 1), jnp.float32), batch, num_segments=B)
    xg = sums / jnp.maximum(cnt, 1.0)             # scatter mean pooling per graph
    out = jnp.concatenate([xg, s], axis=1)        # [B, 96]
    out = ssp(out @ params['q_w1'] + params['q_b1'])
    out = ssp(out @ params['q_w2'] + params['q_b2'])
    out = out @ params['q_w3'] + params['q_b3']
    return out


def reference(position, params, z, edge_index, batch, solvent):
    return _forward(position, params, z, edge_index, batch, solvent)

if __name__ == "__main__":
    import jax
    _d = setup_inputs()
    print(jax.jit(kernel)(*tuple(_d.values())))

</pallas_src>

<mosaic_0001>
#map = affine_map<(d0, d1) -> (0, 0)>
#map1 = affine_map<(d0, d1) -> (0)>
module attributes {stable_mosaic.version = 14 : i64} {
  func.func @_sc_msg(%arg0: i32, %arg1: i32, %arg2: memref<50176x32xf32, #tpu.memory_space<hbm>>, %arg3: memref<50176x32xf32, #tpu.memory_space<hbm>>, %arg4: memref<819200x32xf32, #tpu.memory_space<hbm>>, %arg5: memref<819200x32xf32, #tpu.memory_space<hbm>>, %arg6: memref<819200xi32, #tpu.memory_space<hbm>>, %arg7: memref<819200xi32, #tpu.memory_space<hbm>>, %arg8: memref<50176x32xf32, #tpu.memory_space<hbm>>, %arg9: memref<50176x32xf32, #tpu.memory_space<hbm>>, %arg10: memref<50176x32xf32, #tpu.memory_space<hbm>>, %arg11: memref<2x128xi32, #tpu.memory_space<vmem>>, %arg12: memref<2x128xi32, #tpu.memory_space<vmem>>, %arg13: memref<2x128xi32, #tpu.memory_space<vmem>>, %arg14: memref<2x128xi32, #tpu.memory_space<vmem>>, %arg15: memref<128x32xf32, #tpu.memory_space<vmem>>, %arg16: memref<128x32xf32, #tpu.memory_space<vmem>>, %arg17: memref<256x32xf32, #tpu.memory_space<vmem>>, %arg18: memref<256x32xf32, #tpu.memory_space<vmem>>, %arg19: memref<50176x32xf32, #tpu.memory_space<vmem_shared>>, %arg20: memref<!tpu.dma_semaphore, #tpu.memory_space<semaphore_mem>>, %arg21: memref<!tpu.dma_semaphore, #tpu.memory_space<semaphore_mem>>) attributes {dimension_semantics = [#tpu.dimension_semantics<core_parallel>, #tpu.dimension_semantics<subcore_parallel>], iteration_bounds = array<i64: 2, 16>, scalar_prefetch = 0 : i64, scratch_operands = 11 : i64, tpu.core_type = #tpu.core_type<sc_vector_subcore>, window_params = [{transform_indices = #map}, {transform_indices = #map}, {transform_indices = #map}, {transform_indices = #map}, {transform_indices = #map1}, {transform_indices = #map1}, {transform_indices = #map}, {transform_indices = #map}, {transform_indices = #map}]} {
    %mul3A = arith.constant 51200 : i32
    %mul3A_0 = arith.muli %arg1, %mul3A : i32
    %add3A = arith.constant 0 : i32
    %add3A_1 = arith.addi %mul3A_0, %add3A : i32
    %dma_start3A = arith.constant 0 : i32
    %dma_start3A_2 = arith.constant 0 : i32
    %dma_start3A_3 = tpu.memref_slice %arg11[%dma_start3A, %dma_start3A_2] : memref<2x128xi32, #tpu.memory_space<vmem>> -> memref<1x128xi32, #tpu.memory_space<vmem>>
    %dma_start3A_4 = tpu.memref_squeeze %dma_start3A_3 : memref<1x128xi32, #tpu.memory_space<vmem>> -> memref<128xi32, #tpu.memory_space<vmem>>
    %dma_start3A_5 = tpu.memref_slice %arg6[%add3A_1] : memref<819200xi32, #tpu.memory_space<hbm>> -> memref<128xi32, #tpu.memory_space<hbm>>
    %dma_start3A_6 = arith.constant 0 : i32
    %dma_start3A_7 = tpu.memref_slice %arg11[%dma_start3A, %dma_start3A_6] : memref<2x128xi32, #tpu.memory_space<vmem>> -> memref<1x128xi32, #tpu.memory_space<vmem>>
    %dma_start3A_8 = tpu.memref_squeeze %dma_start3A_7 : memref<1x128xi32, #tpu.memory_space<vmem>> -> memref<128xi32, #tpu.memory_space<vmem>>
    %dma_start3A_9 = tpu.memref_slice %arg6[%add3A_1] : memref<819200xi32, #tpu.memory_space<hbm>> -> memref<128xi32, #tpu.memory_space<hbm>>
    tpu.enqueue_dma source(%dma_start3A_9 : memref<128xi32, #tpu.memory_space<hbm>>) target(%dma_start3A_8 : memref<128xi32, #tpu.memory_space<vmem>>) target_semaphore(%arg21 : memref<!tpu.dma_semaphore, #tpu.memory_space<semaphore_mem>>)
    %add3A_10 = arith.constant 128 : i32
    %add3A_11 = arith.addi %add3A_1, %add3A_10 : i32
    %dma_start3A_12 = arith.constant 0 : i32
    %dma_start3A_13 = arith.constant 0 : i32
    %dma_start3A_14 = tpu.memref_slice %arg12[%dma_start3A_12, %dma_start3A_13] : memref<2x128xi32, #tpu.memory_space<vmem>> -> memref<1x128xi32, #tpu.memory_space<vmem>>
    %dma_start3A_15 = tpu.memref_squeeze %dma_start3A_14 : memref<1x128xi32, #tpu.memory_space<vmem>> -> memref<128xi32, #tpu.memory_space<vmem>>
    %dma_start3A_16 = tpu.memref_slice %arg6[%add3A_11] : memref<819200xi32, #tpu.memory_space<hbm>> -> memref<128xi32, #tpu.memory_space<hbm>>
    %dma_start3A_17 = arith.constant 0 : i32
    %dma_start3A_18 = tpu.memref_slice %arg12[%dma_start3A_12, %dma_start3A_17] : memref<2x128xi32, #tpu.memory_space<vmem>> -> memref<1x128xi32, #tpu.memory_space<vmem>>
    %dma_start3A_19 = tpu.memref_squeeze %dma_start3A_18 : memref<1x128xi32, #tpu.memory_space<vmem>> -> memref<128xi32, #tpu.memory_space<vmem>>
    %dma_start3A_20 = tpu.memref_slice %arg6[%add3A_11] : memref<819200xi32, #tpu.memory_space<hbm>> -> memref<128xi32, #tpu.memory_space<hbm>>
    tpu.enqueue_dma source(%dma_start3A_20 : memref<128xi32, #tpu.memory_space<hbm>>) target(%dma_start3A_19 : memref<128xi32, #tpu.memory_space<vmem>>) target_semaphore(%arg21 : memref<!tpu.dma_semaphore, #tpu.memory_space<semaphore_mem>>)
    %dma_start3A_21 = arith.constant 0 : i32
    %dma_start3A_22 = arith.constant 0 : i32
    %dma_start3A_23 = tpu.memref_slice %arg13[%dma_start3A_21, %dma_start3A_22] : memref<2x128xi32, #tpu.memory_space<vmem>> -> memref<1x128xi32, #tpu.memory_space<vmem>>
    %dma_start3A_24 = tpu.memref_squeeze %dma_start3A_23 : memref<1x128xi32, #tpu.memory_space<vmem>> -> memref<128xi32, #tpu.memory_space<vmem>>
    %dma_start3A_25 = tpu.memref_slice %arg7[%add3A_1] : memref<819200xi32, #tpu.memory_space<hbm>> -> memref<128xi32, #tpu.memory_space<hbm>>
    %dma_start3A_26 = arith.constant 0 : i32
    %dma_start3A_27 = tpu.memref_slice %arg13[%dma_start3A_21, %dma_start3A_26] : memref<2x128xi32, #tpu.memory_space<vmem>> -> memref<1x128xi32, #tpu.memory_space<vmem>>
    %dma_start3A_28 = tpu.memref_squeeze %dma_start3A_27 : memref<1x128xi32, #tpu.memory_space<vmem>> -> memref<128xi32, #tpu.memory_space<vmem>>
    %dma_start3A_29 = tpu.memref_slice %arg7[%add3A_1] : memref<819200xi32, #tpu.memory_space<hbm>> -> memref<128xi32, #tpu.memory_space<hbm>>
    tpu.enqueue_dma source(%dma_start3A_29 : memref<128xi32, #tpu.memory_space<hbm>>) target(%dma_start3A_28 : memref<128xi32, #tpu.memory_space<vmem>>) target_semaphore(%arg21 : memref<!tpu.dma_semaphore, #tpu.memory_space<semaphore_mem>>)
    %add3A_30 = arith.constant 128 : i32
    %add3A_31 = arith.addi %add3A_1, %add3A_30 : i32
    %dma_start3A_32 = arith.constant 0 : i32
    %dma_start3A_33 = arith.constant 0 : i32
    %dma_start3A_34 = tpu.memref_slice %arg14[%dma_start3A_32, %dma_start3A_33] : memref<2x128xi32, #tpu.memory_space<vmem>> -> memref<1x128xi32, #tpu.memory_space<vmem>>
    %dma_start3A_35 = tpu.memref_squeeze %dma_start3A_34 : memref<1x128xi32, #tpu.memory_space<vmem>> -> memref<128xi32, #tpu.memory_space<vmem>>
    %dma_start3A_36 = tpu.memref_slice %arg7[%add3A_31] : memref<819200xi32, #tpu.memory_space<hbm>> -> memref<128xi32, #tpu.memory_space<hbm>>
    %dma_start3A_37 = arith.constant 0 : i32
    %dma_start3A_38 = tpu.memref_slice %arg14[%dma_start3A_32, %dma_start3A_37] : memref<2x128xi32, #tpu.memory_space<vmem>> -> memref<1x128xi32, #tpu.memory_space<vmem>>
    %dma_start3A_39 = tpu.memref_squeeze %dma_start3A_38 : memref<1x128xi32, #tpu.memory_space<vmem>> -> memref<128xi32, #tpu.memory_space<vmem>>
    %dma_start3A_40 = tpu.memref_slice %arg7[%add3A_31] : memref<819200xi32, #tpu.memory_space<hbm>> -> memref<128xi32, #tpu.memory_space<hbm>>
    tpu.enqueue_dma source(%dma_start3A_40 : memref<128xi32, #tpu.memory_space<hbm>>) target(%dma_start3A_39 : memref<128xi32, #tpu.memory_space<vmem>>) target_semaphore(%arg21 : memref<!tpu.dma_semaphore, #tpu.memory_space<semaphore_mem>>)
    %mul3A_41 = arith.constant 3136 : i32
    %mul3A_42 = arith.muli %arg1, %mul3A_41 : i32
    %mul3A_43 = arith.constant 3136 : i32
    %mul3A_44 = arith.muli %arg1, %mul3A_43 : i32
    "tpu.region"() ({
      %run_scoped3A = tpu.sem_alloc : memref<!tpu.dma_semaphore, #tpu.memory_space<semaphore_mem>>
      %dma_start3A_59 = arith.constant 0 : i32
      %dma_start3A_60 = tpu.memref_slice %arg19[%mul3A_44, %dma_start3A_59] : memref<50176x32xf32, #tpu.memory_space<vmem_shared>> -> memref<3136x32xf32, #tpu.memory_space<vmem_shared>>
      %dma_start3A_61 = arith.constant 0 : i32
      %dma_start3A_62 = tpu.memref_slice %arg8[%mul3A_42, %dma_start3A_61] : memref<50176x32xf32, #tpu.memory_space<hbm>> -> memref<3136x32xf32, #tpu.memory_space<hbm>>
      tpu.enqueue_dma source(%dma_start3A_62 : memref<3136x32xf32, #tpu.memory_space<hbm>>) target(%dma_start3A_60 : memref<3136x32xf32, #tpu.memory_space<vmem_shared>>) target_semaphore(%run_scoped3A : memref<!tpu.dma_semaphore, #tpu.memory_space<semaphore_mem>>)
      %dma_wait3A = arith.constant 0 : i32
      %dma_wait3A_63 = tpu.memref_slice %arg19[%mul3A_44, %dma_wait3A] : memref<50176x32xf32, #tpu.memory_space<vmem_shared>> -> memref<3136x32xf32, #tpu.memory_space<vmem_shared>>
      %dma_wait3A_64 = arith.constant 0 : i32
      %dma_wait3A_65 = tpu.memref_slice %arg8[%mul3A_42, %dma_wait3A_64] : memref<50176x32xf32, #tpu.memory_space<hbm>> -> memref<3136x32xf32, #tpu.memory_space<hbm>>
      tpu.wait_dma2 semaphore(%run_scoped3A : memref<!tpu.dma_semaphore, #tpu.memory_space<semaphore_mem>>) src(%dma_wait3A_65 : memref<3136x32xf32, #tpu.memory_space<hbm>>) dst(%dma_wait3A_63 : memref<3136x32xf32, #tpu.memory_space<vmem_shared>>)
      tpu.yield
    }) : () -> ()
    %barrier3A = arith.constant 0 : index
    tpu.barrier barrier_id(%barrier3A)
    %scan3A = arith.constant 0 : i32
    %scan3A_45 = arith.constant 0 : i32
    %scan3A_46 = arith.constant 200 : i32
    %scan3A_47 = arith.addi %scan3A_45, %scan3A_46 : i32
    %scan3A_48 = arith.constant 1 : i32
    %scan3A_49 = scf.for %scan3A_59 = %scan3A_45 to %scan3A_47 step %scan3A_48 iter_args(%scan3A_60 = %scan3A) -> (i32)  : i32 {
      %rem3A = arith.constant 2 : i32
      %rem3A_61 = arith.remsi %scan3A_59, %rem3A : i32
      %add3A_62 = arith.constant 1 : i32
      %add3A_63 = arith.addi %scan3A_59, %add3A_62 : i32
      %rem3A_64 = arith.constant 2 : i32
      %rem3A_65 = arith.remsi %add3A_63, %rem3A_64 : i32
      %mul3A_66 = arith.constant 51200 : i32
      %mul3A_67 = arith.muli %arg1, %mul3A_66 : i32
      %mul3A_68 = arith.constant 256 : i32
      %mul3A_69 = arith.muli %scan3A_59, %mul3A_68 : i32
      %add3A_70 = arith.addi %mul3A_67, %mul3A_69 : i32
      %mul3A_71 = arith.constant 51200 : i32
      %mul3A_72 = arith.muli %arg1, %mul3A_71 : i32
      %mul3A_73 = arith.constant 256 : i32
      %mul3A_74 = arith.muli %scan3A_59, %mul3A_73 : i32
      %add3A_75 = arith.addi %mul3A_72, %mul3A_74 : i32
      %dma_wait3A = arith.constant 0 : i32
      %dma_wait3A_76 = tpu.memref_slice %arg11[%rem3A_61, %dma_wait3A] : memref<2x128xi32, #tpu.memory_space<vmem>> -> memref<1x128xi32, #tpu.memory_space<vmem>>
      %dma_wait3A_77 = tpu.memref_squeeze %dma_wait3A_76 : memref<1x128xi32, #tpu.memory_space<vmem>> -> memref<128xi32, #tpu.memory_space<vmem>>
      %dma_wait3A_78 = tpu.memref_slice %arg6[%add3A_75] : memref<819200xi32, #tpu.memory_space<hbm>> -> memref<128xi32, #tpu.memory_space<hbm>>
      %dma_wait3A_79 = arith.constant 0 : i32
      %dma_wait3A_80 = tpu.memref_slice %arg11[%rem3A_61, %dma_wait3A_79] : memref<2x128xi32, #tpu.memory_space<vmem>> -> memref<1x128xi32, #tpu.memory_space<vmem>>
      %dma_wait3A_81 = tpu.memref_squeeze %dma_wait3A_80 : memref<1x128xi32, #tpu.memory_space<vmem>> -> memref<128xi32, #tpu.memory_space<vmem>>
      %dma_wait3A_82 = tpu.memref_slice %arg6[%add3A_75] : memref<819200xi32, #tpu.memory_space<hbm>> -> memref<128xi32, #tpu.memory_space<hbm>>
      tpu.wait_dma2 semaphore(%arg21 : memref<!tpu.dma_semaphore, #tpu.memory_space<semaphore_mem>>) src(%dma_wait3A_82 : memref<128xi32, #tpu.memory_space<hbm>>) dst(%dma_wait3A_81 : memref<128xi32, #tpu.memory_space<vmem>>)
      %add3A_83 = arith.constant 128 : i32
      %add3A_84 = arith.addi %add3A_75, %add3A_83 : i32
      %dma_wait3A_85 = arith.constant 0 : i32
      %dma_wait3A_86 = tpu.memref_slice %arg12[%rem3A_61, %dma_wait3A_85] : memref<2x128xi32, #tpu.memory_space<vmem>> -> memref<1x128xi32, #tpu.memory_space<vmem>>
      %dma_wait3A_87 = tpu.memref_squeeze %dma_wait3A_86 : memref<1x128xi32, #tpu.memory_space<vmem>> -> memref<128xi32, #tpu.memory_space<vmem>>
      %dma_wait3A_88 = tpu.memref_slice %arg6[%add3A_84] : memref<819200xi32, #tpu.memory_space<hbm>> -> memref<128xi32, #tpu.memory_space<hbm>>
      %dma_wait3A_89 = arith.constant 0 : i32
      %dma_wait3A_90 = tpu.memref_slice %arg12[%rem3A_61, %dma_wait3A_89] : memref<2x128xi32, #tpu.memory_space<vmem>> -> memref<1x128xi32, #tpu.memory_space<vmem>>
      %dma_wait3A_91 = tpu.memref_squeeze %dma_wait3A_90 : memref<1x128xi32, #tpu.memory_space<vmem>> -> memref<128xi32, #tpu.memory_space<vmem>>
      %dma_wait3A_92 = tpu.memref_slice %arg6[%add3A_84] : memref<819200xi32, #tpu.memory_space<hbm>> -> memref<128xi32, #tpu.memory_space<hbm>>
      tpu.wait_dma2 semaphore(%arg21 : memref<!tpu.dma_semaphore, #tpu.memory_space<semaphore_mem>>) src(%dma_wait3A_92 : memref<128xi32, #tpu.memory_space<hbm>>) dst(%dma_wait3A_91 : memref<128xi32, #tpu.memory_space<vmem>>)
      %dma_wait3A_93 = arith.constant 0 : i32
      %dma_wait3A_94 = tpu.memref_slice %arg13[%rem3A_61, %dma_wait3A_93] : memref<2x128xi32, #tpu.memory_space<vmem>> -> memref<1x128xi32, #tpu.memory_space<vmem>>
      %dma_wait3A_95 = tpu.memref_squeeze %dma_wait3A_94 : memref<1x128xi32, #tpu.memory_space<vmem>> -> memref<128xi32, #tpu.memory_space<vmem>>
      %dma_wait3A_96 = tpu.memref_slice %arg7[%add3A_75] : memref<819200xi32, #tpu.memory_space<hbm>> -> memref<128xi32, #tpu.memory_space<hbm>>
      %dma_wait3A_97 = arith.constant 0 : i32
      %dma_wait3A_98 = tpu.memref_slice %arg13[%rem3A_61, %dma_wait3A_97] : memref<2x128xi32, #tpu.memory_space<vmem>> -> memref<1x128xi32, #tpu.memory_space<vmem>>
      %dma_wait3A_99 = tpu.memref_squeeze %dma_wait3A_98 : memref<1x128xi32, #tpu.memory_space<vmem>> -> memref<128xi32, #tpu.memory_space<vmem>>
      %dma_wait3A_100 = tpu.memref_slice %arg7[%add3A_75] : memref<819200xi32, #tpu.memory_space<hbm>> -> memref<128xi32, #tpu.memory_space<hbm>>
      tpu.wait_dma2 semaphore(%arg21 : memref<!tpu.dma_semaphore, #tpu.memory_space<semaphore_mem>>) src(%dma_wait3A_100 : memref<128xi32, #tpu.memory_space<hbm>>) dst(%dma_wait3A_99 : memref<128xi32, #tpu.memory_space<vmem>>)
      %add3A_101 = arith.constant 128 : i32
      %add3A_102 = arith.addi %add3A_75, %add3A_101 : i32
      %dma_wait3A_103 = arith.constant 0 : i32
      %dma_wait3A_104 = tpu.memref_slice %arg14[%rem3A_61, %dma_wait3A_103] : memref<2x128xi32, #tpu.memory_space<vmem>> -> memref<1x128xi32, #tpu.memory_space<vmem>>
      %dma_wait3A_105 = tpu.memref_squeeze %dma_wait3A_104 : memref<1x128xi32, #tpu.memory_space<vmem>> -> memref<128xi32, #tpu.memory_space<vmem>>
      %dma_wait3A_106 = tpu.memref_slice %arg7[%add3A_102] : memref<819200xi32, #tpu.memory_space<hbm>> -> memref<128xi32, #tpu.memory_space<hbm>>
      %dma_wait3A_107 = arith.constant 0 : i32
      %dma_wait3A_108 = tpu.memref_slice %arg14[%rem3A_61, %dma_wait3A_107] : memref<2x128xi32, #tpu.memory_space<vmem>> -> memref<1x128xi32, #tpu.memory_space<vmem>>
      %dma_wait3A_109 = tpu.memref_squeeze %dma_wait3A_108 : memref<1x128xi32, #tpu.memory_space<vmem>> -> memref<128xi32, #tpu.memory_space<vmem>>
      %dma_wait3A_110 = tpu.memref_slice %arg7[%add3A_102] : memref<819200xi32, #tpu.memory_space<hbm>> -> memref<128xi32, #tpu.memory_space<hbm>>
      tpu.wait_dma2 semaphore(%arg21 : memref<!tpu.dma_semaphore, #tpu.memory_space<semaphore_mem>>) src(%dma_wait3A_110 : memref<128xi32, #tpu.memory_space<hbm>>) dst(%dma_wait3A_109 : memref<128xi32, #tpu.memory_space<vmem>>)
      %eq3A_111 = arith.constant 0 : i32
      %eq3A_112 = arith.cmpi eq, %arg0, %eq3A_111 : i32
      %convert_element_type3A_113 = arith.extui %eq3A_112 : i1 to i32
      %cond3A_114 = arith.constant 0 : i32
      %cond3A_115 = arith.cmpi ne, %convert_element_type3A_113, %cond3A_114 : i32
      scf.if %cond3A_115 {
        %dma_start3A_157 = arith.constant 0 : i32
        %dma_start3A_158 = tpu.memref_slice %arg11[%rem3A_61, %dma_start3A_157] : memref<2x128xi32, #tpu.memory_space<vmem>> -> memref<1x128xi32, #tpu.memory_space<vmem>>
        %dma_start3A_159 = tpu.memref_squeeze %dma_start3A_158 : memref<1x128xi32, #tpu.memory_space<vmem>> -> memref<128xi32, #tpu.memory_space<vmem>>
        %dma_start3A_160 = arith.constant 0 : i32
        %dma_start3A_161 = arith.constant 0 : i32
        %dma_start3A_162 = tpu.memref_slice %arg2[%dma_start3A_160, %dma_start3A_161] : memref<50176x32xf32, #tpu.memory_space<hbm>> -> memref<50176x32xf32, #tpu.memory_space<hbm>>
        tpu.enqueue_indirect_dma source(%dma_start3A_162 : memref<50176x32xf32, #tpu.memory_space<hbm>>) target(%arg15 : memref<128x32xf32, #tpu.memory_space<vmem>>) offsets(%dma_start3A_159 : memref<128xi32, #tpu.memory_space<vmem>>) semaphore(%arg20 : memref<!tpu.dma_semaphore, #tpu.memory_space<semaphore_mem>>)
        %dma_start3A_163 = arith.constant 0 : i32
        %dma_start3A_164 = tpu.memref_slice %arg12[%rem3A_61, %dma_start3A_163] : memref<2x128xi32, #tpu.memory_space<vmem>> -> memref<1x128xi32, #tpu.memory_space<vmem>>
        %dma_start3A_165 = tpu.memref_squeeze %dma_start3A_164 : memref<1x128xi32, #tpu.memory_space<vmem>> -> memref<128xi32, #tpu.memory_space<vmem>>
        %dma_start3A_166 = arith.constant 0 : i32
        %dma_start3A_167 = arith.constant 0 : i32
        %dma_start3A_168 = tpu.memref_slice %arg2[%dma_start3A_166, %dma_start3A_167] : memref<50176x32xf32, #tpu.memory_space<hbm>> -> memref<50176x32xf32, #tpu.memory_space<hbm>>
        tpu.enqueue_indirect_dma source(%dma_start3A_168 : memref<50176x32xf32, #tpu.memory_space<hbm>>) target(%arg16 : memref<128x32xf32, #tpu.memory_space<vmem>>) offsets(%dma_start3A_165 : memref<128xi32, #tpu.memory_space<vmem>>) semaphore(%arg20 : memref<!tpu.dma_semaphore, #tpu.memory_space<semaphore_mem>>)
      } else {
      }
      %eq3A_116 = arith.constant 1 : i32
      %eq3A_117 = arith.cmpi eq, %arg0, %eq3A_116 : i32
      %convert_element_type3A_118 = arith.extui %eq3A_117 : i1 to i32
      %cond3A_119 = arith.constant 0 : i32
      %cond3A_120 = arith.cmpi ne, %convert_element_type3A_118, %cond3A_119 : i32
      scf.if %cond3A_120 {
        %dma_start3A_157 = arith.constant 0 : i32
        %dma_start3A_158 = tpu.memref_slice %arg11[%rem3A_61, %dma_start3A_157] : memref<2x128xi32, #tpu.memory_space<vmem>> -> memref<1x128xi32, #tpu.memory_space<vmem>>
        %dma_start3A_159 = tpu.memref_squeeze %dma_start3A_158 : memref<1x128xi32, #tpu.memory_space<vmem>> -> memref<128xi32, #tpu.memory_space<vmem>>
        %dma_start3A_160 = arith.constant 0 : i32
        %dma_start3A_161 = arith.constant 0 : i32
        %dma_start3A_162 = tpu.memref_slice %arg3[%dma_start3A_160, %dma_start3A_161] : memref<50176x32xf32, #tpu.memory_space<hbm>> -> memref<50176x32xf32, #tpu.memory_space<hbm>>
        tpu.enqueue_indirect_dma source(%dma_start3A_162 : memref<50176x32xf32, #tpu.memory_space<hbm>>) target(%arg15 : memref<128x32xf32, #tpu.memory_space<vmem>>) offsets(%dma_start3A_159 : memref<128xi32, #tpu.memory_space<vmem>>) semaphore(%arg20 : memref<!tpu.dma_semaphore, #tpu.memory_space<semaphore_mem>>)
        %dma_start3A_163 = arith.constant 0 : i32
        %dma_start3A_164 = tpu.memref_slice %arg12[%rem3A_61, %dma_start3A_163] : memref<2x128xi32, #tpu.memory_space<vmem>> -> memref<1x128xi32, #tpu.memory_space<vmem>>
        %dma_start3A_165 = tpu.memref_squeeze %dma_start3A_164 : memref<1x128xi32, #tpu.memory_space<vmem>> -> memref<128xi32, #tpu.memory_space<vmem>>
        %dma_start3A_166 = arith.constant 0 : i32
        %dma_start3A_167 = arith.constant 0 : i32
        %dma_start3A_168 = tpu.memref_slice %arg3[%dma_start3A_166, %dma_start3A_167] : memref<50176x32xf32, #tpu.memory_space<hbm>> -> memref<50176x32xf32, #tpu.memory_space<hbm>>
        tpu.enqueue_indirect_dma source(%dma_start3A_168 : memref<50176x32xf32, #tpu.memory_space<hbm>>) target(%arg16 : memref<128x32xf32, #tpu.memory_space<vmem>>) offsets(%dma_start3A_165 : memref<128xi32, #tpu.memory_space<vmem>>) semaphore(%arg20 : memref<!tpu.dma_semaphore, #tpu.memory_space<semaphore_mem>>)
      } else {
      }
      %add3A_121 = arith.constant 1 : i32
      %add3A_122 = arith.addi %scan3A_59, %add3A_121 : i32
      %lt3A = arith.constant 200 : i32
      %lt3A_123 = arith.cmpi slt, %add3A_122, %lt3A : i32
      %convert_element_type3A_124 = arith.extui %lt3A_123 : i1 to i32
      %cond3A_125 = arith.constant 0 : i32
      %cond3A_126 = arith.cmpi ne, %convert_element_type3A_124, %cond3A_125 : i32
      scf.if %cond3A_126 {
        %add3A_157 = arith.constant 1 : i32
        %add3A_158 = arith.addi %scan3A_59, %add3A_157 : i32
        %mul3A_159 = arith.constant 51200 : i32
        %mul3A_160 = arith.muli %arg1, %mul3A_159 : i32
        %mul3A_161 = arith.constant 256 : i32
        %mul3A_162 = arith.muli %add3A_158, %mul3A_161 : i32
        %add3A_163 = arith.addi %mul3A_160, %mul3A_162 : i32
        %dma_start3A_164 = arith.constant 0 : i32
        %dma_start3A_165 = tpu.memref_slice %arg11[%rem3A_65, %dma_start3A_164] : memref<2x128xi32, #tpu.memory_space<vmem>> -> memref<1x128xi32, #tpu.memory_space<vmem>>
        %dma_start3A_166 = tpu.memref_squeeze %dma_start3A_165 : memref<1x128xi32, #tpu.memory_space<vmem>> -> memref<128xi32, #tpu.memory_space<vmem>>
        %dma_start3A_167 = tpu.memref_slice %arg6[%add3A_163] : memref<819200xi32, #tpu.memory_space<hbm>> -> memref<128xi32, #tpu.memory_space<hbm>>
        %dma_start3A_168 = arith.constant 0 : i32
        %dma_start3A_169 = tpu.memref_slice %arg11[%rem3A_65, %dma_start3A_168] : memref<2x128xi32, #tpu.memory_space<vmem>> -> memref<1x128xi32, #tpu.memory_space<vmem>>
        %dma_start3A_170 = tpu.memref_squeeze %dma_start3A_169 : memref<1x128xi32, #tpu.memory_space<vmem>> -> memref<128xi32, #tpu.memory_space<vmem>>
        %dma_start3A_171 = tpu.memref_slice %arg6[%add3A_163] : memref<819200xi32, #tpu.memory_space<hbm>> -> memref<128xi32, #tpu.memory_space<hbm>>
        tpu.enqueue_dma source(%dma_start3A_171 : memref<128xi32, #tpu.memory_space<hbm>>) target(%dma_start3A_170 : memref<128xi32, #tpu.memory_space<vmem>>) target_semaphore(%arg21 : memref<!tpu.dma_semaphore, #tpu.memory_space<semaphore_mem>>)
        %add3A_172 = arith.constant 128 : i32
        %add3A_173 = arith.addi %add3A_163, %add3A_172 : i32
        %dma_start3A_174 = arith.constant 0 : i32
        %dma_start3A_175 = tpu.memref_slice %arg12[%rem3A_65, %dma_start3A_174] : memref<2x128xi32, #tpu.memory_space<vmem>> -> memref<1x128xi32, #tpu.memory_space<vmem>>
        %dma_start3A_176 = tpu.memref_squeeze %dma_start3A_175 : memref<1x128xi32, #tpu.memory_space<vmem>> -> memref<128xi32, #tpu.memory_space<vmem>>
        %dma_start3A_177 = tpu.memref_slice %arg6[%add3A_173] : memref<819200xi32, #tpu.memory_space<hbm>> -> memref<128xi32, #tpu.memory_space<hbm>>
        %dma_start3A_178 = arith.constant 0 : i32
        %dma_start3A_179 = tpu.memref_slice %arg12[%rem3A_65, %dma_start3A_178] : memref<2x128xi32, #tpu.memory_space<vmem>> -> memref<1x128xi32, #tpu.memory_space<vmem>>
        %dma_start3A_180 = tpu.memref_squeeze %dma_start3A_179 : memref<1x128xi32, #tpu.memory_space<vmem>> -> memref<128xi32, #tpu.memory_space<vmem>>
        %dma_start3A_181 = tpu.memref_slice %arg6[%add3A_173] : memref<819200xi32, #tpu.memory_space<hbm>> -> memref<128xi32, #tpu.memory_space<hbm>>
        tpu.enqueue_dma source(%dma_start3A_181 : memref<128xi32, #tpu.memory_space<hbm>>) target(%dma_start3A_180 : memref<128xi32, #tpu.memory_space<vmem>>) target_semaphore(%arg21 : memref<!tpu.dma_semaphore, #tpu.memory_space<semaphore_mem>>)
        %dma_start3A_182 = arith.constant 0 : i32
        %dma_start3A_183 = tpu.memref_slice %arg13[%rem3A_65, %dma_start3A_182] : memref<2x128xi32, #tpu.memory_space<vmem>> -> memref<1x128xi32, #tpu.memory_space<vmem>>
        %dma_start3A_184 = tpu.memref_squeeze %dma_start3A_183 : memref<1x128xi32, #tpu.memory_space<vmem>> -> memref<128xi32, #tpu.memory_space<vmem>>
        %dma_start3A_185 = tpu.memref_slice %arg7[%add3A_163] : memref<819200xi32, #tpu.memory_space<hbm>> -> memref<128xi32, #tpu.memory_space<hbm>>
        %dma_start3A_186 = arith.constant 0 : i32
        %dma_start3A_187 = tpu.memref_slice %arg13[%rem3A_65, %dma_start3A_186] : memref<2x128xi32, #tpu.memory_space<vmem>> -> memref<1x128xi32, #tpu.memory_space<vmem>>
        %dma_start3A_188 = tpu.memref_squeeze %dma_start3A_187 : memref<1x128xi32, #tpu.memory_space<vmem>> -> memref<128xi32, #tpu.memory_space<vmem>>
        %dma_start3A_189 = tpu.memref_slice %arg7[%add3A_163] : memref<819200xi32, #tpu.memory_space<hbm>> -> memref<128xi32, #tpu.memory_space<hbm>>
        tpu.enqueue_dma source(%dma_start3A_189 : memref<128xi32, #tpu.memory_space<hbm>>) target(%dma_start3A_188 : memref<128xi32, #tpu.memory_space<vmem>>) target_semaphore(%arg21 : memref<!tpu.dma_semaphore, #tpu.memory_space<semaphore_mem>>)
        %add3A_190 = arith.constant 128 : i32
        %add3A_191 = arith.addi %add3A_163, %add3A_190 : i32
        %dma_start3A_192 = arith.constant 0 : i32
        %dma_start3A_193 = tpu.memref_slice %arg14[%rem3A_65, %dma_start3A_192] : memref<2x128xi32, #tpu.memory_space<vmem>> -> memref<1x128xi32, #tpu.memory_space<vmem>>
        %dma_start3A_194 = tpu.memref_squeeze %dma_start3A_193 : memref<1x128xi32, #tpu.memory_space<vmem>> -> memref<128xi32, #tpu.memory_space<vmem>>
        %dma_start3A_195 = tpu.memref_slice %arg7[%add3A_191] : memref<819200xi32, #tpu.memory_space<hbm>> -> memref<128xi32, #tpu.memory_space<hbm>>
        %dma_start3A_196 = arith.constant 0 : i32
        %dma_start3A_197 = tpu.memref_slice %arg14[%rem3A_65, %dma_start3A_196] : memref<2x128xi32, #tpu.memory_space<vmem>> -> memref<1x128xi32, #tpu.memory_space<vmem>>
        %dma_start3A_198 = tpu.memref_squeeze %dma_start3A_197 : memref<1x128xi32, #tpu.memory_space<vmem>> -> memref<128xi32, #tpu.memory_space<vmem>>
        %dma_start3A_199 = tpu.memref_slice %arg7[%add3A_191] : memref<819200xi32, #tpu.memory_space<hbm>> -> memref<128xi32, #tpu.memory_space<hbm>>
        tpu.enqueue_dma source(%dma_start3A_199 : memref<128xi32, #tpu.memory_space<hbm>>) target(%dma_start3A_198 : memref<128xi32, #tpu.memory_space<vmem>>) target_semaphore(%arg21 : memref<!tpu.dma_semaphore, #tpu.memory_space<semaphore_mem>>)
      } else {
      }
      %eq3A_127 = arith.constant 0 : i32
      %eq3A_128 = arith.cmpi eq, %arg0, %eq3A_127 : i32
      %convert_element_type3A_129 = arith.extui %eq3A_128 : i1 to i32
      %cond3A_130 = arith.constant 0 : i32
      %cond3A_131 = arith.cmpi ne, %convert_element_type3A_129, %cond3A_130 : i32
      scf.if %cond3A_131 {
        "tpu.region"() ({
          %run_scoped3A = tpu.sem_alloc : memref<!tpu.dma_semaphore, #tpu.memory_space<semaphore_mem>>
          %dma_start3A_157 = arith.constant 0 : i32
          %dma_start3A_158 = tpu.memref_slice %arg4[%add3A_70, %dma_start3A_157] : memref<819200x32xf32, #tpu.memory_space<hbm>> -> memref<256x32xf32, #tpu.memory_space<hbm>>
          %dma_start3A_159 = arith.constant 0 : i32
          %dma_start3A_160 = tpu.memref_slice %arg4[%add3A_70, %dma_start3A_159] : memref<819200x32xf32, #tpu.memory_space<hbm>> -> memref<256x32xf32, #tpu.memory_space<hbm>>
          tpu.enqueue_dma source(%dma_start3A_160 : memref<256x32xf32, #tpu.memory_space<hbm>>) target(%arg17 : memref<256x32xf32, #tpu.memory_space<vmem>>) target_semaphore(%run_scoped3A : memref<!tpu.dma_semaphore, #tpu.memory_space<semaphore_mem>>)
          %dma_wait3A_161 = arith.constant 0 : i32
          %dma_wait3A_162 = tpu.memref_slice %arg4[%add3A_70, %dma_wait3A_161] : memref<819200x32xf32, #tpu.memory_space<hbm>> -> memref<256x32xf32, #tpu.memory_space<hbm>>
          %dma_wait3A_163 = arith.constant 0 : i32
          %dma_wait3A_164 = tpu.memref_slice %arg4[%add3A_70, %dma_wait3A_163] : memref<819200x32xf32, #tpu.memory_space<hbm>> -> memref<256x32xf32, #tpu.memory_space<hbm>>
          tpu.wait_dma2 semaphore(%run_scoped3A : memref<!tpu.dma_semaphore, #tpu.memory_space<semaphore_mem>>) src(%dma_wait3A_164 : memref<256x32xf32, #tpu.memory_space<hbm>>) dst(%arg17 : memref<256x32xf32, #tpu.memory_space<vmem>>)
          tpu.yield
        }) : () -> ()
      } else {
      }
      %eq3A_132 = arith.constant 1 : i32
      %eq3A_133 = arith.cmpi eq, %arg0, %eq3A_132 : i32
      %convert_element_type3A_134 = arith.extui %eq3A_133 : i1 to i32
      %cond3A_135 = arith.constant 0 : i32
      %cond3A_136 = arith.cmpi ne, %convert_element_type3A_134, %cond3A_135 : i32
      scf.if %cond3A_136 {
        "tpu.region"() ({
          %run_scoped3A = tpu.sem_alloc : memref<!tpu.dma_semaphore, #tpu.memory_space<semaphore_mem>>
          %dma_start3A_157 = arith.constant 0 : i32
          %dma_start3A_158 = tpu.memref_slice %arg5[%add3A_70, %dma_start3A_157] : memref<819200x32xf32, #tpu.memory_space<hbm>> -> memref<256x32xf32, #tpu.memory_space<hbm>>
          %dma_start3A_159 = arith.constant 0 : i32
          %dma_start3A_160 = tpu.memref_slice %arg5[%add3A_70, %dma_start3A_159] : memref<819200x32xf32, #tpu.memory_space<hbm>> -> memref<256x32xf32, #tpu.memory_space<hbm>>
          tpu.enqueue_dma source(%dma_start3A_160 : memref<256x32xf32, #tpu.memory_space<hbm>>) target(%arg17 : memref<256x32xf32, #tpu.memory_space<vmem>>) target_semaphore(%run_scoped3A : memref<!tpu.dma_semaphore, #tpu.memory_space<semaphore_mem>>)
          %dma_wait3A_161 = arith.constant 0 : i32
          %dma_wait3A_162 = tpu.memref_slice %arg5[%add3A_70, %dma_wait3A_161] : memref<819200x32xf32, #tpu.memory_space<hbm>> -> memref<256x32xf32, #tpu.memory_space<hbm>>
          %dma_wait3A_163 = arith.constant 0 : i32
          %dma_wait3A_164 = tpu.memref_slice %arg5[%add3A_70, %dma_wait3A_163] : memref<819200x32xf32, #tpu.memory_space<hbm>> -> memref<256x32xf32, #tpu.memory_space<hbm>>
          tpu.wait_dma2 semaphore(%run_scoped3A : memref<!tpu.dma_semaphore, #tpu.memory_space<semaphore_mem>>) src(%dma_wait3A_164 : memref<256x32xf32, #tpu.memory_space<hbm>>) dst(%arg17 : memref<256x32xf32, #tpu.memory_space<vmem>>)
          tpu.yield
        }) : () -> ()
      } else {
      }
      %dma_wait3A_137 = arith.constant 0 : i32
      %dma_wait3A_138 = tpu.memref_slice %arg11[%rem3A_61, %dma_wait3A_137] : memref<2x128xi32, #tpu.memory_space<vmem>> -> memref<1x128xi32, #tpu.memory_space<vmem>>
      %dma_wait3A_139 = tpu.memref_squeeze %dma_wait3A_138 : memref<1x128xi32, #tpu.memory_space<vmem>> -> memref<128xi32, #tpu.memory_space<vmem>>
      %dma_wait3A_140 = arith.constant 0 : i32
      %dma_wait3A_141 = arith.constant 0 : i32
      %dma_wait3A_142 = tpu.memref_slice %arg2[%dma_wait3A_140, %dma_wait3A_141] : memref<50176x32xf32, #tpu.memory_space<hbm>> -> memref<50176x32xf32, #tpu.memory_space<hbm>>
      tpu.wait_indirect_dma semaphore(%arg20 : memref<!tpu.dma_semaphore, #tpu.memory_space<semaphore_mem>>) src(%dma_wait3A_142 : memref<50176x32xf32, #tpu.memory_space<hbm>>) dst(%arg15 : memref<128x32xf32, #tpu.memory_space<vmem>>)
      %dma_wait3A_143 = arith.constant 0 : i32
      %dma_wait3A_144 = tpu.memref_slice %arg12[%rem3A_61, %dma_wait3A_143] : memref<2x128xi32, #tpu.memory_space<vmem>> -> memref<1x128xi32, #tpu.memory_space<vmem>>
      %dma_wait3A_145 = tpu.memref_squeeze %dma_wait3A_144 : memref<1x128xi32, #tpu.memory_space<vmem>> -> memref<128xi32, #tpu.memory_space<vmem>>
      %dma_wait3A_146 = arith.constant 0 : i32
      %dma_wait3A_147 = arith.constant 0 : i32
      %dma_wait3A_148 = tpu.memref_slice %arg2[%dma_wait3A_146, %dma_wait3A_147] : memref<50176x32xf32, #tpu.memory_space<hbm>> -> memref<50176x32xf32, #tpu.memory_space<hbm>>
      tpu.wait_indirect_dma semaphore(%arg20 : memref<!tpu.dma_semaphore, #tpu.memory_space<semaphore_mem>>) src(%dma_wait3A_148 : memref<50176x32xf32, #tpu.memory_space<hbm>>) dst(%arg16 : memref<128x32xf32, #tpu.memory_space<vmem>>)
      %scan3A_149 = arith.constant 0 : i32
      %scan3A_150 = arith.constant 0 : i32
      %scan3A_151 = arith.constant 128 : i32
      %scan3A_152 = arith.addi %scan3A_150, %scan3A_151 : i32
      %scan3A_153 = arith.constant 4 : i32
      %scan3A_154 = scf.for %scan3A_157 = %scan3A_150 to %scan3A_152 step %scan3A_153 iter_args(%scan3A_158 = %scan3A_149) -> (i32)  : i32 {
        %get3A = arith.index_cast %scan3A_157 : i32 to index
        %get3A_159 = arith.constant 0 : index
        %get3A_160 = tpu.vector_load %arg15[%get3A, %get3A_159] {strides = array<i32>} : memref<128x32xf32, #tpu.memory_space<vmem>>, vector<1x16xf32>,
        %get3A_161 = vector.shape_cast %get3A_160 : vector<1x16xf32> to vector<16xf32>
        %get3A_162 = arith.index_cast %scan3A_157 : i32 to index
        %get3A_163 = arith.constant 0 : index
        %get3A_164 = tpu.vector_load %arg17[%get3A_162, %get3A_163] {strides = array<i32>} : memref<256x32xf32, #tpu.memory_space<vmem>>, vector<1x16xf32>,
        %get3A_165 = vector.shape_cast %get3A_164 : vector<1x16xf32> to vector<16xf32>
        %mul3A_166 = arith.mulf %get3A_161, %get3A_165 : vector<16xf32>
        %swap3A = arith.index_cast %scan3A_157 : i32 to index
        %swap3A_167 = arith.constant 0 : index
        %swap3A_168 = tpu.vector_load %arg18[%swap3A, %swap3A_167] {strides = array<i32>} : memref<256x32xf32, #tpu.memory_space<vmem>>, vector<1x16xf32>,
        %swap3A_169 = vector.shape_cast %swap3A_168 : vector<1x16xf32> to vector<16xf32>
        %swap3A_170 = vector.shape_cast %mul3A_166 : vector<16xf32> to vector<1x16xf32>
        tpu.vector_store %arg18[%swap3A, %swap3A_167], %swap3A_170 {strides = array<i32>} : memref<256x32xf32, #tpu.memory_space<vmem>>, vector<1x16xf32>,
        %get3A_171 = arith.index_cast %scan3A_157 : i32 to index
        %get3A_172 = arith.constant 16 : index
        %get3A_173 = tpu.vector_load %arg15[%get3A_171, %get3A_172] {strides = array<i32>} : memref<128x32xf32, #tpu.memory_space<vmem>>, vector<1x16xf32>,
        %get3A_174 = vector.shape_cast %get3A_173 : vector<1x16xf32> to vector<16xf32>
        %get3A_175 = arith.index_cast %scan3A_157 : i32 to index
        %get3A_176 = arith.constant 16 : index
        %get3A_177 = tpu.vector_load %arg17[%get3A_175, %get3A_176] {strides = array<i32>} : memref<256x32xf32, #tpu.memory_space<vmem>>, vector<1x16xf32>,
        %get3A_178 = vector.shape_cast %get3A_177 : vector<1x16xf32> to vector<16xf32>
        %mul3A_179 = arith.mulf %get3A_174, %get3A_178 : vector<16xf32>
        %swap3A_180 = arith.index_cast %scan3A_157 : i32 to index
        %swap3A_181 = arith.constant 16 : index
        %swap3A_182 = tpu.vector_load %arg18[%swap3A_180, %swap3A_181] {strides = array<i32>} : memref<256x32xf32, #tpu.memory_space<vmem>>, vector<1x16xf32>,
        %swap3A_183 = vector.shape_cast %swap3A_182 : vector<1x16xf32> to vector<16xf32>
        %swap3A_184 = vector.shape_cast %mul3A_179 : vector<16xf32> to vector<1x16xf32>
        tpu.vector_store %arg18[%swap3A_180, %swap3A_181], %swap3A_184 {strides = array<i32>} : memref<256x32xf32, #tpu.memory_space<vmem>>, vector<1x16xf32>,
        %add3A_185 = arith.constant 128 : i32
        %add3A_186 = arith.addi %scan3A_157, %add3A_185 : i32
        %get3A_187 = arith.index_cast %scan3A_157 : i32 to index
        %get3A_188 = arith.constant 0 : index
        %get3A_189 = tpu.vector_load %arg16[%get3A_187, %get3A_188] {strides = array<i32>} : memref<128x32xf32, #tpu.memory_space<vmem>>, vector<1x16xf32>,
        %get3A_190 = vector.shape_cast %get3A_189 : vector<1x16xf32> to vector<16xf32>
        %get3A_191 = arith.index_cast %add3A_186 : i32 to index
        %get3A_192 = arith.constant 0 : index
        %get3A_193 = tpu.vector_load %arg17[%get3A_191, %get3A_192] {strides = array<i32>} : memref<256x32xf32, #tpu.memory_space<vmem>>, vector<1x16xf32>,
        %get3A_194 = vector.shape_cast %get3A_193 : vector<1x16xf32> to vector<16xf32>
        %mul3A_195 = arith.mulf %get3A_190, %get3A_194 : vector<16xf32>
        %swap3A_196 = arith.index_cast %add3A_186 : i32 to index
        %swap3A_197 = arith.constant 0 : index
        %swap3A_198 = tpu.vector_load %arg18[%swap3A_196, %swap3A_197] {strides = array<i32>} : memref<256x32xf32, #tpu.memory_space<vmem>>, vector<1x16xf32>,
        %swap3A_199 = vector.shape_cast %swap3A_198 : vector<1x16xf32> to vector<16xf32>
        %swap3A_200 = vector.shape_cast %mul3A_195 : vector<16xf32> to vector<1x16xf32>
        tpu.vector_store %arg18[%swap3A_196, %swap3A_197], %swap3A_200 {strides = array<i32>} : memref<256x32xf32, #tpu.memory_space<vmem>>, vector<1x16xf32>,
        %get3A_201 = arith.index_cast %scan3A_157 : i32 to index
        %get3A_202 = arith.constant 16 : index
        %get3A_203 = tpu.vector_load %arg16[%get3A_201, %get3A_202] {strides = array<i32>} : memref<128x32xf32, #tpu.memory_space<vmem>>, vector<1x16xf32>,
        %get3A_204 = vector.shape_cast %get3A_203 : vector<1x16xf32> to vector<16xf32>
        %get3A_205 = arith.index_cast %add3A_186 : i32 to index
        %get3A_206 = arith.constant 16 : index
        %get3A_207 = tpu.vector_load %arg17[%get3A_205, %get3A_206] {strides = array<i32>} : memref<256x32xf32, #tpu.memory_space<vmem>>, vector<1x16xf32>,
        %get3A_208 = vector.shape_cast %get3A_207 : vector<1x16xf32> to vector<16xf32>
        %mul3A_209 = arith.mulf %get3A_204, %get3A_208 : vector<16xf32>
        %swap3A_210 = arith.index_cast %add3A_186 : i32 to index
        %swap3A_211 = arith.constant 16 : index
        %swap3A_212 = tpu.vector_load %arg18[%swap3A_210, %swap3A_211] {strides = array<i32>} : memref<256x32xf32, #tpu.memory_space<vmem>>, vector<1x16xf32>,
        %swap3A_213 = vector.shape_cast %swap3A_212 : vector<1x16xf32> to vector<16xf32>
        %swap3A_214 = vector.shape_cast %mul3A_209 : vector<16xf32> to vector<1x16xf32>
        tpu.vector_store %arg18[%swap3A_210, %swap3A_211], %swap3A_214 {strides = array<i32>} : memref<256x32xf32, #tpu.memory_space<vmem>>, vector<1x16xf32>,
        %scan3A_215 = arith.constant 0 : i32
        %scan3A_216 = arith.constant 1 : i32
        %scan3A_217 = arith.addi %scan3A_157, %scan3A_216 : i32
        %get3A_218 = arith.index_cast %scan3A_217 : i32 to index
        %get3A_219 = arith.constant 0 : index
        %get3A_220 = tpu.vector_load %arg15[%get3A_218, %get3A_219] {strides = array<i32>} : memref<128x32xf32, #tpu.memory_space<vmem>>, vector<1x16xf32>,
        %get3A_221 = vector.shape_cast %get3A_220 : vector<1x16xf32> to vector<16xf32>
        %get3A_222 = arith.index_cast %scan3A_217 : i32 to index
        %get3A_223 = arith.constant 0 : index
        %get3A_224 = tpu.vector_load %arg17[%get3A_222, %get3A_223] {strides = array<i32>} : memref<256x32xf32, #tpu.memory_space<vmem>>, vector<1x16xf32>,
        %get3A_225 = vector.shape_cast %get3A_224 : vector<1x16xf32> to vector<16xf32>
        %mul3A_226 = arith.mulf %get3A_221, %get3A_225 : vector<16xf32>
        %swap3A_227 = arith.index_cast %scan3A_217 : i32 to index
        %swap3A_228 = arith.constant 0 : index
        %swap3A_229 = tpu.vector_load %arg18[%swap3A_227, %swap3A_228] {strides = array<i32>} : memref<256x32xf32, #tpu.memory_space<vmem>>, vector<1x16xf32>,
        %swap3A_230 = vector.shape_cast %swap3A_229 : vector<1x16xf32> to vector<16xf32>
        %swap3A_231 = vector.shape_cast %mul3A_226 : vector<16xf32> to vector<1x16xf32>
        tpu.vector_store %arg18[%swap3A_227, %swap3A_228], %swap3A_231 {strides = array<i32>} : memref<256x32xf32, #tpu.memory_space<vmem>>, vector<1x16xf32>,
        %get3A_232 = arith.index_cast %scan3A_217 : i32 to index
        %get3A_233 = arith.constant 16 : index
        %get3A_234 = tpu.vector_load %arg15[%get3A_232, %get3A_233] {strides = array<i32>} : memref<128x32xf32, #tpu.memory_space<vmem>>, vector<1x16xf32>,
        %get3A_235 = vector.shape_cast %get3A_234 : vector<1x16xf32> to vector<16xf32>
        %get3A_236 = arith.index_cast %scan3A_217 : i32 to index
        %get3A_237 = arith.constant 16 : index
        %get3A_238 = tpu.vector_load %arg17[%get3A_236, %get3A_237] {strides = array<i32>} : memref<256x32xf32, #tpu.memory_space<vmem>>, vector<1x16xf32>,
        %get3A_239 = vector.shape_cast %get3A_238 : vector<1x16xf32> to vector<16xf32>
        %mul3A_240 = arith.mulf %get3A_235, %get3A_239 : vector<16xf32>
        %swap3A_241 = arith.index_cast %scan3A_217 : i32 to index
        %swap3A_242 = arith.constant 16 : index
        %swap3A_243 = tpu.vector_load %arg18[%swap3A_241, %swap3A_242] {strides = array<i32>} : memref<256x32xf32, #tpu.memory_space<vmem>>, vector<1x16xf32>,
        %swap3A_244 = vector.shape_cast %swap3A_243 : vector<1x16xf32> to vector<16xf32>
        %swap3A_245 = vector.shape_cast %mul3A_240 : vector<16xf32> to vector<1x16xf32>
        tpu.vector_store %arg18[%swap3A_241, %swap3A_242], %swap3A_245 {strides = array<i32>} : memref<256x32xf32, #tpu.memory_space<vmem>>, vector<1x16xf32>,
        %add3A_246 = arith.constant 128 : i32
        %add3A_247 = arith.addi %scan3A_217, %add3A_246 : i32
        %get3A_248 = arith.index_cast %scan3A_217 : i32 to index
        %get3A_249 = arith.constant 0 : index
        %get3A_250 = tpu.vector_load %arg16[%get3A_248, %get3A_249] {strides = array<i32>} : memref<128x32xf32, #tpu.memory_space<vmem>>, vector<1x16xf32>,
        %get3A_251 = vector.shape_cast %get3A_250 : vector<1x16xf32> to vector<16xf32>
        %get3A_252 = arith.index_cast %add3A_247 : i32 to index
        %get3A_253 = arith.constant 0 : index
        %get3A_254 = tpu.vector_load %arg17[%get3A_252, %get3A_253] {strides = array<i32>} : memref<256x32xf32, #tpu.memory_space<vmem>>, vector<1x16xf32>,
        %get3A_255 = vector.shape_cast %get3A_254 : vector<1x16xf32> to vector<16xf32>
        %mul3A_256 = arith.mulf %get3A_251, %get3A_255 : vector<16xf32>
        %swap3A_257 = arith.index_cast %add3A_247 : i32 to index
        %swap3A_258 = arith.constant 0 : index
        %swap3A_259 = tpu.vector_load %arg18[%swap3A_257, %swap3A_258] {strides = array<i32>} : memref<256x32xf32, #tpu.memory_space<vmem>>, vector<1x16xf32>,
        %swap3A_260 = vector.shape_cast %swap3A_259 : vector<1x16xf32> to vector<16xf32>
        %swap3A_261 = vector.shape_cast %mul3A_256 : vector<16xf32> to vector<1x16xf32>
        tpu.vector_store %arg18[%swap3A_257, %swap3A_258], %swap3A_261 {strides = array<i32>} : memref<256x32xf32, #tpu.memory_space<vmem>>, vector<1x16xf32>,
        %get3A_262 = arith.index_cast %scan3A_217 : i32 to index
        %get3A_263 = arith.constant 16 : index
        %get3A_264 = tpu.vector_load %arg16[%get3A_262, %get3A_263] {strides = array<i32>} : memref<128x32xf32, #tpu.memory_space<vmem>>, vector<1x16xf32>,
        %get3A_265 = vector.shape_cast %get3A_264 : vector<1x16xf32> to vector<16xf32>
        %get3A_266 = arith.index_cast %add3A_247 : i32 to index
        %get3A_267 = arith.constant 16 : index
        %get3A_268 = tpu.vector_load %arg17[%get3A_266, %get3A_267] {strides = array<i32>} : memref<256x32xf32, #tpu.memory_space<vmem>>, vector<1x16xf32>,
        %get3A_269 = vector.shape_cast %get3A_268 : vector<1x16xf32> to vector<16xf32>
        %mul3A_270 = arith.mulf %get3A_265, %get3A_269 : vector<16xf32>
        %swap3A_271 = arith.index_cast %add3A_247 : i32 to index
        %swap3A_272 = arith.constant 16 : index
        %swap3A_273 = tpu.vector_load %arg18[%swap3A_271, %swap3A_272] {strides = array<i32>} : memref<256x32xf32, #tpu.memory_space<vmem>>, vector<1x16xf32>,
        %swap3A_274 = vector.shape_cast %swap3A_273 : vector<1x16xf32> to vector<16xf32>
        %swap3A_275 = vector.shape_cast %mul3A_270 : vector<16xf32> to vector<1x16xf32>
        tpu.vector_store %arg18[%swap3A_271, %swap3A_272], %swap3A_275 {strides = array<i32>} : memref<256x32xf32, #tpu.memory_space<vmem>>, vector<1x16xf32>,
        %scan3A_276 = arith.constant 0 : i32
        %scan3A_277 = arith.constant 2 : i32
        %scan3A_278 = arith.addi %scan3A_157, %scan3A_277 : i32
        %get3A_279 = arith.index_cast %scan3A_278 : i32 to index
        %get3A_280 = arith.constant 0 : index
        %get3A_281 = tpu.vector_load %arg15[%get3A_279, %get3A_280] {strides = array<i32>} : memref<128x32xf32, #tpu.memory_space<vmem>>, vector<1x16xf32>,
        %get3A_282 = vector.shape_cast %get3A_281 : vector<1x16xf32> to vector<16xf32>
        %get3A_283 = arith.index_cast %scan3A_278 : i32 to index
        %get3A_284 = arith.constant 0 : index
        %get3A_285 = tpu.vector_load %arg17[%get3A_283, %get3A_284] {strides = array<i32>} : memref<256x32xf32, #tpu.memory_space<vmem>>, vector<1x16xf32>,
        %get3A_286 = vector.shape_cast %get3A_285 : vector<1x16xf32> to vector<16xf32>
        %mul3A_287 = arith.mulf %get3A_282, %get3A_286 : vector<16xf32>
        %swap3A_288 = arith.index_cast %scan3A_278 : i32 to index
        %swap3A_289 = arith.constant 0 : index
        %swap3A_290 = tpu.vector_load %arg18[%swap3A_288, %swap3A_289] {strides = array<i32>} : memref<256x32xf32, #tpu.memory_space<vmem>>, vector<1x16xf32>,
        %swap3A_291 = vector.shape_cast %swap3A_290 : vector<1x16xf32> to vector<16xf32>
        %swap3A_292 = vector.shape_cast %mul3A_287 : vector<16xf32> to vector<1x16xf32>
        tpu.vector_store %arg18[%swap3A_288, %swap3A_289], %swap3A_292 {strides = array<i32>} : memref<256x32xf32, #tpu.memory_space<vmem>>, vector<1x16xf32>,
        %get3A_293 = arith.index_cast %scan3A_278 : i32 to index
        %get3A_294 = arith.constant 16 : index
        %get3A_295 = tpu.vector_load %arg15[%get3A_293, %get3A_294] {strides = array<i32>} : memref<128x32xf32, #tpu.memory_space<vmem>>, vector<1x16xf32>,
        %get3A_296 = vector.shape_cast %get3A_295 : vector<1x16xf32> to vector<16xf32>
        %get3A_297 = arith.index_cast %scan3A_278 : i32 to index
        %get3A_298 = arith.constant 16 : index
        %get3A_299 = tpu.vector_load %arg17[%get3A_297, %get3A_298] {strides = array<i32>} : memref<256x32xf32, #tpu.memory_space<vmem>>, vector<1x16xf32>,
        %get3A_300 = vector.shape_cast %get3A_299 : vector<1x16xf32> to vector<16xf32>
        %mul3A_301 = arith.mulf %get3A_296, %get3A_300 : vector<16xf32>
        %swap3A_302 = arith.index_cast %scan3A_278 : i32 to index
        %swap3A_303 = arith.constant 16 : index
        %swap3A_304 = tpu.vector_load %arg18[%swap3A_302, %swap3A_303] {strides = array<i32>} : memref<256x32xf32, #tpu.memory_space<vmem>>, vector<1x16xf32>,
        %swap3A_305 = vector.shape_cast %swap3A_304 : vector<1x16xf32> to vector<16xf32>
        %swap3A_306 = vector.shape_cast %mul3A_301 : vector<16xf32> to vector<1x16xf32>
        tpu.vector_store %arg18[%swap3A_302, %swap3A_303], %swap3A_306 {strides = array<i32>} : memref<256x32xf32, #tpu.memory_space<vmem>>, vector<1x16xf32>,
        %add3A_307 = arith.constant 128 : i32
        %add3A_308 = arith.addi %scan3A_278, %add3A_307 : i32
        %get3A_309 = arith.index_cast %scan3A_278 : i32 to index
        %get3A_310 = arith.constant 0 : index
        %get3A_311 = tpu.vector_load %arg16[%get3A_309, %get3A_310] {strides = array<i32>} : memref<128x32xf32, #tpu.memory_space<vmem>>, vector<1x16xf32>,
        %get3A_312 = vector.shape_cast %get3A_311 : vector<1x16xf32> to vector<16xf32>
        %get3A_313 = arith.index_cast %add3A_308 : i32 to index
        %get3A_314 = arith.constant 0 : index
        %get3A_315 = tpu.vector_load %arg17[%get3A_313, %get3A_314] {strides = array<i32>} : memref<256x32xf32, #tpu.memory_space<vmem>>, vector<1x16xf32>,
        %get3A_316 = vector.shape_cast %get3A_315 : vector<1x16xf32> to vector<16xf32>
        %mul3A_317 = arith.mulf %get3A_312, %get3A_316 : vector<16xf32>
        %swap3A_318 = arith.index_cast %add3A_308 : i32 to index
        %swap3A_319 = arith.constant 0 : index
        %swap3A_320 = tpu.vector_load %arg18[%swap3A_318, %swap3A_319] {strides = array<i32>} : memref<256x32xf32, #tpu.memory_space<vmem>>, vector<1x16xf32>,
        %swap3A_321 = vector.shape_cast %swap3A_320 : vector<1x16xf32> to vector<16xf32>
        %swap3A_322 = vector.shape_cast %mul3A_317 : vector<16xf32> to vector<1x16xf32>
        tpu.vector_store %arg18[%swap3A_318, %swap3A_319], %swap3A_322 {strides = array<i32>} : memref<256x32xf32, #tpu.memory_space<vmem>>, vector<1x16xf32>,
        %get3A_323 = arith.index_cast %scan3A_278 : i32 to index
        %get3A_324 = arith.constant 16 : index
        %get3A_325 = tpu.vector_load %arg16[%get3A_323, %get3A_324] {strides = array<i32>} : memref<128x32xf32, #tpu.memory_space<vmem>>, vector<1x16xf32>,
        %get3A_326 = vector.shape_cast %get3A_325 : vector<1x16xf32> to vector<16xf32>
        %get3A_327 = arith.index_cast %add3A_308 : i32 to index
        %get3A_328 = arith.constant 16 : index
        %get3A_329 = tpu.vector_load %arg17[%get3A_327, %get3A_328] {strides = array<i32>} : memref<256x32xf32, #tpu.memory_space<vmem>>, vector<1x16xf32>,
        %get3A_330 = vector.shape_cast %get3A_329 : vector<1x16xf32> to vector<16xf32>
        %mul3A_331 = arith.mulf %get3A_326, %get3A_330 : vector<16xf32>
        %swap3A_332 = arith.index_cast %add3A_308 : i32 to index
        %swap3A_333 = arith.constant 16 : index
        %swap3A_334 = tpu.vector_load %arg18[%swap3A_332, %swap3A_333] {strides = array<i32>} : memref<256x32xf32, #tpu.memory_space<vmem>>, vector<1x16xf32>,
        %swap3A_335 = vector.shape_cast %swap3A_334 : vector<1x16xf32> to vector<16xf32>
        %swap3A_336 = vector.shape_cast %mul3A_331 : vector<16xf32> to vector<1x16xf32>
        tpu.vector_store %arg18[%swap3A_332, %swap3A_333], %swap3A_336 {strides = array<i32>} : memref<256x32xf32, #tpu.memory_space<vmem>>, vector<1x16xf32>,
        %scan3A_337 = arith.constant 0 : i32
        %scan3A_338 = arith.constant 3 : i32
        %scan3A_339 = arith.addi %scan3A_157, %scan3A_338 : i32
        %get3A_340 = arith.index_cast %scan3A_339 : i32 to index
        %get3A_341 = arith.constant 0 : index
        %get3A_342 = tpu.vector_load %arg15[%get3A_340, %get3A_341] {strides = array<i32>} : memref<128x32xf32, #tpu.memory_space<vmem>>, vector<1x16xf32>,
        %get3A_343 = vector.shape_cast %get3A_342 : vector<1x16xf32> to vector<16xf32>
        %get3A_344 = arith.index_cast %scan3A_339 : i32 to index
        %get3A_345 = arith.constant 0 : index
        %get3A_346 = tpu.vector_load %arg17[%get3A_344, %get3A_345] {strides = array<i32>} : memref<256x32xf32, #tpu.memory_space<vmem>>, vector<1x16xf32>,
        %get3A_347 = vector.shape_cast %get3A_346 : vector<1x16xf32> to vector<16xf32>
        %mul3A_348 = arith.mulf %get3A_343, %get3A_347 : vector<16xf32>
        %swap3A_349 = arith.index_cast %scan3A_339 : i32 to index
        %swap3A_350 = arith.constant 0 : index
        %swap3A_351 = tpu.vector_load %arg18[%swap3A_349, %swap3A_350] {strides = array<i32>} : memref<256x32xf32, #tpu.memory_space<vmem>>, vector<1x16xf32>,
        %swap3A_352 = vector.shape_cast %swap3A_351 : vector<1x16xf32> to vector<16xf32>
        %swap3A_353 = vector.shape_cast %mul3A_348 : vector<16xf32> to vector<1x16xf32>
        tpu.vector_store %arg18[%swap3A_349, %swap3A_350], %swap3A_353 {strides = array<i32>} : memref<256x32xf32, #tpu.memory_space<vmem>>, vector<1x16xf32>,
        %get3A_354 = arith.index_cast %scan3A_339 : i32 to index
        %get3A_355 = arith.constant 16 : index
        %get3A_356 = tpu.vector_load %arg15[%get3A_354, %get3A_355] {strides = array<i32>} : memref<128x32xf32, #tpu.memory_space<vmem>>, vector<1x16xf32>,
        %get3A_357 = vector.shape_cast %get3A_356 : vector<1x16xf32> to vector<16xf32>
        %get3A_358 = arith.index_cast %scan3A_339 : i32 to index
        %get3A_359 = arith.constant 16 : index
        %get3A_360 = tpu.vector_load %arg17[%get3A_358, %get3A_359] {strides = array<i32>} : memref<256x32xf32, #tpu.memory_space<vmem>>, vector<1x16xf32>,
        %get3A_361 = vector.shape_cast %get3A_360 : vector<1x16xf32> to vector<16xf32>
        %mul3A_362 = arith.mulf %get3A_357, %get3A_361 : vector<16xf32>
        %swap3A_363 = arith.index_cast %scan3A_339 : i32 to index
        %swap3A_364 = arith.constant 16 : index
        %swap3A_365 = tpu.vector_load %arg18[%swap3A_363, %swap3A_364] {strides = array<i32>} : memref<256x32xf32, #tpu.memory_space<vmem>>, vector<1x16xf32>,
        %swap3A_366 = vector.shape_cast %swap3A_365 : vector<1x16xf32> to vector<16xf32>
        %swap3A_367 = vector.shape_cast %mul3A_362 : vector<16xf32> to vector<1x16xf32>
        tpu.vector_store %arg18[%swap3A_363, %swap3A_364], %swap3A_367 {strides = array<i32>} : memref<256x32xf32, #tpu.memory_space<vmem>>, vector<1x16xf32>,
        %add3A_368 = arith.constant 128 : i32
        %add3A_369 = arith.addi %scan3A_339, %add3A_368 : i32
        %get3A_370 = arith.index_cast %scan3A_339 : i32 to index
        %get3A_371 = arith.constant 0 : index
        %get3A_372 = tpu.vector_load %arg16[%get3A_370, %get3A_371] {strides = array<i32>} : memref<128x32xf32, #tpu.memory_space<vmem>>, vector<1x16xf32>,
        %get3A_373 = vector.shape_cast %get3A_372 : vector<1x16xf32> to vector<16xf32>
        %get3A_374 = arith.index_cast %add3A_369 : i32 to index
        %get3A_375 = arith.constant 0 : index
        %get3A_376 = tpu.vector_load %arg17[%get3A_374, %get3A_375] {strides = array<i32>} : memref<256x32xf32, #tpu.memory_space<vmem>>, vector<1x16xf32>,
        %get3A_377 = vector.shape_cast %get3A_376 : vector<1x16xf32> to vector<16xf32>
        %mul3A_378 = arith.mulf %get3A_373, %get3A_377 : vector<16xf32>
        %swap3A_379 = arith.index_cast %add3A_369 : i32 to index
        %swap3A_380 = arith.constant 0 : index
        %swap3A_381 = tpu.vector_load %arg18[%swap3A_379, %swap3A_380] {strides = array<i32>} : memref<256x32xf32, #tpu.memory_space<vmem>>, vector<1x16xf32>,
        %swap3A_382 = vector.shape_cast %swap3A_381 : vector<1x16xf32> to vector<16xf32>
        %swap3A_383 = vector.shape_cast %mul3A_378 : vector<16xf32> to vector<1x16xf32>
        tpu.vector_store %arg18[%swap3A_379, %swap3A_380], %swap3A_383 {strides = array<i32>} : memref<256x32xf32, #tpu.memory_space<vmem>>, vector<1x16xf32>,
        %get3A_384 = arith.index_cast %scan3A_339 : i32 to index
        %get3A_385 = arith.constant 16 : index
        %get3A_386 = tpu.vector_load %arg16[%get3A_384, %get3A_385] {strides = array<i32>} : memref<128x32xf32, #tpu.memory_space<vmem>>, vector<1x16xf32>,
        %get3A_387 = vector.shape_cast %get3A_386 : vector<1x16xf32> to vector<16xf32>
        %get3A_388 = arith.index_cast %add3A_369 : i32 to index
        %get3A_389 = arith.constant 16 : index
        %get3A_390 = tpu.vector_load %arg17[%get3A_388, %get3A_389] {strides = array<i32>} : memref<256x32xf32, #tpu.memory_space<vmem>>, vector<1x16xf32>,
        %get3A_391 = vector.shape_cast %get3A_390 : vector<1x16xf32> to vector<16xf32>
        %mul3A_392 = arith.mulf %get3A_387, %get3A_391 : vector<16xf32>
        %swap3A_393 = arith.index_cast %add3A_369 : i32 to index
        %swap3A_394 = arith.constant 16 : index
        %swap3A_395 = tpu.vector_load %arg18[%swap3A_393, %swap3A_394] {strides = array<i32>} : memref<256x32xf32, #tpu.memory_space<vmem>>, vector<1x16xf32>,
        %swap3A_396 = vector.shape_cast %swap3A_395 : vector<1x16xf32> to vector<16xf32>
        %swap3A_397 = vector.shape_cast %mul3A_392 : vector<16xf32> to vector<1x16xf32>
        tpu.vector_store %arg18[%swap3A_393, %swap3A_394], %swap3A_397 {strides = array<i32>} : memref<256x32xf32, #tpu.memory_space<vmem>>, vector<1x16xf32>,
        %scan3A_398 = arith.constant 0 : i32
        scf.yield %scan3A_398 : i32
      }
      %scan3A_155 = arith.constant 128 : i32
      "tpu.region"() ({
        %run_scoped3A = tpu.sem_alloc : memref<!tpu.dma_semaphore, #tpu.memory_space<semaphore_mem>>
        %dma_start3A_157 = arith.constant 0 : i32
        %dma_start3A_158 = arith.constant 0 : i32
        %dma_start3A_159 = tpu.memref_slice %arg18[%dma_start3A_157, %dma_start3A_158] : memref<256x32xf32, #tpu.memory_space<vmem>> -> memref<128x32xf32, #tpu.memory_space<vmem>>
        %dma_start3A_160 = arith.constant 0 : i32
        %dma_start3A_161 = tpu.memref_slice %arg13[%rem3A_61, %dma_start3A_160] : memref<2x128xi32, #tpu.memory_space<vmem>> -> memref<1x128xi32, #tpu.memory_space<vmem>>
        %dma_start3A_162 = tpu.memref_squeeze %dma_start3A_161 : memref<1x128xi32, #tpu.memory_space<vmem>> -> memref<128xi32, #tpu.memory_space<vmem>>
        %dma_start3A_163 = arith.constant 0 : i32
        %dma_start3A_164 = arith.constant 0 : i32
        %dma_start3A_165 = tpu.memref_slice %arg19[%dma_start3A_163, %dma_start3A_164] : memref<50176x32xf32, #tpu.memory_space<vmem_shared>> -> memref<50176x32xf32, #tpu.memory_space<vmem_shared>>
        tpu.enqueue_indirect_dma source(%dma_start3A_159 : memref<128x32xf32, #tpu.memory_space<vmem>>) target(%dma_start3A_165 : memref<50176x32xf32, #tpu.memory_space<vmem_shared>>) offsets(%dma_start3A_162 : memref<128xi32, #tpu.memory_space<vmem>>) semaphore(%run_scoped3A : memref<!tpu.dma_semaphore, #tpu.memory_space<semaphore_mem>>) {add = true}
        %dma_wait3A_166 = arith.constant 0 : i32
        %dma_wait3A_167 = arith.constant 0 : i32
        %dma_wait3A_168 = tpu.memref_slice %arg18[%dma_wait3A_166, %dma_wait3A_167] : memref<256x32xf32, #tpu.memory_space<vmem>> -> memref<128x32xf32, #tpu.memory_space<vmem>>
        %dma_wait3A_169 = arith.constant 0 : i32
        %dma_wait3A_170 = tpu.memref_slice %arg13[%rem3A_61, %dma_wait3A_169] : memref<2x128xi32, #tpu.memory_space<vmem>> -> memref<1x128xi32, #tpu.memory_space<vmem>>
        %dma_wait3A_171 = tpu.memref_squeeze %dma_wait3A_170 : memref<1x128xi32, #tpu.memory_space<vmem>> -> memref<128xi32, #tpu.memory_space<vmem>>
        %dma_wait3A_172 = arith.constant 0 : i32
        %dma_wait3A_173 = arith.constant 0 : i32
        %dma_wait3A_174 = tpu.memref_slice %arg19[%dma_wait3A_172, %dma_wait3A_173] : memref<50176x32xf32, #tpu.memory_space<vmem_shared>> -> memref<50176x32xf32, #tpu.memory_space<vmem_shared>>
        tpu.wait_indirect_dma semaphore(%run_scoped3A : memref<!tpu.dma_semaphore, #tpu.memory_space<semaphore_mem>>) src(%dma_wait3A_168 : memref<128x32xf32, #tpu.memory_space<vmem>>) dst(%dma_wait3A_174 : memref<50176x32xf32, #tpu.memory_space<vmem_shared>>)
        tpu.yield
      }) : () -> ()
      "tpu.region"() ({
        %run_scoped3A = tpu.sem_alloc : memref<!tpu.dma_semaphore, #tpu.memory_space<semaphore_mem>>
        %dma_start3A_157 = arith.constant 128 : i32
        %dma_start3A_158 = arith.constant 0 : i32
        %dma_start3A_159 = tpu.memref_slice %arg18[%dma_start3A_157, %dma_start3A_158] : memref<256x32xf32, #tpu.memory_space<vmem>> -> memref<128x32xf32, #tpu.memory_space<vmem>>
        %dma_start3A_160 = arith.constant 0 : i32
        %dma_start3A_161 = tpu.memref_slice %arg14[%rem3A_61, %dma_start3A_160] : memref<2x128xi32, #tpu.memory_space<vmem>> -> memref<1x128xi32, #tpu.memory_space<vmem>>
        %dma_start3A_162 = tpu.memref_squeeze %dma_start3A_161 : memref<1x128xi32, #tpu.memory_space<vmem>> -> memref<128xi32, #tpu.memory_space<vmem>>
        %dma_start3A_163 = arith.constant 0 : i32
        %dma_start3A_164 = arith.constant 0 : i32
        %dma_start3A_165 = tpu.memref_slice %arg19[%dma_start3A_163, %dma_start3A_164] : memref<50176x32xf32, #tpu.memory_space<vmem_shared>> -> memref<50176x32xf32, #tpu.memory_space<vmem_shared>>
        tpu.enqueue_indirect_dma source(%dma_start3A_159 : memref<128x32xf32, #tpu.memory_space<vmem>>) target(%dma_start3A_165 : memref<50176x32xf32, #tpu.memory_space<vmem_shared>>) offsets(%dma_start3A_162 : memref<128xi32, #tpu.memory_space<vmem>>) semaphore(%run_scoped3A : memref<!tpu.dma_semaphore, #tpu.memory_space<semaphore_mem>>) {add = true}
        %dma_wait3A_166 = arith.constant 128 : i32
        %dma_wait3A_167 = arith.constant 0 : i32
        %dma_wait3A_168 = tpu.memref_slice %arg18[%dma_wait3A_166, %dma_wait3A_167] : memref<256x32xf32, #tpu.memory_space<vmem>> -> memref<128x32xf32, #tpu.memory_space<vmem>>
        %dma_wait3A_169 = arith.constant 0 : i32
        %dma_wait3A_170 = tpu.memref_slice %arg14[%rem3A_61, %dma_wait3A_169] : memref<2x128xi32, #tpu.memory_space<vmem>> -> memref<1x128xi32, #tpu.memory_space<vmem>>
        %dma_wait3A_171 = tpu.memref_squeeze %dma_wait3A_170 : memref<1x128xi32, #tpu.memory_space<vmem>> -> memref<128xi32, #tpu.memory_space<vmem>>
        %dma_wait3A_172 = arith.constant 0 : i32
        %dma_wait3A_173 = arith.constant 0 : i32
        %dma_wait3A_174 = tpu.memref_slice %arg19[%dma_wait3A_172, %dma_wait3A_173] : memref<50176x32xf32, #tpu.memory_space<vmem_shared>> -> memref<50176x32xf32, #tpu.memory_space<vmem_shared>>
        tpu.wait_indirect_dma semaphore(%run_scoped3A : memref<!tpu.dma_semaphore, #tpu.memory_space<semaphore_mem>>) src(%dma_wait3A_168 : memref<128x32xf32, #tpu.memory_space<vmem>>) dst(%dma_wait3A_174 : memref<50176x32xf32, #tpu.memory_space<vmem_shared>>)
        tpu.yield
      }) : () -> ()
      %scan3A_156 = arith.constant 0 : i32
      scf.yield %scan3A_156 : i32
    }
    %scan3A_50 = arith.constant 200 : i32
    %barrier3A_51 = arith.constant 0 : index
    tpu.barrier barrier_id(%barrier3A_51)
    %eq3A = arith.constant 0 : i32
    %eq3A_52 = arith.cmpi eq, %arg0, %eq3A : i32
    %convert_element_type3A = arith.extui %eq3A_52 : i1 to i32
    %cond3A = arith.constant 0 : i32
    %cond3A_53 = arith.cmpi ne, %convert_element_type3A, %cond3A : i32
    scf.if %cond3A_53 {
      %mul3A_59 = arith.constant 3136 : i32
      %mul3A_60 = arith.muli %arg1, %mul3A_59 : i32
      %mul3A_61 = arith.constant 3136 : i32
      %mul3A_62 = arith.muli %arg1, %mul3A_61 : i32
      "tpu.region"() ({
        %run_scoped3A = tpu.sem_alloc : memref<!tpu.dma_semaphore, #tpu.memory_space<semaphore_mem>>
        %dma_start3A_63 = arith.constant 0 : i32
        %dma_start3A_64 = tpu.memref_slice %arg9[%mul3A_62, %dma_start3A_63] : memref<50176x32xf32, #tpu.memory_space<hbm>> -> memref<3136x32xf32, #tpu.memory_space<hbm>>
        %dma_start3A_65 = arith.constant 0 : i32
        %dma_start3A_66 = tpu.memref_slice %arg19[%mul3A_60, %dma_start3A_65] : memref<50176x32xf32, #tpu.memory_space<vmem_shared>> -> memref<3136x32xf32, #tpu.memory_space<vmem_shared>>
        tpu.enqueue_dma source(%dma_start3A_66 : memref<3136x32xf32, #tpu.memory_space<vmem_shared>>) target(%dma_start3A_64 : memref<3136x32xf32, #tpu.memory_space<hbm>>) target_semaphore(%run_scoped3A : memref<!tpu.dma_semaphore, #tpu.memory_space<semaphore_mem>>)
        %dma_wait3A = arith.constant 0 : i32
        %dma_wait3A_67 = tpu.memref_slice %arg9[%mul3A_62, %dma_wait3A] : memref<50176x32xf32, #tpu.memory_space<hbm>> -> memref<3136x32xf32, #tpu.memory_space<hbm>>
        %dma_wait3A_68 = arith.constant 0 : i32
        %dma_wait3A_69 = tpu.memref_slice %arg19[%mul3A_60, %dma_wait3A_68] : memref<50176x32xf32, #tpu.memory_space<vmem_shared>> -> memref<3136x32xf32, #tpu.memory_space<vmem_shared>>
        tpu.wait_dma2 semaphore(%run_scoped3A : memref<!tpu.dma_semaphore, #tpu.memory_space<semaphore_mem>>) src(%dma_wait3A_69 : memref<3136x32xf32, #tpu.memory_space<vmem_shared>>) dst(%dma_wait3A_67 : memref<3136x32xf32, #tpu.memory_space<hbm>>)
        tpu.yield
      }) : () -> ()
    } else {
    }
    %eq3A_54 = arith.constant 1 : i32
    %eq3A_55 = arith.cmpi eq, %arg0, %eq3A_54 : i32
    %convert_element_type3A_56 = arith.extui %eq3A_55 : i1 to i32
    %cond3A_57 = arith.constant 0 : i32
    %cond3A_58 = arith.cmpi ne, %convert_element_type3A_56, %cond3A_57 : i32
    scf.if %cond3A_58 {
      %mul3A_59 = arith.constant 3136 : i32
      %mul3A_60 = arith.muli %arg1, %mul3A_59 : i32
      %mul3A_61 = arith.constant 3136 : i32
      %mul3A_62 = arith.muli %arg1, %mul3A_61 : i32
      "tpu.region"() ({
        %run_scoped3A = tpu.sem_alloc : memref<!tpu.dma_semaphore, #tpu.memory_space<semaphore_mem>>
        %dma_start3A_63 = arith.constant 0 : i32
        %dma_start3A_64 = tpu.memref_slice %arg10[%mul3A_62, %dma_start3A_63] : memref<50176x32xf32, #tpu.memory_space<hbm>> -> memref<3136x32xf32, #tpu.memory_space<hbm>>
        %dma_start3A_65 = arith.constant 0 : i32
        %dma_start3A_66 = tpu.memref_slice %arg19[%mul3A_60, %dma_start3A_65] : memref<50176x32xf32, #tpu.memory_space<vmem_shared>> -> memref<3136x32xf32, #tpu.memory_space<vmem_shared>>
        tpu.enqueue_dma source(%dma_start3A_66 : memref<3136x32xf32, #tpu.memory_space<vmem_shared>>) target(%dma_start3A_64 : memref<3136x32xf32, #tpu.memory_space<hbm>>) target_semaphore(%run_scoped3A : memref<!tpu.dma_semaphore, #tpu.memory_space<semaphore_mem>>)
        %dma_wait3A = arith.constant 0 : i32
        %dma_wait3A_67 = tpu.memref_slice %arg10[%mul3A_62, %dma_wait3A] : memref<50176x32xf32, #tpu.memory_space<hbm>> -> memref<3136x32xf32, #tpu.memory_space<hbm>>
        %dma_wait3A_68 = arith.constant 0 : i32
        %dma_wait3A_69 = tpu.memref_slice %arg19[%mul3A_60, %dma_wait3A_68] : memref<50176x32xf32, #tpu.memory_space<vmem_shared>> -> memref<3136x32xf32, #tpu.memory_space<vmem_shared>>
        tpu.wait_dma2 semaphore(%run_scoped3A : memref<!tpu.dma_semaphore, #tpu.memory_space<semaphore_mem>>) src(%dma_wait3A_69 : memref<3136x32xf32, #tpu.memory_space<vmem_shared>>) dst(%dma_wait3A_67 : memref<3136x32xf32, #tpu.memory_space<hbm>>)
        tpu.yield
      }) : () -> ()
    } else {
    }
    return
  }
}

#map = affine_map<(d0, d1) -> (0, 0)>
#map1 = affine_map<(d0, d1) -> (0)>
module attributes {stable_mosaic.version = 14 : i64} {
  func.func @_sc_dist(%arg0: i32, %arg1: i32, %arg2: memref<50176x16xf32, #tpu.memory_space<hbm>>, %arg3: memref<819200xi32, #tpu.memory_space<hbm>>, %arg4: memref<819200xi32, #tpu.memory_space<hbm>>, %arg5: memref<819200xf32, #tpu.memory_space<hbm>>, %arg6: memref<2x128xi32, #tpu.memory_space<vmem>>, %arg7: memref<2x128xi32, #tpu.memory_space<vmem>>, %arg8: memref<128x16xf32, #tpu.memory_space<vmem>>, %arg9: memref<128x16xf32, #tpu.memory_space<vmem>>, %arg10: memref<128xf32, #tpu.memory_space<vmem>>, %arg11: memref<!tpu.dma_semaphore, #tpu.memory_space<semaphore_mem>>, %arg12: memref<!tpu.dma_semaphore, #tpu.memory_space<semaphore_mem>>) attributes {dimension_semantics = [#tpu.dimension_semantics<core_parallel>, #tpu.dimension_semantics<subcore_parallel>], iteration_bounds = array<i64: 2, 16>, scalar_prefetch = 0 : i64, scratch_operands = 7 : i64, tpu.core_type = #tpu.core_type<sc_vector_subcore>, window_params = [{transform_indices = #map}, {transform_indices = #map1}, {transform_indices = #map1}, {transform_indices = #map1}]} {
    %mul3A = arith.constant 2 : i32
    %mul3A_0 = arith.muli %arg1, %mul3A : i32
    %add3A = arith.addi %mul3A_0, %arg0 : i32
    %mul3A_1 = arith.constant 25600 : i32
    %mul3A_2 = arith.muli %add3A, %mul3A_1 : i32
    %add3A_3 = arith.constant 0 : i32
    %add3A_4 = arith.addi %mul3A_2, %add3A_3 : i32
    %dma_start3A = arith.constant 0 : i32
    %dma_start3A_5 = arith.constant 0 : i32
    %dma_start3A_6 = tpu.memref_slice %arg6[%dma_start3A, %dma_start3A_5] : memref<2x128xi32, #tpu.memory_space<vmem>> -> memref<1x128xi32, #tpu.memory_space<vmem>>
    %dma_start3A_7 = tpu.memref_squeeze %dma_start3A_6 : memref<1x128xi32, #tpu.memory_space<vmem>> -> memref<128xi32, #tpu.memory_space<vmem>>
    %dma_start3A_8 = tpu.memref_slice %arg3[%add3A_4] : memref<819200xi32, #tpu.memory_space<hbm>> -> memref<128xi32, #tpu.memory_space<hbm>>
    %dma_start3A_9 = arith.constant 0 : i32
    %dma_start3A_10 = tpu.memref_slice %arg6[%dma_start3A, %dma_start3A_9] : memref<2x128xi32, #tpu.memory_space<vmem>> -> memref<1x128xi32, #tpu.memory_space<vmem>>
    %dma_start3A_11 = tpu.memref_squeeze %dma_start3A_10 : memref<1x128xi32, #tpu.memory_space<vmem>> -> memref<128xi32, #tpu.memory_space<vmem>>
    %dma_start3A_12 = tpu.memref_slice %arg3[%add3A_4] : memref<819200xi32, #tpu.memory_space<hbm>> -> memref<128xi32, #tpu.memory_space<hbm>>
    tpu.enqueue_dma source(%dma_start3A_12 : memref<128xi32, #tpu.memory_space<hbm>>) target(%dma_start3A_11 : memref<128xi32, #tpu.memory_space<vmem>>) target_semaphore(%arg12 : memref<!tpu.dma_semaphore, #tpu.memory_space<semaphore_mem>>)
    %dma_start3A_13 = arith.constant 0 : i32
    %dma_start3A_14 = arith.constant 0 : i32
    %dma_start3A_15 = tpu.memref_slice %arg7[%dma_start3A_13, %dma_start3A_14] : memref<2x128xi32, #tpu.memory_space<vmem>> -> memref<1x128xi32, #tpu.memory_space<vmem>>
    %dma_start3A_16 = tpu.memref_squeeze %dma_start3A_15 : memref<1x128xi32, #tpu.memory_space<vmem>> -> memref<128xi32, #tpu.memory_space<vmem>>
    %dma_start3A_17 = tpu.memref_slice %arg4[%add3A_4] : memref<819200xi32, #tpu.memory_space<hbm>> -> memref<128xi32, #tpu.memory_space<hbm>>
    %dma_start3A_18 = arith.constant 0 : i32
    %dma_start3A_19 = tpu.memref_slice %arg7[%dma_start3A_13, %dma_start3A_18] : memref<2x128xi32, #tpu.memory_space<vmem>> -> memref<1x128xi32, #tpu.memory_space<vmem>>
    %dma_start3A_20 = tpu.memref_squeeze %dma_start3A_19 : memref<1x128xi32, #tpu.memory_space<vmem>> -> memref<128xi32, #tpu.memory_space<vmem>>
    %dma_start3A_21 = tpu.memref_slice %arg4[%add3A_4] : memref<819200xi32, #tpu.memory_space<hbm>> -> memref<128xi32, #tpu.memory_space<hbm>>
    tpu.enqueue_dma source(%dma_start3A_21 : memref<128xi32, #tpu.memory_space<hbm>>) target(%dma_start3A_20 : memref<128xi32, #tpu.memory_space<vmem>>) target_semaphore(%arg12 : memref<!tpu.dma_semaphore, #tpu.memory_space<semaphore_mem>>)
    %scan3A = arith.constant 0 : i32
    %scan3A_22 = arith.constant 0 : i32
    %scan3A_23 = arith.constant 200 : i32
    %scan3A_24 = arith.addi %scan3A_22, %scan3A_23 : i32
    %scan3A_25 = arith.constant 1 : i32
    %scan3A_26 = scf.for %scan3A_28 = %scan3A_22 to %scan3A_24 step %scan3A_25 iter_args(%scan3A_29 = %scan3A) -> (i32)  : i32 {
      %rem3A = arith.constant 2 : i32
      %rem3A_30 = arith.remsi %scan3A_28, %rem3A : i32
      %mul3A_31 = arith.constant 25600 : i32
      %mul3A_32 = arith.muli %add3A, %mul3A_31 : i32
      %mul3A_33 = arith.constant 128 : i32
      %mul3A_34 = arith.muli %scan3A_28, %mul3A_33 : i32
      %add3A_35 = arith.addi %mul3A_32, %mul3A_34 : i32
      %mul3A_36 = arith.constant 25600 : i32
      %mul3A_37 = arith.muli %add3A, %mul3A_36 : i32
      %mul3A_38 = arith.constant 128 : i32
      %mul3A_39 = arith.muli %scan3A_28, %mul3A_38 : i32
      %add3A_40 = arith.addi %mul3A_37, %mul3A_39 : i32
      %dma_wait3A = arith.constant 0 : i32
      %dma_wait3A_41 = tpu.memref_slice %arg6[%rem3A_30, %dma_wait3A] : memref<2x128xi32, #tpu.memory_space<vmem>> -> memref<1x128xi32, #tpu.memory_space<vmem>>
      %dma_wait3A_42 = tpu.memref_squeeze %dma_wait3A_41 : memref<1x128xi32, #tpu.memory_space<vmem>> -> memref<128xi32, #tpu.memory_space<vmem>>
      %dma_wait3A_43 = tpu.memref_slice %arg3[%add3A_40] : memref<819200xi32, #tpu.memory_space<hbm>> -> memref<128xi32, #tpu.memory_space<hbm>>
      %dma_wait3A_44 = arith.constant 0 : i32
      %dma_wait3A_45 = tpu.memref_slice %arg6[%rem3A_30, %dma_wait3A_44] : memref<2x128xi32, #tpu.memory_space<vmem>> -> memref<1x128xi32, #tpu.memory_space<vmem>>
      %dma_wait3A_46 = tpu.memref_squeeze %dma_wait3A_45 : memref<1x128xi32, #tpu.memory_space<vmem>> -> memref<128xi32, #tpu.memory_space<vmem>>
      %dma_wait3A_47 = tpu.memref_slice %arg3[%add3A_40] : memref<819200xi32, #tpu.memory_space<hbm>> -> memref<128xi32, #tpu.memory_space<hbm>>
      tpu.wait_dma2 semaphore(%arg12 : memref<!tpu.dma_semaphore, #tpu.memory_space<semaphore_mem>>) src(%dma_wait3A_47 : memref<128xi32, #tpu.memory_space<hbm>>) dst(%dma_wait3A_46 : memref<128xi32, #tpu.memory_space<vmem>>)
      %dma_wait3A_48 = arith.constant 0 : i32
      %dma_wait3A_49 = tpu.memref_slice %arg7[%rem3A_30, %dma_wait3A_48] : memref<2x128xi32, #tpu.memory_space<vmem>> -> memref<1x128xi32, #tpu.memory_space<vmem>>
      %dma_wait3A_50 = tpu.memref_squeeze %dma_wait3A_49 : memref<1x128xi32, #tpu.memory_space<vmem>> -> memref<128xi32, #tpu.memory_space<vmem>>
      %dma_wait3A_51 = tpu.memref_slice %arg4[%add3A_40] : memref<819200xi32, #tpu.memory_space<hbm>> -> memref<128xi32, #tpu.memory_space<hbm>>
      %dma_wait3A_52 = arith.constant 0 : i32
      %dma_wait3A_53 = tpu.memref_slice %arg7[%rem3A_30, %dma_wait3A_52] : memref<2x128xi32, #tpu.memory_space<vmem>> -> memref<1x128xi32, #tpu.memory_space<vmem>>
      %dma_wait3A_54 = tpu.memref_squeeze %dma_wait3A_53 : memref<1x128xi32, #tpu.memory_space<vmem>> -> memref<128xi32, #tpu.memory_space<vmem>>
      %dma_wait3A_55 = tpu.memref_slice %arg4[%add3A_40] : memref<819200xi32, #tpu.memory_space<hbm>> -> memref<128xi32, #tpu.memory_space<hbm>>
      tpu.wait_dma2 semaphore(%arg12 : memref<!tpu.dma_semaphore, #tpu.memory_space<semaphore_mem>>) src(%dma_wait3A_55 : memref<128xi32, #tpu.memory_space<hbm>>) dst(%dma_wait3A_54 : memref<128xi32, #tpu.memory_space<vmem>>)
      %dma_start3A_56 = arith.constant 0 : i32
      %dma_start3A_57 = tpu.memref_slice %arg6[%rem3A_30, %dma_start3A_56] : memref<2x128xi32, #tpu.memory_space<vmem>> -> memref<1x128xi32, #tpu.memory_space<vmem>>
      %dma_start3A_58 = tpu.memref_squeeze %dma_start3A_57 : memref<1x128xi32, #tpu.memory_space<vmem>> -> memref<128xi32, #tpu.memory_space<vmem>>
      %dma_start3A_59 = arith.constant 0 : i32
      %dma_start3A_60 = arith.constant 0 : i32
      %dma_start3A_61 = tpu.memref_slice %arg2[%dma_start3A_59, %dma_start3A_60] : memref<50176x16xf32, #tpu.memory_space<hbm>> -> memref<50176x16xf32, #tpu.memory_space<hbm>>
      tpu.enqueue_indirect_dma source(%dma_start3A_61 : memref<50176x16xf32, #tpu.memory_space<hbm>>) target(%arg8 : memref<128x16xf32, #tpu.memory_space<vmem>>) offsets(%dma_start3A_58 : memref<128xi32, #tpu.memory_space<vmem>>) semaphore(%arg11 : memref<!tpu.dma_semaphore, #tpu.memory_space<semaphore_mem>>)
      %dma_start3A_62 = arith.constant 0 : i32
      %dma_start3A_63 = tpu.memref_slice %arg7[%rem3A_30, %dma_start3A_62] : memref<2x128xi32, #tpu.memory_space<vmem>> -> memref<1x128xi32, #tpu.memory_space<vmem>>
      %dma_start3A_64 = tpu.memref_squeeze %dma_start3A_63 : memref<1x128xi32, #tpu.memory_space<vmem>> -> memref<128xi32, #tpu.memory_space<vmem>>
      %dma_start3A_65 = arith.constant 0 : i32
      %dma_start3A_66 = arith.constant 0 : i32
      %dma_start3A_67 = tpu.memref_slice %arg2[%dma_start3A_65, %dma_start3A_66] : memref<50176x16xf32, #tpu.memory_space<hbm>> -> memref<50176x16xf32, #tpu.memory_space<hbm>>
      tpu.enqueue_indirect_dma source(%dma_start3A_67 : memref<50176x16xf32, #tpu.memory_space<hbm>>) target(%arg9 : memref<128x16xf32, #tpu.memory_space<vmem>>) offsets(%dma_start3A_64 : memref<128xi32, #tpu.memory_space<vmem>>) semaphore(%arg11 : memref<!tpu.dma_semaphore, #tpu.memory_space<semaphore_mem>>)
      %add3A_68 = arith.constant 1 : i32
      %add3A_69 = arith.addi %scan3A_28, %add3A_68 : i32
      %lt3A = arith.constant 200 : i32
      %lt3A_70 = arith.cmpi slt, %add3A_69, %lt3A : i32
      %convert_element_type3A = arith.extui %lt3A_70 : i1 to i32
      %cond3A = arith.constant 0 : i32
      %cond3A_71 = arith.cmpi ne, %convert_element_type3A, %cond3A : i32
      scf.if %cond3A_71 {
        %add3A_281 = arith.constant 1 : i32
        %add3A_282 = arith.addi %scan3A_28, %add3A_281 : i32
        %add3A_283 = arith.constant 1 : i32
        %add3A_284 = arith.addi %scan3A_28, %add3A_283 : i32
        %rem3A_285 = arith.constant 2 : i32
        %rem3A_286 = arith.remsi %add3A_284, %rem3A_285 : i32
        %mul3A_287 = arith.constant 25600 : i32
        %mul3A_288 = arith.muli %add3A, %mul3A_287 : i32
        %mul3A_289 = arith.constant 128 : i32
        %mul3A_290 = arith.muli %add3A_282, %mul3A_289 : i32
        %add3A_291 = arith.addi %mul3A_288, %mul3A_290 : i32
        %dma_start3A_292 = arith.constant 0 : i32
        %dma_start3A_293 = tpu.memref_slice %arg6[%rem3A_286, %dma_start3A_292] : memref<2x128xi32, #tpu.memory_space<vmem>> -> memref<1x128xi32, #tpu.memory_space<vmem>>
        %dma_start3A_294 = tpu.memref_squeeze %dma_start3A_293 : memref<1x128xi32, #tpu.memory_space<vmem>> -> memref<128xi32, #tpu.memory_space<vmem>>
        %dma_start3A_295 = tpu.memref_slice %arg3[%add3A_291] : memref<819200xi32, #tpu.memory_space<hbm>> -> memref<128xi32, #tpu.memory_space<hbm>>
        %dma_start3A_296 = arith.constant 0 : i32
        %dma_start3A_297 = tpu.memref_slice %arg6[%rem3A_286, %dma_start3A_296] : memref<2x128xi32, #tpu.memory_space<vmem>> -> memref<1x128xi32, #tpu.memory_space<vmem>>
        %dma_start3A_298 = tpu.memref_squeeze %dma_start3A_297 : memref<1x128xi32, #tpu.memory_space<vmem>> -> memref<128xi32, #tpu.memory_space<vmem>>
        %dma_start3A_299 = tpu.memref_slice %arg3[%add3A_291] : memref<819200xi32, #tpu.memory_space<hbm>> -> memref<128xi32, #tpu.memory_space<hbm>>
        tpu.enqueue_dma source(%dma_start3A_299 : memref<128xi32, #tpu.memory_space<hbm>>) target(%dma_start3A_298 : memref<128xi32, #tpu.memory_space<vmem>>) target_semaphore(%arg12 : memref<!tpu.dma_semaphore, #tpu.memory_space<semaphore_mem>>)
        %dma_start3A_300 = arith.constant 0 : i32
        %dma_start3A_301 = tpu.memref_slice %arg7[%rem3A_286, %dma_start3A_300] : memref<2x128xi32, #tpu.memory_space<vmem>> -> memref<1x128xi32, #tpu.memory_space<vmem>>
        %dma_start3A_302 = tpu.memref_squeeze %dma_start3A_301 : memref<1x128xi32, #tpu.memory_space<vmem>> -> memref<128xi32, #tpu.memory_space<vmem>>
        %dma_start3A_303 = tpu.memref_slice %arg4[%add3A_291] : memref<819200xi32, #tpu.memory_space<hbm>> -> memref<128xi32, #tpu.memory_space<hbm>>
        %dma_start3A_304 = arith.constant 0 : i32
        %dma_start3A_305 = tpu.memref_slice %arg7[%rem3A_286, %dma_start3A_304] : memref<2x128xi32, #tpu.memory_space<vmem>> -> memref<1x128xi32, #tpu.memory_space<vmem>>
        %dma_start3A_306 = tpu.memref_squeeze %dma_start3A_305 : memref<1x128xi32, #tpu.memory_space<vmem>> -> memref<128xi32, #tpu.memory_space<vmem>>
        %dma_start3A_307 = tpu.memref_slice %arg4[%add3A_291] : memref<819200xi32, #tpu.memory_space<hbm>> -> memref<128xi32, #tpu.memory_space<hbm>>
        tpu.enqueue_dma source(%dma_start3A_307 : memref<128xi32, #tpu.memory_space<hbm>>) target(%dma_start3A_306 : memref<128xi32, #tpu.memory_space<vmem>>) target_semaphore(%arg12 : memref<!tpu.dma_semaphore, #tpu.memory_space<semaphore_mem>>)
      } else {
      }
      %dma_wait3A_72 = arith.constant 0 : i32
      %dma_wait3A_73 = tpu.memref_slice %arg6[%rem3A_30, %dma_wait3A_72] : memref<2x128xi32, #tpu.memory_space<vmem>> -> memref<1x128xi32, #tpu.memory_space<vmem>>
      %dma_wait3A_74 = tpu.memref_squeeze %dma_wait3A_73 : memref<1x128xi32, #tpu.memory_space<vmem>> -> memref<128xi32, #tpu.memory_space<vmem>>
      %dma_wait3A_75 = arith.constant 0 : i32
      %dma_wait3A_76 = arith.constant 0 : i32
      %dma_wait3A_77 = tpu.memref_slice %arg2[%dma_wait3A_75, %dma_wait3A_76] : memref<50176x16xf32, #tpu.memory_space<hbm>> -> memref<50176x16xf32, #tpu.memory_space<hbm>>
      tpu.wait_indirect_dma semaphore(%arg11 : memref<!tpu.dma_semaphore, #tpu.memory_space<semaphore_mem>>) src(%dma_wait3A_77 : memref<50176x16xf32, #tpu.memory_space<hbm>>) dst(%arg8 : memref<128x16xf32, #tpu.memory_space<vmem>>)
      %dma_wait3A_78 = arith.constant 0 : i32
      %dma_wait3A_79 = tpu.memref_slice %arg7[%rem3A_30, %dma_wait3A_78] : memref<2x128xi32, #tpu.memory_space<vmem>> -> memref<1x128xi32, #tpu.memory_space<vmem>>
      %dma_wait3A_80 = tpu.memref_squeeze %dma_wait3A_79 : memref<1x128xi32, #tpu.memory_space<vmem>> -> memref<128xi32, #tpu.memory_space<vmem>>
      %dma_wait3A_81 = arith.constant 0 : i32
      %dma_wait3A_82 = arith.constant 0 : i32
      %dma_wait3A_83 = tpu.memref_slice %arg2[%dma_wait3A_81, %dma_wait3A_82] : memref<50176x16xf32, #tpu.memory_space<hbm>> -> memref<50176x16xf32, #tpu.memory_space<hbm>>
      tpu.wait_indirect_dma semaphore(%arg11 : memref<!tpu.dma_semaphore, #tpu.memory_space<semaphore_mem>>) src(%dma_wait3A_83 : memref<50176x16xf32, #tpu.memory_space<hbm>>) dst(%arg9 : memref<128x16xf32, #tpu.memory_space<vmem>>)
      %iota3A = tpu.iota {dimensions = array<i32: 0>} : vector<16xi32>
      %add3A_84 = arith.constant 0 : i32
      %add3A_85 = vector.broadcast %add3A_84 : i32 to vector<16xi32>
      %add3A_86 = arith.addi %iota3A, %add3A_85 : vector<16xi32>
      %broadcast_in_dim3A = arith.constant 0 : i32
      %broadcast_in_dim3A_87 = vector.broadcast %broadcast_in_dim3A : i32 to vector<16xi32>
      %broadcast_in_dim3A_88 = arith.constant 1 : i32
      %broadcast_in_dim3A_89 = vector.broadcast %broadcast_in_dim3A_88 : i32 to vector<16xi32>
      %broadcast_in_dim3A_90 = arith.constant 2 : i32
      %broadcast_in_dim3A_91 = vector.broadcast %broadcast_in_dim3A_90 : i32 to vector<16xi32>
      %gather3A = tpu.vector_load_idx %arg8[%add3A_86, %broadcast_in_dim3A_87] : memref<128x16xf32, #tpu.memory_space<vmem>>[vector<16xi32>, vector<16xi32>], vector<16xf32>,
      %gather3A_92 = tpu.vector_load_idx %arg9[%add3A_86, %broadcast_in_dim3A_87] : memref<128x16xf32, #tpu.memory_space<vmem>>[vector<16xi32>, vector<16xi32>], vector<16xf32>,
      %sub3A = arith.subf %gather3A, %gather3A_92 : vector<16xf32>
      %gather3A_93 = tpu.vector_load_idx %arg8[%add3A_86, %broadcast_in_dim3A_89] : memref<128x16xf32, #tpu.memory_space<vmem>>[vector<16xi32>, vector<16xi32>], vector<16xf32>,
      %gather3A_94 = tpu.vector_load_idx %arg9[%add3A_86, %broadcast_in_dim3A_89] : memref<128x16xf32, #tpu.memory_space<vmem>>[vector<16xi32>, vector<16xi32>], vector<16xf32>,
      %sub3A_95 = arith.subf %gather3A_93, %gather3A_94 : vector<16xf32>
      %gather3A_96 = tpu.vector_load_idx %arg8[%add3A_86, %broadcast_in_dim3A_91] : memref<128x16xf32, #tpu.memory_space<vmem>>[vector<16xi32>, vector<16xi32>], vector<16xf32>,
      %gather3A_97 = tpu.vector_load_idx %arg9[%add3A_86, %broadcast_in_dim3A_91] : memref<128x16xf32, #tpu.memory_space<vmem>>[vector<16xi32>, vector<16xi32>], vector<16xf32>,
      %sub3A_98 = arith.subf %gather3A_96, %gather3A_97 : vector<16xf32>
      %mul3A_99 = arith.mulf %sub3A, %sub3A : vector<16xf32>
      %mul3A_100 = arith.mulf %sub3A_95, %sub3A_95 : vector<16xf32>
      %add3A_101 = arith.addf %mul3A_99, %mul3A_100 : vector<16xf32>
      %mul3A_102 = arith.mulf %sub3A_98, %sub3A_98 : vector<16xf32>
      %add3A_103 = arith.addf %add3A_101, %mul3A_102 : vector<16xf32>
      %swap3A = arith.constant 0 : index
      %swap3A_104 = tpu.vector_load %arg10[%swap3A] {strides = array<i32>} : memref<128xf32, #tpu.memory_space<vmem>>, vector<16xf32>,
      tpu.vector_store %arg10[%swap3A], %add3A_103 {strides = array<i32>} : memref<128xf32, #tpu.memory_space<vmem>>, vector<16xf32>,
      %add3A_105 = arith.constant 16 : i32
      %add3A_106 = vector.broadcast %add3A_105 : i32 to vector<16xi32>
      %add3A_107 = arith.addi %iota3A, %add3A_106 : vector<16xi32>
      %broadcast_in_dim3A_108 = arith.constant 0 : i32
      %broadcast_in_dim3A_109 = vector.broadcast %broadcast_in_dim3A_108 : i32 to vector<16xi32>
      %broadcast_in_dim3A_110 = arith.constant 1 : i32
      %broadcast_in_dim3A_111 = vector.broadcast %broadcast_in_dim3A_110 : i32 to vector<16xi32>
      %broadcast_in_dim3A_112 = arith.constant 2 : i32
      %broadcast_in_dim3A_113 = vector.broadcast %broadcast_in_dim3A_112 : i32 to vector<16xi32>
      %gather3A_114 = tpu.vector_load_idx %arg8[%add3A_107, %broadcast_in_dim3A_109] : memref<128x16xf32, #tpu.memory_space<vmem>>[vector<16xi32>, vector<16xi32>], vector<16xf32>,
      %gather3A_115 = tpu.vector_load_idx %arg9[%add3A_107, %broadcast_in_dim3A_109] : memref<128x16xf32, #tpu.memory_space<vmem>>[vector<16xi32>, vector<16xi32>], vector<16xf32>,
      %sub3A_116 = arith.subf %gather3A_114, %gather3A_115 : vector<16xf32>
      %gather3A_117 = tpu.vector_load_idx %arg8[%add3A_107, %broadcast_in_dim3A_111] : memref<128x16xf32, #tpu.memory_space<vmem>>[vector<16xi32>, vector<16xi32>], vector<16xf32>,
      %gather3A_118 = tpu.vector_load_idx %arg9[%add3A_107, %broadcast_in_dim3A_111] : memref<128x16xf32, #tpu.memory_space<vmem>>[vector<16xi32>, vector<16xi32>], vector<16xf32>,
      %sub3A_119 = arith.subf %gather3A_117, %gather3A_118 : vector<16xf32>
      %gather3A_120 = tpu.vector_load_idx %arg8[%add3A_107, %broadcast_in_dim3A_113] : memref<128x16xf32, #tpu.memory_space<vmem>>[vector<16xi32>, vector<16xi32>], vector<16xf32>,
      %gather3A_121 = tpu.vector_load_idx %arg9[%add3A_107, %broadcast_in_dim3A_113] : memref<128x16xf32, #tpu.memory_space<vmem>>[vector<16xi32>, vector<16xi32>], vector<16xf32>,
      %sub3A_122 = arith.subf %gather3A_120, %gather3A_121 : vector<16xf32>
      %mul3A_123 = arith.mulf %sub3A_116, %sub3A_116 : vector<16xf32>
      %mul3A_124 = arith.mulf %sub3A_119, %sub3A_119 : vector<16xf32>
      %add3A_125 = arith.addf %mul3A_123, %mul3A_124 : vector<16xf32>
      %mul3A_126 = arith.mulf %sub3A_122, %sub3A_122 : vector<16xf32>
      %add3A_127 = arith.addf %add3A_125, %mul3A_126 : vector<16xf32>
      %swap3A_128 = arith.constant 16 : index
      %swap3A_129 = tpu.vector_load %arg10[%swap3A_128] {strides = array<i32>} : memref<128xf32, #tpu.memory_space<vmem>>, vector<16xf32>,
      tpu.vector_store %arg10[%swap3A_128], %add3A_127 {strides = array<i32>} : memref<128xf32, #tpu.memory_space<vmem>>, vector<16xf32>,
      %add3A_130 = arith.constant 32 : i32
      %add3A_131 = vector.broadcast %add3A_130 : i32 to vector<16xi32>
      %add3A_132 = arith.addi %iota3A, %add3A_131 : vector<16xi32>
      %broadcast_in_dim3A_133 = arith.constant 0 : i32
      %broadcast_in_dim3A_134 = vector.broadcast %broadcast_in_dim3A_133 : i32 to vector<16xi32>
      %broadcast_in_dim3A_135 = arith.constant 1 : i32
      %broadcast_in_dim3A_136 = vector.broadcast %broadcast_in_dim3A_135 : i32 to vector<16xi32>
      %broadcast_in_dim3A_137 = arith.constant 2 : i32
      %broadcast_in_dim3A_138 = vector.broadcast %broadcast_in_dim3A_137 : i32 to vector<16xi32>
      %gather3A_139 = tpu.vector_load_idx %arg8[%add3A_132, %broadcast_in_dim3A_134] : memref<128x16xf32, #tpu.memory_space<vmem>>[vector<16xi32>, vector<16xi32>], vector<16xf32>,
      %gather3A_140 = tpu.vector_load_idx %arg9[%add3A_132, %broadcast_in_dim3A_134] : memref<128x16xf32, #tpu.memory_space<vmem>>[vector<16xi32>, vector<16xi32>], vector<16xf32>,
      %sub3A_141 = arith.subf %gather3A_139, %gather3A_140 : vector<16xf32>
      %gather3A_142 = tpu.vector_load_idx %arg8[%add3A_132, %broadcast_in_dim3A_136] : memref<128x16xf32, #tpu.memory_space<vmem>>[vector<16xi32>, vector<16xi32>], vector<16xf32>,
      %gather3A_143 = tpu.vector_load_idx %arg9[%add3A_132, %broadcast_in_dim3A_136] : memref<128x16xf32, #tpu.memory_space<vmem>>[vector<16xi32>, vector<16xi32>], vector<16xf32>,
      %sub3A_144 = arith.subf %gather3A_142, %gather3A_143 : vector<16xf32>
      %gather3A_145 = tpu.vector_load_idx %arg8[%add3A_132, %broadcast_in_dim3A_138] : memref<128x16xf32, #tpu.memory_space<vmem>>[vector<16xi32>, vector<16xi32>], vector<16xf32>,
      %gather3A_146 = tpu.vector_load_idx %arg9[%add3A_132, %broadcast_in_dim3A_138] : memref<128x16xf32, #tpu.memory_space<vmem>>[vector<16xi32>, vector<16xi32>], vector<16xf32>,
      %sub3A_147 = arith.subf %gather3A_145, %gather3A_146 : vector<16xf32>
      %mul3A_148 = arith.mulf %sub3A_141, %sub3A_141 : vector<16xf32>
      %mul3A_149 = arith.mulf %sub3A_144, %sub3A_144 : vector<16xf32>
      %add3A_150 = arith.addf %mul3A_148, %mul3A_149 : vector<16xf32>
      %mul3A_151 = arith.mulf %sub3A_147, %sub3A_147 : vector<16xf32>
      %add3A_152 = arith.addf %add3A_150, %mul3A_151 : vector<16xf32>
      %swap3A_153 = arith.constant 32 : index
      %swap3A_154 = tpu.vector_load %arg10[%swap3A_153] {strides = array<i32>} : memref<128xf32, #tpu.memory_space<vmem>>, vector<16xf32>,
      tpu.vector_store %arg10[%swap3A_153], %add3A_152 {strides = array<i32>} : memref<128xf32, #tpu.memory_space<vmem>>, vector<16xf32>,
      %add3A_155 = arith.constant 48 : i32
      %add3A_156 = vector.broadcast %add3A_155 : i32 to vector<16xi32>
      %add3A_157 = arith.addi %iota3A, %add3A_156 : vector<16xi32>
      %broadcast_in_dim3A_158 = arith.constant 0 : i32
      %broadcast_in_dim3A_159 = vector.broadcast %broadcast_in_dim3A_158 : i32 to vector<16xi32>
      %broadcast_in_dim3A_160 = arith.constant 1 : i32
      %broadcast_in_dim3A_161 = vector.broadcast %broadcast_in_dim3A_160 : i32 to vector<16xi32>
      %broadcast_in_dim3A_162 = arith.constant 2 : i32
      %broadcast_in_dim3A_163 = vector.broadcast %broadcast_in_dim3A_162 : i32 to vector<16xi32>
      %gather3A_164 = tpu.vector_load_idx %arg8[%add3A_157, %broadcast_in_dim3A_159] : memref<128x16xf32, #tpu.memory_space<vmem>>[vector<16xi32>, vector<16xi32>], vector<16xf32>,
      %gather3A_165 = tpu.vector_load_idx %arg9[%add3A_157, %broadcast_in_dim3A_159] : memref<128x16xf32, #tpu.memory_space<vmem>>[vector<16xi32>, vector<16xi32>], vector<16xf32>,
      %sub3A_166 = arith.subf %gather3A_164, %gather3A_165 : vector<16xf32>
      %gather3A_167 = tpu.vector_load_idx %arg8[%add3A_157, %broadcast_in_dim3A_161] : memref<128x16xf32, #tpu.memory_space<vmem>>[vector<16xi32>, vector<16xi32>], vector<16xf32>,
      %gather3A_168 = tpu.vector_load_idx %arg9[%add3A_157, %broadcast_in_dim3A_161] : memref<128x16xf32, #tpu.memory_space<vmem>>[vector<16xi32>, vector<16xi32>], vector<16xf32>,
      %sub3A_169 = arith.subf %gather3A_167, %gather3A_168 : vector<16xf32>
      %gather3A_170 = tpu.vector_load_idx %arg8[%add3A_157, %broadcast_in_dim3A_163] : memref<128x16xf32, #tpu.memory_space<vmem>>[vector<16xi32>, vector<16xi32>], vector<16xf32>,
      %gather3A_171 = tpu.vector_load_idx %arg9[%add3A_157, %broadcast_in_dim3A_163] : memref<128x16xf32, #tpu.memory_space<vmem>>[vector<16xi32>, vector<16xi32>], vector<16xf32>,
      %sub3A_172 = arith.subf %gather3A_170, %gather3A_171 : vector<16xf32>
      %mul3A_173 = arith.mulf %sub3A_166, %sub3A_166 : vector<16xf32>
      %mul3A_174 = arith.mulf %sub3A_169, %sub3A_169 : vector<16xf32>
      %add3A_175 = arith.addf %mul3A_173, %mul3A_174 : vector<16xf32>
      %mul3A_176 = arith.mulf %sub3A_172, %sub3A_172 : vector<16xf32>
      %add3A_177 = arith.addf %add3A_175, %mul3A_176 : vector<16xf32>
      %swap3A_178 = arith.constant 48 : index
      %swap3A_179 = tpu.vector_load %arg10[%swap3A_178] {strides = array<i32>} : memref<128xf32, #tpu.memory_space<vmem>>, vector<16xf32>,
      tpu.vector_store %arg10[%swap3A_178], %add3A_177 {strides = array<i32>} : memref<128xf32, #tpu.memory_space<vmem>>, vector<16xf32>,
      %add3A_180 = arith.constant 64 : i32
      %add3A_181 = vector.broadcast %add3A_180 : i32 to vector<16xi32>
      %add3A_182 = arith.addi %iota3A, %add3A_181 : vector<16xi32>
      %broadcast_in_dim3A_183 = arith.constant 0 : i32
      %broadcast_in_dim3A_184 = vector.broadcast %broadcast_in_dim3A_183 : i32 to vector<16xi32>
      %broadcast_in_dim3A_185 = arith.constant 1 : i32
      %broadcast_in_dim3A_186 = vector.broadcast %broadcast_in_dim3A_185 : i32 to vector<16xi32>
      %broadcast_in_dim3A_187 = arith.constant 2 : i32
      %broadcast_in_dim3A_188 = vector.broadcast %broadcast_in_dim3A_187 : i32 to vector<16xi32>
      %gather3A_189 = tpu.vector_load_idx %arg8[%add3A_182, %broadcast_in_dim3A_184] : memref<128x16xf32, #tpu.memory_space<vmem>>[vector<16xi32>, vector<16xi32>], vector<16xf32>,
      %gather3A_190 = tpu.vector_load_idx %arg9[%add3A_182, %broadcast_in_dim3A_184] : memref<128x16xf32, #tpu.memory_space<vmem>>[vector<16xi32>, vector<16xi32>], vector<16xf32>,
      %sub3A_191 = arith.subf %gather3A_189, %gather3A_190 : vector<16xf32>
      %gather3A_192 = tpu.vector_load_idx %arg8[%add3A_182, %broadcast_in_dim3A_186] : memref<128x16xf32, #tpu.memory_space<vmem>>[vector<16xi32>, vector<16xi32>], vector<16xf32>,
      %gather3A_193 = tpu.vector_load_idx %arg9[%add3A_182, %broadcast_in_dim3A_186] : memref<128x16xf32, #tpu.memory_space<vmem>>[vector<16xi32>, vector<16xi32>], vector<16xf32>,
      %sub3A_194 = arith.subf %gather3A_192, %gather3A_193 : vector<16xf32>
      %gather3A_195 = tpu.vector_load_idx %arg8[%add3A_182, %broadcast_in_dim3A_188] : memref<128x16xf32, #tpu.memory_space<vmem>>[vector<16xi32>, vector<16xi32>], vector<16xf32>,
      %gather3A_196 = tpu.vector_load_idx %arg9[%add3A_182, %broadcast_in_dim3A_188] : memref<128x16xf32, #tpu.memory_space<vmem>>[vector<16xi32>, vector<16xi32>], vector<16xf32>,
      %sub3A_197 = arith.subf %gather3A_195, %gather3A_196 : vector<16xf32>
      %mul3A_198 = arith.mulf %sub3A_191, %sub3A_191 : vector<16xf32>
      %mul3A_199 = arith.mulf %sub3A_194, %sub3A_194 : vector<16xf32>
      %add3A_200 = arith.addf %mul3A_198, %mul3A_199 : vector<16xf32>
      %mul3A_201 = arith.mulf %sub3A_197, %sub3A_197 : vector<16xf32>
      %add3A_202 = arith.addf %add3A_200, %mul3A_201 : vector<16xf32>
      %swap3A_203 = arith.constant 64 : index
      %swap3A_204 = tpu.vector_load %arg10[%swap3A_203] {strides = array<i32>} : memref<128xf32, #tpu.memory_space<vmem>>, vector<16xf32>,
      tpu.vector_store %arg10[%swap3A_203], %add3A_202 {strides = array<i32>} : memref<128xf32, #tpu.memory_space<vmem>>, vector<16xf32>,
      %add3A_205 = arith.constant 80 : i32
      %add3A_206 = vector.broadcast %add3A_205 : i32 to vector<16xi32>
      %add3A_207 = arith.addi %iota3A, %add3A_206 : vector<16xi32>
      %broadcast_in_dim3A_208 = arith.constant 0 : i32
      %broadcast_in_dim3A_209 = vector.broadcast %broadcast_in_dim3A_208 : i32 to vector<16xi32>
      %broadcast_in_dim3A_210 = arith.constant 1 : i32
      %broadcast_in_dim3A_211 = vector.broadcast %broadcast_in_dim3A_210 : i32 to vector<16xi32>
      %broadcast_in_dim3A_212 = arith.constant 2 : i32
      %broadcast_in_dim3A_213 = vector.broadcast %broadcast_in_dim3A_212 : i32 to vector<16xi32>
      %gather3A_214 = tpu.vector_load_idx %arg8[%add3A_207, %broadcast_in_dim3A_209] : memref<128x16xf32, #tpu.memory_space<vmem>>[vector<16xi32>, vector<16xi32>], vector<16xf32>,
      %gather3A_215 = tpu.vector_load_idx %arg9[%add3A_207, %broadcast_in_dim3A_209] : memref<128x16xf32, #tpu.memory_space<vmem>>[vector<16xi32>, vector<16xi32>], vector<16xf32>,
      %sub3A_216 = arith.subf %gather3A_214, %gather3A_215 : vector<16xf32>
      %gather3A_217 = tpu.vector_load_idx %arg8[%add3A_207, %broadcast_in_dim3A_211] : memref<128x16xf32, #tpu.memory_space<vmem>>[vector<16xi32>, vector<16xi32>], vector<16xf32>,
      %gather3A_218 = tpu.vector_load_idx %arg9[%add3A_207, %broadcast_in_dim3A_211] : memref<128x16xf32, #tpu.memory_space<vmem>>[vector<16xi32>, vector<16xi32>], vector<16xf32>,
      %sub3A_219 = arith.subf %gather3A_217, %gather3A_218 : vector<16xf32>
      %gather3A_220 = tpu.vector_load_idx %arg8[%add3A_207, %broadcast_in_dim3A_213] : memref<128x16xf32, #tpu.memory_space<vmem>>[vector<16xi32>, vector<16xi32>], vector<16xf32>,
      %gather3A_221 = tpu.vector_load_idx %arg9[%add3A_207, %broadcast_in_dim3A_213] : memref<128x16xf32, #tpu.memory_space<vmem>>[vector<16xi32>, vector<16xi32>], vector<16xf32>,
      %sub3A_222 = arith.subf %gather3A_220, %gather3A_221 : vector<16xf32>
      %mul3A_223 = arith.mulf %sub3A_216, %sub3A_216 : vector<16xf32>
      %mul3A_224 = arith.mulf %sub3A_219, %sub3A_219 : vector<16xf32>
      %add3A_225 = arith.addf %mul3A_223, %mul3A_224 : vector<16xf32>
      %mul3A_226 = arith.mulf %sub3A_222, %sub3A_222 : vector<16xf32>
      %add3A_227 = arith.addf %add3A_225, %mul3A_226 : vector<16xf32>
      %swap3A_228 = arith.constant 80 : index
      %swap3A_229 = tpu.vector_load %arg10[%swap3A_228] {strides = array<i32>} : memref<128xf32, #tpu.memory_space<vmem>>, vector<16xf32>,
      tpu.vector_store %arg10[%swap3A_228], %add3A_227 {strides = array<i32>} : memref<128xf32, #tpu.memory_space<vmem>>, vector<16xf32>,
      %add3A_230 = arith.constant 96 : i32
      %add3A_231 = vector.broadcast %add3A_230 : i32 to vector<16xi32>
      %add3A_232 = arith.addi %iota3A, %add3A_231 : vector<16xi32>
      %broadcast_in_dim3A_233 = arith.constant 0 : i32
      %broadcast_in_dim3A_234 = vector.broadcast %broadcast_in_dim3A_233 : i32 to vector<16xi32>
      %broadcast_in_dim3A_235 = arith.constant 1 : i32
      %broadcast_in_dim3A_236 = vector.broadcast %broadcast_in_dim3A_235 : i32 to vector<16xi32>
      %broadcast_in_dim3A_237 = arith.constant 2 : i32
      %broadcast_in_dim3A_238 = vector.broadcast %broadcast_in_dim3A_237 : i32 to vector<16xi32>
      %gather3A_239 = tpu.vector_load_idx %arg8[%add3A_232, %broadcast_in_dim3A_234] : memref<128x16xf32, #tpu.memory_space<vmem>>[vector<16xi32>, vector<16xi32>], vector<16xf32>,
      %gather3A_240 = tpu.vector_load_idx %arg9[%add3A_232, %broadcast_in_dim3A_234] : memref<128x16xf32, #tpu.memory_space<vmem>>[vector<16xi32>, vector<16xi32>], vector<16xf32>,
      %sub3A_241 = arith.subf %gather3A_239, %gather3A_240 : vector<16xf32>
      %gather3A_242 = tpu.vector_load_idx %arg8[%add3A_232, %broadcast_in_dim3A_236] : memref<128x16xf32, #tpu.memory_space<vmem>>[vector<16xi32>, vector<16xi32>], vector<16xf32>,
      %gather3A_243 = tpu.vector_load_idx %arg9[%add3A_232, %broadcast_in_dim3A_236] : memref<128x16xf32, #tpu.memory_space<vmem>>[vector<16xi32>, vector<16xi32>], vector<16xf32>,
      %sub3A_244 = arith.subf %gather3A_242, %gather3A_243 : vector<16xf32>
      %gather3A_245 = tpu.vector_load_idx %arg8[%add3A_232, %broadcast_in_dim3A_238] : memref<128x16xf32, #tpu.memory_space<vmem>>[vector<16xi32>, vector<16xi32>], vector<16xf32>,
      %gather3A_246 = tpu.vector_load_idx %arg9[%add3A_232, %broadcast_in_dim3A_238] : memref<128x16xf32, #tpu.memory_space<vmem>>[vector<16xi32>, vector<16xi32>], vector<16xf32>,
      %sub3A_247 = arith.subf %gather3A_245, %gather3A_246 : vector<16xf32>
      %mul3A_248 = arith.mulf %sub3A_241, %sub3A_241 : vector<16xf32>
      %mul3A_249 = arith.mulf %sub3A_244, %sub3A_244 : vector<16xf32>
      %add3A_250 = arith.addf %mul3A_248, %mul3A_249 : vector<16xf32>
      %mul3A_251 = arith.mulf %sub3A_247, %sub3A_247 : vector<16xf32>
      %add3A_252 = arith.addf %add3A_250, %mul3A_251 : vector<16xf32>
      %swap3A_253 = arith.constant 96 : index
      %swap3A_254 = tpu.vector_load %arg10[%swap3A_253] {strides = array<i32>} : memref<128xf32, #tpu.memory_space<vmem>>, vector<16xf32>,
      tpu.vector_store %arg10[%swap3A_253], %add3A_252 {strides = array<i32>} : memref<128xf32, #tpu.memory_space<vmem>>, vector<16xf32>,
      %add3A_255 = arith.constant 112 : i32
      %add3A_256 = vector.broadcast %add3A_255 : i32 to vector<16xi32>
      %add3A_257 = arith.addi %iota3A, %add3A_256 : vector<16xi32>
      %broadcast_in_dim3A_258 = arith.constant 0 : i32
      %broadcast_in_dim3A_259 = vector.broadcast %broadcast_in_dim3A_258 : i32 to vector<16xi32>
      %broadcast_in_dim3A_260 = arith.constant 1 : i32
      %broadcast_in_dim3A_261 = vector.broadcast %broadcast_in_dim3A_260 : i32 to vector<16xi32>
      %broadcast_in_dim3A_262 = arith.constant 2 : i32
      %broadcast_in_dim3A_263 = vector.broadcast %broadcast_in_dim3A_262 : i32 to vector<16xi32>
      %gather3A_264 = tpu.vector_load_idx %arg8[%add3A_257, %broadcast_in_dim3A_259] : memref<128x16xf32, #tpu.memory_space<vmem>>[vector<16xi32>, vector<16xi32>], vector<16xf32>,
      %gather3A_265 = tpu.vector_load_idx %arg9[%add3A_257, %broadcast_in_dim3A_259] : memref<128x16xf32, #tpu.memory_space<vmem>>[vector<16xi32>, vector<16xi32>], vector<16xf32>,
      %sub3A_266 = arith.subf %gather3A_264, %gather3A_265 : vector<16xf32>
      %gather3A_267 = tpu.vector_load_idx %arg8[%add3A_257, %broadcast_in_dim3A_261] : memref<128x16xf32, #tpu.memory_space<vmem>>[vector<16xi32>, vector<16xi32>], vector<16xf32>,
      %gather3A_268 = tpu.vector_load_idx %arg9[%add3A_257, %broadcast_in_dim3A_261] : memref<128x16xf32, #tpu.memory_space<vmem>>[vector<16xi32>, vector<16xi32>], vector<16xf32>,
      %sub3A_269 = arith.subf %gather3A_267, %gather3A_268 : vector<16xf32>
      %gather3A_270 = tpu.vector_load_idx %arg8[%add3A_257, %broadcast_in_dim3A_263] : memref<128x16xf32, #tpu.memory_space<vmem>>[vector<16xi32>, vector<16xi32>], vector<16xf32>,
      %gather3A_271 = tpu.vector_load_idx %arg9[%add3A_257, %broadcast_in_dim3A_263] : memref<128x16xf32, #tpu.memory_space<vmem>>[vector<16xi32>, vector<16xi32>], vector<16xf32>,
      %sub3A_272 = arith.subf %gather3A_270, %gather3A_271 : vector<16xf32>
      %mul3A_273 = arith.mulf %sub3A_266, %sub3A_266 : vector<16xf32>
      %mul3A_274 = arith.mulf %sub3A_269, %sub3A_269 : vector<16xf32>
      %add3A_275 = arith.addf %mul3A_273, %mul3A_274 : vector<16xf32>
      %mul3A_276 = arith.mulf %sub3A_272, %sub3A_272 : vector<16xf32>
      %add3A_277 = arith.addf %add3A_275, %mul3A_276 : vector<16xf32>
      %swap3A_278 = arith.constant 112 : index
      %swap3A_279 = tpu.vector_load %arg10[%swap3A_278] {strides = array<i32>} : memref<128xf32, #tpu.memory_space<vmem>>, vector<16xf32>,
      tpu.vector_store %arg10[%swap3A_278], %add3A_277 {strides = array<i32>} : memref<128xf32, #tpu.memory_space<vmem>>, vector<16xf32>,
      "tpu.region"() ({
        %run_scoped3A = tpu.sem_alloc : memref<!tpu.dma_semaphore, #tpu.memory_space<semaphore_mem>>
        %dma_start3A_281 = tpu.memref_slice %arg5[%add3A_35] : memref<819200xf32, #tpu.memory_space<hbm>> -> memref<128xf32, #tpu.memory_space<hbm>>
        %dma_start3A_282 = tpu.memref_slice %arg5[%add3A_35] : memref<819200xf32, #tpu.memory_space<hbm>> -> memref<128xf32, #tpu.memory_space<hbm>>
        tpu.enqueue_dma source(%arg10 : memref<128xf32, #tpu.memory_space<vmem>>) target(%dma_start3A_282 : memref<128xf32, #tpu.memory_space<hbm>>) target_semaphore(%run_scoped3A : memref<!tpu.dma_semaphore, #tpu.memory_space<semaphore_mem>>)
        %dma_wait3A_283 = tpu.memref_slice %arg5[%add3A_35] : memref<819200xf32, #tpu.memory_space<hbm>> -> memref<128xf32, #tpu.memory_space<hbm>>
        %dma_wait3A_284 = tpu.memref_slice %arg5[%add3A_35] : memref<819200xf32, #tpu.memory_space<hbm>> -> memref<128xf32, #tpu.memory_space<hbm>>
        tpu.wait_dma2 semaphore(%run_scoped3A : memref<!tpu.dma_semaphore, #tpu.memory_space<semaphore_mem>>) src(%arg10 : memref<128xf32, #tpu.memory_space<vmem>>) dst(%dma_wait3A_284 : memref<128xf32, #tpu.memory_space<hbm>>)
        tpu.yield
      }) : () -> ()
      %scan3A_280 = arith.constant 0 : i32
      scf.yield %scan3A_280 : i32
    }
    %scan3A_27 = arith.constant 200 : i32
    return
  }
}

#map = affine_map<(d0, d1) -> (0, 0)>
#map1 = affine_map<(d0, d1) -> (0)>
module attributes {stable_mosaic.version = 14 : i64} {
  func.func @_sc_msg(%arg0: i32, %arg1: i32, %arg2: memref<50176x32xf32, #tpu.memory_space<hbm>>, %arg3: memref<50176x32xf32, #tpu.memory_space<hbm>>, %arg4: memref<819200x32xf32, #tpu.memory_space<hbm>>, %arg5: memref<819200x32xf32, #tpu.memory_space<hbm>>, %arg6: memref<819200xi32, #tpu.memory_space<hbm>>, %arg7: memref<819200xi32, #tpu.memory_space<hbm>>, %arg8: memref<50176x32xf32, #tpu.memory_space<hbm>>, %arg9: memref<50176x32xf32, #tpu.memory_space<hbm>>, %arg10: memref<50176x32xf32, #tpu.memory_space<hbm>>, %arg11: memref<2x128xi32, #tpu.memory_space<vmem>>, %arg12: memref<2x128xi32, #tpu.memory_space<vmem>>, %arg13: memref<2x128xi32, #tpu.memory_space<vmem>>, %arg14: memref<2x128xi32, #tpu.memory_space<vmem>>, %arg15: memref<128x32xf32, #tpu.memory_space<vmem>>, %arg16: memref<128x32xf32, #tpu.memory_space<vmem>>, %arg17: memref<256x32xf32, #tpu.memory_space<vmem>>, %arg18: memref<256x32xf32, #tpu.memory_space<vmem>>, %arg19: memref<50176x32xf32, #tpu.memory_space<vmem_shared>>, %arg20: memref<!tpu.dma_semaphore, #tpu.memory_space<semaphore_mem>>, %arg21: memref<!tpu.dma_semaphore, #tpu.memory_space<semaphore_mem>>) attributes {dimension_semantics = [#tpu.dimension_semantics<core_parallel>, #tpu.dimension_semantics<subcore_parallel>], iteration_bounds = array<i64: 2, 16>, scalar_prefetch = 0 : i64, scratch_operands = 11 : i64, tpu.core_type = #tpu.core_type<sc_vector_subcore>, window_params = [{transform_indices = #map}, {transform_indices = #map}, {transform_indices = #map}, {transform_indices = #map}, {transform_indices = #map1}, {transform_indices = #map1}, {transform_indices = #map}, {transform_indices = #map}, {transform_indices = #map}]} {
    %mul3A = arith.constant 51200 : i32
    %mul3A_0 = arith.muli %arg1, %mul3A : i32
    %add3A = arith.constant 0 : i32
    %add3A_1 = arith.addi %mul3A_0, %add3A : i32
    %dma_start3A = arith.constant 0 : i32
    %dma_start3A_2 = arith.constant 0 : i32
    %dma_start3A_3 = tpu.memref_slice %arg11[%dma_start3A, %dma_start3A_2] : memref<2x128xi32, #tpu.memory_space<vmem>> -> memref<1x128xi32, #tpu.memory_space<vmem>>
    %dma_start3A_4 = tpu.memref_squeeze %dma_start3A_3 : memref<1x128xi32, #tpu.memory_space<vmem>> -> memref<128xi32, #tpu.memory_space<vmem>>
    %dma_start3A_5 = tpu.memref_slice %arg6[%add3A_1] : memref<819200xi32, #tpu.memory_space<hbm>> -> memref<128xi32, #tpu.memory_space<hbm>>
    %dma_start3A_6 = arith.constant 0 : i32
    %dma_start3A_7 = tpu.memref_slice %arg11[%dma_start3A, %dma_start3A_6] : memref<2x128xi32, #tpu.memory_space<vmem>> -> memref<1x128xi32, #tpu.memory_space<vmem>>
    %dma_start3A_8 = tpu.memref_squeeze %dma_start3A_7 : memref<1x128xi32, #tpu.memory_space<vmem>> -> memref<128xi32, #tpu.memory_space<vmem>>
    %dma_start3A_9 = tpu.memref_slice %arg6[%add3A_1] : memref<819200xi32, #tpu.memory_space<hbm>> -> memref<128xi32, #tpu.memory_space<hbm>>
    tpu.enqueue_dma source(%dma_start3A_9 : memref<128xi32, #tpu.memory_space<hbm>>) target(%dma_start3A_8 : memref<128xi32, #tpu.memory_space<vmem>>) target_semaphore(%arg21 : memref<!tpu.dma_semaphore, #tpu.memory_space<semaphore_mem>>)
    %add3A_10 = arith.constant 128 : i32
    %add3A_11 = arith.addi %add3A_1, %add3A_10 : i32
    %dma_start3A_12 = arith.constant 0 : i32
    %dma_start3A_13 = arith.constant 0 : i32
    %dma_start3A_14 = tpu.memref_slice %arg12[%dma_start3A_12, %dma_start3A_13] : memref<2x128xi32, #tpu.memory_space<vmem>> -> memref<1x128xi32, #tpu.memory_space<vmem>>
    %dma_start3A_15 = tpu.memref_squeeze %dma_start3A_14 : memref<1x128xi32, #tpu.memory_space<vmem>> -> memref<128xi32, #tpu.memory_space<vmem>>
    %dma_start3A_16 = tpu.memref_slice %arg6[%add3A_11] : memref<819200xi32, #tpu.memory_space<hbm>> -> memref<128xi32, #tpu.memory_space<hbm>>
    %dma_start3A_17 = arith.constant 0 : i32
    %dma_start3A_18 = tpu.memref_slice %arg12[%dma_start3A_12, %dma_start3A_17] : memref<2x128xi32, #tpu.memory_space<vmem>> -> memref<1x128xi32, #tpu.memory_space<vmem>>
    %dma_start3A_19 = tpu.memref_squeeze %dma_start3A_18 : memref<1x128xi32, #tpu.memory_space<vmem>> -> memref<128xi32, #tpu.memory_space<vmem>>
    %dma_start3A_20 = tpu.memref_slice %arg6[%add3A_11] : memref<819200xi32, #tpu.memory_space<hbm>> -> memref<128xi32, #tpu.memory_space<hbm>>
    tpu.enqueue_dma source(%dma_start3A_20 : memref<128xi32, #tpu.memory_space<hbm>>) target(%dma_start3A_19 : memref<128xi32, #tpu.memory_space<vmem>>) target_semaphore(%arg21 : memref<!tpu.dma_semaphore, #tpu.memory_space<semaphore_mem>>)
    %dma_start3A_21 = arith.constant 0 : i32
    %dma_start3A_22 = arith.constant 0 : i32
    %dma_start3A_23 = tpu.memref_slice %arg13[%dma_start3A_21, %dma_start3A_22] : memref<2x128xi32, #tpu.memory_space<vmem>> -> memref<1x128xi32, #tpu.memory_space<vmem>>
    %dma_start3A_24 = tpu.memref_squeeze %dma_start3A_23 : memref<1x128xi32, #tpu.memory_space<vmem>> -> memref<128xi32, #tpu.memory_space<vmem>>
    %dma_start3A_25 = tpu.memref_slice %arg7[%add3A_1] : memref<819200xi32, #tpu.memory_space<hbm>> -> memref<128xi32, #tpu.memory_space<hbm>>
    %dma_start3A_26 = arith.constant 0 : i32
    %dma_start3A_27 = tpu.memref_slice %arg13[%dma_start3A_21, %dma_start3A_26] : memref<2x128xi32, #tpu.memory_space<vmem>> -> memref<1x128xi32, #tpu.memory_space<vmem>>
    %dma_start3A_28 = tpu.memref_squeeze %dma_start3A_27 : memref<1x128xi32, #tpu.memory_space<vmem>> -> memref<128xi32, #tpu.memory_space<vmem>>
    %dma_start3A_29 = tpu.memref_slice %arg7[%add3A_1] : memref<819200xi32, #tpu.memory_space<hbm>> -> memref<128xi32, #tpu.memory_space<hbm>>
    tpu.enqueue_dma source(%dma_start3A_29 : memref<128xi32, #tpu.memory_space<hbm>>) target(%dma_start3A_28 : memref<128xi32, #tpu.memory_space<vmem>>) target_semaphore(%arg21 : memref<!tpu.dma_semaphore, #tpu.memory_space<semaphore_mem>>)
    %add3A_30 = arith.constant 128 : i32
    %add3A_31 = arith.addi %add3A_1, %add3A_30 : i32
    %dma_start3A_32 = arith.constant 0 : i32
    %dma_start3A_33 = arith.constant 0 : i32
    %dma_start3A_34 = tpu.memref_slice %arg14[%dma_start3A_32, %dma_start3A_33] : memref<2x128xi32, #tpu.memory_space<vmem>> -> memref<1x128xi32, #tpu.memory_space<vmem>>
    %dma_start3A_35 = tpu.memref_squeeze %dma_start3A_34 : memref<1x128xi32, #tpu.memory_space<vmem>> -> memref<128xi32, #tpu.memory_space<vmem>>
    %dma_start3A_36 = tpu.memref_slice %arg7[%add3A_31] : memref<819200xi32, #tpu.memory_space<hbm>> -> memref<128xi32, #tpu.memory_space<hbm>>
    %dma_start3A_37 = arith.constant 0 : i32
    %dma_start3A_38 = tpu.memref_slice %arg14[%dma_start3A_32, %dma_start3A_37] : memref<2x128xi32, #tpu.memory_space<vmem>> -> memref<1x128xi32, #tpu.memory_space<vmem>>
    %dma_start3A_39 = tpu.memref_squeeze %dma_start3A_38 : memref<1x128xi32, #tpu.memory_space<vmem>> -> memref<128xi32, #tpu.memory_space<vmem>>
    %dma_start3A_40 = tpu.memref_slice %arg7[%add3A_31] : memref<819200xi32, #tpu.memory_space<hbm>> -> memref<128xi32, #tpu.memory_space<hbm>>
    tpu.enqueue_dma source(%dma_start3A_40 : memref<128xi32, #tpu.memory_space<hbm>>) target(%dma_start3A_39 : memref<128xi32, #tpu.memory_space<vmem>>) target_semaphore(%arg21 : memref<!tpu.dma_semaphore, #tpu.memory_space<semaphore_mem>>)
    %mul3A_41 = arith.constant 3136 : i32
    %mul3A_42 = arith.muli %arg1, %mul3A_41 : i32
    %mul3A_43 = arith.constant 3136 : i32
    %mul3A_44 = arith.muli %arg1, %mul3A_43 : i32
    "tpu.region"() ({
      %run_scoped3A = tpu.sem_alloc : memref<!tpu.dma_semaphore, #tpu.memory_space<semaphore_mem>>
      %dma_start3A_59 = arith.constant 0 : i32
      %dma_start3A_60 = tpu.memref_slice %arg19[%mul3A_44, %dma_start3A_59] : memref<50176x32xf32, #tpu.memory_space<vmem_shared>> -> memref<3136x32xf32, #tpu.memory_space<vmem_shared>>
      %dma_start3A_61 = arith.constant 0 : i32
      %dma_start3A_62 = tpu.memref_slice %arg8[%mul3A_42, %dma_start3A_61] : memref<50176x32xf32, #tpu.memory_space<hbm>> -> memref<3136x32xf32, #tpu.memory_space<hbm>>
      tpu.enqueue_dma source(%dma_start3A_62 : memref<3136x32xf32, #tpu.memory_space<hbm>>) target(%dma_start3A_60 : memref<3136x32xf32, #tpu.memory_space<vmem_shared>>) target_semaphore(%run_scoped3A : memref<!tpu.dma_semaphore, #tpu.memory_space<semaphore_mem>>)
      %dma_wait3A = arith.constant 0 : i32
      %dma_wait3A_63 = tpu.memref_slice %arg19[%mul3A_44, %dma_wait3A] : memref<50176x32xf32, #tpu.memory_space<vmem_shared>> -> memref<3136x32xf32, #tpu.memory_space<vmem_shared>>
      %dma_wait3A_64 = arith.constant 0 : i32
      %dma_wait3A_65 = tpu.memref_slice %arg8[%mul3A_42, %dma_wait3A_64] : memref<50176x32xf32, #tpu.memory_space<hbm>> -> memref<3136x32xf32, #tpu.memory_space<hbm>>
      tpu.wait_dma2 semaphore(%run_scoped3A : memref<!tpu.dma_semaphore, #tpu.memory_space<semaphore_mem>>) src(%dma_wait3A_65 : memref<3136x32xf32, #tpu.memory_space<hbm>>) dst(%dma_wait3A_63 : memref<3136x32xf32, #tpu.memory_space<vmem_shared>>)
      tpu.yield
    }) : () -> ()
    %barrier3A = arith.constant 0 : index
    tpu.barrier barrier_id(%barrier3A)
    %scan3A = arith.constant 0 : i32
    %scan3A_45 = arith.constant 0 : i32
    %scan3A_46 = arith.constant 200 : i32
    %scan3A_47 = arith.addi %scan3A_45, %scan3A_46 : i32
    %scan3A_48 = arith.constant 1 : i32
    %scan3A_49 = scf.for %scan3A_59 = %scan3A_45 to %scan3A_47 step %scan3A_48 iter_args(%scan3A_60 = %scan3A) -> (i32)  : i32 {
      %rem3A = arith.constant 2 : i32
      %rem3A_61 = arith.remsi %scan3A_59, %rem3A : i32
      %add3A_62 = arith.constant 1 : i32
      %add3A_63 = arith.addi %scan3A_59, %add3A_62 : i32
      %rem3A_64 = arith.constant 2 : i32
      %rem3A_65 = arith.remsi %add3A_63, %rem3A_64 : i32
      %mul3A_66 = arith.constant 51200 : i32
      %mul3A_67 = arith.muli %arg1, %mul3A_66 : i32
      %mul3A_68 = arith.constant 256 : i32
      %mul3A_69 = arith.muli %scan3A_59, %mul3A_68 : i32
      %add3A_70 = arith.addi %mul3A_67, %mul3A_69 : i32
      %mul3A_71 = arith.constant 51200 : i32
      %mul3A_72 = arith.muli %arg1, %mul3A_71 : i32
      %mul3A_73 = arith.constant 256 : i32
      %mul3A_74 = arith.muli %scan3A_59, %mul3A_73 : i32
      %add3A_75 = arith.addi %mul3A_72, %mul3A_74 : i32
      %dma_wait3A = arith.constant 0 : i32
      %dma_wait3A_76 = tpu.memref_slice %arg11[%rem3A_61, %dma_wait3A] : memref<2x128xi32, #tpu.memory_space<vmem>> -> memref<1x128xi32, #tpu.memory_space<vmem>>
      %dma_wait3A_77 = tpu.memref_squeeze %dma_wait3A_76 : memref<1x128xi32, #tpu.memory_space<vmem>> -> memref<128xi32, #tpu.memory_space<vmem>>
      %dma_wait3A_78 = tpu.memref_slice %arg6[%add3A_75] : memref<819200xi32, #tpu.memory_space<hbm>> -> memref<128xi32, #tpu.memory_space<hbm>>
      %dma_wait3A_79 = arith.constant 0 : i32
      %dma_wait3A_80 = tpu.memref_slice %arg11[%rem3A_61, %dma_wait3A_79] : memref<2x128xi32, #tpu.memory_space<vmem>> -> memref<1x128xi32, #tpu.memory_space<vmem>>
      %dma_wait3A_81 = tpu.memref_squeeze %dma_wait3A_80 : memref<1x128xi32, #tpu.memory_space<vmem>> -> memref<128xi32, #tpu.memory_space<vmem>>
      %dma_wait3A_82 = tpu.memref_slice %arg6[%add3A_75] : memref<819200xi32, #tpu.memory_space<hbm>> -> memref<128xi32, #tpu.memory_space<hbm>>
      tpu.wait_dma2 semaphore(%arg21 : memref<!tpu.dma_semaphore, #tpu.memory_space<semaphore_mem>>) src(%dma_wait3A_82 : memref<128xi32, #tpu.memory_space<hbm>>) dst(%dma_wait3A_81 : memref<128xi32, #tpu.memory_space<vmem>>)
      %add3A_83 = arith.constant 128 : i32
      %add3A_84 = arith.addi %add3A_75, %add3A_83 : i32
      %dma_wait3A_85 = arith.constant 0 : i32
      %dma_wait3A_86 = tpu.memref_slice %arg12[%rem3A_61, %dma_wait3A_85] : memref<2x128xi32, #tpu.memory_space<vmem>> -> memref<1x128xi32, #tpu.memory_space<vmem>>
      %dma_wait3A_87 = tpu.memref_squeeze %dma_wait3A_86 : memref<1x128xi32, #tpu.memory_space<vmem>> -> memref<128xi32, #tpu.memory_space<vmem>>
      %dma_wait3A_88 = tpu.memref_slice %arg6[%add3A_84] : memref<819200xi32, #tpu.memory_space<hbm>> -> memref<128xi32, #tpu.memory_space<hbm>>
      %dma_wait3A_89 = arith.constant 0 : i32
      %dma_wait3A_90 = tpu.memref_slice %arg12[%rem3A_61, %dma_wait3A_89] : memref<2x128xi32, #tpu.memory_space<vmem>> -> memref<1x128xi32, #tpu.memory_space<vmem>>
      %dma_wait3A_91 = tpu.memref_squeeze %dma_wait3A_90 : memref<1x128xi32, #tpu.memory_space<vmem>> -> memref<128xi32, #tpu.memory_space<vmem>>
      %dma_wait3A_92 = tpu.memref_slice %arg6[%add3A_84] : memref<819200xi32, #tpu.memory_space<hbm>> -> memref<128xi32, #tpu.memory_space<hbm>>
      tpu.wait_dma2 semaphore(%arg21 : memref<!tpu.dma_semaphore, #tpu.memory_space<semaphore_mem>>) src(%dma_wait3A_92 : memref<128xi32, #tpu.memory_space<hbm>>) dst(%dma_wait3A_91 : memref<128xi32, #tpu.memory_space<vmem>>)
      %dma_wait3A_93 = arith.constant 0 : i32
      %dma_wait3A_94 = tpu.memref_slice %arg13[%rem3A_61, %dma_wait3A_93] : memref<2x128xi32, #tpu.memory_space<vmem>> -> memref<1x128xi32, #tpu.memory_space<vmem>>
      %dma_wait3A_95 = tpu.memref_squeeze %dma_wait3A_94 : memref<1x128xi32, #tpu.memory_space<vmem>> -> memref<128xi32, #tpu.memory_space<vmem>>
      %dma_wait3A_96 = tpu.memref_slice %arg7[%add3A_75] : memref<819200xi32, #tpu.memory_space<hbm>> -> memref<128xi32, #tpu.memory_space<hbm>>
      %dma_wait3A_97 = arith.constant 0 : i32
      %dma_wait3A_98 = tpu.memref_slice %arg13[%rem3A_61, %dma_wait3A_97] : memref<2x128xi32, #tpu.memory_space<vmem>> -> memref<1x128xi32, #tpu.memory_space<vmem>>
      %dma_wait3A_99 = tpu.memref_squeeze %dma_wait3A_98 : memref<1x128xi32, #tpu.memory_space<vmem>> -> memref<128xi32, #tpu.memory_space<vmem>>
      %dma_wait3A_100 = tpu.memref_slice %arg7[%add3A_75] : memref<819200xi32, #tpu.memory_space<hbm>> -> memref<128xi32, #tpu.memory_space<hbm>>
      tpu.wait_dma2 semaphore(%arg21 : memref<!tpu.dma_semaphore, #tpu.memory_space<semaphore_mem>>) src(%dma_wait3A_100 : memref<128xi32, #tpu.memory_space<hbm>>) dst(%dma_wait3A_99 : memref<128xi32, #tpu.memory_space<vmem>>)
      %add3A_101 = arith.constant 128 : i32
      %add3A_102 = arith.addi %add3A_75, %add3A_101 : i32
      %dma_wait3A_103 = arith.constant 0 : i32
      %dma_wait3A_104 = tpu.memref_slice %arg14[%rem3A_61, %dma_wait3A_103] : memref<2x128xi32, #tpu.memory_space<vmem>> -> memref<1x128xi32, #tpu.memory_space<vmem>>
      %dma_wait3A_105 = tpu.memref_squeeze %dma_wait3A_104 : memref<1x128xi32, #tpu.memory_space<vmem>> -> memref<128xi32, #tpu.memory_space<vmem>>
      %dma_wait3A_106 = tpu.memref_slice %arg7[%add3A_102] : memref<819200xi32, #tpu.memory_space<hbm>> -> memref<128xi32, #tpu.memory_space<hbm>>
      %dma_wait3A_107 = arith.constant 0 : i32
      %dma_wait3A_108 = tpu.memref_slice %arg14[%rem3A_61, %dma_wait3A_107] : memref<2x128xi32, #tpu.memory_space<vmem>> -> memref<1x128xi32, #tpu.memory_space<vmem>>
      %dma_wait3A_109 = tpu.memref_squeeze %dma_wait3A_108 : memref<1x128xi32, #tpu.memory_space<vmem>> -> memref<128xi32, #tpu.memory_space<vmem>>
      %dma_wait3A_110 = tpu.memref_slice %arg7[%add3A_102] : memref<819200xi32, #tpu.memory_space<hbm>> -> memref<128xi32, #tpu.memory_space<hbm>>
      tpu.wait_dma2 semaphore(%arg21 : memref<!tpu.dma_semaphore, #tpu.memory_space<semaphore_mem>>) src(%dma_wait3A_110 : memref<128xi32, #tpu.memory_space<hbm>>) dst(%dma_wait3A_109 : memref<128xi32, #tpu.memory_space<vmem>>)
      %eq3A_111 = arith.constant 0 : i32
      %eq3A_112 = arith.cmpi eq, %arg0, %eq3A_111 : i32
      %convert_element_type3A_113 = arith.extui %eq3A_112 : i1 to i32
      %cond3A_114 = arith.constant 0 : i32
      %cond3A_115 = arith.cmpi ne, %convert_element_type3A_113, %cond3A_114 : i32
      scf.if %cond3A_115 {
        %dma_start3A_157 = arith.constant 0 : i32
        %dma_start3A_158 = tpu.memref_slice %arg11[%rem3A_61, %dma_start3A_157] : memref<2x128xi32, #tpu.memory_space<vmem>> -> memref<1x128xi32, #tpu.memory_space<vmem>>
        %dma_start3A_159 = tpu.memref_squeeze %dma_start3A_158 : memref<1x128xi32, #tpu.memory_space<vmem>> -> memref<128xi32, #tpu.memory_space<vmem>>
        %dma_start3A_160 = arith.constant 0 : i32
        %dma_start3A_161 = arith.constant 0 : i32
        %dma_start3A_162 = tpu.memref_slice %arg2[%dma_start3A_160, %dma_start3A_161] : memref<50176x32xf32, #tpu.memory_space<hbm>> -> memref<50176x32xf32, #tpu.memory_space<hbm>>
        tpu.enqueue_indirect_dma source(%dma_start3A_162 : memref<50176x32xf32, #tpu.memory_space<hbm>>) target(%arg15 : memref<128x32xf32, #tpu.memory_space<vmem>>) offsets(%dma_start3A_159 : memref<128xi32, #tpu.memory_space<vmem>>) semaphore(%arg20 : memref<!tpu.dma_semaphore, #tpu.memory_space<semaphore_mem>>)
        %dma_start3A_163 = arith.constant 0 : i32
        %dma_start3A_164 = tpu.memref_slice %arg12[%rem3A_61, %dma_start3A_163] : memref<2x128xi32, #tpu.memory_space<vmem>> -> memref<1x128xi32, #tpu.memory_space<vmem>>
        %dma_start3A_165 = tpu.memref_squeeze %dma_start3A_164 : memref<1x128xi32, #tpu.memory_space<vmem>> -> memref<128xi32, #tpu.memory_space<vmem>>
        %dma_start3A_166 = arith.constant 0 : i32
        %dma_start3A_167 = arith.constant 0 : i32
        %dma_start3A_168 = tpu.memref_slice %arg2[%dma_start3A_166, %dma_start3A_167] : memref<50176x32xf32, #tpu.memory_space<hbm>> -> memref<50176x32xf32, #tpu.memory_space<hbm>>
        tpu.enqueue_indirect_dma source(%dma_start3A_168 : memref<50176x32xf32, #tpu.memory_space<hbm>>) target(%arg16 : memref<128x32xf32, #tpu.memory_space<vmem>>) offsets(%dma_start3A_165 : memref<128xi32, #tpu.memory_space<vmem>>) semaphore(%arg20 : memref<!tpu.dma_semaphore, #tpu.memory_space<semaphore_mem>>)
      } else {
      }
      %eq3A_116 = arith.constant 1 : i32
      %eq3A_117 = arith.cmpi eq, %arg0, %eq3A_116 : i32
      %convert_element_type3A_118 = arith.extui %eq3A_117 : i1 to i32
      %cond3A_119 = arith.constant 0 : i32
      %cond3A_120 = arith.cmpi ne, %convert_element_type3A_118, %cond3A_119 : i32
      scf.if %cond3A_120 {
        %dma_start3A_157 = arith.constant 0 : i32
        %dma_start3A_158 = tpu.memref_slice %arg11[%rem3A_61, %dma_start3A_157] : memref<2x128xi32, #tpu.memory_space<vmem>> -> memref<1x128xi32, #tpu.memory_space<vmem>>
        %dma_start3A_159 = tpu.memref_squeeze %dma_start3A_158 : memref<1x128xi32, #tpu.memory_space<vmem>> -> memref<128xi32, #tpu.memory_space<vmem>>
        %dma_start3A_160 = arith.constant 0 : i32
        %dma_start3A_161 = arith.constant 0 : i32
        %dma_start3A_162 = tpu.memref_slice %arg3[%dma_start3A_160, %dma_start3A_161] : memref<50176x32xf32, #tpu.memory_space<hbm>> -> memref<50176x32xf32, #tpu.memory_space<hbm>>
        tpu.enqueue_indirect_dma source(%dma_start3A_162 : memref<50176x32xf32, #tpu.memory_space<hbm>>) target(%arg15 : memref<128x32xf32, #tpu.memory_space<vmem>>) offsets(%dma_start3A_159 : memref<128xi32, #tpu.memory_space<vmem>>) semaphore(%arg20 : memref<!tpu.dma_semaphore, #tpu.memory_space<semaphore_mem>>)
        %dma_start3A_163 = arith.constant 0 : i32
        %dma_start3A_164 = tpu.memref_slice %arg12[%rem3A_61, %dma_start3A_163] : memref<2x128xi32, #tpu.memory_space<vmem>> -> memref<1x128xi32, #tpu.memory_space<vmem>>
        %dma_start3A_165 = tpu.memref_squeeze %dma_start3A_164 : memref<1x128xi32, #tpu.memory_space<vmem>> -> memref<128xi32, #tpu.memory_space<vmem>>
        %dma_start3A_166 = arith.constant 0 : i32
        %dma_start3A_167 = arith.constant 0 : i32
        %dma_start3A_168 = tpu.memref_slice %arg3[%dma_start3A_166, %dma_start3A_167] : memref<50176x32xf32, #tpu.memory_space<hbm>> -> memref<50176x32xf32, #tpu.memory_space<hbm>>
        tpu.enqueue_indirect_dma source(%dma_start3A_168 : memref<50176x32xf32, #tpu.memory_space<hbm>>) target(%arg16 : memref<128x32xf32, #tpu.memory_space<vmem>>) offsets(%dma_start3A_165 : memref<128xi32, #tpu.memory_space<vmem>>) semaphore(%arg20 : memref<!tpu.dma_semaphore, #tpu.memory_space<semaphore_mem>>)
      } else {
      }
      %add3A_121 = arith.constant 1 : i32
      %add3A_122 = arith.addi %scan3A_59, %add3A_121 : i32
      %lt3A = arith.constant 200 : i32
      %lt3A_123 = arith.cmpi slt, %add3A_122, %lt3A : i32
      %convert_element_type3A_124 = arith.extui %lt3A_123 : i1 to i32
      %cond3A_125 = arith.constant 0 : i32
      %cond3A_126 = arith.cmpi ne, %convert_element_type3A_124, %cond3A_125 : i32
      scf.if %cond3A_126 {
        %add3A_157 = arith.constant 1 : i32
        %add3A_158 = arith.addi %scan3A_59, %add3A_157 : i32
        %mul3A_159 = arith.constant 51200 : i32
        %mul3A_160 = arith.muli %arg1, %mul3A_159 : i32
        %mul3A_161 = arith.constant 256 : i32
        %mul3A_162 = arith.muli %add3A_158, %mul3A_161 : i32
        %add3A_163 = arith.addi %mul3A_160, %mul3A_162 : i32
        %dma_start3A_164 = arith.constant 0 : i32
        %dma_start3A_165 = tpu.memref_slice %arg11[%rem3A_65, %dma_start3A_164] : memref<2x128xi32, #tpu.memory_space<vmem>> -> memref<1x128xi32, #tpu.memory_space<vmem>>
        %dma_start3A_166 = tpu.memref_squeeze %dma_start3A_165 : memref<1x128xi32, #tpu.memory_space<vmem>> -> memref<128xi32, #tpu.memory_space<vmem>>
        %dma_start3A_167 = tpu.memref_slice %arg6[%add3A_163] : memref<819200xi32, #tpu.memory_space<hbm>> -> memref<128xi32, #tpu.memory_space<hbm>>
        %dma_start3A_168 = arith.constant 0 : i32
        %dma_start3A_169 = tpu.memref_slice %arg11[%rem3A_65, %dma_start3A_168] : memref<2x128xi32, #tpu.memory_space<vmem>> -> memref<1x128xi32, #tpu.memory_space<vmem>>
        %dma_start3A_170 = tpu.memref_squeeze %dma_start3A_169 : memref<1x128xi32, #tpu.memory_space<vmem>> -> memref<128xi32, #tpu.memory_space<vmem>>
        %dma_start3A_171 = tpu.memref_slice %arg6[%add3A_163] : memref<819200xi32, #tpu.memory_space<hbm>> -> memref<128xi32, #tpu.memory_space<hbm>>
        tpu.enqueue_dma source(%dma_start3A_171 : memref<128xi32, #tpu.memory_space<hbm>>) target(%dma_start3A_170 : memref<128xi32, #tpu.memory_space<vmem>>) target_semaphore(%arg21 : memref<!tpu.dma_semaphore, #tpu.memory_space<semaphore_mem>>)
        %add3A_172 = arith.constant 128 : i32
        %add3A_173 = arith.addi %add3A_163, %add3A_172 : i32
        %dma_start3A_174 = arith.constant 0 : i32
        %dma_start3A_175 = tpu.memref_slice %arg12[%rem3A_65, %dma_start3A_174] : memref<2x128xi32, #tpu.memory_space<vmem>> -> memref<1x128xi32, #tpu.memory_space<vmem>>
        %dma_start3A_176 = tpu.memref_squeeze %dma_start3A_175 : memref<1x128xi32, #tpu.memory_space<vmem>> -> memref<128xi32, #tpu.memory_space<vmem>>
        %dma_start3A_177 = tpu.memref_slice %arg6[%add3A_173] : memref<819200xi32, #tpu.memory_space<hbm>> -> memref<128xi32, #tpu.memory_space<hbm>>
        %dma_start3A_178 = arith.constant 0 : i32
        %dma_start3A_179 = tpu.memref_slice %arg12[%rem3A_65, %dma_start3A_178] : memref<2x128xi32, #tpu.memory_space<vmem>> -> memref<1x128xi32, #tpu.memory_space<vmem>>
        %dma_start3A_180 = tpu.memref_squeeze %dma_start3A_179 : memref<1x128xi32, #tpu.memory_space<vmem>> -> memref<128xi32, #tpu.memory_space<vmem>>
        %dma_start3A_181 = tpu.memref_slice %arg6[%add3A_173] : memref<819200xi32, #tpu.memory_space<hbm>> -> memref<128xi32, #tpu.memory_space<hbm>>
        tpu.enqueue_dma source(%dma_start3A_181 : memref<128xi32, #tpu.memory_space<hbm>>) target(%dma_start3A_180 : memref<128xi32, #tpu.memory_space<vmem>>) target_semaphore(%arg21 : memref<!tpu.dma_semaphore, #tpu.memory_space<semaphore_mem>>)
        %dma_start3A_182 = arith.constant 0 : i32
        %dma_start3A_183 = tpu.memref_slice %arg13[%rem3A_65, %dma_start3A_182] : memref<2x128xi32, #tpu.memory_space<vmem>> -> memref<1x128xi32, #tpu.memory_space<vmem>>
        %dma_start3A_184 = tpu.memref_squeeze %dma_start3A_183 : memref<1x128xi32, #tpu.memory_space<vmem>> -> memref<128xi32, #tpu.memory_space<vmem>>
        %dma_start3A_185 = tpu.memref_slice %arg7[%add3A_163] : memref<819200xi32, #tpu.memory_space<hbm>> -> memref<128xi32, #tpu.memory_space<hbm>>
        %dma_start3A_186 = arith.constant 0 : i32
        %dma_start3A_187 = tpu.memref_slice %arg13[%rem3A_65, %dma_start3A_186] : memref<2x128xi32, #tpu.memory_space<vmem>> -> memref<1x128xi32, #tpu.memory_space<vmem>>
        %dma_start3A_188 = tpu.memref_squeeze %dma_start3A_187 : memref<1x128xi32, #tpu.memory_space<vmem>> -> memref<128xi32, #tpu.memory_space<vmem>>
        %dma_start3A_189 = tpu.memref_slice %arg7[%add3A_163] : memref<819200xi32, #tpu.memory_space<hbm>> -> memref<128xi32, #tpu.memory_space<hbm>>
        tpu.enqueue_dma source(%dma_start3A_189 : memref<128xi32, #tpu.memory_space<hbm>>) target(%dma_start3A_188 : memref<128xi32, #tpu.memory_space<vmem>>) target_semaphore(%arg21 : memref<!tpu.dma_semaphore, #tpu.memory_space<semaphore_mem>>)
        %add3A_190 = arith.constant 128 : i32
        %add3A_191 = arith.addi %add3A_163, %add3A_190 : i32
        %dma_start3A_192 = arith.constant 0 : i32
        %dma_start3A_193 = tpu.memref_slice %arg14[%rem3A_65, %dma_start3A_192] : memref<2x128xi32, #tpu.memory_space<vmem>> -> memref<1x128xi32, #tpu.memory_space<vmem>>
        %dma_start3A_194 = tpu.memref_squeeze %dma_start3A_193 : memref<1x128xi32, #tpu.memory_space<vmem>> -> memref<128xi32, #tpu.memory_space<vmem>>
        %dma_start3A_195 = tpu.memref_slice %arg7[%add3A_191] : memref<819200xi32, #tpu.memory_space<hbm>> -> memref<128xi32, #tpu.memory_space<hbm>>
        %dma_start3A_196 = arith.constant 0 : i32
        %dma_start3A_197 = tpu.memref_slice %arg14[%rem3A_65, %dma_start3A_196] : memref<2x128xi32, #tpu.memory_space<vmem>> -> memref<1x128xi32, #tpu.memory_space<vmem>>
        %dma_start3A_198 = tpu.memref_squeeze %dma_start3A_197 : memref<1x128xi32, #tpu.memory_space<vmem>> -> memref<128xi32, #tpu.memory_space<vmem>>
        %dma_start3A_199 = tpu.memref_slice %arg7[%add3A_191] : memref<819200xi32, #tpu.memory_space<hbm>> -> memref<128xi32, #tpu.memory_space<hbm>>
        tpu.enqueue_dma source(%dma_start3A_199 : memref<128xi32, #tpu.memory_space<hbm>>) target(%dma_start3A_198 : memref<128xi32, #tpu.memory_space<vmem>>) target_semaphore(%arg21 : memref<!tpu.dma_semaphore, #tpu.memory_space<semaphore_mem>>)
      } else {
      }
      %eq3A_127 = arith.constant 0 : i32
      %eq3A_128 = arith.cmpi eq, %arg0, %eq3A_127 : i32
      %convert_element_type3A_129 = arith.extui %eq3A_128 : i1 to i32
      %cond3A_130 = arith.constant 0 : i32
      %cond3A_131 = arith.cmpi ne, %convert_element_type3A_129, %cond3A_130 : i32
      scf.if %cond3A_131 {
        "tpu.region"() ({
          %run_scoped3A = tpu.sem_alloc : memref<!tpu.dma_semaphore, #tpu.memory_space<semaphore_mem>>
          %dma_start3A_157 = arith.constant 0 : i32
          %dma_start3A_158 = tpu.memref_slice %arg4[%add3A_70, %dma_start3A_157] : memref<819200x32xf32, #tpu.memory_space<hbm>> -> memref<256x32xf32, #tpu.memory_space<hbm>>
          %dma_start3A_159 = arith.constant 0 : i32
          %dma_start3A_160 = tpu.memref_slice %arg4[%add3A_70, %dma_start3A_159] : memref<819200x32xf32, #tpu.memory_space<hbm>> -> memref<256x32xf32, #tpu.memory_space<hbm>>
          tpu.enqueue_dma source(%dma_start3A_160 : memref<256x32xf32, #tpu.memory_space<hbm>>) target(%arg17 : memref<256x32xf32, #tpu.memory_space<vmem>>) target_semaphore(%run_scoped3A : memref<!tpu.dma_semaphore, #tpu.memory_space<semaphore_mem>>)
          %dma_wait3A_161 = arith.constant 0 : i32
          %dma_wait3A_162 = tpu.memref_slice %arg4[%add3A_70, %dma_wait3A_161] : memref<819200x32xf32, #tpu.memory_space<hbm>> -> memref<256x32xf32, #tpu.memory_space<hbm>>
          %dma_wait3A_163 = arith.constant 0 : i32
          %dma_wait3A_164 = tpu.memref_slice %arg4[%add3A_70, %dma_wait3A_163] : memref<819200x32xf32, #tpu.memory_space<hbm>> -> memref<256x32xf32, #tpu.memory_space<hbm>>
          tpu.wait_dma2 semaphore(%run_scoped3A : memref<!tpu.dma_semaphore, #tpu.memory_space<semaphore_mem>>) src(%dma_wait3A_164 : memref<256x32xf32, #tpu.memory_space<hbm>>) dst(%arg17 : memref<256x32xf32, #tpu.memory_space<vmem>>)
          tpu.yield
        }) : () -> ()
      } else {
      }
      %eq3A_132 = arith.constant 1 : i32
      %eq3A_133 = arith.cmpi eq, %arg0, %eq3A_132 : i32
      %convert_element_type3A_134 = arith.extui %eq3A_133 : i1 to i32
      %cond3A_135 = arith.constant 0 : i32
      %cond3A_136 = arith.cmpi ne, %convert_element_type3A_134, %cond3A_135 : i32
      scf.if %cond3A_136 {
        "tpu.region"() ({
          %run_scoped3A = tpu.sem_alloc : memref<!tpu.dma_semaphore, #tpu.memory_space<semaphore_mem>>
          %dma_start3A_157 = arith.constant 0 : i32
          %dma_start3A_158 = tpu.memref_slice %arg5[%add3A_70, %dma_start3A_157] : memref<819200x32xf32, #tpu.memory_space<hbm>> -> memref<256x32xf32, #tpu.memory_space<hbm>>
          %dma_start3A_159 = arith.constant 0 : i32
          %dma_start3A_160 = tpu.memref_slice %arg5[%add3A_70, %dma_start3A_159] : memref<819200x32xf32, #tpu.memory_space<hbm>> -> memref<256x32xf32, #tpu.memory_space<hbm>>
          tpu.enqueue_dma source(%dma_start3A_160 : memref<256x32xf32, #tpu.memory_space<hbm>>) target(%arg17 : memref<256x32xf32, #tpu.memory_space<vmem>>) target_semaphore(%run_scoped3A : memref<!tpu.dma_semaphore, #tpu.memory_space<semaphore_mem>>)
          %dma_wait3A_161 = arith.constant 0 : i32
          %dma_wait3A_162 = tpu.memref_slice %arg5[%add3A_70, %dma_wait3A_161] : memref<819200x32xf32, #tpu.memory_space<hbm>> -> memref<256x32xf32, #tpu.memory_space<hbm>>
          %dma_wait3A_163 = arith.constant 0 : i32
          %dma_wait3A_164 = tpu.memref_slice %arg5[%add3A_70, %dma_wait3A_163] : memref<819200x32xf32, #tpu.memory_space<hbm>> -> memref<256x32xf32, #tpu.memory_space<hbm>>
          tpu.wait_dma2 semaphore(%run_scoped3A : memref<!tpu.dma_semaphore, #tpu.memory_space<semaphore_mem>>) src(%dma_wait3A_164 : memref<256x32xf32, #tpu.memory_space<hbm>>) dst(%arg17 : memref<256x32xf32, #tpu.memory_space<vmem>>)
          tpu.yield
        }) : () -> ()
      } else {
      }
      %dma_wait3A_137 = arith.constant 0 : i32
      %dma_wait3A_138 = tpu.memref_slice %arg11[%rem3A_61, %dma_wait3A_137] : memref<2x128xi32, #tpu.memory_space<vmem>> -> memref<1x128xi32, #tpu.memory_space<vmem>>
      %dma_wait3A_139 = tpu.memref_squeeze %dma_wait3A_138 : memref<1x128xi32, #tpu.memory_space<vmem>> -> memref<128xi32, #tpu.memory_space<vmem>>
      %dma_wait3A_140 = arith.constant 0 : i32
      %dma_wait3A_141 = arith.constant 0 : i32
      %dma_wait3A_142 = tpu.memref_slice %arg2[%dma_wait3A_140, %dma_wait3A_141] : memref<50176x32xf32, #tpu.memory_space<hbm>> -> memref<50176x32xf32, #tpu.memory_space<hbm>>
      tpu.wait_indirect_dma semaphore(%arg20 : memref<!tpu.dma_semaphore, #tpu.memory_space<semaphore_mem>>) src(%dma_wait3A_142 : memref<50176x32xf32, #tpu.memory_space<hbm>>) dst(%arg15 : memref<128x32xf32, #tpu.memory_space<vmem>>)
      %dma_wait3A_143 = arith.constant 0 : i32
      %dma_wait3A_144 = tpu.memref_slice %arg12[%rem3A_61, %dma_wait3A_143] : memref<2x128xi32, #tpu.memory_space<vmem>> -> memref<1x128xi32, #tpu.memory_space<vmem>>
      %dma_wait3A_145 = tpu.memref_squeeze %dma_wait3A_144 : memref<1x128xi32, #tpu.memory_space<vmem>> -> memref<128xi32, #tpu.memory_space<vmem>>
      %dma_wait3A_146 = arith.constant 0 : i32
      %dma_wait3A_147 = arith.constant 0 : i32
      %dma_wait3A_148 = tpu.memref_slice %arg2[%dma_wait3A_146, %dma_wait3A_147] : memref<50176x32xf32, #tpu.memory_space<hbm>> -> memref<50176x32xf32, #tpu.memory_space<hbm>>
      tpu.wait_indirect_dma semaphore(%arg20 : memref<!tpu.dma_semaphore, #tpu.memory_space<semaphore_mem>>) src(%dma_wait3A_148 : memref<50176x32xf32, #tpu.memory_space<hbm>>) dst(%arg16 : memref<128x32xf32, #tpu.memory_space<vmem>>)
      %scan3A_149 = arith.constant 0 : i32
      %scan3A_150 = arith.constant 0 : i32
      %scan3A_151 = arith.constant 128 : i32
      %scan3A_152 = arith.addi %scan3A_150, %scan3A_151 : i32
      %scan3A_153 = arith.constant 4 : i32
      %scan3A_154 = scf.for %scan3A_157 = %scan3A_150 to %scan3A_152 step %scan3A_153 iter_args(%scan3A_158 = %scan3A_149) -> (i32)  : i32 {
        %get3A = arith.index_cast %scan3A_157 : i32 to index
        %get3A_159 = arith.constant 0 : index
        %get3A_160 = tpu.vector_load %arg15[%get3A, %get3A_159] {strides = array<i32>} : memref<128x32xf32, #tpu.memory_space<vmem>>, vector<1x16xf32>,
        %get3A_161 = vector.shape_cast %get3A_160 : vector<1x16xf32> to vector<16xf32>
        %get3A_162 = arith.index_cast %scan3A_157 : i32 to index
        %get3A_163 = arith.constant 0 : index
        %get3A_164 = tpu.vector_load %arg17[%get3A_162, %get3A_163] {strides = array<i32>} : memref<256x32xf32, #tpu.memory_space<vmem>>, vector<1x16xf32>,
        %get3A_165 = vector.shape_cast %get3A_164 : vector<1x16xf32> to vector<16xf32>
        %mul3A_166 = arith.mulf %get3A_161, %get3A_165 : vector<16xf32>
        %swap3A = arith.index_cast %scan3A_157 : i32 to index
        %swap3A_167 = arith.constant 0 : index
        %swap3A_168 = tpu.vector_load %arg18[%swap3A, %swap3A_167] {strides = array<i32>} : memref<256x32xf32, #tpu.memory_space<vmem>>, vector<1x16xf32>,
        %swap3A_169 = vector.shape_cast %swap3A_168 : vector<1x16xf32> to vector<16xf32>
        %swap3A_170 = vector.shape_cast %mul3A_166 : vector<16xf32> to vector<1x16xf32>
        tpu.vector_store %arg18[%swap3A, %swap3A_167], %swap3A_170 {strides = array<i32>} : memref<256x32xf32, #tpu.memory_space<vmem>>, vector<1x16xf32>,
        %get3A_171 = arith.index_cast %scan3A_157 : i32 to index
        %get3A_172 = arith.constant 16 : index
        %get3A_173 = tpu.vector_load %arg15[%get3A_171, %get3A_172] {strides = array<i32>} : memref<128x32xf32, #tpu.memory_space<vmem>>, vector<1x16xf32>,
        %get3A_174 = vector.shape_cast %get3A_173 : vector<1x16xf32> to vector<16xf32>
        %get3A_175 = arith.index_cast %scan3A_157 : i32 to index
        %get3A_176 = arith.constant 16 : index
        %get3A_177 = tpu.vector_load %arg17[%get3A_175, %get3A_176] {strides = array<i32>} : memref<256x32xf32, #tpu.memory_space<vmem>>, vector<1x16xf32>,
        %get3A_178 = vector.shape_cast %get3A_177 : vector<1x16xf32> to vector<16xf32>
        %mul3A_179 = arith.mulf %get3A_174, %get3A_178 : vector<16xf32>
        %swap3A_180 = arith.index_cast %scan3A_157 : i32 to index
        %swap3A_181 = arith.constant 16 : index
        %swap3A_182 = tpu.vector_load %arg18[%swap3A_180, %swap3A_181] {strides = array<i32>} : memref<256x32xf32, #tpu.memory_space<vmem>>, vector<1x16xf32>,
        %swap3A_183 = vector.shape_cast %swap3A_182 : vector<1x16xf32> to vector<16xf32>
        %swap3A_184 = vector.shape_cast %mul3A_179 : vector<16xf32> to vector<1x16xf32>
        tpu.vector_store %arg18[%swap3A_180, %swap3A_181], %swap3A_184 {strides = array<i32>} : memref<256x32xf32, #tpu.memory_space<vmem>>, vector<1x16xf32>,
        %add3A_185 = arith.constant 128 : i32
        %add3A_186 = arith.addi %scan3A_157, %add3A_185 : i32
        %get3A_187 = arith.index_cast %scan3A_157 : i32 to index
        %get3A_188 = arith.constant 0 : index
        %get3A_189 = tpu.vector_load %arg16[%get3A_187, %get3A_188] {strides = array<i32>} : memref<128x32xf32, #tpu.memory_space<vmem>>, vector<1x16xf32>,
        %get3A_190 = vector.shape_cast %get3A_189 : vector<1x16xf32> to vector<16xf32>
        %get3A_191 = arith.index_cast %add3A_186 : i32 to index
        %get3A_192 = arith.constant 0 : index
        %get3A_193 = tpu.vector_load %arg17[%get3A_191, %get3A_192] {strides = array<i32>} : memref<256x32xf32, #tpu.memory_space<vmem>>, vector<1x16xf32>,
        %get3A_194 = vector.shape_cast %get3A_193 : vector<1x16xf32> to vector<16xf32>
        %mul3A_195 = arith.mulf %get3A_190, %get3A_194 : vector<16xf32>
        %swap3A_196 = arith.index_cast %add3A_186 : i32 to index
        %swap3A_197 = arith.constant 0 : index
        %swap3A_198 = tpu.vector_load %arg18[%swap3A_196, %swap3A_197] {strides = array<i32>} : memref<256x32xf32, #tpu.memory_space<vmem>>, vector<1x16xf32>,
        %swap3A_199 = vector.shape_cast %swap3A_198 : vector<1x16xf32> to vector<16xf32>
        %swap3A_200 = vector.shape_cast %mul3A_195 : vector<16xf32> to vector<1x16xf32>
        tpu.vector_store %arg18[%swap3A_196, %swap3A_197], %swap3A_200 {strides = array<i32>} : memref<256x32xf32, #tpu.memory_space<vmem>>, vector<1x16xf32>,
        %get3A_201 = arith.index_cast %scan3A_157 : i32 to index
        %get3A_202 = arith.constant 16 : index
        %get3A_203 = tpu.vector_load %arg16[%get3A_201, %get3A_202] {strides = array<i32>} : memref<128x32xf32, #tpu.memory_space<vmem>>, vector<1x16xf32>,
        %get3A_204 = vector.shape_cast %get3A_203 : vector<1x16xf32> to vector<16xf32>
        %get3A_205 = arith.index_cast %add3A_186 : i32 to index
        %get3A_206 = arith.constant 16 : index
        %get3A_207 = tpu.vector_load %arg17[%get3A_205, %get3A_206] {strides = array<i32>} : memref<256x32xf32, #tpu.memory_space<vmem>>, vector<1x16xf32>,
        %get3A_208 = vector.shape_cast %get3A_207 : vector<1x16xf32> to vector<16xf32>
        %mul3A_209 = arith.mulf %get3A_204, %get3A_208 : vector<16xf32>
        %swap3A_210 = arith.index_cast %add3A_186 : i32 to index
        %swap3A_211 = arith.constant 16 : index
        %swap3A_212 = tpu.vector_load %arg18[%swap3A_210, %swap3A_211] {strides = array<i32>} : memref<256x32xf32, #tpu.memory_space<vmem>>, vector<1x16xf32>,
        %swap3A_213 = vector.shape_cast %swap3A_212 : vector<1x16xf32> to vector<16xf32>
        %swap3A_214 = vector.shape_cast %mul3A_209 : vector<16xf32> to vector<1x16xf32>
        tpu.vector_store %arg18[%swap3A_210, %swap3A_211], %swap3A_214 {strides = array<i32>} : memref<256x32xf32, #tpu.memory_space<vmem>>, vector<1x16xf32>,
        %scan3A_215 = arith.constant 0 : i32
        %scan3A_216 = arith.constant 1 : i32
        %scan3A_217 = arith.addi %scan3A_157, %scan3A_216 : i32
        %get3A_218 = arith.index_cast %scan3A_217 : i32 to index
        %get3A_219 = arith.constant 0 : index
        %get3A_220 = tpu.vector_load %arg15[%get3A_218, %get3A_219] {strides = array<i32>} : memref<128x32xf32, #tpu.memory_space<vmem>>, vector<1x16xf32>,
        %get3A_221 = vector.shape_cast %get3A_220 : vector<1x16xf32> to vector<16xf32>
        %get3A_222 = arith.index_cast %scan3A_217 : i32 to index
        %get3A_223 = arith.constant 0 : index
        %get3A_224 = tpu.vector_load %arg17[%get3A_222, %get3A_223] {strides = array<i32>} : memref<256x32xf32, #tpu.memory_space<vmem>>, vector<1x16xf32>,
        %get3A_225 = vector.shape_cast %get3A_224 : vector<1x16xf32> to vector<16xf32>
        %mul3A_226 = arith.mulf %get3A_221, %get3A_225 : vector<16xf32>
        %swap3A_227 = arith.index_cast %scan3A_217 : i32 to index
        %swap3A_228 = arith.constant 0 : index
        %swap3A_229 = tpu.vector_load %arg18[%swap3A_227, %swap3A_228] {strides = array<i32>} : memref<256x32xf32, #tpu.memory_space<vmem>>, vector<1x16xf32>,
        %swap3A_230 = vector.shape_cast %swap3A_229 : vector<1x16xf32> to vector<16xf32>
        %swap3A_231 = vector.shape_cast %mul3A_226 : vector<16xf32> to vector<1x16xf32>
        tpu.vector_store %arg18[%swap3A_227, %swap3A_228], %swap3A_231 {strides = array<i32>} : memref<256x32xf32, #tpu.memory_space<vmem>>, vector<1x16xf32>,
        %get3A_232 = arith.index_cast %scan3A_217 : i32 to index
        %get3A_233 = arith.constant 16 : index
        %get3A_234 = tpu.vector_load %arg15[%get3A_232, %get3A_233] {strides = array<i32>} : memref<128x32xf32, #tpu.memory_space<vmem>>, vector<1x16xf32>,
        %get3A_235 = vector.shape_cast %get3A_234 : vector<1x16xf32> to vector<16xf32>
        %get3A_236 = arith.index_cast %scan3A_217 : i32 to index
        %get3A_237 = arith.constant 16 : index
        %get3A_238 = tpu.vector_load %arg17[%get3A_236, %get3A_237] {strides = array<i32>} : memref<256x32xf32, #tpu.memory_space<vmem>>, vector<1x16xf32>,
        %get3A_239 = vector.shape_cast %get3A_238 : vector<1x16xf32> to vector<16xf32>
        %mul3A_240 = arith.mulf %get3A_235, %get3A_239 : vector<16xf32>
        %swap3A_241 = arith.index_cast %scan3A_217 : i32 to index
        %swap3A_242 = arith.constant 16 : index
        %swap3A_243 = tpu.vector_load %arg18[%swap3A_241, %swap3A_242] {strides = array<i32>} : memref<256x32xf32, #tpu.memory_space<vmem>>, vector<1x16xf32>,
        %swap3A_244 = vector.shape_cast %swap3A_243 : vector<1x16xf32> to vector<16xf32>
        %swap3A_245 = vector.shape_cast %mul3A_240 : vector<16xf32> to vector<1x16xf32>
        tpu.vector_store %arg18[%swap3A_241, %swap3A_242], %swap3A_245 {strides = array<i32>} : memref<256x32xf32, #tpu.memory_space<vmem>>, vector<1x16xf32>,
        %add3A_246 = arith.constant 128 : i32
        %add3A_247 = arith.addi %scan3A_217, %add3A_246 : i32
        %get3A_248 = arith.index_cast %scan3A_217 : i32 to index
        %get3A_249 = arith.constant 0 : index
        %get3A_250 = tpu.vector_load %arg16[%get3A_248, %get3A_249] {strides = array<i32>} : memref<128x32xf32, #tpu.memory_space<vmem>>, vector<1x16xf32>,
        %get3A_251 = vector.shape_cast %get3A_250 : vector<1x16xf32> to vector<16xf32>
        %get3A_252 = arith.index_cast %add3A_247 : i32 to index
        %get3A_253 = arith.constant 0 : index
        %get3A_254 = tpu.vector_load %arg17[%get3A_252, %get3A_253] {strides = array<i32>} : memref<256x32xf32, #tpu.memory_space<vmem>>, vector<1x16xf32>,
        %get3A_255 = vector.shape_cast %get3A_254 : vector<1x16xf32> to vector<16xf32>
        %mul3A_256 = arith.mulf %get3A_251, %get3A_255 : vector<16xf32>
        %swap3A_257 = arith.index_cast %add3A_247 : i32 to index
        %swap3A_258 = arith.constant 0 : index
        %swap3A_259 = tpu.vector_load %arg18[%swap3A_257, %swap3A_258] {strides = array<i32>} : memref<256x32xf32, #tpu.memory_space<vmem>>, vector<1x16xf32>,
        %swap3A_260 = vector.shape_cast %swap3A_259 : vector<1x16xf32> to vector<16xf32>
        %swap3A_261 = vector.shape_cast %mul3A_256 : vector<16xf32> to vector<1x16xf32>
        tpu.vector_store %arg18[%swap3A_257, %swap3A_258], %swap3A_261 {strides = array<i32>} : memref<256x32xf32, #tpu.memory_space<vmem>>, vector<1x16xf32>,
        %get3A_262 = arith.index_cast %scan3A_217 : i32 to index
        %get3A_263 = arith.constant 16 : index
        %get3A_264 = tpu.vector_load %arg16[%get3A_262, %get3A_263] {strides = array<i32>} : memref<128x32xf32, #tpu.memory_space<vmem>>, vector<1x16xf32>,
        %get3A_265 = vector.shape_cast %get3A_264 : vector<1x16xf32> to vector<16xf32>
        %get3A_266 = arith.index_cast %add3A_247 : i32 to index
        %get3A_267 = arith.constant 16 : index
        %get3A_268 = tpu.vector_load %arg17[%get3A_266, %get3A_267] {strides = array<i32>} : memref<256x32xf32, #tpu.memory_space<vmem>>, vector<1x16xf32>,
        %get3A_269 = vector.shape_cast %get3A_268 : vector<1x16xf32> to vector<16xf32>
        %mul3A_270 = arith.mulf %get3A_265, %get3A_269 : vector<16xf32>
        %swap3A_271 = arith.index_cast %add3A_247 : i32 to index
        %swap3A_272 = arith.constant 16 : index
        %swap3A_273 = tpu.vector_load %arg18[%swap3A_271, %swap3A_272] {strides = array<i32>} : memref<256x32xf32, #tpu.memory_space<vmem>>, vector<1x16xf32>,
        %swap3A_274 = vector.shape_cast %swap3A_273 : vector<1x16xf32> to vector<16xf32>
        %swap3A_275 = vector.shape_cast %mul3A_270 : vector<16xf32> to vector<1x16xf32>
        tpu.vector_store %arg18[%swap3A_271, %swap3A_272], %swap3A_275 {strides = array<i32>} : memref<256x32xf32, #tpu.memory_space<vmem>>, vector<1x16xf32>,
        %scan3A_276 = arith.constant 0 : i32
        %scan3A_277 = arith.constant 2 : i32
        %scan3A_278 = arith.addi %scan3A_157, %scan3A_277 : i32
        %get3A_279 = arith.index_cast %scan3A_278 : i32 to index
        %get3A_280 = arith.constant 0 : index
        %get3A_281 = tpu.vector_load %arg15[%get3A_279, %get3A_280] {strides = array<i32>} : memref<128x32xf32, #tpu.memory_space<vmem>>, vector<1x16xf32>,
        %get3A_282 = vector.shape_cast %get3A_281 : vector<1x16xf32> to vector<16xf32>
        %get3A_283 = arith.index_cast %scan3A_278 : i32 to index
        %get3A_284 = arith.constant 0 : index
        %get3A_285 = tpu.vector_load %arg17[%get3A_283, %get3A_284] {strides = array<i32>} : memref<256x32xf32, #tpu.memory_space<vmem>>, vector<1x16xf32>,
        %get3A_286 = vector.shape_cast %get3A_285 : vector<1x16xf32> to vector<16xf32>
        %mul3A_287 = arith.mulf %get3A_282, %get3A_286 : vector<16xf32>
        %swap3A_288 = arith.index_cast %scan3A_278 : i32 to index
        %swap3A_289 = arith.constant 0 : index
        %swap3A_290 = tpu.vector_load %arg18[%swap3A_288, %swap3A_289] {strides = array<i32>} : memref<256x32xf32, #tpu.memory_space<vmem>>, vector<1x16xf32>,
        %swap3A_291 = vector.shape_cast %swap3A_290 : vector<1x16xf32> to vector<16xf32>
        %swap3A_292 = vector.shape_cast %mul3A_287 : vector<16xf32> to vector<1x16xf32>
        tpu.vector_store %arg18[%swap3A_288, %swap3A_289], %swap3A_292 {strides = array<i32>} : memref<256x32xf32, #tpu.memory_space<vmem>>, vector<1x16xf32>,
        %get3A_293 = arith.index_cast %scan3A_278 : i32 to index
        %get3A_294 = arith.constant 16 : index
        %get3A_295 = tpu.vector_load %arg15[%get3A_293, %get3A_294] {strides = array<i32>} : memref<128x32xf32, #tpu.memory_space<vmem>>, vector<1x16xf32>,
        %get3A_296 = vector.shape_cast %get3A_295 : vector<1x16xf32> to vector<16xf32>
        %get3A_297 = arith.index_cast %scan3A_278 : i32 to index
        %get3A_298 = arith.constant 16 : index
        %get3A_299 = tpu.vector_load %arg17[%get3A_297, %get3A_298] {strides = array<i32>} : memref<256x32xf32, #tpu.memory_space<vmem>>, vector<1x16xf32>,
        %get3A_300 = vector.shape_cast %get3A_299 : vector<1x16xf32> to vector<16xf32>
        %mul3A_301 = arith.mulf %get3A_296, %get3A_300 : vector<16xf32>
        %swap3A_302 = arith.index_cast %scan3A_278 : i32 to index
        %swap3A_303 = arith.constant 16 : index
        %swap3A_304 = tpu.vector_load %arg18[%swap3A_302, %swap3A_303] {strides = array<i32>} : memref<256x32xf32, #tpu.memory_space<vmem>>, vector<1x16xf32>,
        %swap3A_305 = vector.shape_cast %swap3A_304 : vector<1x16xf32> to vector<16xf32>
        %swap3A_306 = vector.shape_cast %mul3A_301 : vector<16xf32> to vector<1x16xf32>
        tpu.vector_store %arg18[%swap3A_302, %swap3A_303], %swap3A_306 {strides = array<i32>} : memref<256x32xf32, #tpu.memory_space<vmem>>, vector<1x16xf32>,
        %add3A_307 = arith.constant 128 : i32
        %add3A_308 = arith.addi %scan3A_278, %add3A_307 : i32
        %get3A_309 = arith.index_cast %scan3A_278 : i32 to index
        %get3A_310 = arith.constant 0 : index
        %get3A_311 = tpu.vector_load %arg16[%get3A_309, %get3A_310] {strides = array<i32>} : memref<128x32xf32, #tpu.memory_space<vmem>>, vector<1x16xf32>,
        %get3A_312 = vector.shape_cast %get3A_311 : vector<1x16xf32> to vector<16xf32>
        %get3A_313 = arith.index_cast %add3A_308 : i32 to index
        %get3A_314 = arith.constant 0 : index
        %get3A_315 = tpu.vector_load %arg17[%get3A_313, %get3A_314] {strides = array<i32>} : memref<256x32xf32, #tpu.memory_space<vmem>>, vector<1x16xf32>,
        %get3A_316 = vector.shape_cast %get3A_315 : vector<1x16xf32> to vector<16xf32>
        %mul3A_317 = arith.mulf %get3A_312, %get3A_316 : vector<16xf32>
        %swap3A_318 = arith.index_cast %add3A_308 : i32 to index
        %swap3A_319 = arith.constant 0 : index
        %swap3A_320 = tpu.vector_load %arg18[%swap3A_318, %swap3A_319] {strides = array<i32>} : memref<256x32xf32, #tpu.memory_space<vmem>>, vector<1x16xf32>,
        %swap3A_321 = vector.shape_cast %swap3A_320 : vector<1x16xf32> to vector<16xf32>
        %swap3A_322 = vector.shape_cast %mul3A_317 : vector<16xf32> to vector<1x16xf32>
        tpu.vector_store %arg18[%swap3A_318, %swap3A_319], %swap3A_322 {strides = array<i32>} : memref<256x32xf32, #tpu.memory_space<vmem>>, vector<1x16xf32>,
        %get3A_323 = arith.index_cast %scan3A_278 : i32 to index
        %get3A_324 = arith.constant 16 : index
        %get3A_325 = tpu.vector_load %arg16[%get3A_323, %get3A_324] {strides = array<i32>} : memref<128x32xf32, #tpu.memory_space<vmem>>, vector<1x16xf32>,
        %get3A_326 = vector.shape_cast %get3A_325 : vector<1x16xf32> to vector<16xf32>
        %get3A_327 = arith.index_cast %add3A_308 : i32 to index
        %get3A_328 = arith.constant 16 : index
        %get3A_329 = tpu.vector_load %arg17[%get3A_327, %get3A_328] {strides = array<i32>} : memref<256x32xf32, #tpu.memory_space<vmem>>, vector<1x16xf32>,
        %get3A_330 = vector.shape_cast %get3A_329 : vector<1x16xf32> to vector<16xf32>
        %mul3A_331 = arith.mulf %get3A_326, %get3A_330 : vector<16xf32>
        %swap3A_332 = arith.index_cast %add3A_308 : i32 to index
        %swap3A_333 = arith.constant 16 : index
        %swap3A_334 = tpu.vector_load %arg18[%swap3A_332, %swap3A_333] {strides = array<i32>} : memref<256x32xf32, #tpu.memory_space<vmem>>, vector<1x16xf32>,
        %swap3A_335 = vector.shape_cast %swap3A_334 : vector<1x16xf32> to vector<16xf32>
        %swap3A_336 = vector.shape_cast %mul3A_331 : vector<16xf32> to vector<1x16xf32>
        tpu.vector_store %arg18[%swap3A_332, %swap3A_333], %swap3A_336 {strides = array<i32>} : memref<256x32xf32, #tpu.memory_space<vmem>>, vector<1x16xf32>,
        %scan3A_337 = arith.constant 0 : i32
        %scan3A_338 = arith.constant 3 : i32
        %scan3A_339 = arith.addi %scan3A_157, %scan3A_338 : i32
        %get3A_340 = arith.index_cast %scan3A_339 : i32 to index
        %get3A_341 = arith.constant 0 : index
        %get3A_342 = tpu.vector_load %arg15[%get3A_340, %get3A_341] {strides = array<i32>} : memref<128x32xf32, #tpu.memory_space<vmem>>, vector<1x16xf32>,
        %get3A_343 = vector.shape_cast %get3A_342 : vector<1x16xf32> to vector<16xf32>
        %get3A_344 = arith.index_cast %scan3A_339 : i32 to index
        %get3A_345 = arith.constant 0 : index
        %get3A_346 = tpu.vector_load %arg17[%get3A_344, %get3A_345] {strides = array<i32>} : memref<256x32xf32, #tpu.memory_space<vmem>>, vector<1x16xf32>,
        %get3A_347 = vector.shape_cast %get3A_346 : vector<1x16xf32> to vector<16xf32>
        %mul3A_348 = arith.mulf %get3A_343, %get3A_347 : vector<16xf32>
        %swap3A_349 = arith.index_cast %scan3A_339 : i32 to index
        %swap3A_350 = arith.constant 0 : index
        %swap3A_351 = tpu.vector_load %arg18[%swap3A_349, %swap3A_350] {strides = array<i32>} : memref<256x32xf32, #tpu.memory_space<vmem>>, vector<1x16xf32>,
        %swap3A_352 = vector.shape_cast %swap3A_351 : vector<1x16xf32> to vector<16xf32>
        %swap3A_353 = vector.shape_cast %mul3A_348 : vector<16xf32> to vector<1x16xf32>
        tpu.vector_store %arg18[%swap3A_349, %swap3A_350], %swap3A_353 {strides = array<i32>} : memref<256x32xf32, #tpu.memory_space<vmem>>, vector<1x16xf32>,
        %get3A_354 = arith.index_cast %scan3A_339 : i32 to index
        %get3A_355 = arith.constant 16 : index
        %get3A_356 = tpu.vector_load %arg15[%get3A_354, %get3A_355] {strides = array<i32>} : memref<128x32xf32, #tpu.memory_space<vmem>>, vector<1x16xf32>,
        %get3A_357 = vector.shape_cast %get3A_356 : vector<1x16xf32> to vector<16xf32>
        %get3A_358 = arith.index_cast %scan3A_339 : i32 to index
        %get3A_359 = arith.constant 16 : index
        %get3A_360 = tpu.vector_load %arg17[%get3A_358, %get3A_359] {strides = array<i32>} : memref<256x32xf32, #tpu.memory_space<vmem>>, vector<1x16xf32>,
        %get3A_361 = vector.shape_cast %get3A_360 : vector<1x16xf32> to vector<16xf32>
        %mul3A_362 = arith.mulf %get3A_357, %get3A_361 : vector<16xf32>
        %swap3A_363 = arith.index_cast %scan3A_339 : i32 to index
        %swap3A_364 = arith.constant 16 : index
        %swap3A_365 = tpu.vector_load %arg18[%swap3A_363, %swap3A_364] {strides = array<i32>} : memref<256x32xf32, #tpu.memory_space<vmem>>, vector<1x16xf32>,
        %swap3A_366 = vector.shape_cast %swap3A_365 : vector<1x16xf32> to vector<16xf32>
        %swap3A_367 = vector.shape_cast %mul3A_362 : vector<16xf32> to vector<1x16xf32>
        tpu.vector_store %arg18[%swap3A_363, %swap3A_364], %swap3A_367 {strides = array<i32>} : memref<256x32xf32, #tpu.memory_space<vmem>>, vector<1x16xf32>,
        %add3A_368 = arith.constant 128 : i32
        %add3A_369 = arith.addi %scan3A_339, %add3A_368 : i32
        %get3A_370 = arith.index_cast %scan3A_339 : i32 to index
        %get3A_371 = arith.constant 0 : index
        %get3A_372 = tpu.vector_load %arg16[%get3A_370, %get3A_371] {strides = array<i32>} : memref<128x32xf32, #tpu.memory_space<vmem>>, vector<1x16xf32>,
        %get3A_373 = vector.shape_cast %get3A_372 : vector<1x16xf32> to vector<16xf32>
        %get3A_374 = arith.index_cast %add3A_369 : i32 to index
        %get3A_375 = arith.constant 0 : index
        %get3A_376 = tpu.vector_load %arg17[%get3A_374, %get3A_375] {strides = array<i32>} : memref<256x32xf32, #tpu.memory_space<vmem>>, vector<1x16xf32>,
        %get3A_377 = vector.shape_cast %get3A_376 : vector<1x16xf32> to vector<16xf32>
        %mul3A_378 = arith.mulf %get3A_373, %get3A_377 : vector<16xf32>
        %swap3A_379 = arith.index_cast %add3A_369 : i32 to index
        %swap3A_380 = arith.constant 0 : index
        %swap3A_381 = tpu.vector_load %arg18[%swap3A_379, %swap3A_380] {strides = array<i32>} : memref<256x32xf32, #tpu.memory_space<vmem>>, vector<1x16xf32>,
        %swap3A_382 = vector.shape_cast %swap3A_381 : vector<1x16xf32> to vector<16xf32>
        %swap3A_383 = vector.shape_cast %mul3A_378 : vector<16xf32> to vector<1x16xf32>
        tpu.vector_store %arg18[%swap3A_379, %swap3A_380], %swap3A_383 {strides = array<i32>} : memref<256x32xf32, #tpu.memory_space<vmem>>, vector<1x16xf32>,
        %get3A_384 = arith.index_cast %scan3A_339 : i32 to index
        %get3A_385 = arith.constant 16 : index
        %get3A_386 = tpu.vector_load %arg16[%get3A_384, %get3A_385] {strides = array<i32>} : memref<128x32xf32, #tpu.memory_space<vmem>>, vector<1x16xf32>,
        %get3A_387 = vector.shape_cast %get3A_386 : vector<1x16xf32> to vector<16xf32>
        %get3A_388 = arith.index_cast %add3A_369 : i32 to index
        %get3A_389 = arith.constant 16 : index
        %get3A_390 = tpu.vector_load %arg17[%get3A_388, %get3A_389] {strides = array<i32>} : memref<256x32xf32, #tpu.memory_space<vmem>>, vector<1x16xf32>,
        %get3A_391 = vector.shape_cast %get3A_390 : vector<1x16xf32> to vector<16xf32>
        %mul3A_392 = arith.mulf %get3A_387, %get3A_391 : vector<16xf32>
        %swap3A_393 = arith.index_cast %add3A_369 : i32 to index
        %swap3A_394 = arith.constant 16 : index
        %swap3A_395 = tpu.vector_load %arg18[%swap3A_393, %swap3A_394] {strides = array<i32>} : memref<256x32xf32, #tpu.memory_space<vmem>>, vector<1x16xf32>,
        %swap3A_396 = vector.shape_cast %swap3A_395 : vector<1x16xf32> to vector<16xf32>
        %swap3A_397 = vector.shape_cast %mul3A_392 : vector<16xf32> to vector<1x16xf32>
        tpu.vector_store %arg18[%swap3A_393, %swap3A_394], %swap3A_397 {strides = array<i32>} : memref<256x32xf32, #tpu.memory_space<vmem>>, vector<1x16xf32>,
        %scan3A_398 = arith.constant 0 : i32
        scf.yield %scan3A_398 : i32
      }
      %scan3A_155 = arith.constant 128 : i32
      "tpu.region"() ({
        %run_scoped3A = tpu.sem_alloc : memref<!tpu.dma_semaphore, #tpu.memory_space<semaphore_mem>>
        %dma_start3A_157 = arith.constant 0 : i32
        %dma_start3A_158 = arith.constant 0 : i32
        %dma_start3A_159 = tpu.memref_slice %arg18[%dma_start3A_157, %dma_start3A_158] : memref<256x32xf32, #tpu.memory_space<vmem>> -> memref<128x32xf32, #tpu.memory_space<vmem>>
        %dma_start3A_160 = arith.constant 0 : i32
        %dma_start3A_161 = tpu.memref_slice %arg13[%rem3A_61, %dma_start3A_160] : memref<2x128xi32, #tpu.memory_space<vmem>> -> memref<1x128xi32, #tpu.memory_space<vmem>>
        %dma_start3A_162 = tpu.memref_squeeze %dma_start3A_161 : memref<1x128xi32, #tpu.memory_space<vmem>> -> memref<128xi32, #tpu.memory_space<vmem>>
        %dma_start3A_163 = arith.constant 0 : i32
        %dma_start3A_164 = arith.constant 0 : i32
        %dma_start3A_165 = tpu.memref_slice %arg19[%dma_start3A_163, %dma_start3A_164] : memref<50176x32xf32, #tpu.memory_space<vmem_shared>> -> memref<50176x32xf32, #tpu.memory_space<vmem_shared>>
        tpu.enqueue_indirect_dma source(%dma_start3A_159 : memref<128x32xf32, #tpu.memory_space<vmem>>) target(%dma_start3A_165 : memref<50176x32xf32, #tpu.memory_space<vmem_shared>>) offsets(%dma_start3A_162 : memref<128xi32, #tpu.memory_space<vmem>>) semaphore(%run_scoped3A : memref<!tpu.dma_semaphore, #tpu.memory_space<semaphore_mem>>) {add = true}
        %dma_wait3A_166 = arith.constant 0 : i32
        %dma_wait3A_167 = arith.constant 0 : i32
        %dma_wait3A_168 = tpu.memref_slice %arg18[%dma_wait3A_166, %dma_wait3A_167] : memref<256x32xf32, #tpu.memory_space<vmem>> -> memref<128x32xf32, #tpu.memory_space<vmem>>
        %dma_wait3A_169 = arith.constant 0 : i32
        %dma_wait3A_170 = tpu.memref_slice %arg13[%rem3A_61, %dma_wait3A_169] : memref<2x128xi32, #tpu.memory_space<vmem>> -> memref<1x128xi32, #tpu.memory_space<vmem>>
        %dma_wait3A_171 = tpu.memref_squeeze %dma_wait3A_170 : memref<1x128xi32, #tpu.memory_space<vmem>> -> memref<128xi32, #tpu.memory_space<vmem>>
        %dma_wait3A_172 = arith.constant 0 : i32
        %dma_wait3A_173 = arith.constant 0 : i32
        %dma_wait3A_174 = tpu.memref_slice %arg19[%dma_wait3A_172, %dma_wait3A_173] : memref<50176x32xf32, #tpu.memory_space<vmem_shared>> -> memref<50176x32xf32, #tpu.memory_space<vmem_shared>>
        tpu.wait_indirect_dma semaphore(%run_scoped3A : memref<!tpu.dma_semaphore, #tpu.memory_space<semaphore_mem>>) src(%dma_wait3A_168 : memref<128x32xf32, #tpu.memory_space<vmem>>) dst(%dma_wait3A_174 : memref<50176x32xf32, #tpu.memory_space<vmem_shared>>)
        tpu.yield
      }) : () -> ()
      "tpu.region"() ({
        %run_scoped3A = tpu.sem_alloc : memref<!tpu.dma_semaphore, #tpu.memory_space<semaphore_mem>>
        %dma_start3A_157 = arith.constant 128 : i32
        %dma_start3A_158 = arith.constant 0 : i32
        %dma_start3A_159 = tpu.memref_slice %arg18[%dma_start3A_157, %dma_start3A_158] : memref<256x32xf32, #tpu.memory_space<vmem>> -> memref<128x32xf32, #tpu.memory_space<vmem>>
        %dma_start3A_160 = arith.constant 0 : i32
        %dma_start3A_161 = tpu.memref_slice %arg14[%rem3A_61, %dma_start3A_160] : memref<2x128xi32, #tpu.memory_space<vmem>> -> memref<1x128xi32, #tpu.memory_space<vmem>>
        %dma_start3A_162 = tpu.memref_squeeze %dma_start3A_161 : memref<1x128xi32, #tpu.memory_space<vmem>> -> memref<128xi32, #tpu.memory_space<vmem>>
        %dma_start3A_163 = arith.constant 0 : i32
        %dma_start3A_164 = arith.constant 0 : i32
        %dma_start3A_165 = tpu.memref_slice %arg19[%dma_start3A_163, %dma_start3A_164] : memref<50176x32xf32, #tpu.memory_space<vmem_shared>> -> memref<50176x32xf32, #tpu.memory_space<vmem_shared>>
        tpu.enqueue_indirect_dma source(%dma_start3A_159 : memref<128x32xf32, #tpu.memory_space<vmem>>) target(%dma_start3A_165 : memref<50176x32xf32, #tpu.memory_space<vmem_shared>>) offsets(%dma_start3A_162 : memref<128xi32, #tpu.memory_space<vmem>>) semaphore(%run_scoped3A : memref<!tpu.dma_semaphore, #tpu.memory_space<semaphore_mem>>) {add = true}
        %dma_wait3A_166 = arith.constant 128 : i32
        %dma_wait3A_167 = arith.constant 0 : i32
        %dma_wait3A_168 = tpu.memref_slice %arg18[%dma_wait3A_166, %dma_wait3A_167] : memref<256x32xf32, #tpu.memory_space<vmem>> -> memref<128x32xf32, #tpu.memory_space<vmem>>
        %dma_wait3A_169 = arith.constant 0 : i32
        %dma_wait3A_170 = tpu.memref_slice %arg14[%rem3A_61, %dma_wait3A_169] : memref<2x128xi32, #tpu.memory_space<vmem>> -> memref<1x128xi32, #tpu.memory_space<vmem>>
        %dma_wait3A_171 = tpu.memref_squeeze %dma_wait3A_170 : memref<1x128xi32, #tpu.memory_space<vmem>> -> memref<128xi32, #tpu.memory_space<vmem>>
        %dma_wait3A_172 = arith.constant 0 : i32
        %dma_wait3A_173 = arith.constant 0 : i32
        %dma_wait3A_174 = tpu.memref_slice %arg19[%dma_wait3A_172, %dma_wait3A_173] : memref<50176x32xf32, #tpu.memory_space<vmem_shared>> -> memref<50176x32xf32, #tpu.memory_space<vmem_shared>>
        tpu.wait_indirect_dma semaphore(%run_scoped3A : memref<!tpu.dma_semaphore, #tpu.memory_space<semaphore_mem>>) src(%dma_wait3A_168 : memref<128x32xf32, #tpu.memory_space<vmem>>) dst(%dma_wait3A_174 : memref<50176x32xf32, #tpu.memory_space<vmem_shared>>)
        tpu.yield
      }) : () -> ()
      %scan3A_156 = arith.constant 0 : i32
      scf.yield %scan3A_156 : i32
    }
    %scan3A_50 = arith.constant 200 : i32
    %barrier3A_51 = arith.constant 0 : index
    tpu.barrier barrier_id(%barrier3A_51)
    %eq3A = arith.constant 0 : i32
    %eq3A_52 = arith.cmpi eq, %arg0, %eq3A : i32
    %convert_element_type3A = arith.extui %eq3A_52 : i1 to i32
    %cond3A = arith.constant 0 : i32
    %cond3A_53 = arith.cmpi ne, %convert_element_type3A, %cond3A : i32
    scf.if %cond3A_53 {
      %mul3A_59 = arith.constant 3136 : i32
      %mul3A_60 = arith.muli %arg1, %mul3A_59 : i32
      %mul3A_61 = arith.constant 3136 : i32
      %mul3A_62 = arith.muli %arg1, %mul3A_61 : i32
      "tpu.region"() ({
        %run_scoped3A = tpu.sem_alloc : memref<!tpu.dma_semaphore, #tpu.memory_space<semaphore_mem>>
        %dma_start3A_63 = arith.constant 0 : i32
        %dma_start3A_64 = tpu.memref_slice %arg9[%mul3A_62, %dma_start3A_63] : memref<50176x32xf32, #tpu.memory_space<hbm>> -> memref<3136x32xf32, #tpu.memory_space<hbm>>
        %dma_start3A_65 = arith.constant 0 : i32
        %dma_start3A_66 = tpu.memref_slice %arg19[%mul3A_60, %dma_start3A_65] : memref<50176x32xf32, #tpu.memory_space<vmem_shared>> -> memref<3136x32xf32, #tpu.memory_space<vmem_shared>>
        tpu.enqueue_dma source(%dma_start3A_66 : memref<3136x32xf32, #tpu.memory_space<vmem_shared>>) target(%dma_start3A_64 : memref<3136x32xf32, #tpu.memory_space<hbm>>) target_semaphore(%run_scoped3A : memref<!tpu.dma_semaphore, #tpu.memory_space<semaphore_mem>>)
        %dma_wait3A = arith.constant 0 : i32
        %dma_wait3A_67 = tpu.memref_slice %arg9[%mul3A_62, %dma_wait3A] : memref<50176x32xf32, #tpu.memory_space<hbm>> -> memref<3136x32xf32, #tpu.memory_space<hbm>>
        %dma_wait3A_68 = arith.constant 0 : i32
        %dma_wait3A_69 = tpu.memref_slice %arg19[%mul3A_60, %dma_wait3A_68] : memref<50176x32xf32, #tpu.memory_space<vmem_shared>> -> memref<3136x32xf32, #tpu.memory_space<vmem_shared>>
        tpu.wait_dma2 semaphore(%run_scoped3A : memref<!tpu.dma_semaphore, #tpu.memory_space<semaphore_mem>>) src(%dma_wait3A_69 : memref<3136x32xf32, #tpu.memory_space<vmem_shared>>) dst(%dma_wait3A_67 : memref<3136x32xf32, #tpu.memory_space<hbm>>)
        tpu.yield
      }) : () -> ()
    } else {
    }
    %eq3A_54 = arith.constant 1 : i32
    %eq3A_55 = arith.cmpi eq, %arg0, %eq3A_54 : i32
    %convert_element_type3A_56 = arith.extui %eq3A_55 : i1 to i32
    %cond3A_57 = arith.constant 0 : i32
    %cond3A_58 = arith.cmpi ne, %convert_element_type3A_56, %cond3A_57 : i32
    scf.if %cond3A_58 {
      %mul3A_59 = arith.constant 3136 : i32
      %mul3A_60 = arith.muli %arg1, %mul3A_59 : i32
      %mul3A_61 = arith.constant 3136 : i32
      %mul3A_62 = arith.muli %arg1, %mul3A_61 : i32
      "tpu.region"() ({
        %run_scoped3A = tpu.sem_alloc : memref<!tpu.dma_semaphore, #tpu.memory_space<semaphore_mem>>
        %dma_start3A_63 = arith.constant 0 : i32
        %dma_start3A_64 = tpu.memref_slice %arg10[%mul3A_62, %dma_start3A_63] : memref<50176x32xf32, #tpu.memory_space<hbm>> -> memref<3136x32xf32, #tpu.memory_space<hbm>>
        %dma_start3A_65 = arith.constant 0 : i32
        %dma_start3A_66 = tpu.memref_slice %arg19[%mul3A_60, %dma_start3A_65] : memref<50176x32xf32, #tpu.memory_space<vmem_shared>> -> memref<3136x32xf32, #tpu.memory_space<vmem_shared>>
        tpu.enqueue_dma source(%dma_start3A_66 : memref<3136x32xf32, #tpu.memory_space<vmem_shared>>) target(%dma_start3A_64 : memref<3136x32xf32, #tpu.memory_space<hbm>>) target_semaphore(%run_scoped3A : memref<!tpu.dma_semaphore, #tpu.memory_space<semaphore_mem>>)
        %dma_wait3A = arith.constant 0 : i32
        %dma_wait3A_67 = tpu.memref_slice %arg10[%mul3A_62, %dma_wait3A] : memref<50176x32xf32, #tpu.memory_space<hbm>> -> memref<3136x32xf32, #tpu.memory_space<hbm>>
        %dma_wait3A_68 = arith.constant 0 : i32
        %dma_wait3A_69 = tpu.memref_slice %arg19[%mul3A_60, %dma_wait3A_68] : memref<50176x32xf32, #tpu.memory_space<vmem_shared>> -> memref<3136x32xf32, #tpu.memory_space<vmem_shared>>
        tpu.wait_dma2 semaphore(%run_scoped3A : memref<!tpu.dma_semaphore, #tpu.memory_space<semaphore_mem>>) src(%dma_wait3A_69 : memref<3136x32xf32, #tpu.memory_space<vmem_shared>>) dst(%dma_wait3A_67 : memref<3136x32xf32, #tpu.memory_space<hbm>>)
        tpu.yield
      }) : () -> ()
    } else {
    }
    return
  }
}

module attributes {stable_mosaic.version = 14 : i64} {
  func.func @_emb_kernel(%arg0: i32, %arg1: memref<512x1xi32, #tpu.memory_space<vmem>>, %arg2: memref<100x64xf32, #tpu.memory_space<vmem>>, %arg3: memref<64x64xf32, #tpu.memory_space<vmem>>, %arg4: memref<1x64xf32, #tpu.memory_space<vmem>>, %arg5: memref<512x64xf32, #tpu.memory_space<vmem>>, %arg6: memref<512x32xf32, #tpu.memory_space<vmem>>, %arg7: memref<512x32xf32, #tpu.memory_space<vmem>>) attributes {dimension_semantics = [#tpu.dimension_semantics<arbitrary>], iteration_bounds = array<i64: 98>, scalar_prefetch = 0 : i64, scratch_operands = 0 : i64, tpu.core_type = #tpu.core_type<tc>, window_params = [{transform_indices = @transform_0, window_bounds = array<i64: 512, 1>}, {pipeline_mode = #tpu.pipeline_mode<synchronous>, transform_indices = @transform_1, window_bounds = array<i64: 100, 64>}, {pipeline_mode = #tpu.pipeline_mode<synchronous>, transform_indices = @transform_2, window_bounds = array<i64: 64, 64>}, {pipeline_mode = #tpu.pipeline_mode<synchronous>, transform_indices = @transform_3, window_bounds = array<i64: 1, 64>}, {transform_indices = @transform_4, window_bounds = array<i64: 512, 64>}, {transform_indices = @transform_5, window_bounds = array<i64: 512, 32>}, {transform_indices = @transform_6, window_bounds = array<i64: 512, 32>}]} {
    %get3A = arith.constant 0 : index
    %get3A_0 = arith.constant 0 : index
    %get3A_1 = vector.load %arg1[%get3A, %get3A_0] : memref<512x1xi32, #tpu.memory_space<vmem>>, vector<512x1xi32>
    %iota3A = tpu.iota {dimensions = array<i32: 1>} : vector<1x100xi32>
    %eq3A = vector.broadcast %get3A_1 : vector<512x1xi32> to vector<512x100xi32>
    %eq3A_2 = vector.broadcast %iota3A : vector<1x100xi32> to vector<512x100xi32>
    %eq3A_3 = arith.cmpi eq, %eq3A, %eq3A_2 : vector<512x100xi32>
    %convert_element_type3A = arith.extui %eq3A_3 : vector<512x100xi1> to vector<512x100xi32>
    %convert_element_type3A_4 = arith.sitofp %convert_element_type3A : vector<512x100xi32> to vector<512x100xf32>
    %get3A_5 = arith.constant 0 : index
    %get3A_6 = arith.constant 0 : index
    %get3A_7 = vector.load %arg2[%get3A_5, %get3A_6] : memref<100x64xf32, #tpu.memory_space<vmem>>, vector<100x64xf32>
    %dot_general3A = arith.constant dense<0.000000e+00> : vector<512x64xf32>
    %dot_general3A_8 = tpu.matmul %convert_element_type3A_4, %get3A_7, %dot_general3A {dimension_numbers = #tpu.dot_dimension_numbers<[1], [0], [0], [1], [0, 0, 1, 1], [], []>, precision = #tpu.contract_precision<fp32>, transpose_lhs_hint = false} : vector<512x100xf32>, vector<100x64xf32>, vector<512x64xf32> -> vector<512x64xf32>
    %swap3A = arith.constant 0 : index
    %swap3A_9 = arith.constant 0 : index
    %swap3A_10 = vector.load %arg5[%swap3A, %swap3A_9] : memref<512x64xf32, #tpu.memory_space<vmem>>, vector<512x64xf32>
    tpu.vector_store %arg5[%swap3A, %swap3A_9], %dot_general3A_8 {strides = array<i32>} : memref<512x64xf32, #tpu.memory_space<vmem>>, vector<512x64xf32>,
    %get3A_11 = arith.constant 0 : index
    %get3A_12 = arith.constant 0 : index
    %get3A_13 = vector.load %arg3[%get3A_11, %get3A_12] : memref<64x64xf32, #tpu.memory_space<vmem>>, vector<64x64xf32>
    %convert_element_type3A_14 = arith.truncf %dot_general3A_8 : vector<512x64xf32> to vector<512x64xbf16>
    %convert_element_type3A_15 = arith.truncf %get3A_13 : vector<64x64xf32> to vector<64x64xbf16>
    %dot_general3A_16 = arith.constant dense<0.000000e+00> : vector<512x64xf32>
    %dot_general3A_17 = tpu.matmul %convert_element_type3A_14, %convert_element_type3A_15, %dot_general3A_16 {dimension_numbers = #tpu.dot_dimension_numbers<[1], [0], [0], [1], [0, 0, 1, 1], [], []>, transpose_lhs_hint = false} : vector<512x64xbf16>, vector<64x64xbf16>, vector<512x64xf32> -> vector<512x64xf32>
    %get3A_18 = arith.constant 0 : index
    %get3A_19 = arith.constant 0 : index
    %get3A_20 = vector.load %arg4[%get3A_18, %get3A_19] : memref<1x64xf32, #tpu.memory_space<vmem>>, vector<1x64xf32>
    %add3A = vector.broadcast %get3A_20 : vector<1x64xf32> to vector<512x64xf32>
    %add3A_21 = arith.addf %dot_general3A_17, %add3A : vector<512x64xf32>
    %slice3A = vector.extract_strided_slice %add3A_21 {offsets = [0, 0], sizes = [512, 32], strides = [1, 1]} : vector<512x64xf32> to vector<512x32xf32>
    %swap3A_22 = arith.constant 0 : index
    %swap3A_23 = arith.constant 0 : index
    %swap3A_24 = vector.load %arg6[%swap3A_22, %swap3A_23] : memref<512x32xf32, #tpu.memory_space<vmem>>, vector<512x32xf32>
    tpu.vector_store %arg6[%swap3A_22, %swap3A_23], %slice3A {strides = array<i32>} : memref<512x32xf32, #tpu.memory_space<vmem>>, vector<512x32xf32>,
    %slice3A_25 = vector.extract_strided_slice %add3A_21 {offsets = [0, 32], sizes = [512, 32], strides = [1, 1]} : vector<512x64xf32> to vector<512x32xf32>
    %swap3A_26 = arith.constant 0 : index
    %swap3A_27 = arith.constant 0 : index
    %swap3A_28 = vector.load %arg7[%swap3A_26, %swap3A_27] : memref<512x32xf32, #tpu.memory_space<vmem>>, vector<512x32xf32>
    tpu.vector_store %arg7[%swap3A_26, %swap3A_27], %slice3A_25 {strides = array<i32>} : memref<512x32xf32, #tpu.memory_space<vmem>>, vector<512x32xf32>,
    return
  }
  func.func @transform_0(%arg0: i32) -> (i32, i32) {
    %c0_i32 = arith.constant 0 : i32
    %c0_i32_0 = arith.constant 0 : i32
    return %arg0, %c0_i32 : i32, i32
  }
  func.func @transform_1(%arg0: i32) -> (i32, i32) {
    %c0_i32 = arith.constant 0 : i32
    %c0_i32_0 = arith.constant 0 : i32
    %c0_i32_1 = arith.constant 0 : i32
    return %c0_i32, %c0_i32_0 : i32, i32
  }
  func.func @transform_2(%arg0: i32) -> (i32, i32) {
    %c0_i32 = arith.constant 0 : i32
    %c0_i32_0 = arith.constant 0 : i32
    %c0_i32_1 = arith.constant 0 : i32
    return %c0_i32, %c0_i32_0 : i32, i32
  }
  func.func @transform_3(%arg0: i32) -> (i32, i32) {
    %c0_i32 = arith.constant 0 : i32
    %c0_i32_0 = arith.constant 0 : i32
    %c0_i32_1 = arith.constant 0 : i32
    return %c0_i32, %c0_i32_0 : i32, i32
  }
  func.func @transform_4(%arg0: i32) -> (i32, i32) {
    %c0_i32 = arith.constant 0 : i32
    %c0_i32_0 = arith.constant 0 : i32
    return %arg0, %c0_i32 : i32, i32
  }
  func.func @transform_5(%arg0: i32) -> (i32, i32) {
    %c0_i32 = arith.constant 0 : i32
    %c0_i32_0 = arith.constant 0 : i32
    return %arg0, %c0_i32 : i32, i32
  }
  func.func @transform_6(%arg0: i32) -> (i32, i32) {
    %c0_i32 = arith.constant 0 : i32
    %c0_i32_0 = arith.constant 0 : i32
    return %arg0, %c0_i32 : i32, i32
  }
}

module attributes {stable_mosaic.version = 14 : i64} {
  func.func @_g_kernel(%arg0: i32, %arg1: memref<1024xf32, #tpu.memory_space<vmem>>, %arg2: memref<1x50xf32, #tpu.memory_space<vmem>>, %arg3: memref<50x64xf32, #tpu.memory_space<vmem>>, %arg4: memref<1x64xf32, #tpu.memory_space<vmem>>, %arg5: memref<64x64xf32, #tpu.memory_space<vmem>>, %arg6: memref<1x64xf32, #tpu.memory_space<vmem>>, %arg7: memref<50x64xf32, #tpu.memory_space<vmem>>, %arg8: memref<1x64xf32, #tpu.memory_space<vmem>>, %arg9: memref<64x64xf32, #tpu.memory_space<vmem>>, %arg10: memref<1x64xf32, #tpu.memory_space<vmem>>, %arg11: memref<1024x32xf32, #tpu.memory_space<vmem>>, %arg12: memref<1024x32xf32, #tpu.memory_space<vmem>>, %arg13: memref<1024x32xf32, #tpu.memory_space<vmem>>, %arg14: memref<1024x32xf32, #tpu.memory_space<vmem>>) attributes {dimension_semantics = [#tpu.dimension_semantics<arbitrary>], iteration_bounds = array<i64: 800>, scalar_prefetch = 0 : i64, scratch_operands = 0 : i64, tpu.core_type = #tpu.core_type<tc>, window_params = [{transform_indices = @transform_0, window_bounds = array<i64: 1024>}, {pipeline_mode = #tpu.pipeline_mode<synchronous>, transform_indices = @transform_1, window_bounds = array<i64: 1, 50>}, {pipeline_mode = #tpu.pipeline_mode<synchronous>, transform_indices = @transform_2, window_bounds = array<i64: 50, 64>}, {pipeline_mode = #tpu.pipeline_mode<synchronous>, transform_indices = @transform_3, window_bounds = array<i64: 1, 64>}, {pipeline_mode = #tpu.pipeline_mode<synchronous>, transform_indices = @transform_4, window_bounds = array<i64: 64, 64>}, {pipeline_mode = #tpu.pipeline_mode<synchronous>, transform_indices = @transform_5, window_bounds = array<i64: 1, 64>}, {pipeline_mode = #tpu.pipeline_mode<synchronous>, transform_indices = @transform_6, window_bounds = array<i64: 50, 64>}, {pipeline_mode = #tpu.pipeline_mode<synchronous>, transform_indices = @transform_7, window_bounds = array<i64: 1, 64>}, {pipeline_mode = #tpu.pipeline_mode<synchronous>, transform_indices = @transform_8, window_bounds = array<i64: 64, 64>}, {pipeline_mode = #tpu.pipeline_mode<synchronous>, transform_indices = @transform_9, window_bounds = array<i64: 1, 64>}, {transform_indices = @transform_10, window_bounds = array<i64: 1024, 32>}, {transform_indices = @transform_11, window_bounds = array<i64: 1024, 32>}, {transform_indices = @transform_12, window_bounds = array<i64: 1024, 32>}, {transform_indices = @transform_13, window_bounds = array<i64: 1024, 32>}]} {
    %get3A = arith.constant 0 : index
    %get3A_0 = vector.load %arg1[%get3A] : memref<1024xf32, #tpu.memory_space<vmem>>, vector<1024xf32>
    %add3A = arith.constant 9.99999996E-13 : f32
    %add3A_1 = vector.broadcast %add3A : f32 to vector<1024xf32>
    %add3A_2 = arith.addf %get3A_0, %add3A_1 : vector<1024xf32>
    %sqrt3A = math.sqrt %add3A_2 : vector<1024xf32>
    %reshape3A = vector.shape_cast %sqrt3A : vector<1024xf32> to vector<1024x1xf32>
    %get3A_3 = arith.constant 0 : index
    %get3A_4 = arith.constant 0 : index
    %get3A_5 = vector.load %arg2[%get3A_3, %get3A_4] : memref<1x50xf32, #tpu.memory_space<vmem>>, vector<1x50xf32>
    %sub3A = vector.broadcast %reshape3A : vector<1024x1xf32> to vector<1024x50xf32>
    %sub3A_6 = vector.broadcast %get3A_5 : vector<1x50xf32> to vector<1024x50xf32>
    %sub3A_7 = arith.subf %sub3A, %sub3A_6 : vector<1024x50xf32>
    %square3A = arith.mulf %sub3A_7, %sub3A_7 : vector<1024x50xf32>
    %mul3A = arith.constant -1.000000e+01 : f32
    %mul3A_8 = vector.broadcast %mul3A : f32 to vector<1024x50xf32>
    %mul3A_9 = arith.mulf %mul3A_8, %square3A : vector<1024x50xf32>
    %exp3A = math.exp %mul3A_9 : vector<1024x50xf32>
    %get3A_10 = arith.constant 0 : index
    %get3A_11 = arith.constant 0 : index
    %get3A_12 = vector.load %arg3[%get3A_10, %get3A_11] : memref<50x64xf32, #tpu.memory_space<vmem>>, vector<50x64xf32>
    %convert_element_type3A = arith.truncf %exp3A : vector<1024x50xf32> to vector<1024x50xbf16>
    %convert_element_type3A_13 = arith.truncf %get3A_12 : vector<50x64xf32> to vector<50x64xbf16>
    %dot_general3A = arith.constant dense<0.000000e+00> : vector<1024x64xf32>
    %dot_general3A_14 = tpu.matmul %convert_element_type3A, %convert_element_type3A_13, %dot_general3A {dimension_numbers = #tpu.dot_dimension_numbers<[1], [0], [0], [1], [0, 0, 1, 1], [], []>, transpose_lhs_hint = false} : vector<1024x50xbf16>, vector<50x64xbf16>, vector<1024x64xf32> -> vector<1024x64xf32>
    %get3A_15 = arith.constant 0 : index
    %get3A_16 = arith.constant 0 : index
    %get3A_17 = vector.load %arg4[%get3A_15, %get3A_16] : memref<1x64xf32, #tpu.memory_space<vmem>>, vector<1x64xf32>
    %add3A_18 = vector.broadcast %get3A_17 : vector<1x64xf32> to vector<1024x64xf32>
    %add3A_19 = arith.addf %dot_general3A_14, %add3A_18 : vector<1024x64xf32>
    %abs3A = math.absf %add3A_19 : vector<1024x64xf32>
    %neg3A = arith.constant 0.000000e+00 : f32
    %neg3A_20 = vector.broadcast %neg3A : f32 to vector<1024x64xf32>
    %neg3A_21 = arith.subf %neg3A_20, %abs3A : vector<1024x64xf32>
    %exp3A_22 = math.exp %neg3A_21 : vector<1024x64xf32>
    %add3A_23 = arith.constant 1.000000e+00 : f32
    %add3A_24 = vector.broadcast %add3A_23 : f32 to vector<1024x64xf32>
    %add3A_25 = arith.addf %add3A_24, %exp3A_22 : vector<1024x64xf32>
    %log3A = math.log %add3A_25 : vector<1024x64xf32>
    %max3A = arith.constant 0.000000e+00 : f32
    %max3A_26 = vector.broadcast %max3A : f32 to vector<1024x64xf32>
    %max3A_27 = arith.maximumf %add3A_19, %max3A_26 : vector<1024x64xf32>
    %add3A_28 = arith.addf %log3A, %max3A_27 : vector<1024x64xf32>
    %sub3A_29 = arith.constant 0.693147182 : f32
    %sub3A_30 = vector.broadcast %sub3A_29 : f32 to vector<1024x64xf32>
    %sub3A_31 = arith.subf %add3A_28, %sub3A_30 : vector<1024x64xf32>
    %get3A_32 = arith.constant 0 : index
    %get3A_33 = arith.constant 0 : index
    %get3A_34 = vector.load %arg5[%get3A_32, %get3A_33] : memref<64x64xf32, #tpu.memory_space<vmem>>, vector<64x64xf32>
    %convert_element_type3A_35 = arith.truncf %sub3A_31 : vector<1024x64xf32> to vector<1024x64xbf16>
    %convert_element_type3A_36 = arith.truncf %get3A_34 : vector<64x64xf32> to vector<64x64xbf16>
    %dot_general3A_37 = arith.constant dense<0.000000e+00> : vector<1024x64xf32>
    %dot_general3A_38 = tpu.matmul %convert_element_type3A_35, %convert_element_type3A_36, %dot_general3A_37 {dimension_numbers = #tpu.dot_dimension_numbers<[1], [0], [0], [1], [0, 0, 1, 1], [], []>, transpose_lhs_hint = false} : vector<1024x64xbf16>, vector<64x64xbf16>, vector<1024x64xf32> -> vector<1024x64xf32>
    %get3A_39 = arith.constant 0 : index
    %get3A_40 = arith.constant 0 : index
    %get3A_41 = vector.load %arg6[%get3A_39, %get3A_40] : memref<1x64xf32, #tpu.memory_space<vmem>>, vector<1x64xf32>
    %add3A_42 = vector.broadcast %get3A_41 : vector<1x64xf32> to vector<1024x64xf32>
    %add3A_43 = arith.addf %dot_general3A_38, %add3A_42 : vector<1024x64xf32>
    %abs3A_44 = math.absf %add3A_43 : vector<1024x64xf32>
    %neg3A_45 = arith.constant 0.000000e+00 : f32
    %neg3A_46 = vector.broadcast %neg3A_45 : f32 to vector<1024x64xf32>
    %neg3A_47 = arith.subf %neg3A_46, %abs3A_44 : vector<1024x64xf32>
    %exp3A_48 = math.exp %neg3A_47 : vector<1024x64xf32>
    %add3A_49 = arith.constant 1.000000e+00 : f32
    %add3A_50 = vector.broadcast %add3A_49 : f32 to vector<1024x64xf32>
    %add3A_51 = arith.addf %add3A_50, %exp3A_48 : vector<1024x64xf32>
    %log3A_52 = math.log %add3A_51 : vector<1024x64xf32>
    %max3A_53 = arith.constant 0.000000e+00 : f32
    %max3A_54 = vector.broadcast %max3A_53 : f32 to vector<1024x64xf32>
    %max3A_55 = arith.maximumf %add3A_43, %max3A_54 : vector<1024x64xf32>
    %add3A_56 = arith.addf %log3A_52, %max3A_55 : vector<1024x64xf32>
    %sub3A_57 = arith.constant 0.693147182 : f32
    %sub3A_58 = vector.broadcast %sub3A_57 : f32 to vector<1024x64xf32>
    %sub3A_59 = arith.subf %add3A_56, %sub3A_58 : vector<1024x64xf32>
    %get3A_60 = arith.constant 0 : index
    %get3A_61 = arith.constant 0 : index
    %get3A_62 = vector.load %arg7[%get3A_60, %get3A_61] : memref<50x64xf32, #tpu.memory_space<vmem>>, vector<50x64xf32>
    %convert_element_type3A_63 = arith.truncf %exp3A : vector<1024x50xf32> to vector<1024x50xbf16>
    %convert_element_type3A_64 = arith.truncf %get3A_62 : vector<50x64xf32> to vector<50x64xbf16>
    %dot_general3A_65 = arith.constant dense<0.000000e+00> : vector<1024x64xf32>
    %dot_general3A_66 = tpu.matmul %convert_element_type3A_63, %convert_element_type3A_64, %dot_general3A_65 {dimension_numbers = #tpu.dot_dimension_numbers<[1], [0], [0], [1], [0, 0, 1, 1], [], []>, transpose_lhs_hint = false} : vector<1024x50xbf16>, vector<50x64xbf16>, vector<1024x64xf32> -> vector<1024x64xf32>
    %get3A_67 = arith.constant 0 : index
    %get3A_68 = arith.constant 0 : index
    %get3A_69 = vector.load %arg8[%get3A_67, %get3A_68] : memref<1x64xf32, #tpu.memory_space<vmem>>, vector<1x64xf32>
    %add3A_70 = vector.broadcast %get3A_69 : vector<1x64xf32> to vector<1024x64xf32>
    %add3A_71 = arith.addf %dot_general3A_66, %add3A_70 : vector<1024x64xf32>
    %abs3A_72 = math.absf %add3A_71 : vector<1024x64xf32>
    %neg3A_73 = arith.constant 0.000000e+00 : f32
    %neg3A_74 = vector.broadcast %neg3A_73 : f32 to vector<1024x64xf32>
    %neg3A_75 = arith.subf %neg3A_74, %abs3A_72 : vector<1024x64xf32>
    %exp3A_76 = math.exp %neg3A_75 : vector<1024x64xf32>
    %add3A_77 = arith.constant 1.000000e+00 : f32
    %add3A_78 = vector.broadcast %add3A_77 : f32 to vector<1024x64xf32>
    %add3A_79 = arith.addf %add3A_78, %exp3A_76 : vector<1024x64xf32>
    %log3A_80 = math.log %add3A_79 : vector<1024x64xf32>
    %max3A_81 = arith.constant 0.000000e+00 : f32
    %max3A_82 = vector.broadcast %max3A_81 : f32 to vector<1024x64xf32>
    %max3A_83 = arith.maximumf %add3A_71, %max3A_82 : vector<1024x64xf32>
    %add3A_84 = arith.addf %log3A_80, %max3A_83 : vector<1024x64xf32>
    %sub3A_85 = arith.constant 0.693147182 : f32
    %sub3A_86 = vector.broadcast %sub3A_85 : f32 to vector<1024x64xf32>
    %sub3A_87 = arith.subf %add3A_84, %sub3A_86 : vector<1024x64xf32>
    %get3A_88 = arith.constant 0 : index
    %get3A_89 = arith.constant 0 : index
    %get3A_90 = vector.load %arg9[%get3A_88, %get3A_89] : memref<64x64xf32, #tpu.memory_space<vmem>>, vector<64x64xf32>
    %convert_element_type3A_91 = arith.truncf %sub3A_87 : vector<1024x64xf32> to vector<1024x64xbf16>
    %convert_element_type3A_92 = arith.truncf %get3A_90 : vector<64x64xf32> to vector<64x64xbf16>
    %dot_general3A_93 = arith.constant dense<0.000000e+00> : vector<1024x64xf32>
    %dot_general3A_94 = tpu.matmul %convert_element_type3A_91, %convert_element_type3A_92, %dot_general3A_93 {dimension_numbers = #tpu.dot_dimension_numbers<[1], [0], [0], [1], [0, 0, 1, 1], [], []>, transpose_lhs_hint = false} : vector<1024x64xbf16>, vector<64x64xbf16>, vector<1024x64xf32> -> vector<1024x64xf32>
    %get3A_95 = arith.constant 0 : index
    %get3A_96 = arith.constant 0 : index
    %get3A_97 = vector.load %arg10[%get3A_95, %get3A_96] : memref<1x64xf32, #tpu.memory_space<vmem>>, vector<1x64xf32>
    %add3A_98 = vector.broadcast %get3A_97 : vector<1x64xf32> to vector<1024x64xf32>
    %add3A_99 = arith.addf %dot_general3A_94, %add3A_98 : vector<1024x64xf32>
    %abs3A_100 = math.absf %add3A_99 : vector<1024x64xf32>
    %neg3A_101 = arith.constant 0.000000e+00 : f32
    %neg3A_102 = vector.broadcast %neg3A_101 : f32 to vector<1024x64xf32>
    %neg3A_103 = arith.subf %neg3A_102, %abs3A_100 : vector<1024x64xf32>
    %exp3A_104 = math.exp %neg3A_103 : vector<1024x64xf32>
    %add3A_105 = arith.constant 1.000000e+00 : f32
    %add3A_106 = vector.broadcast %add3A_105 : f32 to vector<1024x64xf32>
    %add3A_107 = arith.addf %add3A_106, %exp3A_104 : vector<1024x64xf32>
    %log3A_108 = math.log %add3A_107 : vector<1024x64xf32>
    %max3A_109 = arith.constant 0.000000e+00 : f32
    %max3A_110 = vector.broadcast %max3A_109 : f32 to vector<1024x64xf32>
    %max3A_111 = arith.maximumf %add3A_99, %max3A_110 : vector<1024x64xf32>
    %add3A_112 = arith.addf %log3A_108, %max3A_111 : vector<1024x64xf32>
    %sub3A_113 = arith.constant 0.693147182 : f32
    %sub3A_114 = vector.broadcast %sub3A_113 : f32 to vector<1024x64xf32>
    %sub3A_115 = arith.subf %add3A_112, %sub3A_114 : vector<1024x64xf32>
    %slice3A = vector.extract_strided_slice %sub3A_59 {offsets = [0, 0], sizes = [1024, 32], strides = [1, 1]} : vector<1024x64xf32> to vector<1024x32xf32>
    %swap3A = arith.constant 0 : index
    %swap3A_116 = arith.constant 0 : index
    %swap3A_117 = vector.load %arg11[%swap3A, %swap3A_116] : memref<1024x32xf32, #tpu.memory_space<vmem>>, vector<1024x32xf32>
    tpu.vector_store %arg11[%swap3A, %swap3A_116], %slice3A {strides = array<i32>} : memref<1024x32xf32, #tpu.memory_space<vmem>>, vector<1024x32xf32>,
    %slice3A_118 = vector.extract_strided_slice %sub3A_59 {offsets = [0, 32], sizes = [1024, 32], strides = [1, 1]} : vector<1024x64xf32> to vector<1024x32xf32>
    %swap3A_119 = arith.constant 0 : index
    %swap3A_120 = arith.constant 0 : index
    %swap3A_121 = vector.load %arg12[%swap3A_119, %swap3A_120] : memref<1024x32xf32, #tpu.memory_space<vmem>>, vector<1024x32xf32>
    tpu.vector_store %arg12[%swap3A_119, %swap3A_120], %slice3A_118 {strides = array<i32>} : memref<1024x32xf32, #tpu.memory_space<vmem>>, vector<1024x32xf32>,
    %slice3A_122 = vector.extract_strided_slice %sub3A_115 {offsets = [0, 0], sizes = [1024, 32], strides = [1, 1]} : vector<1024x64xf32> to vector<1024x32xf32>
    %swap3A_123 = arith.constant 0 : index
    %swap3A_124 = arith.constant 0 : index
    %swap3A_125 = vector.load %arg13[%swap3A_123, %swap3A_124] : memref<1024x32xf32, #tpu.memory_space<vmem>>, vector<1024x32xf32>
    tpu.vector_store %arg13[%swap3A_123, %swap3A_124], %slice3A_122 {strides = array<i32>} : memref<1024x32xf32, #tpu.memory_space<vmem>>, vector<1024x32xf32>,
    %slice3A_126 = vector.extract_strided_slice %sub3A_115 {offsets = [0, 32], sizes = [1024, 32], strides = [1, 1]} : vector<1024x64xf32> to vector<1024x32xf32>
    %swap3A_127 = arith.constant 0 : index
    %swap3A_128 = arith.constant 0 : index
    %swap3A_129 = vector.load %arg14[%swap3A_127, %swap3A_128] : memref<1024x32xf32, #tpu.memory_space<vmem>>, vector<1024x32xf32>
    tpu.vector_store %arg14[%swap3A_127, %swap3A_128], %slice3A_126 {strides = array<i32>} : memref<1024x32xf32, #tpu.memory_space<vmem>>, vector<1024x32xf32>,
    return
  }
  func.func @transform_0(%arg0: i32) -> i32 {
    %c0_i32 = arith.constant 0 : i32
    return %arg0 : i32
  }
  func.func @transform_1(%arg0: i32) -> (i32, i32) {
    %c0_i32 = arith.constant 0 : i32
    %c0_i32_0 = arith.constant 0 : i32
    %c0_i32_1 = arith.constant 0 : i32
    return %c0_i32, %c0_i32_0 : i32, i32
  }
  func.func @transform_2(%arg0: i32) -> (i32, i32) {
    %c0_i32 = arith.constant 0 : i32
    %c0_i32_0 = arith.constant 0 : i32
    %c0_i32_1 = arith.constant 0 : i32
    return %c0_i32, %c0_i32_0 : i32, i32
  }
  func.func @transform_3(%arg0: i32) -> (i32, i32) {
    %c0_i32 = arith.constant 0 : i32
    %c0_i32_0 = arith.constant 0 : i32
    %c0_i32_1 = arith.constant 0 : i32
    return %c0_i32, %c0_i32_0 : i32, i32
  }
  func.func @transform_4(%arg0: i32) -> (i32, i32) {
    %c0_i32 = arith.constant 0 : i32
    %c0_i32_0 = arith.constant 0 : i32
    %c0_i32_1 = arith.constant 0 : i32
    return %c0_i32, %c0_i32_0 : i32, i32
  }
  func.func @transform_5(%arg0: i32) -> (i32, i32) {
    %c0_i32 = arith.constant 0 : i32
    %c0_i32_0 = arith.constant 0 : i32
    %c0_i32_1 = arith.constant 0 : i32
    return %c0_i32, %c0_i32_0 : i32, i32
  }
  func.func @transform_6(%arg0: i32) -> (i32, i32) {
    %c0_i32 = arith.constant 0 : i32
    %c0_i32_0 = arith.constant 0 : i32
    %c0_i32_1 = arith.constant 0 : i32
    return %c0_i32, %c0_i32_0 : i32, i32
  }
  func.func @transform_7(%arg0: i32) -> (i32, i32) {
    %c0_i32 = arith.constant 0 : i32
    %c0_i32_0 = arith.constant 0 : i32
    %c0_i32_1 = arith.constant 0 : i32
    return %c0_i32, %c0_i32_0 : i32, i32
  }
  func.func @transform_8(%arg0: i32) -> (i32, i32) {
    %c0_i32 = arith.constant 0 : i32
    %c0_i32_0 = arith.constant 0 : i32
    %c0_i32_1 = arith.constant 0 : i32
    return %c0_i32, %c0_i32_0 : i32, i32
  }
  func.func @transform_9(%arg0: i32) -> (i32, i32) {
    %c0_i32 = arith.constant 0 : i32
    %c0_i32_0 = arith.constant 0 : i32
    %c0_i32_1 = arith.constant 0 : i32
    return %c0_i32, %c0_i32_0 : i32, i32
  }
  func.func @transform_10(%arg0: i32) -> (i32, i32) {
    %c0_i32 = arith.constant 0 : i32
    %c0_i32_0 = arith.constant 0 : i32
    return %arg0, %c0_i32 : i32, i32
  }
  func.func @transform_11(%arg0: i32) -> (i32, i32) {
    %c0_i32 = arith.constant 0 : i32
    %c0_i32_0 = arith.constant 0 : i32
    return %arg0, %c0_i32 : i32, i32
  }
  func.func @transform_12(%arg0: i32) -> (i32, i32) {
    %c0_i32 = arith.constant 0 : i32
    %c0_i32_0 = arith.constant 0 : i32
    return %arg0, %c0_i32 : i32, i32
  }
  func.func @transform_13(%arg0: i32) -> (i32, i32) {
    %c0_i32 = arith.constant 0 : i32
    %c0_i32_0 = arith.constant 0 : i32
    return %arg0, %c0_i32 : i32, i32
  }
}

module attributes {stable_mosaic.version = 14 : i64} {
  func.func @_node_kernel(%arg0: i32, %arg1: memref<512x32xf32, #tpu.memory_space<vmem>>, %arg2: memref<512x32xf32, #tpu.memory_space<vmem>>, %arg3: memref<512x64xf32, #tpu.memory_space<vmem>>, %arg4: memref<64x64xf32, #tpu.memory_space<vmem>>, %arg5: memref<1x64xf32, #tpu.memory_space<vmem>>, %arg6: memref<64x64xf32, #tpu.memory_space<vmem>>, %arg7: memref<1x64xf32, #tpu.memory_space<vmem>>, %arg8: memref<64x64xf32, #tpu.memory_space<vmem>>, %arg9: memref<1x64xf32, #tpu.memory_space<vmem>>, %arg10: memref<512x64xf32, #tpu.memory_space<vmem>>, %arg11: memref<512x32xf32, #tpu.memory_space<vmem>>, %arg12: memref<512x32xf32, #tpu.memory_space<vmem>>) attributes {dimension_semantics = [#tpu.dimension_semantics<arbitrary>], iteration_bounds = array<i64: 98>, scalar_prefetch = 0 : i64, scratch_operands = 0 : i64, tpu.core_type = #tpu.core_type<tc>, window_params = [{transform_indices = @transform_0, window_bounds = array<i64: 512, 32>}, {transform_indices = @transform_1, window_bounds = array<i64: 512, 32>}, {transform_indices = @transform_2, window_bounds = array<i64: 512, 64>}, {pipeline_mode = #tpu.pipeline_mode<synchronous>, transform_indices = @transform_3, window_bounds = array<i64: 64, 64>}, {pipeline_mode = #tpu.pipeline_mode<synchronous>, transform_indices = @transform_4, window_bounds = array<i64: 1, 64>}, {pipeline_mode = #tpu.pipeline_mode<synchronous>, transform_indices = @transform_5, window_bounds = array<i64: 64, 64>}, {pipeline_mode = #tpu.pipeline_mode<synchronous>, transform_indices = @transform_6, window_bounds = array<i64: 1, 64>}, {pipeline_mode = #tpu.pipeline_mode<synchronous>, transform_indices = @transform_7, window_bounds = array<i64: 64, 64>}, {pipeline_mode = #tpu.pipeline_mode<synchronous>, transform_indices = @transform_8, window_bounds = array<i64: 1, 64>}, {transform_indices = @transform_9, window_bounds = array<i64: 512, 64>}, {transform_indices = @transform_10, window_bounds = array<i64: 512, 32>}, {transform_indices = @transform_11, window_bounds = array<i64: 512, 32>}]} {
    %get3A = arith.constant 0 : index
    %get3A_0 = arith.constant 0 : index
    %get3A_1 = vector.load %arg1[%get3A, %get3A_0] : memref<512x32xf32, #tpu.memory_space<vmem>>, vector<512x32xf32>
    %get3A_2 = arith.constant 0 : index
    %get3A_3 = arith.constant 0 : index
    %get3A_4 = vector.load %arg2[%get3A_2, %get3A_3] : memref<512x32xf32, #tpu.memory_space<vmem>>, vector<512x32xf32>
    %concatenate3A = tpu.concatenate %get3A_1, %get3A_4 in 1 : vector<512x32xf32>, vector<512x32xf32> -> vector<512x64xf32>
    %get3A_5 = arith.constant 0 : index
    %get3A_6 = arith.constant 0 : index
    %get3A_7 = vector.load %arg4[%get3A_5, %get3A_6] : memref<64x64xf32, #tpu.memory_space<vmem>>, vector<64x64xf32>
    %convert_element_type3A = arith.truncf %concatenate3A : vector<512x64xf32> to vector<512x64xbf16>
    %convert_element_type3A_8 = arith.truncf %get3A_7 : vector<64x64xf32> to vector<64x64xbf16>
    %dot_general3A = arith.constant dense<0.000000e+00> : vector<512x64xf32>
    %dot_general3A_9 = tpu.matmul %convert_element_type3A, %convert_element_type3A_8, %dot_general3A {dimension_numbers = #tpu.dot_dimension_numbers<[1], [0], [0], [1], [0, 0, 1, 1], [], []>, transpose_lhs_hint = false} : vector<512x64xbf16>, vector<64x64xbf16>, vector<512x64xf32> -> vector<512x64xf32>
    %get3A_10 = arith.constant 0 : index
    %get3A_11 = arith.constant 0 : index
    %get3A_12 = vector.load %arg5[%get3A_10, %get3A_11] : memref<1x64xf32, #tpu.memory_space<vmem>>, vector<1x64xf32>
    %add3A = vector.broadcast %get3A_12 : vector<1x64xf32> to vector<512x64xf32>
    %add3A_13 = arith.addf %dot_general3A_9, %add3A : vector<512x64xf32>
    %abs3A = math.absf %add3A_13 : vector<512x64xf32>
    %neg3A = arith.constant 0.000000e+00 : f32
    %neg3A_14 = vector.broadcast %neg3A : f32 to vector<512x64xf32>
    %neg3A_15 = arith.subf %neg3A_14, %abs3A : vector<512x64xf32>
    %exp3A = math.exp %neg3A_15 : vector<512x64xf32>
    %add3A_16 = arith.constant 1.000000e+00 : f32
    %add3A_17 = vector.broadcast %add3A_16 : f32 to vector<512x64xf32>
    %add3A_18 = arith.addf %add3A_17, %exp3A : vector<512x64xf32>
    %log3A = math.log %add3A_18 : vector<512x64xf32>
    %max3A = arith.constant 0.000000e+00 : f32
    %max3A_19 = vector.broadcast %max3A : f32 to vector<512x64xf32>
    %max3A_20 = arith.maximumf %add3A_13, %max3A_19 : vector<512x64xf32>
    %add3A_21 = arith.addf %log3A, %max3A_20 : vector<512x64xf32>
    %sub3A = arith.constant 0.693147182 : f32
    %sub3A_22 = vector.broadcast %sub3A : f32 to vector<512x64xf32>
    %sub3A_23 = arith.subf %add3A_21, %sub3A_22 : vector<512x64xf32>
    %get3A_24 = arith.constant 0 : index
    %get3A_25 = arith.constant 0 : index
    %get3A_26 = vector.load %arg6[%get3A_24, %get3A_25] : memref<64x64xf32, #tpu.memory_space<vmem>>, vector<64x64xf32>
    %convert_element_type3A_27 = arith.truncf %sub3A_23 : vector<512x64xf32> to vector<512x64xbf16>
    %convert_element_type3A_28 = arith.truncf %get3A_26 : vector<64x64xf32> to vector<64x64xbf16>
    %dot_general3A_29 = arith.constant dense<0.000000e+00> : vector<512x64xf32>
    %dot_general3A_30 = tpu.matmul %convert_element_type3A_27, %convert_element_type3A_28, %dot_general3A_29 {dimension_numbers = #tpu.dot_dimension_numbers<[1], [0], [0], [1], [0, 0, 1, 1], [], []>, transpose_lhs_hint = false} : vector<512x64xbf16>, vector<64x64xbf16>, vector<512x64xf32> -> vector<512x64xf32>
    %get3A_31 = arith.constant 0 : index
    %get3A_32 = arith.constant 0 : index
    %get3A_33 = vector.load %arg7[%get3A_31, %get3A_32] : memref<1x64xf32, #tpu.memory_space<vmem>>, vector<1x64xf32>
    %add3A_34 = vector.broadcast %get3A_33 : vector<1x64xf32> to vector<512x64xf32>
    %add3A_35 = arith.addf %dot_general3A_30, %add3A_34 : vector<512x64xf32>
    %get3A_36 = arith.constant 0 : index
    %get3A_37 = arith.constant 0 : index
    %get3A_38 = vector.load %arg3[%get3A_36, %get3A_37] : memref<512x64xf32, #tpu.memory_space<vmem>>, vector<512x64xf32>
    %add3A_39 = arith.addf %get3A_38, %add3A_35 : vector<512x64xf32>
    %swap3A = arith.constant 0 : index
    %swap3A_40 = arith.constant 0 : index
    %swap3A_41 = vector.load %arg10[%swap3A, %swap3A_40] : memref<512x64xf32, #tpu.memory_space<vmem>>, vector<512x64xf32>
    tpu.vector_store %arg10[%swap3A, %swap3A_40], %add3A_39 {strides = array<i32>} : memref<512x64xf32, #tpu.memory_space<vmem>>, vector<512x64xf32>,
    %get3A_42 = arith.constant 0 : index
    %get3A_43 = arith.constant 0 : index
    %get3A_44 = vector.load %arg8[%get3A_42, %get3A_43] : memref<64x64xf32, #tpu.memory_space<vmem>>, vector<64x64xf32>
    %convert_element_type3A_45 = arith.truncf %add3A_39 : vector<512x64xf32> to vector<512x64xbf16>
    %convert_element_type3A_46 = arith.truncf %get3A_44 : vector<64x64xf32> to vector<64x64xbf16>
    %dot_general3A_47 = arith.constant dense<0.000000e+00> : vector<512x64xf32>
    %dot_general3A_48 = tpu.matmul %convert_element_type3A_45, %convert_element_type3A_46, %dot_general3A_47 {dimension_numbers = #tpu.dot_dimension_numbers<[1], [0], [0], [1], [0, 0, 1, 1], [], []>, transpose_lhs_hint = false} : vector<512x64xbf16>, vector<64x64xbf16>, vector<512x64xf32> -> vector<512x64xf32>
    %get3A_49 = arith.constant 0 : index
    %get3A_50 = arith.constant 0 : index
    %get3A_51 = vector.load %arg9[%get3A_49, %get3A_50] : memref<1x64xf32, #tpu.memory_space<vmem>>, vector<1x64xf32>
    %add3A_52 = vector.broadcast %get3A_51 : vector<1x64xf32> to vector<512x64xf32>
    %add3A_53 = arith.addf %dot_general3A_48, %add3A_52 : vector<512x64xf32>
    %slice3A = vector.extract_strided_slice %add3A_53 {offsets = [0, 0], sizes = [512, 32], strides = [1, 1]} : vector<512x64xf32> to vector<512x32xf32>
    %swap3A_54 = arith.constant 0 : index
    %swap3A_55 = arith.constant 0 : index
    %swap3A_56 = vector.load %arg11[%swap3A_54, %swap3A_55] : memref<512x32xf32, #tpu.memory_space<vmem>>, vector<512x32xf32>
    tpu.vector_store %arg11[%swap3A_54, %swap3A_55], %slice3A {strides = array<i32>} : memref<512x32xf32, #tpu.memory_space<vmem>>, vector<512x32xf32>,
    %slice3A_57 = vector.extract_strided_slice %add3A_53 {offsets = [0, 32], sizes = [512, 32], strides = [1, 1]} : vector<512x64xf32> to vector<512x32xf32>
    %swap3A_58 = arith.constant 0 : index
    %swap3A_59 = arith.constant 0 : index
    %swap3A_60 = vector.load %arg12[%swap3A_58, %swap3A_59] : memref<512x32xf32, #tpu.memory_space<vmem>>, vector<512x32xf32>
    tpu.vector_store %arg12[%swap3A_58, %swap3A_59], %slice3A_57 {strides = array<i32>} : memref<512x32xf32, #tpu.memory_space<vmem>>, vector<512x32xf32>,
    return
  }
  func.func @transform_0(%arg0: i32) -> (i32, i32) {
    %c0_i32 = arith.constant 0 : i32
    %c0_i32_0 = arith.constant 0 : i32
    return %arg0, %c0_i32 : i32, i32
  }
  func.func @transform_1(%arg0: i32) -> (i32, i32) {
    %c0_i32 = arith.constant 0 : i32
    %c0_i32_0 = arith.constant 0 : i32
    return %arg0, %c0_i32 : i32, i32
  }
  func.func @transform_2(%arg0: i32) -> (i32, i32) {
    %c0_i32 = arith.constant 0 : i32
    %c0_i32_0 = arith.constant 0 : i32
    return %arg0, %c0_i32 : i32, i32
  }
  func.func @transform_3(%arg0: i32) -> (i32, i32) {
    %c0_i32 = arith.constant 0 : i32
    %c0_i32_0 = arith.constant 0 : i32
    %c0_i32_1 = arith.constant 0 : i32
    return %c0_i32, %c0_i32_0 : i32, i32
  }
  func.func @transform_4(%arg0: i32) -> (i32, i32) {
    %c0_i32 = arith.constant 0 : i32
    %c0_i32_0 = arith.constant 0 : i32
    %c0_i32_1 = arith.constant 0 : i32
    return %c0_i32, %c0_i32_0 : i32, i32
  }
  func.func @transform_5(%arg0: i32) -> (i32, i32) {
    %c0_i32 = arith.constant 0 : i32
    %c0_i32_0 = arith.constant 0 : i32
    %c0_i32_1 = arith.constant 0 : i32
    return %c0_i32, %c0_i32_0 : i32, i32
  }
  func.func @transform_6(%arg0: i32) -> (i32, i32) {
    %c0_i32 = arith.constant 0 : i32
    %c0_i32_0 = arith.constant 0 : i32
    %c0_i32_1 = arith.constant 0 : i32
    return %c0_i32, %c0_i32_0 : i32, i32
  }
  func.func @transform_7(%arg0: i32) -> (i32, i32) {
    %c0_i32 = arith.constant 0 : i32
    %c0_i32_0 = arith.constant 0 : i32
    %c0_i32_1 = arith.constant 0 : i32
    return %c0_i32, %c0_i32_0 : i32, i32
  }
  func.func @transform_8(%arg0: i32) -> (i32, i32) {
    %c0_i32 = arith.constant 0 : i32
    %c0_i32_0 = arith.constant 0 : i32
    %c0_i32_1 = arith.constant 0 : i32
    return %c0_i32, %c0_i32_0 : i32, i32
  }
  func.func @transform_9(%arg0: i32) -> (i32, i32) {
    %c0_i32 = arith.constant 0 : i32
    %c0_i32_0 = arith.constant 0 : i32
    return %arg0, %c0_i32 : i32, i32
  }
  func.func @transform_10(%arg0: i32) -> (i32, i32) {
    %c0_i32 = arith.constant 0 : i32
    %c0_i32_0 = arith.constant 0 : i32
    return %arg0, %c0_i32 : i32, i32
  }
  func.func @transform_11(%arg0: i32) -> (i32, i32) {
    %c0_i32 = arith.constant 0 : i32
    %c0_i32_0 = arith.constant 0 : i32
    return %arg0, %c0_i32 : i32, i32
  }
}

module attributes {stable_mosaic.version = 14 : i64} {
  func.func @_post_kernel(%arg0: i32, %arg1: memref<512x32xf32, #tpu.memory_space<vmem>>, %arg2: memref<512x32xf32, #tpu.memory_space<vmem>>, %arg3: memref<512x64xf32, #tpu.memory_space<vmem>>, %arg4: memref<64x64xf32, #tpu.memory_space<vmem>>, %arg5: memref<1x64xf32, #tpu.memory_space<vmem>>, %arg6: memref<64x64xf32, #tpu.memory_space<vmem>>, %arg7: memref<1x64xf32, #tpu.memory_space<vmem>>, %arg8: memref<64x64xf32, #tpu.memory_space<vmem>>, %arg9: memref<1x64xf32, #tpu.memory_space<vmem>>, %arg10: memref<64x64xf32, #tpu.memory_space<vmem>>, %arg11: memref<1x64xf32, #tpu.memory_space<vmem>>, %arg12: memref<512x64xf32, #tpu.memory_space<vmem>>) attributes {dimension_semantics = [#tpu.dimension_semantics<arbitrary>], iteration_bounds = array<i64: 98>, scalar_prefetch = 0 : i64, scratch_operands = 0 : i64, tpu.core_type = #tpu.core_type<tc>, window_params = [{transform_indices = @transform_0, window_bounds = array<i64: 512, 32>}, {transform_indices = @transform_1, window_bounds = array<i64: 512, 32>}, {transform_indices = @transform_2, window_bounds = array<i64: 512, 64>}, {pipeline_mode = #tpu.pipeline_mode<synchronous>, transform_indices = @transform_3, window_bounds = array<i64: 64, 64>}, {pipeline_mode = #tpu.pipeline_mode<synchronous>, transform_indices = @transform_4, window_bounds = array<i64: 1, 64>}, {pipeline_mode = #tpu.pipeline_mode<synchronous>, transform_indices = @transform_5, window_bounds = array<i64: 64, 64>}, {pipeline_mode = #tpu.pipeline_mode<synchronous>, transform_indices = @transform_6, window_bounds = array<i64: 1, 64>}, {pipeline_mode = #tpu.pipeline_mode<synchronous>, transform_indices = @transform_7, window_bounds = array<i64: 64, 64>}, {pipeline_mode = #tpu.pipeline_mode<synchronous>, transform_indices = @transform_8, window_bounds = array<i64: 1, 64>}, {pipeline_mode = #tpu.pipeline_mode<synchronous>, transform_indices = @transform_9, window_bounds = array<i64: 64, 64>}, {pipeline_mode = #tpu.pipeline_mode<synchronous>, transform_indices = @transform_10, window_bounds = array<i64: 1, 64>}, {transform_indices = @transform_11, window_bounds = array<i64: 512, 64>}]} {
    %get3A = arith.constant 0 : index
    %get3A_0 = arith.constant 0 : index
    %get3A_1 = vector.load %arg1[%get3A, %get3A_0] : memref<512x32xf32, #tpu.memory_space<vmem>>, vector<512x32xf32>
    %get3A_2 = arith.constant 0 : index
    %get3A_3 = arith.constant 0 : index
    %get3A_4 = vector.load %arg2[%get3A_2, %get3A_3] : memref<512x32xf32, #tpu.memory_space<vmem>>, vector<512x32xf32>
    %concatenate3A = tpu.concatenate %get3A_1, %get3A_4 in 1 : vector<512x32xf32>, vector<512x32xf32> -> vector<512x64xf32>
    %get3A_5 = arith.constant 0 : index
    %get3A_6 = arith.constant 0 : index
    %get3A_7 = vector.load %arg4[%get3A_5, %get3A_6] : memref<64x64xf32, #tpu.memory_space<vmem>>, vector<64x64xf32>
    %convert_element_type3A = arith.truncf %concatenate3A : vector<512x64xf32> to vector<512x64xbf16>
    %convert_element_type3A_8 = arith.truncf %get3A_7 : vector<64x64xf32> to vector<64x64xbf16>
    %dot_general3A = arith.constant dense<0.000000e+00> : vector<512x64xf32>
    %dot_general3A_9 = tpu.matmul %convert_element_type3A, %convert_element_type3A_8, %dot_general3A {dimension_numbers = #tpu.dot_dimension_numbers<[1], [0], [0], [1], [0, 0, 1, 1], [], []>, transpose_lhs_hint = false} : vector<512x64xbf16>, vector<64x64xbf16>, vector<512x64xf32> -> vector<512x64xf32>
    %get3A_10 = arith.constant 0 : index
    %get3A_11 = arith.constant 0 : index
    %get3A_12 = vector.load %arg5[%get3A_10, %get3A_11] : memref<1x64xf32, #tpu.memory_space<vmem>>, vector<1x64xf32>
    %add3A = vector.broadcast %get3A_12 : vector<1x64xf32> to vector<512x64xf32>
    %add3A_13 = arith.addf %dot_general3A_9, %add3A : vector<512x64xf32>
    %abs3A = math.absf %add3A_13 : vector<512x64xf32>
    %neg3A = arith.constant 0.000000e+00 : f32
    %neg3A_14 = vector.broadcast %neg3A : f32 to vector<512x64xf32>
    %neg3A_15 = arith.subf %neg3A_14, %abs3A : vector<512x64xf32>
    %exp3A = math.exp %neg3A_15 : vector<512x64xf32>
    %add3A_16 = arith.constant 1.000000e+00 : f32
    %add3A_17 = vector.broadcast %add3A_16 : f32 to vector<512x64xf32>
    %add3A_18 = arith.addf %add3A_17, %exp3A : vector<512x64xf32>
    %log3A = math.log %add3A_18 : vector<512x64xf32>
    %max3A = arith.constant 0.000000e+00 : f32
    %max3A_19 = vector.broadcast %max3A : f32 to vector<512x64xf32>
    %max3A_20 = arith.maximumf %add3A_13, %max3A_19 : vector<512x64xf32>
    %add3A_21 = arith.addf %log3A, %max3A_20 : vector<512x64xf32>
    %sub3A = arith.constant 0.693147182 : f32
    %sub3A_22 = vector.broadcast %sub3A : f32 to vector<512x64xf32>
    %sub3A_23 = arith.subf %add3A_21, %sub3A_22 : vector<512x64xf32>
    %get3A_24 = arith.constant 0 : index
    %get3A_25 = arith.constant 0 : index
    %get3A_26 = vector.load %arg6[%get3A_24, %get3A_25] : memref<64x64xf32, #tpu.memory_space<vmem>>, vector<64x64xf32>
    %convert_element_type3A_27 = arith.truncf %sub3A_23 : vector<512x64xf32> to vector<512x64xbf16>
    %convert_element_type3A_28 = arith.truncf %get3A_26 : vector<64x64xf32> to vector<64x64xbf16>
    %dot_general3A_29 = arith.constant dense<0.000000e+00> : vector<512x64xf32>
    %dot_general3A_30 = tpu.matmul %convert_element_type3A_27, %convert_element_type3A_28, %dot_general3A_29 {dimension_numbers = #tpu.dot_dimension_numbers<[1], [0], [0], [1], [0, 0, 1, 1], [], []>, transpose_lhs_hint = false} : vector<512x64xbf16>, vector<64x64xbf16>, vector<512x64xf32> -> vector<512x64xf32>
    %get3A_31 = arith.constant 0 : index
    %get3A_32 = arith.constant 0 : index
    %get3A_33 = vector.load %arg7[%get3A_31, %get3A_32] : memref<1x64xf32, #tpu.memory_space<vmem>>, vector<1x64xf32>
    %add3A_34 = vector.broadcast %get3A_33 : vector<1x64xf32> to vector<512x64xf32>
    %add3A_35 = arith.addf %dot_general3A_30, %add3A_34 : vector<512x64xf32>
    %get3A_36 = arith.constant 0 : index
    %get3A_37 = arith.constant 0 : index
    %get3A_38 = vector.load %arg3[%get3A_36, %get3A_37] : memref<512x64xf32, #tpu.memory_space<vmem>>, vector<512x64xf32>
    %add3A_39 = arith.addf %get3A_38, %add3A_35 : vector<512x64xf32>
    %get3A_40 = arith.constant 0 : index
    %get3A_41 = arith.constant 0 : index
    %get3A_42 = vector.load %arg8[%get3A_40, %get3A_41] : memref<64x64xf32, #tpu.memory_space<vmem>>, vector<64x64xf32>
    %convert_element_type3A_43 = arith.truncf %add3A_39 : vector<512x64xf32> to vector<512x64xbf16>
    %convert_element_type3A_44 = arith.truncf %get3A_42 : vector<64x64xf32> to vector<64x64xbf16>
    %dot_general3A_45 = arith.constant dense<0.000000e+00> : vector<512x64xf32>
    %dot_general3A_46 = tpu.matmul %convert_element_type3A_43, %convert_element_type3A_44, %dot_general3A_45 {dimension_numbers = #tpu.dot_dimension_numbers<[1], [0], [0], [1], [0, 0, 1, 1], [], []>, transpose_lhs_hint = false} : vector<512x64xbf16>, vector<64x64xbf16>, vector<512x64xf32> -> vector<512x64xf32>
    %get3A_47 = arith.constant 0 : index
    %get3A_48 = arith.constant 0 : index
    %get3A_49 = vector.load %arg9[%get3A_47, %get3A_48] : memref<1x64xf32, #tpu.memory_space<vmem>>, vector<1x64xf32>
    %add3A_50 = vector.broadcast %get3A_49 : vector<1x64xf32> to vector<512x64xf32>
    %add3A_51 = arith.addf %dot_general3A_46, %add3A_50 : vector<512x64xf32>
    %abs3A_52 = math.absf %add3A_51 : vector<512x64xf32>
    %neg3A_53 = arith.constant 0.000000e+00 : f32
    %neg3A_54 = vector.broadcast %neg3A_53 : f32 to vector<512x64xf32>
    %neg3A_55 = arith.subf %neg3A_54, %abs3A_52 : vector<512x64xf32>
    %exp3A_56 = math.exp %neg3A_55 : vector<512x64xf32>
    %add3A_57 = arith.constant 1.000000e+00 : f32
    %add3A_58 = vector.broadcast %add3A_57 : f32 to vector<512x64xf32>
    %add3A_59 = arith.addf %add3A_58, %exp3A_56 : vector<512x64xf32>
    %log3A_60 = math.log %add3A_59 : vector<512x64xf32>
    %max3A_61 = arith.constant 0.000000e+00 : f32
    %max3A_62 = vector.broadcast %max3A_61 : f32 to vector<512x64xf32>
    %max3A_63 = arith.maximumf %add3A_51, %max3A_62 : vector<512x64xf32>
    %add3A_64 = arith.addf %log3A_60, %max3A_63 : vector<512x64xf32>
    %sub3A_65 = arith.constant 0.693147182 : f32
    %sub3A_66 = vector.broadcast %sub3A_65 : f32 to vector<512x64xf32>
    %sub3A_67 = arith.subf %add3A_64, %sub3A_66 : vector<512x64xf32>
    %get3A_68 = arith.constant 0 : index
    %get3A_69 = arith.constant 0 : index
    %get3A_70 = vector.load %arg10[%get3A_68, %get3A_69] : memref<64x64xf32, #tpu.memory_space<vmem>>, vector<64x64xf32>
    %convert_element_type3A_71 = arith.truncf %sub3A_67 : vector<512x64xf32> to vector<512x64xbf16>
    %convert_element_type3A_72 = arith.truncf %get3A_70 : vector<64x64xf32> to vector<64x64xbf16>
    %dot_general3A_73 = arith.constant dense<0.000000e+00> : vector<512x64xf32>
    %dot_general3A_74 = tpu.matmul %convert_element_type3A_71, %convert_element_type3A_72, %dot_general3A_73 {dimension_numbers = #tpu.dot_dimension_numbers<[1], [0], [0], [1], [0, 0, 1, 1], [], []>, transpose_lhs_hint = false} : vector<512x64xbf16>, vector<64x64xbf16>, vector<512x64xf32> -> vector<512x64xf32>
    %get3A_75 = arith.constant 0 : index
    %get3A_76 = arith.constant 0 : index
    %get3A_77 = vector.load %arg11[%get3A_75, %get3A_76] : memref<1x64xf32, #tpu.memory_space<vmem>>, vector<1x64xf32>
    %add3A_78 = vector.broadcast %get3A_77 : vector<1x64xf32> to vector<512x64xf32>
    %add3A_79 = arith.addf %dot_general3A_74, %add3A_78 : vector<512x64xf32>
    %swap3A = arith.constant 0 : index
    %swap3A_80 = arith.constant 0 : index
    %swap3A_81 = vector.load %arg12[%swap3A, %swap3A_80] : memref<512x64xf32, #tpu.memory_space<vmem>>, vector<512x64xf32>
    tpu.vector_store %arg12[%swap3A, %swap3A_80], %add3A_79 {strides = array<i32>} : memref<512x64xf32, #tpu.memory_space<vmem>>, vector<512x64xf32>,
    return
  }
  func.func @transform_0(%arg0: i32) -> (i32, i32) {
    %c0_i32 = arith.constant 0 : i32
    %c0_i32_0 = arith.constant 0 : i32
    return %arg0, %c0_i32 : i32, i32
  }
  func.func @transform_1(%arg0: i32) -> (i32, i32) {
    %c0_i32 = arith.constant 0 : i32
    %c0_i32_0 = arith.constant 0 : i32
    return %arg0, %c0_i32 : i32, i32
  }
  func.func @transform_2(%arg0: i32) -> (i32, i32) {
    %c0_i32 = arith.constant 0 : i32
    %c0_i32_0 = arith.constant 0 : i32
    return %arg0, %c0_i32 : i32, i32
  }
  func.func @transform_3(%arg0: i32) -> (i32, i32) {
    %c0_i32 = arith.constant 0 : i32
    %c0_i32_0 = arith.constant 0 : i32
    %c0_i32_1 = arith.constant 0 : i32
    return %c0_i32, %c0_i32_0 : i32, i32
  }
  func.func @transform_4(%arg0: i32) -> (i32, i32) {
    %c0_i32 = arith.constant 0 : i32
    %c0_i32_0 = arith.constant 0 : i32
    %c0_i32_1 = arith.constant 0 : i32
    return %c0_i32, %c0_i32_0 : i32, i32
  }
  func.func @transform_5(%arg0: i32) -> (i32, i32) {
    %c0_i32 = arith.constant 0 : i32
    %c0_i32_0 = arith.constant 0 : i32
    %c0_i32_1 = arith.constant 0 : i32
    return %c0_i32, %c0_i32_0 : i32, i32
  }
  func.func @transform_6(%arg0: i32) -> (i32, i32) {
    %c0_i32 = arith.constant 0 : i32
    %c0_i32_0 = arith.constant 0 : i32
    %c0_i32_1 = arith.constant 0 : i32
    return %c0_i32, %c0_i32_0 : i32, i32
  }
  func.func @transform_7(%arg0: i32) -> (i32, i32) {
    %c0_i32 = arith.constant 0 : i32
    %c0_i32_0 = arith.constant 0 : i32
    %c0_i32_1 = arith.constant 0 : i32
    return %c0_i32, %c0_i32_0 : i32, i32
  }
  func.func @transform_8(%arg0: i32) -> (i32, i32) {
    %c0_i32 = arith.constant 0 : i32
    %c0_i32_0 = arith.constant 0 : i32
    %c0_i32_1 = arith.constant 0 : i32
    return %c0_i32, %c0_i32_0 : i32, i32
  }
  func.func @transform_9(%arg0: i32) -> (i32, i32) {
    %c0_i32 = arith.constant 0 : i32
    %c0_i32_0 = arith.constant 0 : i32
    %c0_i32_1 = arith.constant 0 : i32
    return %c0_i32, %c0_i32_0 : i32, i32
  }
  func.func @transform_10(%arg0: i32) -> (i32, i32) {
    %c0_i32 = arith.constant 0 : i32
    %c0_i32_0 = arith.constant 0 : i32
    %c0_i32_1 = arith.constant 0 : i32
    return %c0_i32, %c0_i32_0 : i32, i32
  }
  func.func @transform_11(%arg0: i32) -> (i32, i32) {
    %c0_i32 = arith.constant 0 : i32
    %c0_i32_0 = arith.constant 0 : i32
    return %arg0, %c0_i32 : i32, i32
  }
}

module attributes {stable_mosaic.version = 14 : i64} {
  func.func @_head_kernel(%arg0: i32, %arg1: memref<512x64xf32, #tpu.memory_space<vmem>>, %arg2: memref<1x512xi32, #tpu.memory_space<vmem>>, %arg3: memref<512x1xi32, #tpu.memory_space<vmem>>, %arg4: memref<4x64xf32, #tpu.memory_space<vmem>>, %arg5: memref<64x64xf32, #tpu.memory_space<vmem>>, %arg6: memref<1x64xf32, #tpu.memory_space<vmem>>, %arg7: memref<64x32xf32, #tpu.memory_space<vmem>>, %arg8: memref<1x32xf32, #tpu.memory_space<vmem>>, %arg9: memref<64x128xf32, #tpu.memory_space<vmem>>, %arg10: memref<32x128xf32, #tpu.memory_space<vmem>>, %arg11: memref<1x128xf32, #tpu.memory_space<vmem>>, %arg12: memref<128x32xf32, #tpu.memory_space<vmem>>, %arg13: memref<1x32xf32, #tpu.memory_space<vmem>>, %arg14: memref<32x1xf32, #tpu.memory_space<vmem>>, %arg15: memref<1x1xf32, #tpu.memory_space<vmem>>, %arg16: memref<512x1xf32, #tpu.memory_space<vmem>>, %arg17: memref<512x64xf32, #tpu.memory_space<vmem>>, %arg18: memref<512x1xf32, #tpu.memory_space<vmem>>) attributes {dimension_semantics = [#tpu.dimension_semantics<arbitrary>], iteration_bounds = array<i64: 98>, scalar_prefetch = 0 : i64, scratch_operands = 2 : i64, tpu.core_type = #tpu.core_type<tc>, window_params = [{transform_indices = @transform_0, window_bounds = array<i64: 512, 64>}, {transform_indices = @transform_1, window_bounds = array<i64: 1, 512>}, {pipeline_mode = #tpu.pipeline_mode<synchronous>, transform_indices = @transform_2, window_bounds = array<i64: 512, 1>}, {pipeline_mode = #tpu.pipeline_mode<synchronous>, transform_indices = @transform_3, window_bounds = array<i64: 4, 64>}, {pipeline_mode = #tpu.pipeline_mode<synchronous>, transform_indices = @transform_4, window_bounds = array<i64: 64, 64>}, {pipeline_mode = #tpu.pipeline_mode<synchronous>, transform_indices = @transform_5, window_bounds = array<i64: 1, 64>}, {pipeline_mode = #tpu.pipeline_mode<synchronous>, transform_indices = @transform_6, window_bounds = array<i64: 64, 32>}, {pipeline_mode = #tpu.pipeline_mode<synchronous>, transform_indices = @transform_7, window_bounds = array<i64: 1, 32>}, {pipeline_mode = #tpu.pipeline_mode<synchronous>, transform_indices = @transform_8, window_bounds = array<i64: 64, 128>}, {pipeline_mode = #tpu.pipeline_mode<synchronous>, transform_indices = @transform_9, window_bounds = array<i64: 32, 128>}, {pipeline_mode = #tpu.pipeline_mode<synchronous>, transform_indices = @transform_10, window_bounds = array<i64: 1, 128>}, {pipeline_mode = #tpu.pipeline_mode<synchronous>, transform_indices = @transform_11, window_bounds = array<i64: 128, 32>}, {pipeline_mode = #tpu.pipeline_mode<synchronous>, transform_indices = @transform_12, window_bounds = array<i64: 1, 32>}, {pipeline_mode = #tpu.pipeline_mode<synchronous>, transform_indices = @transform_13, window_bounds = array<i64: 32, 1>}, {pipeline_mode = #tpu.pipeline_mode<synchronous>, transform_indices = @transform_14, window_bounds = array<i64: 1, 1>}, {pipeline_mode = #tpu.pipeline_mode<synchronous>, transform_indices = @transform_15, window_bounds = array<i64: 512, 1>}]} {
    %eq3A = arith.constant 0 : i32
    %eq3A_0 = arith.cmpi eq, %arg0, %eq3A : i32
    %convert_element_type3A = arith.extui %eq3A_0 : i1 to i32
    %cond3A = arith.constant 0 : i32
    %cond3A_1 = arith.cmpi ne, %convert_element_type3A, %cond3A : i32
    scf.if %cond3A_1 {
      %broadcast_in_dim3A_31 = arith.constant 0.000000e+00 : f32
      %broadcast_in_dim3A_32 = vector.broadcast %broadcast_in_dim3A_31 : f32 to vector<512x64xf32>
      %swap3A_33 = arith.constant 0 : index
      %swap3A_34 = arith.constant 0 : index
      %swap3A_35 = vector.load %arg17[%swap3A_33, %swap3A_34] : memref<512x64xf32, #tpu.memory_space<vmem>>, vector<512x64xf32>
      tpu.vector_store %arg17[%swap3A_33, %swap3A_34], %broadcast_in_dim3A_32 {strides = array<i32>} : memref<512x64xf32, #tpu.memory_space<vmem>>, vector<512x64xf32>,
      %broadcast_in_dim3A_36 = arith.constant 0.000000e+00 : f32
      %broadcast_in_dim3A_37 = vector.broadcast %broadcast_in_dim3A_36 : f32 to vector<512x1xf32>
      %swap3A_38 = arith.constant 0 : index
      %swap3A_39 = arith.constant 0 : index
      %swap3A_40 = vector.load %arg18[%swap3A_38, %swap3A_39] : memref<512x1xf32, #tpu.memory_space<vmem>>, vector<512x1xf32>
      tpu.vector_store %arg18[%swap3A_38, %swap3A_39], %broadcast_in_dim3A_37 {strides = array<i32>} : memref<512x1xf32, #tpu.memory_space<vmem>>, vector<512x1xf32>,
    } else {
    }
    %iota3A = tpu.iota {dimensions = array<i32: 0>} : vector<512x1xi32>
    %get3A = arith.constant 0 : index
    %get3A_2 = arith.constant 0 : index
    %get3A_3 = vector.load %arg2[%get3A, %get3A_2] : memref<1x512xi32, #tpu.memory_space<vmem>>, vector<1x512xi32>
    %eq3A_4 = vector.broadcast %iota3A : vector<512x1xi32> to vector<512x512xi32>
    %eq3A_5 = vector.broadcast %get3A_3 : vector<1x512xi32> to vector<512x512xi32>
    %eq3A_6 = arith.cmpi eq, %eq3A_4, %eq3A_5 : vector<512x512xi32>
    %convert_element_type3A_7 = arith.extui %eq3A_6 : vector<512x512xi1> to vector<512x512xi32>
    %convert_element_type3A_8 = arith.sitofp %convert_element_type3A_7 : vector<512x512xi32> to vector<512x512xf32>
    %get3A_9 = arith.constant 0 : index
    %get3A_10 = arith.constant 0 : index
    %get3A_11 = vector.load %arg17[%get3A_9, %get3A_10] : memref<512x64xf32, #tpu.memory_space<vmem>>, vector<512x64xf32>
    %get3A_12 = arith.constant 0 : index
    %get3A_13 = arith.constant 0 : index
    %get3A_14 = vector.load %arg1[%get3A_12, %get3A_13] : memref<512x64xf32, #tpu.memory_space<vmem>>, vector<512x64xf32>
    %dot_general3A = arith.constant dense<0.000000e+00> : vector<512x64xf32>
    %dot_general3A_15 = tpu.matmul %convert_element_type3A_8, %get3A_14, %dot_general3A {dimension_numbers = #tpu.dot_dimension_numbers<[1], [0], [0], [1], [0, 0, 1, 1], [], []>, precision = #tpu.contract_precision<fp32>, transpose_lhs_hint = false} : vector<512x512xf32>, vector<512x64xf32>, vector<512x64xf32> -> vector<512x64xf32>
    %add3A = arith.addf %get3A_11, %dot_general3A_15 : vector<512x64xf32>
    %swap3A = arith.constant 0 : index
    %swap3A_16 = arith.constant 0 : index
    %swap3A_17 = vector.load %arg17[%swap3A, %swap3A_16] : memref<512x64xf32, #tpu.memory_space<vmem>>, vector<512x64xf32>
    tpu.vector_store %arg17[%swap3A, %swap3A_16], %add3A {strides = array<i32>} : memref<512x64xf32, #tpu.memory_space<vmem>>, vector<512x64xf32>,
    %get3A_18 = arith.constant 0 : index
    %get3A_19 = arith.constant 0 : index
    %get3A_20 = vector.load %arg18[%get3A_18, %get3A_19] : memref<512x1xf32, #tpu.memory_space<vmem>>, vector<512x1xf32>
    %reduce_sum3A = arith.constant dense<0.000000e+00> : vector<512xf32>
    %reduce_sum3A_21 = vector.multi_reduction <add>, %convert_element_type3A_8, %reduce_sum3A [1] : vector<512x512xf32> to vector<512xf32>
    %broadcast_in_dim3A = vector.shape_cast %reduce_sum3A_21 : vector<512xf32> to vector<512x1xf32>
    %add3A_22 = arith.addf %get3A_20, %broadcast_in_dim3A : vector<512x1xf32>
    %swap3A_23 = arith.constant 0 : index
    %swap3A_24 = arith.constant 0 : index
    %swap3A_25 = vector.load %arg18[%swap3A_23, %swap3A_24] : memref<512x1xf32, #tpu.memory_space<vmem>>, vector<512x1xf32>
    tpu.vector_store %arg18[%swap3A_23, %swap3A_24], %add3A_22 {strides = array<i32>} : memref<512x1xf32, #tpu.memory_space<vmem>>, vector<512x1xf32>,
    %eq3A_26 = arith.constant 97 : i32
    %eq3A_27 = arith.cmpi eq, %arg0, %eq3A_26 : i32
    %convert_element_type3A_28 = arith.extui %eq3A_27 : i1 to i32
    %cond3A_29 = arith.constant 0 : i32
    %cond3A_30 = arith.cmpi ne, %convert_element_type3A_28, %cond3A_29 : i32
    scf.if %cond3A_30 {
      %get3A_31 = arith.constant 0 : index
      %get3A_32 = arith.constant 0 : index
      %get3A_33 = vector.load %arg17[%get3A_31, %get3A_32] : memref<512x64xf32, #tpu.memory_space<vmem>>, vector<512x64xf32>
      %get3A_34 = arith.constant 0 : index
      %get3A_35 = arith.constant 0 : index
      %get3A_36 = vector.load %arg18[%get3A_34, %get3A_35] : memref<512x1xf32, #tpu.memory_space<vmem>>, vector<512x1xf32>
      %max3A = arith.constant 1.000000e+00 : f32
      %max3A_37 = vector.broadcast %max3A : f32 to vector<512x1xf32>
      %max3A_38 = arith.maximumf %get3A_36, %max3A_37 : vector<512x1xf32>
      %div3A = vector.broadcast %max3A_38 : vector<512x1xf32> to vector<512x64xf32>
      %div3A_39 = arith.divf %get3A_33, %div3A : vector<512x64xf32>
      %get3A_40 = arith.constant 0 : index
      %get3A_41 = arith.constant 0 : index
      %get3A_42 = vector.load %arg3[%get3A_40, %get3A_41] : memref<512x1xi32, #tpu.memory_space<vmem>>, vector<512x1xi32>
      %iota3A_43 = tpu.iota {dimensions = array<i32: 1>} : vector<1x4xi32>
      %eq3A_44 = vector.broadcast %get3A_42 : vector<512x1xi32> to vector<512x4xi32>
      %eq3A_45 = vector.broadcast %iota3A_43 : vector<1x4xi32> to vector<512x4xi32>
      %eq3A_46 = arith.cmpi eq, %eq3A_44, %eq3A_45 : vector<512x4xi32>
      %convert_element_type3A_47 = arith.extui %eq3A_46 : vector<512x4xi1> to vector<512x4xi32>
      %convert_element_type3A_48 = arith.sitofp %convert_element_type3A_47 : vector<512x4xi32> to vector<512x4xf32>
      %get3A_49 = arith.constant 0 : index
      %get3A_50 = arith.constant 0 : index
      %get3A_51 = vector.load %arg4[%get3A_49, %get3A_50] : memref<4x64xf32, #tpu.memory_space<vmem>>, vector<4x64xf32>
      %dot_general3A_52 = arith.constant dense<0.000000e+00> : vector<512x64xf32>
      %dot_general3A_53 = tpu.matmul %convert_element_type3A_48, %get3A_51, %dot_general3A_52 {dimension_numbers = #tpu.dot_dimension_numbers<[1], [0], [0], [1], [0, 0, 1, 1], [], []>, precision = #tpu.contract_precision<fp32>, transpose_lhs_hint = false} : vector<512x4xf32>, vector<4x64xf32>, vector<512x64xf32> -> vector<512x64xf32>
      %get3A_54 = arith.constant 0 : index
      %get3A_55 = arith.constant 0 : index
      %get3A_56 = vector.load %arg5[%get3A_54, %get3A_55] : memref<64x64xf32, #tpu.memory_space<vmem>>, vector<64x64xf32>
      %convert_element_type3A_57 = arith.truncf %dot_general3A_53 : vector<512x64xf32> to vector<512x64xbf16>
      %convert_element_type3A_58 = arith.truncf %get3A_56 : vector<64x64xf32> to vector<64x64xbf16>
      %dot_general3A_59 = arith.constant dense<0.000000e+00> : vector<512x64xf32>
      %dot_general3A_60 = tpu.matmul %convert_element_type3A_57, %convert_element_type3A_58, %dot_general3A_59 {dimension_numbers = #tpu.dot_dimension_numbers<[1], [0], [0], [1], [0, 0, 1, 1], [], []>, transpose_lhs_hint = false} : vector<512x64xbf16>, vector<64x64xbf16>, vector<512x64xf32> -> vector<512x64xf32>
      %get3A_61 = arith.constant 0 : index
      %get3A_62 = arith.constant 0 : index
      %get3A_63 = vector.load %arg6[%get3A_61, %get3A_62] : memref<1x64xf32, #tpu.memory_space<vmem>>, vector<1x64xf32>
      %add3A_64 = vector.broadcast %get3A_63 : vector<1x64xf32> to vector<512x64xf32>
      %add3A_65 = arith.addf %dot_general3A_60, %add3A_64 : vector<512x64xf32>
      %abs3A = math.absf %add3A_65 : vector<512x64xf32>
      %neg3A = arith.constant 0.000000e+00 : f32
      %neg3A_66 = vector.broadcast %neg3A : f32 to vector<512x64xf32>
      %neg3A_67 = arith.subf %neg3A_66, %abs3A : vector<512x64xf32>
      %exp3A = math.exp %neg3A_67 : vector<512x64xf32>
      %add3A_68 = arith.constant 1.000000e+00 : f32
      %add3A_69 = vector.broadcast %add3A_68 : f32 to vector<512x64xf32>
      %add3A_70 = arith.addf %add3A_69, %exp3A : vector<512x64xf32>
      %log3A = math.log %add3A_70 : vector<512x64xf32>
      %max3A_71 = arith.constant 0.000000e+00 : f32
      %max3A_72 = vector.broadcast %max3A_71 : f32 to vector<512x64xf32>
      %max3A_73 = arith.maximumf %add3A_65, %max3A_72 : vector<512x64xf32>
      %add3A_74 = arith.addf %log3A, %max3A_73 : vector<512x64xf32>
      %sub3A = arith.constant 0.693147182 : f32
      %sub3A_75 = vector.broadcast %sub3A : f32 to vector<512x64xf32>
      %sub3A_76 = arith.subf %add3A_74, %sub3A_75 : vector<512x64xf32>
      %get3A_77 = arith.constant 0 : index
      %get3A_78 = arith.constant 0 : index
      %get3A_79 = vector.load %arg7[%get3A_77, %get3A_78] : memref<64x32xf32, #tpu.memory_space<vmem>>, vector<64x32xf32>
      %convert_element_type3A_80 = arith.truncf %sub3A_76 : vector<512x64xf32> to vector<512x64xbf16>
      %convert_element_type3A_81 = arith.truncf %get3A_79 : vector<64x32xf32> to vector<64x32xbf16>
      %dot_general3A_82 = arith.constant dense<0.000000e+00> : vector<512x32xf32>
      %dot_general3A_83 = tpu.matmul %convert_element_type3A_80, %convert_element_type3A_81, %dot_general3A_82 {dimension_numbers = #tpu.dot_dimension_numbers<[1], [0], [0], [1], [0, 0, 1, 1], [], []>, transpose_lhs_hint = false} : vector<512x64xbf16>, vector<64x32xbf16>, vector<512x32xf32> -> vector<512x32xf32>
      %get3A_84 = arith.constant 0 : index
      %get3A_85 = arith.constant 0 : index
      %get3A_86 = vector.load %arg8[%get3A_84, %get3A_85] : memref<1x32xf32, #tpu.memory_space<vmem>>, vector<1x32xf32>
      %add3A_87 = vector.broadcast %get3A_86 : vector<1x32xf32> to vector<512x32xf32>
      %add3A_88 = arith.addf %dot_general3A_83, %add3A_87 : vector<512x32xf32>
      %get3A_89 = arith.constant 0 : index
      %get3A_90 = arith.constant 0 : index
      %get3A_91 = vector.load %arg9[%get3A_89, %get3A_90] : memref<64x128xf32, #tpu.memory_space<vmem>>, vector<64x128xf32>
      %convert_element_type3A_92 = arith.truncf %div3A_39 : vector<512x64xf32> to vector<512x64xbf16>
      %convert_element_type3A_93 = arith.truncf %get3A_91 : vector<64x128xf32> to vector<64x128xbf16>
      %dot_general3A_94 = arith.constant dense<0.000000e+00> : vector<512x128xf32>
      %dot_general3A_95 = tpu.matmul %convert_element_type3A_92, %convert_element_type3A_93, %dot_general3A_94 {dimension_numbers = #tpu.dot_dimension_numbers<[1], [0], [0], [1], [0, 0, 1, 1], [], []>, transpose_lhs_hint = false} : vector<512x64xbf16>, vector<64x128xbf16>, vector<512x128xf32> -> vector<512x128xf32>
      %get3A_96 = arith.constant 0 : index
      %get3A_97 = arith.constant 0 : index
      %get3A_98 = vector.load %arg10[%get3A_96, %get3A_97] : memref<32x128xf32, #tpu.memory_space<vmem>>, vector<32x128xf32>
      %convert_element_type3A_99 = arith.truncf %add3A_88 : vector<512x32xf32> to vector<512x32xbf16>
      %convert_element_type3A_100 = arith.truncf %get3A_98 : vector<32x128xf32> to vector<32x128xbf16>
      %dot_general3A_101 = arith.constant dense<0.000000e+00> : vector<512x128xf32>
      %dot_general3A_102 = tpu.matmul %convert_element_type3A_99, %convert_element_type3A_100, %dot_general3A_101 {dimension_numbers = #tpu.dot_dimension_numbers<[1], [0], [0], [1], [0, 0, 1, 1], [], []>, transpose_lhs_hint = false} : vector<512x32xbf16>, vector<32x128xbf16>, vector<512x128xf32> -> vector<512x128xf32>
      %add3A_103 = arith.addf %dot_general3A_95, %dot_general3A_102 : vector<512x128xf32>
      %get3A_104 = arith.constant 0 : index
      %get3A_105 = arith.constant 0 : index
      %get3A_106 = vector.load %arg11[%get3A_104, %get3A_105] : memref<1x128xf32, #tpu.memory_space<vmem>>, vector<1x128xf32>
      %add3A_107 = vector.broadcast %get3A_106 : vector<1x128xf32> to vector<512x128xf32>
      %add3A_108 = arith.addf %add3A_103, %add3A_107 : vector<512x128xf32>
      %abs3A_109 = math.absf %add3A_108 : vector<512x128xf32>
      %neg3A_110 = arith.constant 0.000000e+00 : f32
      %neg3A_111 = vector.broadcast %neg3A_110 : f32 to vector<512x128xf32>
      %neg3A_112 = arith.subf %neg3A_111, %abs3A_109 : vector<512x128xf32>
      %exp3A_113 = math.exp %neg3A_112 : vector<512x128xf32>
      %add3A_114 = arith.constant 1.000000e+00 : f32
      %add3A_115 = vector.broadcast %add3A_114 : f32 to vector<512x128xf32>
      %add3A_116 = arith.addf %add3A_115, %exp3A_113 : vector<512x128xf32>
      %log3A_117 = math.log %add3A_116 : vector<512x128xf32>
      %max3A_118 = arith.constant 0.000000e+00 : f32
      %max3A_119 = vector.broadcast %max3A_118 : f32 to vector<512x128xf32>
      %max3A_120 = arith.maximumf %add3A_108, %max3A_119 : vector<512x128xf32>
      %add3A_121 = arith.addf %log3A_117, %max3A_120 : vector<512x128xf32>
      %sub3A_122 = arith.constant 0.693147182 : f32
      %sub3A_123 = vector.broadcast %sub3A_122 : f32 to vector<512x128xf32>
      %sub3A_124 = arith.subf %add3A_121, %sub3A_123 : vector<512x128xf32>
      %get3A_125 = arith.constant 0 : index
      %get3A_126 = arith.constant 0 : index
      %get3A_127 = vector.load %arg12[%get3A_125, %get3A_126] : memref<128x32xf32, #tpu.memory_space<vmem>>, vector<128x32xf32>
      %convert_element_type3A_128 = arith.truncf %sub3A_124 : vector<512x128xf32> to vector<512x128xbf16>
      %convert_element_type3A_129 = arith.truncf %get3A_127 : vector<128x32xf32> to vector<128x32xbf16>
      %dot_general3A_130 = arith.constant dense<0.000000e+00> : vector<512x32xf32>
      %dot_general3A_131 = tpu.matmul %convert_element_type3A_128, %convert_element_type3A_129, %dot_general3A_130 {dimension_numbers = #tpu.dot_dimension_numbers<[1], [0], [0], [1], [0, 0, 1, 1], [], []>, transpose_lhs_hint = false} : vector<512x128xbf16>, vector<128x32xbf16>, vector<512x32xf32> -> vector<512x32xf32>
      %get3A_132 = arith.constant 0 : index
      %get3A_133 = arith.constant 0 : index
      %get3A_134 = vector.load %arg13[%get3A_132, %get3A_133] : memref<1x32xf32, #tpu.memory_space<vmem>>, vector<1x32xf32>
      %add3A_135 = vector.broadcast %get3A_134 : vector<1x32xf32> to vector<512x32xf32>
      %add3A_136 = arith.addf %dot_general3A_131, %add3A_135 : vector<512x32xf32>
      %abs3A_137 = math.absf %add3A_136 : vector<512x32xf32>
      %neg3A_138 = arith.constant 0.000000e+00 : f32
      %neg3A_139 = vector.broadcast %neg3A_138 : f32 to vector<512x32xf32>
      %neg3A_140 = arith.subf %neg3A_139, %abs3A_137 : vector<512x32xf32>
      %exp3A_141 = math.exp %neg3A_140 : vector<512x32xf32>
      %add3A_142 = arith.constant 1.000000e+00 : f32
      %add3A_143 = vector.broadcast %add3A_142 : f32 to vector<512x32xf32>
      %add3A_144 = arith.addf %add3A_143, %exp3A_141 : vector<512x32xf32>
      %log3A_145 = math.log %add3A_144 : vector<512x32xf32>
      %max3A_146 = arith.constant 0.000000e+00 : f32
      %max3A_147 = vector.broadcast %max3A_146 : f32 to vector<512x32xf32>
      %max3A_148 = arith.maximumf %add3A_136, %max3A_147 : vector<512x32xf32>
      %add3A_149 = arith.addf %log3A_145, %max3A_148 : vector<512x32xf32>
      %sub3A_150 = arith.constant 0.693147182 : f32
      %sub3A_151 = vector.broadcast %sub3A_150 : f32 to vector<512x32xf32>
      %sub3A_152 = arith.subf %add3A_149, %sub3A_151 : vector<512x32xf32>
      %get3A_153 = arith.constant 0 : index
      %get3A_154 = arith.constant 0 : index
      %get3A_155 = vector.load %arg14[%get3A_153, %get3A_154] : memref<32x1xf32, #tpu.memory_space<vmem>>, vector<32x1xf32>
      %convert_element_type3A_156 = arith.truncf %sub3A_152 : vector<512x32xf32> to vector<512x32xbf16>
      %convert_element_type3A_157 = arith.truncf %get3A_155 : vector<32x1xf32> to vector<32x1xbf16>
      %dot_general3A_158 = arith.constant dense<0.000000e+00> : vector<512x1xf32>
      %dot_general3A_159 = tpu.matmul %convert_element_type3A_156, %convert_element_type3A_157, %dot_general3A_158 {dimension_numbers = #tpu.dot_dimension_numbers<[1], [0], [0], [1], [0, 0, 1, 1], [], []>, transpose_lhs_hint = false} : vector<512x32xbf16>, vector<32x1xbf16>, vector<512x1xf32> -> vector<512x1xf32>
      %get3A_160 = arith.constant 0 : index
      %get3A_161 = arith.constant 0 : index
      %get3A_162 = vector.load %arg15[%get3A_160, %get3A_161] : memref<1x1xf32, #tpu.memory_space<vmem>>, vector<1x1xf32>
      %add3A_163 = vector.broadcast %get3A_162 : vector<1x1xf32> to vector<512x1xf32>
      %add3A_164 = arith.addf %dot_general3A_159, %add3A_163 : vector<512x1xf32>
      %swap3A_165 = arith.constant 0 : index
      %swap3A_166 = arith.constant 0 : index
      %swap3A_167 = vector.load %arg16[%swap3A_165, %swap3A_166] : memref<512x1xf32, #tpu.memory_space<vmem>>, vector<512x1xf32>
      tpu.vector_store %arg16[%swap3A_165, %swap3A_166], %add3A_164 {strides = array<i32>} : memref<512x1xf32, #tpu.memory_space<vmem>>, vector<512x1xf32>,
    } else {
    }
    return
  }
  func.func @transform_0(%arg0: i32) -> (i32, i32) {
    %c0_i32 = arith.constant 0 : i32
    %c0_i32_0 = arith.constant 0 : i32
    return %arg0, %c0_i32 : i32, i32
  }
  func.func @transform_1(%arg0: i32) -> (i32, i32) {
    %c0_i32 = arith.constant 0 : i32
    %c0_i32_0 = arith.constant 0 : i32
    return %c0_i32, %arg0 : i32, i32
  }
  func.func @transform_2(%arg0: i32) -> (i32, i32) {
    %c0_i32 = arith.constant 0 : i32
    %c0_i32_0 = arith.constant 0 : i32
    %c0_i32_1 = arith.constant 0 : i32
    return %c0_i32, %c0_i32_0 : i32, i32
  }
  func.func @transform_3(%arg0: i32) -> (i32, i32) {
    %c0_i32 = arith.constant 0 : i32
    %c0_i32_0 = arith.constant 0 : i32
    %c0_i32_1 = arith.constant 0 : i32
    return %c0_i32, %c0_i32_0 : i32, i32
  }
  func.func @transform_4(%arg0: i32) -> (i32, i32) {
    %c0_i32 = arith.constant 0 : i32
    %c0_i32_0 = arith.constant 0 : i32
    %c0_i32_1 = arith.constant 0 : i32
    return %c0_i32, %c0_i32_0 : i32, i32
  }
  func.func @transform_5(%arg0: i32) -> (i32, i32) {
    %c0_i32 = arith.constant 0 : i32
    %c0_i32_0 = arith.constant 0 : i32
    %c0_i32_1 = arith.constant 0 : i32
    return %c0_i32, %c0_i32_0 : i32, i32
  }
  func.func @transform_6(%arg0: i32) -> (i32, i32) {
    %c0_i32 = arith.constant 0 : i32
    %c0_i32_0 = arith.constant 0 : i32
    %c0_i32_1 = arith.constant 0 : i32
    return %c0_i32, %c0_i32_0 : i32, i32
  }
  func.func @transform_7(%arg0: i32) -> (i32, i32) {
    %c0_i32 = arith.constant 0 : i32
    %c0_i32_0 = arith.constant 0 : i32
    %c0_i32_1 = arith.constant 0 : i32
    return %c0_i32, %c0_i32_0 : i32, i32
  }
  func.func @transform_8(%arg0: i32) -> (i32, i32) {
    %c0_i32 = arith.constant 0 : i32
    %c0_i32_0 = arith.constant 0 : i32
    %c0_i32_1 = arith.constant 0 : i32
    return %c0_i32, %c0_i32_0 : i32, i32
  }
  func.func @transform_9(%arg0: i32) -> (i32, i32) {
    %c0_i32 = arith.constant 0 : i32
    %c0_i32_0 = arith.constant 0 : i32
    %c0_i32_1 = arith.constant 0 : i32
    return %c0_i32, %c0_i32_0 : i32, i32
  }
  func.func @transform_10(%arg0: i32) -> (i32, i32) {
    %c0_i32 = arith.constant 0 : i32
    %c0_i32_0 = arith.constant 0 : i32
    %c0_i32_1 = arith.constant 0 : i32
    return %c0_i32, %c0_i32_0 : i32, i32
  }
  func.func @transform_11(%arg0: i32) -> (i32, i32) {
    %c0_i32 = arith.constant 0 : i32
    %c0_i32_0 = arith.constant 0 : i32
    %c0_i32_1 = arith.constant 0 : i32
    return %c0_i32, %c0_i32_0 : i32, i32
  }
  func.func @transform_12(%arg0: i32) -> (i32, i32) {
    %c0_i32 = arith.constant 0 : i32
    %c0_i32_0 = arith.constant 0 : i32
    %c0_i32_1 = arith.constant 0 : i32
    return %c0_i32, %c0_i32_0 : i32, i32
  }
  func.func @transform_13(%arg0: i32) -> (i32, i32) {
    %c0_i32 = arith.constant 0 : i32
    %c0_i32_0 = arith.constant 0 : i32
    %c0_i32_1 = arith.constant 0 : i32
    return %c0_i32, %c0_i32_0 : i32, i32
  }
  func.func @transform_14(%arg0: i32) -> (i32, i32) {
    %c0_i32 = arith.constant 0 : i32
    %c0_i32_0 = arith.constant 0 : i32
    %c0_i32_1 = arith.constant 0 : i32
    return %c0_i32, %c0_i32_0 : i32, i32
  }
  func.func @transform_15(%arg0: i32) -> (i32, i32) {
    %c0_i32 = arith.constant 0 : i32
    %c0_i32_0 = arith.constant 0 : i32
    %c0_i32_1 = arith.constant 0 : i32
    return %c0_i32, %c0_i32_0 : i32, i32
  }
}

</mosaic_0001>

<sc_bundles>
// kernel: kernel.10.cloned.1.call-start
scs
__scs_entry_jumppad:
0x0: {  	(pc) =	sbr.rel $0x88, $3  }
0x1: {  	(tag) =	ssettag $0x0;
	lr =	simm.s32 $0x1  }
0x2: {  	[smem:$0x3F78] =	sst lr;
	_ =	strace $0xD0000000  }
0x3: {  	_ = 	snop  }
0x4: {  	_ = 	snop  }
0x5: {  	_ = 	snop  }
0x6: {  	_ = 	snop  }
0x7: {  	_ = 	snop  }
__scs_overlays_trampoline_lowered:
0x8: {  	[smem:$0x3F87] =	sst s0  }
0x9: {  	[smem:$0x3F88] =	sst s1  }
0xa: {  	[smem:$0x3F89] =	sst s2  }
0xb: {  	[smem:$0x3F8A] =	sst s3  }
0xc: {  	[smem:$0x3F8B] =	sst s4  }
0xd: {  	[smem:$0x3F8C] =	sst s5  }
0xe: {  	[smem:$0x3F8D] =	sst s6  }
0xf: {  	[smem:$0x3F8E] =	sst s7  }
0x10: {  	[smem:$0x3F8F] =	sst s8  }
0x11: {  	[smem:$0x3F90] =	sst s9;
	s0 =	simm.s32 @!p0 $0x0  }
0x12: {  	s1 =	sld [smem:$0x3F76];
	s0 =	simm.s32 @p0 $0x1  }
0x13: {  	[smem:$0x3F91] =	sst s0;
	s0 =	simm.s32 @!p1 $0x0  }
0x14: {  	s2 =	sld [smem:$0x3F75];
	s0 =	simm.s32 @p1 $0x1  }
0x15: {  	[smem:$0x3F92] =	sst s0;
	s0 =	simm.s32 @!p2 $0x0  }
0x16: {  	s3 =	sld [smem:$0x3FDB];
	s0 =	simm.s32 @p2 $0x1  }
0x17: {  	s4 =	simm.s32 $0x1BF5;
	[smem:$0x3F94] =	sst s0  }
0x18: {  	s0 =	sld [smem:$0x3F77];
	_ =	swait.ge [sflag:s4], $0x0  }
0x19: {  	s7 =	sld [smem:$0x3F78]  }
0x1a: {  	s8 =	sadd.s32 $0xFFFFE003, lr  }
0x1b: {  	s9 =	sadd.s32 $0xFFFFFEF7, lr;
	s5 =	simm.s32 $0xFFFFFFFF;
	p2 =	slt.u32 s8, $0xFFFFF086  }
0x1c: {  	p1 =	slt.u32 s9, $0xF7A;
	s5 =	simm.s32 @!p2 $0x0  }
0x1d: {  	s5 =	simm.s32 @p1 $0x1;
	p0 =	seq.s32 s7, s2  }
0x1e: {  	s7 =	smul.u32 @!p0 $0xF7A, s2;
	p2 =	seq.s32 @!p0 s5, $0x0  }
0x1f: {  	s9 =	smul.u32 $0xF7A, s1;
	s8 =	simm.s32 @!p0 $0x1BF5;
	p2 =	por !p2, p0  }
0x20: {  	[sflag:s8] =	ssyncset.s32 @!p0 $0xFFFFF086;
	s6 =	sadd.s32 @!p0 s3, s7;
	s7 =	simm.s32 @!p0 $0x108  }
0x21: {  	s3 =	sadd.s32 s3, s9;
	s6 =	sadd.s32 @!p0 $0x88, s6;
	s7 =	simm.s32 @p2 $0x1082  }
0x22: {  	[simem:s7], [sflag:s8] =	dma.local @!p0 [hbm:s6], $0xF7A  }
0x23: {  	s9 =	sor.u32 $0xD0000000, s2;
	s6 =	simm.s32 $0x108;
	_ =	swait.ge @!p0 [sflag:s8], $0x0  }
0x24: {  	s3 =	sadd.s32 $0x88, s3;
	s6 =	simm.s32 @!p1 $0x1082;
	[sflag:s4] =	ssyncset.s32 $0xFFFFF086  }
0x25: {  	[simem:s6], [sflag:s4] =	dma.local [hbm:s3], $0xF7A  }
0x26: {  	[smem:$0x3F78] =	sst s1;
	(tag) =	ssettag s2;
	_ =	strace s9  }
0x27: {  	s1 =	sld [smem:$0x3F88]  }
0x28: {  	s2 =	sld [smem:$0x3F89]  }
0x29: {  	s4 =	sld [smem:$0x3F8B]  }
0x2a: {  	p0 =	seq.s32 s5, $0x0;
	s5 =	sld [smem:$0x3F8C]  }
0x2b: {  	s6 =	sld [smem:$0x3F8D]  }
0x2c: {  	s7 =	sld [smem:$0x3F8E]  }
0x2d: {  	s3 =	simm.s32 $0x108;
	s8 =	sld [smem:$0x3F8F]  }
0x2e: {  	s3 =	simm.s32 @!p0 $0x1082;
	s9 =	sld [smem:$0x3F90]  }
0x2f: {  	lr =	sadd.s32 s0, s3;
	s0 =	sld [smem:$0x3F87]  }
0x30: {  	s3 =	sld [smem:$0x3F8A]  }
0x31: {  	[smem:$0x3F93] =	sst s10  }
0x32: {  	s10 =	sld [smem:$0x3F91];
	_ =	sdelay $0x3  }
0x33: {  	p0 =	seq.s32 s10, $0x1;
	s10 =	sld [smem:$0x3F93];
	_ =	sdelay $0x3  }
0x34: {  	[smem:$0x3F93] =	sst s10  }
0x35: {  	s10 =	sld [smem:$0x3F92];
	_ =	sdelay $0x3  }
0x36: {  	p1 =	seq.s32 s10, $0x1;
	s10 =	sld [smem:$0x3F93];
	_ =	sdelay $0x3  }
0x37: {  	[smem:$0x3F93] =	sst s10  }
0x38: {  	s10 =	sld [smem:$0x3F94]  }
0x39: {  	_ = 	snop;
	(pc) =	sbr.ind lr, $3  }
0x3a: {  	_ = 	snop  }
0x3b: {  	_ = 	snop  }
0x3c: {  	p2 =	seq.s32 s10, $0x1;
	s10 =	sld [smem:$0x3F93]  }
0x3d: {  	_ =	shalt  }
0x3e: {  	_ =	shalt  }
0x3f: {  	_ =	shalt  }
0x40: {  	_ =	shalt  }
0x41: {  	_ =	shalt  }
0x42: {  	_ =	shalt  }
0x43: {  	_ =	shalt  }
0x44: {  	_ =	shalt  }
0x45: {  	_ =	shalt  }
0x46: {  	_ =	shalt  }
0x47: {  	_ =	shalt  }
0x48: {  	_ =	shalt  }
0x49: {  	_ =	shalt  }
0x4a: {  	_ =	shalt  }
0x4b: {  	_ =	shalt  }
0x4c: {  	_ =	shalt  }
0x4d: {  	_ =	shalt  }
0x4e: {  	_ =	shalt  }
0x4f: {  	_ =	shalt  }
0x50: {  	_ =	shalt  }
0x51: {  	_ =	shalt  }
0x52: {  	_ =	shalt  }
0x53: {  	_ =	shalt  }
0x54: {  	_ =	shalt  }
0x55: {  	_ =	shalt  }
0x56: {  	_ =	shalt  }
0x57: {  	_ =	shalt  }
0x58: {  	_ =	shalt  }
0x59: {  	_ =	shalt  }
0x5a: {  	_ =	shalt  }
0x5b: {  	_ =	shalt  }
0x5c: {  	_ =	shalt  }
0x5d: {  	_ =	shalt  }
0x5e: {  	_ =	shalt  }
0x5f: {  	_ =	shalt  }
0x60: {  	_ =	shalt  }
0x61: {  	_ =	shalt  }
0x62: {  	_ =	shalt  }
0x63: {  	_ =	shalt  }
0x64: {  	_ =	shalt  }
0x65: {  	_ =	shalt  }
0x66: {  	_ =	shalt  }
0x67: {  	_ =	shalt  }
0x68: {  	_ =	shalt  }
0x69: {  	_ =	shalt  }
0x6a: {  	_ =	shalt  }
0x6b: {  	_ =	shalt  }
0x6c: {  	_ =	shalt  }
0x6d: {  	_ =	shalt  }
0x6e: {  	_ =	shalt  }
0x6f: {  	_ =	shalt  }
0x70: {  	_ =	shalt  }
0x71: {  	_ =	shalt  }
0x72: {  	_ =	shalt  }
0x73: {  	_ =	shalt  }
0x74: {  	_ =	shalt  }
0x75: {  	_ =	shalt  }
0x76: {  	_ =	shalt  }
0x77: {  	_ =	shalt  }
0x78: {  	_ =	shalt  }
0x79: {  	_ =	shalt  }
0x7a: {  	_ =	shalt  }
0x7b: {  	_ =	shalt  }
0x7c: {  	_ =	shalt  }
0x7d: {  	_ =	shalt  }
0x7e: {  	_ =	shalt  }
0x7f: {  	_ =	shalt  }
0x80: {  	_ =	shalt  }
0x81: {  	_ =	shalt  }
0x82: {  	_ =	shalt  }
0x83: {  	_ =	shalt  }
0x84: {  	_ =	shalt  }
0x85: {  	_ =	shalt  }
0x86: {  	_ =	shalt  }
0x87: {  	_ =	shalt  }
.Lfunc_end0:
.L_simem_size_0:
called_computation_lowered:
.L_overlay_start_0:
0x88: {  	s2 =	sld [smem:$0x3FD9]  }
0x89: {  	s3 =	sld [smem:$0x3FFE];
	_ =	sdelay $0x1  }
0x8a: {  	s1 =	srdreg.scid  }
0x8b: {  	s0 =	sand.u32 $0x1, s1  }
0x8c: {  	s16 =	sshll.u32 s0, $0xA;
	s2 =	sadd.s32 s3, s2  }
0x8d: {  	s2 =	sadd.s32 s2, s16  }
0x8e: {  	[smem:$0x3F9F] =	sst s2  }
0x8f: {  	_ = 	snop  }
0x90: {  	(tm) =	ssettm $0x1  }
0x91: {  	s17 =	sld [smem:$0x3FFB];
	_ =	sdelay $0x3  }
0x92: {  	_ =	strace s17  }
0x93: {  	s2 =	sld [smem:$0x3FFC];
	_ =	sdelay $0x3  }
0x94: {  	_ =	strace s2  }
0x95: {  	s2 =	sld [smem:$0x3FFD];
	_ =	sdelay $0x3  }
0x96: {  	_ =	strace s2  }
0x97: {  	_ =	strace $0x8FFFFFFF  }
0x98: {  	s18 =	sld [smem:$0x3FDB];
	_ =	sdelay $0x1  }
0x99: {  	s19 =	simm.s32 $_scs_section_size  }
0x9a: {  	s4 =	simm.s32 $_size__tile_overlayer_lowered;
	s5 =	simm.s32 $_tile_overlayer_lowered  }
0x9b: {  	s22 =	simm.s32 $0x1BFF;
	s21 =	sshll.u32 s5, $0x1;
	s2 =	sadd.s32 s19, s18  }
0x9c: {  	s6 =	simm.s32 $0x0;
	s20 =	sshll.u32 s4, $0x1;
	s4 =	sadd.s32 s21, s2  }
0x9d: {  	[timem:s6], [sflag:s22] =	dma.local [hbm:s4], s20  }
0x9e: {  	_ =	swait.ge [sflag:s22], s20  }
0x9f: {  	s3 =	ssub.s32 $0x0, s20;
	[sflag:s22] =	ssyncset.done $0x0  }
0xa0: {  	[sflag:s22] =	ssyncadd.s32 s3;
	_ =	sdelay $0x1  }
0xa1: {  	s23 =	simm.s32 $0x1B8B  }
0xa2: {  	_ =	swait.ge [sflag:s23], $0x1  }
0xa3: {  	[sflag:s23] =	ssyncset.done $0x0  }
0xa4: {  	s25 =	simm.s32 $0x1B8E;
	s24 =	sld [smem:$0x3FFE];
	[sflag:s23] =	ssyncadd.s32 $0xFFFFFFFF  }
0xa5: {  	s26 =	simm.s32 $execute0_lowered;
	[smem:$0x3FD2] =	sst s25  }
0xa6: {  	s4 =	sshll.u32 s26, $0x1;
	_ =	strace $0x80000046;
	[dreg:$0x1] =	wrdreg $0xFFFFFFFF  }
0xa7: {  	s28 =	simm.s32 $_size_execute0_lowered;
	s2 =	sadd.s32 s2, s4;
	[dreg:$0x0] =	wrdreg $0x0  }
0xa8: {  	s4 =	sshll.u32 s28, $0x1;
	[dreg:$0x2] =	wrdreg s2  }
0xa9: {  	[dreg:$0x3] =	wrdreg s4  }
0xaa: {  	[dreg:$0x4] =	wrdreg $0xC0  }
0xab: {  	_ =	task [dreg:s6], $0x5FFFF  }
0xac: {  	[dreg:$0x1] =	wrdreg $0xFFFFFFFF  }
0xad: {  	[dreg:$0x0] =	wrdreg $0x60  }
0xae: {  	[dreg:$0x2] =	wrdreg s24  }
0xaf: {  	[dreg:$0x3] =	wrdreg $0x9  }
0xb0: {  	_ =	task.clear_ibuf [dreg:s6], $0x4FFFF;
	_ =	strace $0x90000046  }
0xb1: {  	s29 =	simm.s32 $0x9;
	_ =	strace $0x80000048  }
0xb2: {  	_ =	swait.ge [sflag:s29], $0x1  }
0xb3: {  	[sflag:s29] =	ssyncadd.s32 $0xFFFFFFFF  }
0xb4: {  	_ =	strace $0x90000048  }
0xb5: {  	_ =	sfence  }
0xb6: {  	s30 =	sld [smem:$0x0];
	_ =	sdelay $0x2  }
0xb7: {  	s31 =	sshll.u32 s1, $0xD;
	s1 =	sshrl.u32 s1, $0x2  }
0xb8: {  	s3 =	sand.u32 $0x4000, s31;
	s1 =	sadd.s32 s1, s30  }
0xb9: {  	s0 =	sor.u32 s3, s0;
	s1 =	sshll.u32 s1, $0x11  }
0xba: {  	s0 =	sor.u32 s1, s0  }
0xbb: {  	s0 =	sadd.s32 $0x8F2B, s0  }
0xbc: {  	[sflag:s0] =	ssyncadd.remote.s32 $0x1  }
0xbd: {  	_ =	sfence.sel $0xFFFF  }
0xbe: {  	[dreg:$0x0] =	wrdreg $0xFFFFFFFF;
	(pc) =	sbr.abs _section_cstart, $3  }
0xbf: {  	[dreg:$0x1] =	wrdreg $0xFFFFFFFF  }
0xc0: {  	_ =	task.clear_ibuf [dreg:s6], $0x2FFFF;
	_ =	strace $0x9FFFFFFF  }
0xc1: {  	(tm) =	ssettm $0x7FFFFFFF  }
tec
execute0_lowered:
.L_overlay_start_1:
0x0: {  	(tag) =	ssettag $0x1  }
0x1: {  	s4 =	rddreg [dreg:$0x0]  }
0x2: {  	s0 =	rddreg [dreg:$0x1]  }
0x3: {  	s3 =	srdreg.scid;
	s1 =	stileid.u32  }
0x4: {  	s2 =	simm.s32 $0x0;
	s13 =	simm.s32 $0x200;
	s14 =	simm.s32 $0xA00  }
0x5: {  	v0 =	vlaneseq.u32;
	s15 =	simm.s32 $0x1;
	s16 =	simm.s32 $0x1200;
	s17 =	simm.s32 $0x3  }
0x6: {  	s18 =	simm.s32 $0x0;
	s5 =	sand.u32 $0x1, s3;
	s6 =	smul.u32 $0xC800, s1;
	v0 =	vmul.u32 $0x10, v0  }
0x7: {  	[smem:$0x7FF] =	sst s2;
	s8 =	sshll.u32 s1, $0x1;
	s3 =	sadd.s32 $0x6800, s4  }
0x8: {  	s9 =	sadd.s32 $0x38000, s4;
	s7 =	smul.u32 $0x6400, s5;
	s8 =	sor.u32 s5, s8;
	v1 =	vor.u32 $0x1, v0;
	v2 =	vor.u32 $0x2, v0  }
0x9: {  	s29 =	sadd.s32 $0x1F000, s4;
	s5 =	ssub.s32 $0x2, s5;
	s28 =	smul.u32 $0x6400, s8;
	v3 =	vor.u32 $0x100, v0;
	v4 =	vor.u32 $0x101, v0;
	v5 =	vor.u32 $0x102, v0  }
0xa: {  	_ =	strace $0x80000047;
	s30 =	sshrl.u32 s5, $0x1;
	v6 =	vor.u32 $0x200, v0;
	v7 =	vor.u32 $0x201, v0;
	v8 =	vor.u32 $0x202, v0;
	s6 =	sadd.s32 s7, s6  }
0xb: {  	v9 =	vor.u32 $0x300, v0;
	v10 =	vor.u32 $0x301, v0;
	v11 =	vor.u32 $0x302, v0;
	s11 =	ssub.s32 s5, s30;
	s10 =	sshrl.u32 s6, $0x3;
	s7 =	sshrl.u32 s28, $0x3  }
0xc: {  	v12 =	vor.u32 $0x400, v0;
	v13 =	vor.u32 $0x401, v0;
	v14 =	vor.u32 $0x402, v0;
	s12 =	sor.u32 $0x80, s6;
	s6 =	smax.u32 s11, $0x1;
	s11 =	simm.s32 $0x2  }
0xd: {  	v15 =	vor.u32 $0x500, v0;
	v16 =	vor.u32 $0x501, v0;
	v17 =	vor.u32 $0x502, v0;
	s10 =	sadd.s32 s10, s4;
	s4 =	sadd.s32 s9, s7;
	s31 =	sshrl.u32 s12, $0x3  }
0xe: {  	v18 =	vor.u32 $0x600, v0;
	v19 =	vor.u32 $0x601, v0;
	v20 =	vor.u32 $0x602, v0;
	s5 =	sadd.s32 s29, s7;
	s12 =	simm.s32 $0x80;
	s7 =	sadd.s32 s31, s29  }
0xf: {  	v21 =	vor.u32 $0x700, v0;
	v22 =	vor.u32 $0x701, v0;
	v23 =	vor.u32 $0x702, v0;
	s8 =	sadd.s32 s31, s9;
	s9 =	sadd.s32 $0x51000, s10;
	s10 =	simm.s32 $0x100  }
.LBB2_1:
0x10: {  	[tilespmem:s2], [sflag:$0x2] =	stream.linear.gather [hbm4b:s4+s2], $0x80, $0x38;
	[tilespmem:$0x1280] =	vst v63  }
0x11: {  	s19 =	simm.s32 $0x80;
	s20 =	simm.s32 $0x0  }
0x12: {  	[tilespmem:s10], [sflag:$0x2] =	stream.linear.gather [hbm4b:s5+s2], $0x80, $0x38;
	[tilespmem:$0x1280] =	vst v63  }
.LBB2_2:
0x13: {  	_ =	swait.ge [sflag:s11], $0x80  }
0x14: {  	[sflag:s11] =	ssyncset.done $0x0  }
0x15: {  	[sflag:s11] =	ssyncadd.s32 $0xFFFFFF80  }
0x16: {  	_ =	swait.ge [sflag:s11], $0x80  }
0x17: {  	s21 =	sadd.s32 $0xFFFFFF80, s19;
	[sflag:s11] =	ssyncset.done $0x0  }
0x18: {  	s21 =	sand.u32 $0x80, s21;
	[sflag:s11] =	ssyncadd.s32 $0xFFFFFF80  }
0x19: {  	[tilespmem:s13], [sflag:$0x1] =	stream.indirect.gather [hbm4b:s3+s12], $0x10, s21, s12, $0xb8;
	[tilespmem:$0x1280] =	vst v63  }
0x1a: {  	p0 =	seq.s32 s20, $0xC70;
	s21 =	sor.u32 $0x100, s21  }
0x1b: {  	[tilespmem:s14], [sflag:$0x1] =	stream.indirect.gather [hbm4b:s3+s12], $0x10, s21, s12, $0xb8;
	[tilespmem:$0x1280] =	vst v63  }
0x1c: {  	s22 =	sadd.s32 @!p0 s20, s8;
	s23 =	simm.s32 @!p0 $0x0;
	s21 =	sand.u32 @!p0 $0x80, s19  }
0x1d: {  	[tilespmem:s21], [sflag:$0x2] =	stream.linear.gather @!p0 [hbm4b:s22+s23], $0x80, $0x38;
	[tilespmem:$0x1280] =	vst v63  }
0x1e: {  	s21 =	sor.u32 @!p0 $0x100, s21;
	s22 =	sadd.s32 @!p0 s20, s7  }
0x1f: {  	[tilespmem:s21], [sflag:$0x2] =	stream.linear.gather @!p0 [hbm4b:s22+s23], $0x80, $0x38;
	[tilespmem:$0x1280] =	vst v63  }
0x20: {  	_ =	swait.ge [sflag:s15], $0x800  }
0x21: {  	[sflag:s15] =	ssyncset.done $0x0  }
0x22: {  	[sflag:s15] =	ssyncadd.s32 $0xFFFFF800  }
0x23: {  	_ =	swait.ge [sflag:s15], $0x800  }
0x24: {  	[sflag:s15] =	ssyncset.done $0x0  }
0x25: {  	[sflag:s15] =	ssyncadd.s32 $0xFFFFF800  }
0x26: {  	v24 =	vld.idx.msk [tilespmem:v0+s13+$0x0], $0xffff  }
0x27: {  	v25 =	vld.idx.msk [tilespmem:v0+s14+$0x0], $0xffff  }
0x28: {  	v26 =	vld.idx.msk [tilespmem:v1+s13+$0x0], $0xffff  }
0x29: {  	v27 =	vld.idx.msk [tilespmem:v1+s14+$0x0], $0xffff  }
0x2a: {  	v28 =	vld.idx.msk [tilespmem:v2+s13+$0x0], $0xffff  }
0x2b: {  	v29 =	vld.idx.msk [tilespmem:v2+s14+$0x0], $0xffff;
	_ =	sdelay $0x2  }
0x2c: {  	v24 =	vsub.f32 v24, v25;
	v39 =	vsub.f32 v26, v27;
	_ =	sdelay $0x1  }
0x2d: {  	v40 =	vsub.f32 v28, v29;
	v24 =	vmul.f32 v24, v24;
	v25 =	vmul.f32 v39, v39;
	_ =	sdelay $0x1  }
0x2e: {  	v41 =	vmul.f32 v40, v40;
	v24 =	vadd.f32 v25, v24;
	_ =	sdelay $0x1  }
0x2f: {  	v24 =	vadd.f32 v41, v24;
	_ =	sdelay $0x1  }
0x30: {  	[tilespmem:$0x1200] =	vst v24  }
0x31: {  	v24 =	vld.idx.msk [tilespmem:v3+s13+$0x0], $0xffff  }
0x32: {  	v42 =	vld.idx.msk [tilespmem:v3+s14+$0x0], $0xffff  }
0x33: {  	v43 =	vld.idx.msk [tilespmem:v4+s13+$0x0], $0xffff  }
0x34: {  	v44 =	vld.idx.msk [tilespmem:v4+s14+$0x0], $0xffff  }
0x35: {  	v45 =	vld.idx.msk [tilespmem:v5+s13+$0x0], $0xffff  }
0x36: {  	v46 =	vld.idx.msk [tilespmem:v5+s14+$0x0], $0xffff;
	_ =	sdelay $0x2  }
0x37: {  	v24 =	vsub.f32 v24, v42;
	v47 =	vsub.f32 v43, v44;
	_ =	sdelay $0x1  }
0x38: {  	v48 =	vsub.f32 v45, v46;
	v24 =	vmul.f32 v24, v24;
	v25 =	vmul.f32 v47, v47;
	_ =	sdelay $0x1  }
0x39: {  	v49 =	vmul.f32 v48, v48;
	v24 =	vadd.f32 v25, v24;
	_ =	sdelay $0x1  }
0x3a: {  	v24 =	vadd.f32 v49, v24;
	_ =	sdelay $0x1  }
0x3b: {  	[tilespmem:$0x1210] =	vst v24  }
0x3c: {  	v24 =	vld.idx.msk [tilespmem:v6+s13+$0x0], $0xffff  }
0x3d: {  	v50 =	vld.idx.msk [tilespmem:v6+s14+$0x0], $0xffff  }
0x3e: {  	v51 =	vld.idx.msk [tilespmem:v7+s13+$0x0], $0xffff  }
0x3f: {  	v52 =	vld.idx.msk [tilespmem:v7+s14+$0x0], $0xffff  }
0x40: {  	v53 =	vld.idx.msk [tilespmem:v8+s13+$0x0], $0xffff  }
0x41: {  	v54 =	vld.idx.msk [tilespmem:v8+s14+$0x0], $0xffff;
	_ =	sdelay $0x2  }
0x42: {  	v24 =	vsub.f32 v24, v50;
	v55 =	vsub.f32 v51, v52;
	_ =	sdelay $0x1  }
0x43: {  	v56 =	vsub.f32 v53, v54;
	v24 =	vmul.f32 v24, v24;
	v25 =	vmul.f32 v55, v55;
	_ =	sdelay $0x1  }
0x44: {  	v57 =	vmul.f32 v56, v56;
	v24 =	vadd.f32 v25, v24;
	_ =	sdelay $0x1  }
0x45: {  	v24 =	vadd.f32 v57, v24;
	_ =	sdelay $0x1  }
0x46: {  	[tilespmem:$0x1220] =	vst v24  }
0x47: {  	v24 =	vld.idx.msk [tilespmem:v9+s13+$0x0], $0xffff  }
0x48: {  	v58 =	vld.idx.msk [tilespmem:v9+s14+$0x0], $0xffff  }
0x49: {  	v59 =	vld.idx.msk [tilespmem:v10+s13+$0x0], $0xffff  }
0x4a: {  	v60 =	vld.idx.msk [tilespmem:v10+s14+$0x0], $0xffff  }
0x4b: {  	v61 =	vld.idx.msk [tilespmem:v11+s13+$0x0], $0xffff  }
0x4c: {  	v62 =	vld.idx.msk [tilespmem:v11+s14+$0x0], $0xffff;
	_ =	sdelay $0x2  }
0x4d: {  	v24 =	vsub.f32 v24, v58;
	v63 =	vsub.f32 v59, v60;
	_ =	sdelay $0x1  }
0x4e: {  	v30 =	vsub.f32 v61, v62;
	v24 =	vmul.f32 v24, v24;
	v25 =	vmul.f32 v63, v63;
	_ =	sdelay $0x1  }
0x4f: {  	v31 =	vmul.f32 v30, v30;
	v24 =	vadd.f32 v25, v24;
	_ =	sdelay $0x1  }
0x50: {  	v24 =	vadd.f32 v31, v24;
	_ =	sdelay $0x1  }
0x51: {  	[tilespmem:$0x1230] =	vst v24  }
0x52: {  	v24 =	vld.idx.msk [tilespmem:v12+s13+$0x0], $0xffff  }
0x53: {  	v32 =	vld.idx.msk [tilespmem:v12+s14+$0x0], $0xffff  }
0x54: {  	v33 =	vld.idx.msk [tilespmem:v13+s13+$0x0], $0xffff  }
0x55: {  	v34 =	vld.idx.msk [tilespmem:v13+s14+$0x0], $0xffff  }
0x56: {  	v35 =	vld.idx.msk [tilespmem:v14+s13+$0x0], $0xffff  }
0x57: {  	v36 =	vld.idx.msk [tilespmem:v14+s14+$0x0], $0xffff;
	_ =	sdelay $0x2  }
0x58: {  	v24 =	vsub.f32 v24, v32;
	v37 =	vsub.f32 v33, v34;
	_ =	sdelay $0x1  }
0x59: {  	v38 =	vsub.f32 v35, v36;
	v24 =	vmul.f32 v24, v24;
	v25 =	vmul.f32 v37, v37;
	_ =	sdelay $0x1  }
0x5a: {  	v39 =	vmul.f32 v38, v38;
	v24 =	vadd.f32 v25, v24;
	_ =	sdelay $0x1  }
0x5b: {  	v24 =	vadd.f32 v39, v24;
	_ =	sdelay $0x1  }
0x5c: {  	[tilespmem:$0x1240] =	vst v24  }
0x5d: {  	v24 =	vld.idx.msk [tilespmem:v15+s13+$0x0], $0xffff  }
0x5e: {  	v40 =	vld.idx.msk [tilespmem:v15+s14+$0x0], $0xffff  }
0x5f: {  	v41 =	vld.idx.msk [tilespmem:v16+s13+$0x0], $0xffff  }
0x60: {  	v42 =	vld.idx.msk [tilespmem:v16+s14+$0x0], $0xffff  }
0x61: {  	v43 =	vld.idx.msk [tilespmem:v17+s13+$0x0], $0xffff  }
0x62: {  	v44 =	vld.idx.msk [tilespmem:v17+s14+$0x0], $0xffff;
	_ =	sdelay $0x2  }
0x63: {  	v24 =	vsub.f32 v24, v40;
	v45 =	vsub.f32 v41, v42;
	_ =	sdelay $0x1  }
0x64: {  	v46 =	vsub.f32 v43, v44;
	v24 =	vmul.f32 v24, v24;
	v25 =	vmul.f32 v45, v45;
	_ =	sdelay $0x1  }
0x65: {  	v47 =	vmul.f32 v46, v46;
	v24 =	vadd.f32 v25, v24;
	_ =	sdelay $0x1  }
0x66: {  	v24 =	vadd.f32 v47, v24;
	_ =	sdelay $0x1  }
0x67: {  	[tilespmem:$0x1250] =	vst v24  }
0x68: {  	v24 =	vld.idx.msk [tilespmem:v18+s13+$0x0], $0xffff  }
0x69: {  	v48 =	vld.idx.msk [tilespmem:v18+s14+$0x0], $0xffff  }
0x6a: {  	v49 =	vld.idx.msk [tilespmem:v19+s13+$0x0], $0xffff  }
0x6b: {  	v50 =	vld.idx.msk [tilespmem:v19+s14+$0x0], $0xffff  }
0x6c: {  	v51 =	vld.idx.msk [tilespmem:v20+s13+$0x0], $0xffff  }
0x6d: {  	v52 =	vld.idx.msk [tilespmem:v20+s14+$0x0], $0xffff;
	_ =	sdelay $0x2  }
0x6e: {  	v24 =	vsub.f32 v24, v48;
	v53 =	vsub.f32 v49, v50;
	_ =	sdelay $0x1  }
0x6f: {  	v54 =	vsub.f32 v51, v52;
	v24 =	vmul.f32 v24, v24;
	v25 =	vmul.f32 v53, v53;
	_ =	sdelay $0x1  }
0x70: {  	v55 =	vmul.f32 v54, v54;
	v24 =	vadd.f32 v25, v24;
	_ =	sdelay $0x1  }
0x71: {  	v24 =	vadd.f32 v55, v24;
	_ =	sdelay $0x1  }
0x72: {  	[tilespmem:$0x1260] =	vst v24  }
0x73: {  	v24 =	vld.idx.msk [tilespmem:v21+s13+$0x0], $0xffff  }
0x74: {  	v56 =	vld.idx.msk [tilespmem:v21+s14+$0x0], $0xffff  }
0x75: {  	v57 =	vld.idx.msk [tilespmem:v22+s13+$0x0], $0xffff  }
0x76: {  	v58 =	vld.idx.msk [tilespmem:v22+s14+$0x0], $0xffff  }
0x77: {  	v59 =	vld.idx.msk [tilespmem:v23+s13+$0x0], $0xffff  }
0x78: {  	v60 =	vld.idx.msk [tilespmem:v23+s14+$0x0], $0xffff;
	_ =	sdelay $0x2  }
0x79: {  	v24 =	vsub.f32 v24, v56;
	v61 =	vsub.f32 v57, v58;
	_ =	sdelay $0x1  }
0x7a: {  	v62 =	vsub.f32 v59, v60;
	v24 =	vmul.f32 v24, v24;
	v25 =	vmul.f32 v61, v61;
	_ =	sdelay $0x1  }
0x7b: {  	v63 =	vmul.f32 v62, v62;
	v24 =	vadd.f32 v25, v24;
	_ =	sdelay $0x1  }
0x7c: {  	s31 =	sadd.s32 s20, s9;
	s20 =	sadd.s32 $0x10, s20;
	v24 =	vadd.f32 v63, v24  }
0x7d: {  	p0 =	sne.s32 s20, $0xC80  }
.Ltmp0:
0x7e: {  	[tilespmem:$0x1270] =	vst v24;
	(pc) =	sbr.rel @p0 .LBB2_2-.Ltmp0, $4  }
0x7f: {  	[hbm4b:s31+s2] =	stream.linear.scatter [tilespmem:s16], [sflag:$0x3], $0x80, $0x38;
	[tilespmem:$0x1280] =	vst v63  }
0x80: {  	_ =	swait.ge [sflag:s17], $0x80  }
0x81: {  	[sflag:s17] =	ssyncset.done $0x0  }
0x82: {  	s19 =	sadd.s32 $0x80, s19;
	[sflag:s17] =	ssyncadd.s32 $0xFFFFFF80  }
0x83: {  	s18 =	sadd.s32 $0x1, s18  }
0x84: {  	p0 =	sne.s32 s18, s6  }
.Ltmp1:
0x85: {  	_ = 	snop;
	(pc) =	sbr.rel @p0 .LBB2_1-.Ltmp1, $1  }
0x86: {  	_ =	sdelay $0x3  }
0x87: {  	_ =	sfence.sel $0x180000  }
0x88: {  	[bflag:$0x0] =	sbarrier.arrive $0xFFFF  }
0x89: {  	p0 =	sne.s32 s1, $0x0;
	_ =	strace $0x90000047  }
0x8a: {  	s0 =	sadd.s32 @!p0 $0x100000, s0;
	[bflag:$0x2] =	sbarrier.arrive $0xFFFF  }
0x8b: {  	[sflag:s0] =	ssyncadd.tile.s32 @!p0 $0x1;
	_ =	shalt  }
.Lfunc_end2:
_tile_overlayer_lowered:
.L_overlay_start_2:
0x8c: {  	(tag) =	ssettag $0x2  }
0x8d: {  	s0 =	rddreg [dreg:$0x0];
	s2 =	stileid.u32  }
0x8e: {  	s1 =	rddreg [dreg:$0x1];
	p0 =	sne.s32 s2, $0x0  }
0x8f: {  	s3 =	rddreg [dreg:$0x2];
	[bflag:$0x3] =	sbarrier.arrive $0xFFFF;
	s2 =	simm.s32 @!p0 $0x1C03  }
0x90: {  	[timem:s3], [sflag:s2] =	dma.local @!p0 [hbm:s0], s1  }
0x91: {  	s0 =	simm.s32 @!p0 $0x3  }
0x92: {  	_ =	swait.ge @!p0 [sflag:s0], s1  }
0x93: {  	s1 =	ssub.s32 @!p0 $0x0, s1;
	[sflag:s0] =	ssyncset.done @!p0 $0x0  }
0x94: {  	[sflag:s0] =	ssyncadd.s32 @!p0 s1  }
0x95: {  	[bflag:$0x3] =	sbarrier.arrive $0xFFFF  }
0x96: {  	_ =	shalt  }

// kernel: kernel.13.cloned.1.call-start
scs
__scs_entry_jumppad:
0x0: {  	(pc) =	sbr.rel $0x88, $3  }
0x1: {  	(tag) =	ssettag $0x0;
	lr =	simm.s32 $0x1  }
0x2: {  	[smem:$0x3F78] =	sst lr;
	_ =	strace $0xD0000000  }
0x3: {  	_ = 	snop  }
0x4: {  	_ = 	snop  }
0x5: {  	_ = 	snop  }
0x6: {  	_ = 	snop  }
0x7: {  	_ = 	snop  }
__scs_overlays_trampoline_lowered:
0x8: {  	[smem:$0x3F87] =	sst s0  }
0x9: {  	[smem:$0x3F88] =	sst s1  }
0xa: {  	[smem:$0x3F89] =	sst s2  }
0xb: {  	[smem:$0x3F8A] =	sst s3  }
0xc: {  	[smem:$0x3F8B] =	sst s4  }
0xd: {  	[smem:$0x3F8C] =	sst s5  }
0xe: {  	[smem:$0x3F8D] =	sst s6  }
0xf: {  	[smem:$0x3F8E] =	sst s7  }
0x10: {  	[smem:$0x3F8F] =	sst s8  }
0x11: {  	[smem:$0x3F90] =	sst s9;
	s0 =	simm.s32 @!p0 $0x0  }
0x12: {  	s1 =	sld [smem:$0x3F76];
	s0 =	simm.s32 @p0 $0x1  }
0x13: {  	[smem:$0x3F91] =	sst s0;
	s0 =	simm.s32 @!p1 $0x0  }
0x14: {  	s2 =	sld [smem:$0x3F75];
	s0 =	simm.s32 @p1 $0x1  }
0x15: {  	[smem:$0x3F92] =	sst s0;
	s0 =	simm.s32 @!p2 $0x0  }
0x16: {  	s3 =	sld [smem:$0x3FDB];
	s0 =	simm.s32 @p2 $0x1  }
0x17: {  	s4 =	simm.s32 $0x1BF5;
	[smem:$0x3F94] =	sst s0  }
0x18: {  	s0 =	sld [smem:$0x3F77];
	_ =	swait.ge [sflag:s4], $0x0  }
0x19: {  	s7 =	sld [smem:$0x3F78]  }
0x1a: {  	s8 =	sadd.s32 $0xFFFFE003, lr  }
0x1b: {  	s9 =	sadd.s32 $0xFFFFFEF7, lr;
	s5 =	simm.s32 $0xFFFFFFFF;
	p2 =	slt.u32 s8, $0xFFFFF086  }
0x1c: {  	p1 =	slt.u32 s9, $0xF7A;
	s5 =	simm.s32 @!p2 $0x0  }
0x1d: {  	s5 =	simm.s32 @p1 $0x1;
	p0 =	seq.s32 s7, s2  }
0x1e: {  	s7 =	smul.u32 @!p0 $0xF7A, s2;
	p2 =	seq.s32 @!p0 s5, $0x0  }
0x1f: {  	s9 =	smul.u32 $0xF7A, s1;
	s8 =	simm.s32 @!p0 $0x1BF5;
	p2 =	por !p2, p0  }
0x20: {  	[sflag:s8] =	ssyncset.s32 @!p0 $0xFFFFF086;
	s6 =	sadd.s32 @!p0 s3, s7;
	s7 =	simm.s32 @!p0 $0x108  }
0x21: {  	s3 =	sadd.s32 s3, s9;
	s6 =	sadd.s32 @!p0 $0x88, s6;
	s7 =	simm.s32 @p2 $0x1082  }
0x22: {  	[simem:s7], [sflag:s8] =	dma.local @!p0 [hbm:s6], $0xF7A  }
0x23: {  	s9 =	sor.u32 $0xD0000000, s2;
	s6 =	simm.s32 $0x108;
	_ =	swait.ge @!p0 [sflag:s8], $0x0  }
0x24: {  	s3 =	sadd.s32 $0x88, s3;
	s6 =	simm.s32 @!p1 $0x1082;
	[sflag:s4] =	ssyncset.s32 $0xFFFFF086  }
0x25: {  	[simem:s6], [sflag:s4] =	dma.local [hbm:s3], $0xF7A  }
0x26: {  	[smem:$0x3F78] =	sst s1;
	(tag) =	ssettag s2;
	_ =	strace s9  }
0x27: {  	s1 =	sld [smem:$0x3F88]  }
0x28: {  	s2 =	sld [smem:$0x3F89]  }
0x29: {  	s4 =	sld [smem:$0x3F8B]  }
0x2a: {  	p0 =	seq.s32 s5, $0x0;
	s5 =	sld [smem:$0x3F8C]  }
0x2b: {  	s6 =	sld [smem:$0x3F8D]  }
0x2c: {  	s7 =	sld [smem:$0x3F8E]  }
0x2d: {  	s3 =	simm.s32 $0x108;
	s8 =	sld [smem:$0x3F8F]  }
0x2e: {  	s3 =	simm.s32 @!p0 $0x1082;
	s9 =	sld [smem:$0x3F90]  }
0x2f: {  	lr =	sadd.s32 s0, s3;
	s0 =	sld [smem:$0x3F87]  }
0x30: {  	s3 =	sld [smem:$0x3F8A]  }
0x31: {  	[smem:$0x3F93] =	sst s10  }
0x32: {  	s10 =	sld [smem:$0x3F91];
	_ =	sdelay $0x3  }
0x33: {  	p0 =	seq.s32 s10, $0x1;
	s10 =	sld [smem:$0x3F93];
	_ =	sdelay $0x3  }
0x34: {  	[smem:$0x3F93] =	sst s10  }
0x35: {  	s10 =	sld [smem:$0x3F92];
	_ =	sdelay $0x3  }
0x36: {  	p1 =	seq.s32 s10, $0x1;
	s10 =	sld [smem:$0x3F93];
	_ =	sdelay $0x3  }
0x37: {  	[smem:$0x3F93] =	sst s10  }
0x38: {  	s10 =	sld [smem:$0x3F94]  }
0x39: {  	_ = 	snop;
	(pc) =	sbr.ind lr, $3  }
0x3a: {  	_ = 	snop  }
0x3b: {  	_ = 	snop  }
0x3c: {  	p2 =	seq.s32 s10, $0x1;
	s10 =	sld [smem:$0x3F93]  }
0x3d: {  	_ =	shalt  }
0x3e: {  	_ =	shalt  }
0x3f: {  	_ =	shalt  }
0x40: {  	_ =	shalt  }
0x41: {  	_ =	shalt  }
0x42: {  	_ =	shalt  }
0x43: {  	_ =	shalt  }
0x44: {  	_ =	shalt  }
0x45: {  	_ =	shalt  }
0x46: {  	_ =	shalt  }
0x47: {  	_ =	shalt  }
0x48: {  	_ =	shalt  }
0x49: {  	_ =	shalt  }
0x4a: {  	_ =	shalt  }
0x4b: {  	_ =	shalt  }
0x4c: {  	_ =	shalt  }
0x4d: {  	_ =	shalt  }
0x4e: {  	_ =	shalt  }
0x4f: {  	_ =	shalt  }
0x50: {  	_ =	shalt  }
0x51: {  	_ =	shalt  }
0x52: {  	_ =	shalt  }
0x53: {  	_ =	shalt  }
0x54: {  	_ =	shalt  }
0x55: {  	_ =	shalt  }
0x56: {  	_ =	shalt  }
0x57: {  	_ =	shalt  }
0x58: {  	_ =	shalt  }
0x59: {  	_ =	shalt  }
0x5a: {  	_ =	shalt  }
0x5b: {  	_ =	shalt  }
0x5c: {  	_ =	shalt  }
0x5d: {  	_ =	shalt  }
0x5e: {  	_ =	shalt  }
0x5f: {  	_ =	shalt  }
0x60: {  	_ =	shalt  }
0x61: {  	_ =	shalt  }
0x62: {  	_ =	shalt  }
0x63: {  	_ =	shalt  }
0x64: {  	_ =	shalt  }
0x65: {  	_ =	shalt  }
0x66: {  	_ =	shalt  }
0x67: {  	_ =	shalt  }
0x68: {  	_ =	shalt  }
0x69: {  	_ =	shalt  }
0x6a: {  	_ =	shalt  }
0x6b: {  	_ =	shalt  }
0x6c: {  	_ =	shalt  }
0x6d: {  	_ =	shalt  }
0x6e: {  	_ =	shalt  }
0x6f: {  	_ =	shalt  }
0x70: {  	_ =	shalt  }
0x71: {  	_ =	shalt  }
0x72: {  	_ =	shalt  }
0x73: {  	_ =	shalt  }
0x74: {  	_ =	shalt  }
0x75: {  	_ =	shalt  }
0x76: {  	_ =	shalt  }
0x77: {  	_ =	shalt  }
0x78: {  	_ =	shalt  }
0x79: {  	_ =	shalt  }
0x7a: {  	_ =	shalt  }
0x7b: {  	_ =	shalt  }
0x7c: {  	_ =	shalt  }
0x7d: {  	_ =	shalt  }
0x7e: {  	_ =	shalt  }
0x7f: {  	_ =	shalt  }
0x80: {  	_ =	shalt  }
0x81: {  	_ =	shalt  }
0x82: {  	_ =	shalt  }
0x83: {  	_ =	shalt  }
0x84: {  	_ =	shalt  }
0x85: {  	_ =	shalt  }
0x86: {  	_ =	shalt  }
0x87: {  	_ =	shalt  }
.Lfunc_end0:
.L_simem_size_0:
called_computation.1_lowered:
.L_overlay_start_0:
0x88: {  	s2 =	sld [smem:$0x3FD9]  }
0x89: {  	s3 =	sld [smem:$0x3FFE];
	_ =	sdelay $0x1  }
0x8a: {  	s1 =	srdreg.scid  }
0x8b: {  	s0 =	sand.u32 $0x1, s1  }
0x8c: {  	s16 =	sshll.u32 s0, $0xA;
	s2 =	sadd.s32 s3, s2  }
0x8d: {  	s2 =	sadd.s32 s2, s16  }
0x8e: {  	[smem:$0x3F9F] =	sst s2  }
0x8f: {  	_ = 	snop  }
0x90: {  	(tm) =	ssettm $0x1  }
0x91: {  	s17 =	sld [smem:$0x3FFB];
	_ =	sdelay $0x3  }
0x92: {  	_ =	strace s17  }
0x93: {  	s2 =	sld [smem:$0x3FFC];
	_ =	sdelay $0x3  }
0x94: {  	_ =	strace s2  }
0x95: {  	s2 =	sld [smem:$0x3FFD];
	_ =	sdelay $0x3  }
0x96: {  	_ =	strace s2  }
0x97: {  	_ =	strace $0x8FFFFFFF  }
0x98: {  	s18 =	sld [smem:$0x3FDB];
	_ =	sdelay $0x1  }
0x99: {  	s19 =	simm.s32 $_scs_section_size  }
0x9a: {  	s4 =	simm.s32 $_size__tile_overlayer_lowered;
	s5 =	simm.s32 $_tile_overlayer_lowered  }
0x9b: {  	s22 =	simm.s32 $0x1BFF;
	s21 =	sshll.u32 s5, $0x1;
	s2 =	sadd.s32 s19, s18  }
0x9c: {  	s6 =	simm.s32 $0x0;
	s20 =	sshll.u32 s4, $0x1;
	s4 =	sadd.s32 s21, s2  }
0x9d: {  	[timem:s6], [sflag:s22] =	dma.local [hbm:s4], s20  }
0x9e: {  	_ =	swait.ge [sflag:s22], s20  }
0x9f: {  	s3 =	ssub.s32 $0x0, s20;
	[sflag:s22] =	ssyncset.done $0x0  }
0xa0: {  	[sflag:s22] =	ssyncadd.s32 s3;
	_ =	sdelay $0x1  }
0xa1: {  	s23 =	simm.s32 $0x1B8B  }
0xa2: {  	_ =	swait.ge [sflag:s23], $0x1  }
0xa3: {  	[sflag:s23] =	ssyncset.done $0x0  }
0xa4: {  	s25 =	simm.s32 $0x1B8E;
	s24 =	sld [smem:$0x3FFE];
	[sflag:s23] =	ssyncadd.s32 $0xFFFFFFFF  }
0xa5: {  	s26 =	simm.s32 $execute0_lowered;
	[smem:$0x3FD2] =	sst s25  }
0xa6: {  	s4 =	sshll.u32 s26, $0x1;
	_ =	strace $0x80000049;
	[dreg:$0x1] =	wrdreg $0xFFFFFFFF  }
0xa7: {  	s28 =	simm.s32 $_size_execute0_lowered;
	s2 =	sadd.s32 s2, s4;
	[dreg:$0x0] =	wrdreg $0x0  }
0xa8: {  	s4 =	sshll.u32 s28, $0x1;
	[dreg:$0x2] =	wrdreg s2  }
0xa9: {  	[dreg:$0x3] =	wrdreg s4  }
0xaa: {  	[dreg:$0x4] =	wrdreg $0xC0  }
0xab: {  	_ =	task [dreg:s6], $0x5FFFF  }
0xac: {  	[dreg:$0x1] =	wrdreg $0xFFFFFFFF  }
0xad: {  	[dreg:$0x0] =	wrdreg $0x60  }
0xae: {  	[dreg:$0x2] =	wrdreg s24  }
0xaf: {  	[dreg:$0x3] =	wrdreg $0x64000  }
0xb0: {  	[dreg:$0x4] =	wrdreg $0x9  }
0xb1: {  	_ =	task.clear_ibuf [dreg:s6], $0x5FFFF;
	_ =	strace $0x90000049  }
0xb2: {  	s29 =	simm.s32 $0x9;
	_ =	strace $0x8000004B  }
0xb3: {  	_ =	swait.ge [sflag:s29], $0x1  }
0xb4: {  	[sflag:s29] =	ssyncadd.s32 $0xFFFFFFFF  }
0xb5: {  	_ =	strace $0x9000004B  }
0xb6: {  	_ =	sfence  }
0xb7: {  	s30 =	sld [smem:$0x0];
	_ =	sdelay $0x2  }
0xb8: {  	s31 =	sshll.u32 s1, $0xD;
	s1 =	sshrl.u32 s1, $0x2  }
0xb9: {  	s3 =	sand.u32 $0x4000, s31;
	s1 =	sadd.s32 s1, s30  }
0xba: {  	s0 =	sor.u32 s3, s0;
	s1 =	sshll.u32 s1, $0x11  }
0xbb: {  	s0 =	sor.u32 s1, s0  }
0xbc: {  	s0 =	sadd.s32 $0x8F2B, s0  }
0xbd: {  	[sflag:s0] =	ssyncadd.remote.s32 $0x1  }
0xbe: {  	_ =	sfence.sel $0xFFFF  }
0xbf: {  	[dreg:$0x0] =	wrdreg $0xFFFFFFFF;
	(pc) =	sbr.abs _section_cstart, $3  }
0xc0: {  	[dreg:$0x1] =	wrdreg $0xFFFFFFFF  }
0xc1: {  	_ =	task.clear_ibuf [dreg:s6], $0x2FFFF;
	_ =	strace $0x9FFFFFFF  }
0xc2: {  	(tm) =	ssettm $0x7FFFFFFF  }
0xc3: {  	_ =	shalt  }
tec
execute0_lowered:
.L_overlay_start_1:
0x0: {  	(tag) =	ssettag $0x1  }
0x1: {  	s0 =	rddreg [dreg:$0x0]  }
0x2: {  	s1 =	rddreg [dreg:$0x1];
	s3 =	simm.s32 $0x0;
	s16 =	stileid.u32  }
0x3: {  	s11 =	srdreg.scid;
	s28 =	simm.s32 $0x1;
	s29 =	simm.s32 $0x4400  }
0x4: {  	s30 =	simm.s32 $0x5400;
	s31 =	simm.s32 $0x0;
	[smem:$0x7FF] =	sst s3  }
0x5: {  	s2 =	sadd.s32 $0x9B000, s0;
	s4 =	sadd.s32 $0x6A000, s0;
	s9 =	smul.u32 $0x18800, s16  }
0x6: {  	s8 =	sadd.s32 $0x37A000, s0;
	s10 =	sadd.s32 $0x357A000, s0;
	s5 =	smul.u32 $0xC800, s16  }
0x7: {  	s6 =	sadd.s32 $0x38000, s0;
	s7 =	sadd.s32 $0x1F000, s0;
	s11 =	sand.u32 $0x1, s11  }
0x8: {  	s24 =	sshll.u32 s16, $0x6;
	s26 =	smul.u32 $0x32000, s16;
	_ =	strace $0x8000004A  }
0x9: {  	s13 =	ssub.s32 $0x2, s11;
	p0 =	seq.s32 s11, $0x0;
	p1 =	seq.s32 s11, $0x1  }
0xa: {  	s12 =	sshrl.u32 s9, $0x3;
	s14 =	sshrl.u32 s5, $0x3;
	s19 =	sshrl.u32 s13, $0x1  }
0xb: {  	s9 =	sadd.s32 s9, s1;
	s10 =	smov.u32 @p0 s8;
	s8 =	simm.s32 $0xFD000  }
0xc: {  	s4 =	smov.u32 @p0 s2;
	s0 =	sadd.s32 s12, s0;
	s15 =	sor.u32 $0x10, s14  }
0xd: {  	s12 =	ssub.s32 s13, s19;
	s20 =	sadd.s32 s6, s14;
	s22 =	sadd.s32 s7, s14  }
0xe: {  	s13 =	sor.u32 $0x1C03, s24;
	s8 =	simm.s32 @!p1 $0x12E000;
	[dreg:$0x3] =	wrdreg s20  }
0xf: {  	s24 =	simm.s32 $0x400;
	s21 =	sadd.s32 s6, s15;
	[dreg:$0x5] =	wrdreg s22  }
0x10: {  	s23 =	sadd.s32 s7, s15;
	s25 =	sadd.s32 $0xCC000, s0;
	[dreg:$0x4] =	wrdreg s21  }
0x11: {  	s12 =	smax.u32 s12, $0x1;
	s15 =	sadd.s32 s10, s26;
	[dreg:$0x6] =	wrdreg s23  }
0x12: {  	s16 =	sadd.s32 s8, s0;
	s20 =	sshrl.u32 s9, $0x3;
	[dreg:$0x7] =	wrdreg s25  }
0x13: {  	s22 =	simm.s32 $0x2;
	s26 =	simm.s32 $0x2400;
	[dreg:$0x8] =	wrdreg s12  }
0x14: {  	s21 =	simm.s32 $0x3;
	s23 =	simm.s32 $0x80;
	s25 =	simm.s32 $0x1400  }
.LBB2_1:
0x15: {  	s0 =	rddreg [dreg:$0x3]  }
0x16: {  	s11 =	rddreg [dreg:$0x4]  }
0x17: {  	[tilespmem:s3], [sflag:$0x2] =	stream.linear.gather [hbm4b:s0+s3], $0x80, $0x38;
	[tilespmem:$0x1EC00] =	vst v63  }
0x18: {  	s2 =	simm.s32 $0x100;
	s12 =	rddreg [dreg:$0x5]  }
0x19: {  	[tilespmem:s2], [sflag:$0x2] =	stream.linear.gather [hbm4b:s11+s3], $0x80, $0x38;
	[tilespmem:$0x1EC00] =	vst v63  }
0x1a: {  	s14 =	simm.s32 $0x200;
	s17 =	rddreg [dreg:$0x6]  }
0x1b: {  	[tilespmem:s14], [sflag:$0x2] =	stream.linear.gather [hbm4b:s12+s3], $0x80, $0x38;
	[tilespmem:$0x1EC00] =	vst v63  }
0x1c: {  	s18 =	simm.s32 $0x300;
	s19 =	rddreg [dreg:$0x7]  }
0x1d: {  	[tilespmem:s18], [sflag:$0x2] =	stream.linear.gather [hbm4b:s17+s3], $0x80, $0x38;
	[tilespmem:$0x1EC00] =	vst v63  }
0x1e: {  	[spmem:s20], [sflag:s13] =	dma.local [hbm:s19], $0x3100  }
0x1f: {  	_ =	swait.ge [sflag:s21], $0x3100  }
0x20: {  	[sflag:s21] =	ssyncset.done $0x0  }
0x21: {  	[sflag:s21] =	ssyncadd.s32 $0xFFFFCF00  }
0x22: {  	s0 =	simm.s32 $0x0;
	[bflag:$0x0] =	sbarrier.arrive $0xFFFF  }
.LBB2_2:
0x23: {  	_ =	swait.ge [sflag:s22], $0x80  }
0x24: {  	[sflag:s22] =	ssyncset.done $0x0  }
0x25: {  	[sflag:s22] =	ssyncadd.s32 $0xFFFFFF80  }
0x26: {  	_ =	swait.ge [sflag:s22], $0x80  }
0x27: {  	[sflag:s22] =	ssyncset.done $0x0  }
0x28: {  	[sflag:s22] =	ssyncadd.s32 $0xFFFFFF80  }
0x29: {  	_ =	swait.ge [sflag:s22], $0x80  }
0x2a: {  	[sflag:s22] =	ssyncset.done $0x0  }
0x2b: {  	[sflag:s22] =	ssyncadd.s32 $0xFFFFFF80  }
0x2c: {  	_ =	swait.ge [sflag:s22], $0x80  }
0x2d: {  	s19 =	sshll.u32 s0, $0x7;
	[sflag:s22] =	ssyncset.done $0x0  }
0x2e: {  	s8 =	sand.u32 $0x80, s19;
	[sflag:s22] =	ssyncadd.s32 $0xFFFFFF80  }
0x2f: {  	[tilespmem:s24], [sflag:$0x1] =	stream.indirect.gather [hbm4b:s4+s23], $0x20, s8, s23, $0xb8;
	[tilespmem:$0x1EC00] =	vst v63  }
0x30: {  	s2 =	smov.u32 s0;
	s0 =	sor.u32 $0x100, s8  }
0x31: {  	[tilespmem:s25], [sflag:$0x1] =	stream.indirect.gather [hbm4b:s4+s23], $0x20, s0, s23, $0xb8;
	[tilespmem:$0x1EC00] =	vst v63  }
0x32: {  	p0 =	seq.s32 s2, $0xC7;
	s0 =	sadd.s32 $0x1, s2  }
0x33: {  	s9 =	sshll.u32 @!p0 s0, $0x8  }
0x34: {  	s9 =	sadd.s32 @!p0 s5, s9  }
0x35: {  	s10 =	sshll.u32 @!p0 s0, $0x7;
	s9 =	sshrl.u32 @!p0 s9, $0x3  }
0x36: {  	s12 =	simm.s32 @!p0 $0x0;
	s10 =	sand.u32 @!p0 $0x80, s10;
	s11 =	sadd.s32 @!p0 s6, s9  }
0x37: {  	[tilespmem:s10], [sflag:$0x2] =	stream.linear.gather @!p0 [hbm4b:s11+s12], $0x80, $0x38;
	[tilespmem:$0x1EC00] =	vst v63  }
0x38: {  	s11 =	sor.u32 @!p0 $0x10, s9  }
0x39: {  	s14 =	sor.u32 @!p0 $0x100, s10;
	s17 =	sadd.s32 @!p0 s6, s11  }
0x3a: {  	[tilespmem:s14], [sflag:$0x2] =	stream.linear.gather @!p0 [hbm4b:s17+s12], $0x80, $0x38;
	[tilespmem:$0x1EC00] =	vst v63  }
0x3b: {  	s9 =	sadd.s32 @!p0 s7, s9;
	s14 =	sor.u32 @!p0 $0x200, s10  }
0x3c: {  	[tilespmem:s14], [sflag:$0x2] =	stream.linear.gather @!p0 [hbm4b:s9+s12], $0x80, $0x38;
	[tilespmem:$0x1EC00] =	vst v63  }
0x3d: {  	s2 =	sshll.u32 s2, $0xA;
	s9 =	sor.u32 @!p0 $0x300, s10;
	s10 =	sadd.s32 @!p0 s7, s11  }
0x3e: {  	[tilespmem:s9], [sflag:$0x2] =	stream.linear.gather @!p0 [hbm4b:s10+s12], $0x80, $0x38;
	[tilespmem:$0x1EC00] =	vst v63  }
0x3f: {  	s2 =	sadd.s32 s15, s2  }
0x40: {  	[tilespmem:s26], [sflag:$0x3] =	stream.linear.gather [hbm4b:s2+s3], $0x2000, $0x38;
	[tilespmem:$0x1EC00] =	vst v63  }
0x41: {  	_ =	swait.ge [sflag:s21], $0x2000  }
0x42: {  	[sflag:s21] =	ssyncset.done $0x0  }
0x43: {  	[sflag:s21] =	ssyncadd.s32 $0xFFFFE000  }
0x44: {  	_ =	swait.ge [sflag:s28], $0x1000  }
0x45: {  	[sflag:s28] =	ssyncset.done $0x0  }
0x46: {  	[sflag:s28] =	ssyncadd.s32 $0xFFFFF000  }
0x47: {  	_ =	swait.ge [sflag:s28], $0x1000  }
0x48: {  	[sflag:s28] =	ssyncset.done $0x0  }
0x49: {  	s18 =	simm.s32 $0x440;
	[sflag:s28] =	ssyncadd.s32 $0xFFFFF000  }
0x4a: {  	s2 =	simm.s32 $0x3400;
	v0 =	vld [tilespmem:s18+$0xFFFFFFC0]  }
0x4b: {  	v1 =	vld [tilespmem:s2+$0xFFFFF000];
	_ =	sdelay $0x4  }
0x4c: {  	v0 =	vmul.f32 v1, v0  }
0x4d: {  	s17 =	simm.s32 $0x5400  }
0x4e: {  	[tilespmem:s17+$0xFFFFF000] =	vst v0  }
0x4f: {  	v0 =	vld [tilespmem:s2+$0xFFFFF010]  }
0x50: {  	v1 =	vld [tilespmem:s18+$0xFFFFFFD0];
	_ =	sdelay $0x4  }
0x51: {  	v0 =	vmul.f32 v0, v1;
	_ =	sdelay $0x1  }
0x52: {  	s19 =	simm.s32 $0x1440;
	[tilespmem:s17+$0xFFFFF010] =	vst v0  }
0x53: {  	v0 =	vld [tilespmem:s19+$0xFFFFFFC0]  }
0x54: {  	v1 =	vld [tilespmem:s2+$0x0];
	_ =	sdelay $0x4  }
0x55: {  	v0 =	vmul.f32 v1, v0;
	_ =	sdelay $0x1  }
0x56: {  	[tilespmem:s17+$0x0] =	vst v0  }
0x57: {  	v0 =	vld [tilespmem:s19+$0xFFFFFFD0]  }
0x58: {  	v1 =	vld [tilespmem:s2+$0x10];
	_ =	sdelay $0x4  }
0x59: {  	v0 =	vmul.f32 v1, v0;
	_ =	sdelay $0x1  }
0x5a: {  	[tilespmem:s17+$0x10] =	vst v0  }
0x5b: {  	v0 =	vld [tilespmem:s18+$0xFFFFFFE0]  }
0x5c: {  	v1 =	vld [tilespmem:s2+$0xFFFFF020];
	_ =	sdelay $0x4  }
0x5d: {  	v0 =	vmul.f32 v1, v0;
	_ =	sdelay $0x1  }
0x5e: {  	[tilespmem:s17+$0xFFFFF020] =	vst v0  }
0x5f: {  	v0 =	vld [tilespmem:s18+$0xFFFFFFF0]  }
0x60: {  	v1 =	vld [tilespmem:s2+$0xFFFFF030];
	_ =	sdelay $0x4  }
0x61: {  	v0 =	vmul.f32 v1, v0;
	_ =	sdelay $0x1  }
0x62: {  	[tilespmem:s17+$0xFFFFF030] =	vst v0  }
0x63: {  	v0 =	vld [tilespmem:s19+$0xFFFFFFE0]  }
0x64: {  	v1 =	vld [tilespmem:s2+$0x20];
	_ =	sdelay $0x4  }
0x65: {  	v0 =	vmul.f32 v1, v0;
	_ =	sdelay $0x1  }
0x66: {  	[tilespmem:s17+$0x20] =	vst v0  }
0x67: {  	v0 =	vld [tilespmem:s19+$0xFFFFFFF0]  }
0x68: {  	v1 =	vld [tilespmem:s2+$0x30];
	_ =	sdelay $0x4  }
0x69: {  	v0 =	vmul.f32 v1, v0;
	_ =	sdelay $0x1  }
0x6a: {  	[tilespmem:s17+$0x30] =	vst v0  }
0x6b: {  	v0 =	vld [tilespmem:s18+$0x0]  }
0x6c: {  	v1 =	vld [tilespmem:s2+$0xFFFFF040];
	_ =	sdelay $0x4  }
0x6d: {  	v0 =	vmul.f32 v1, v0;
	_ =	sdelay $0x1  }
0x6e: {  	[tilespmem:s17+$0xFFFFF040] =	vst v0  }
0x6f: {  	v0 =	vld [tilespmem:s18+$0x10]  }
0x70: {  	v1 =	vld [tilespmem:s2+$0xFFFFF050];
	_ =	sdelay $0x4  }
0x71: {  	v0 =	vmul.f32 v1, v0;
	_ =	sdelay $0x1  }
0x72: {  	[tilespmem:s17+$0xFFFFF050] =	vst v0  }
0x73: {  	v0 =	vld [tilespmem:s19+$0x0]  }
0x74: {  	v1 =	vld [tilespmem:s2+$0x40];
	_ =	sdelay $0x4  }
0x75: {  	v0 =	vmul.f32 v1, v0;
	_ =	sdelay $0x1  }
0x76: {  	[tilespmem:s17+$0x40] =	vst v0  }
0x77: {  	v0 =	vld [tilespmem:s19+$0x10]  }
0x78: {  	v1 =	vld [tilespmem:s2+$0x50];
	_ =	sdelay $0x4  }
0x79: {  	v0 =	vmul.f32 v1, v0;
	_ =	sdelay $0x1  }
0x7a: {  	[tilespmem:s17+$0x50] =	vst v0  }
0x7b: {  	v0 =	vld [tilespmem:s18+$0x20]  }
0x7c: {  	v1 =	vld [tilespmem:s2+$0xFFFFF060];
	_ =	sdelay $0x4  }
0x7d: {  	v0 =	vmul.f32 v1, v0;
	_ =	sdelay $0x1  }
0x7e: {  	[tilespmem:s17+$0xFFFFF060] =	vst v0  }
0x7f: {  	v0 =	vld [tilespmem:s18+$0x30]  }
0x80: {  	v1 =	vld [tilespmem:s2+$0xFFFFF070];
	_ =	sdelay $0x4  }
0x81: {  	v0 =	vmul.f32 v1, v0;
	_ =	sdelay $0x1  }
0x82: {  	[tilespmem:s17+$0xFFFFF070] =	vst v0  }
0x83: {  	s14 =	simm.s32 $0x5480;
	s11 =	simm.s32 $0x1440;
	s9 =	sor.u32 $0x200, s8;
	v0 =	vld [tilespmem:s19+$0x20]  }
0x84: {  	s8 =	sor.u32 $0x300, s8;
	s10 =	simm.s32 $0x0;
	s12 =	simm.s32 $0x3480;
	v1 =	vld [tilespmem:s2+$0x60]  }
.LBB2_3:
0x85: {  	s10 =	sadd.s32 $0x4, s10;
	s18 =	sadd.s32 $0x80, s18;
	s19 =	sadd.s32 $0x80, s19  }
0x86: {  	p0 =	slt.u32 s10, $0x7C;
	_ =	sdelay $0x2  }
0x87: {  	v0 =	vmul.f32 v1, v0;
	_ =	sdelay $0x1  }
0x88: {  	[tilespmem:s17+$0x60] =	vst v0  }
0x89: {  	v0 =	vld [tilespmem:s11+$0x30];
	s11 =	smov.u32 s19  }
0x8a: {  	v1 =	vld [tilespmem:s2+$0x70];
	s2 =	smov.u32 s12;
	_ =	sdelay $0x4  }
0x8b: {  	v0 =	vmul.f32 v1, v0;
	_ =	sdelay $0x1  }
0x8c: {  	[tilespmem:s17+$0x70] =	vst v0;
	s17 =	smov.u32 s14  }
0x8d: {  	v0 =	vld [tilespmem:s18+$0xFFFFFFC0]  }
0x8e: {  	v1 =	vld [tilespmem:s12+$0xFFFFF000];
	_ =	sdelay $0x4  }
0x8f: {  	v0 =	vmul.f32 v1, v0;
	_ =	sdelay $0x1  }
0x90: {  	[tilespmem:s14+$0xFFFFF000] =	vst v0  }
0x91: {  	v0 =	vld [tilespmem:s12+$0xFFFFF010]  }
0x92: {  	v1 =	vld [tilespmem:s18+$0xFFFFFFD0];
	_ =	sdelay $0x4  }
0x93: {  	v0 =	vmul.f32 v0, v1;
	_ =	sdelay $0x1  }
0x94: {  	[tilespmem:s14+$0xFFFFF010] =	vst v0  }
0x95: {  	v0 =	vld [tilespmem:s19+$0xFFFFFFC0]  }
0x96: {  	v1 =	vld [tilespmem:s12+$0x0];
	_ =	sdelay $0x4  }
0x97: {  	v0 =	vmul.f32 v1, v0;
	_ =	sdelay $0x1  }
0x98: {  	[tilespmem:s14+$0x0] =	vst v0  }
0x99: {  	v0 =	vld [tilespmem:s19+$0xFFFFFFD0]  }
0x9a: {  	v1 =	vld [tilespmem:s12+$0x10];
	_ =	sdelay $0x4  }
0x9b: {  	v0 =	vmul.f32 v1, v0;
	_ =	sdelay $0x1  }
0x9c: {  	[tilespmem:s14+$0x10] =	vst v0  }
0x9d: {  	v0 =	vld [tilespmem:s18+$0xFFFFFFE0]  }
0x9e: {  	v1 =	vld [tilespmem:s12+$0xFFFFF020];
	_ =	sdelay $0x4  }
0x9f: {  	v0 =	vmul.f32 v1, v0;
	_ =	sdelay $0x1  }
0xa0: {  	[tilespmem:s14+$0xFFFFF020] =	vst v0  }
0xa1: {  	v0 =	vld [tilespmem:s18+$0xFFFFFFF0]  }
0xa2: {  	v1 =	vld [tilespmem:s12+$0xFFFFF030];
	_ =	sdelay $0x4  }
0xa3: {  	v0 =	vmul.f32 v1, v0;
	_ =	sdelay $0x1  }
0xa4: {  	[tilespmem:s14+$0xFFFFF030] =	vst v0  }
0xa5: {  	v0 =	vld [tilespmem:s19+$0xFFFFFFE0]  }
0xa6: {  	v1 =	vld [tilespmem:s12+$0x20];
	_ =	sdelay $0x4  }
0xa7: {  	v0 =	vmul.f32 v1, v0;
	_ =	sdelay $0x1  }
0xa8: {  	[tilespmem:s14+$0x20] =	vst v0  }
0xa9: {  	v0 =	vld [tilespmem:s19+$0xFFFFFFF0]  }
0xaa: {  	v1 =	vld [tilespmem:s12+$0x30];
	_ =	sdelay $0x4  }
0xab: {  	v0 =	vmul.f32 v1, v0;
	_ =	sdelay $0x1  }
0xac: {  	[tilespmem:s14+$0x30] =	vst v0  }
0xad: {  	v0 =	vld [tilespmem:s18+$0x0]  }
0xae: {  	v1 =	vld [tilespmem:s12+$0xFFFFF040];
	_ =	sdelay $0x4  }
0xaf: {  	v0 =	vmul.f32 v1, v0;
	_ =	sdelay $0x1  }
0xb0: {  	[tilespmem:s14+$0xFFFFF040] =	vst v0  }
0xb1: {  	v0 =	vld [tilespmem:s18+$0x10]  }
0xb2: {  	v1 =	vld [tilespmem:s12+$0xFFFFF050];
	_ =	sdelay $0x4  }
0xb3: {  	v0 =	vmul.f32 v1, v0;
	_ =	sdelay $0x1  }
0xb4: {  	[tilespmem:s14+$0xFFFFF050] =	vst v0  }
0xb5: {  	v0 =	vld [tilespmem:s19+$0x0]  }
0xb6: {  	v1 =	vld [tilespmem:s12+$0x40];
	_ =	sdelay $0x4  }
0xb7: {  	v0 =	vmul.f32 v1, v0;
	_ =	sdelay $0x1  }
0xb8: {  	[tilespmem:s14+$0x40] =	vst v0  }
0xb9: {  	v0 =	vld [tilespmem:s19+$0x10]  }
0xba: {  	v1 =	vld [tilespmem:s12+$0x50];
	_ =	sdelay $0x4  }
0xbb: {  	v0 =	vmul.f32 v1, v0;
	_ =	sdelay $0x1  }
0xbc: {  	[tilespmem:s14+$0x50] =	vst v0  }
0xbd: {  	v0 =	vld [tilespmem:s18+$0x20]  }
0xbe: {  	v1 =	vld [tilespmem:s12+$0xFFFFF060];
	_ =	sdelay $0x4  }
0xbf: {  	v0 =	vmul.f32 v1, v0;
	_ =	sdelay $0x1  }
0xc0: {  	[tilespmem:s14+$0xFFFFF060] =	vst v0  }
0xc1: {  	v0 =	vld [tilespmem:s18+$0x30]  }
0xc2: {  	v1 =	vld [tilespmem:s12+$0xFFFFF070];
	_ =	sdelay $0x4  }
.Ltmp0:
0xc3: {  	v0 =	vmul.f32 v1, v0;
	(pc) =	sbr.rel @p0 .LBB2_3-.Ltmp0, $4  }
0xc4: {  	_ = 	snop  }
0xc5: {  	[tilespmem:s14+$0xFFFFF070] =	vst v0  }
0xc6: {  	v0 =	vld [tilespmem:s19+$0x20]  }
0xc7: {  	s12 =	sadd.s32 $0x80, s12;
	s14 =	sadd.s32 $0x80, s14;
	v1 =	vld [tilespmem:s2+$0x60]  }
0xc8: {  	_ =	sdelay $0x3  }
0xc9: {  	v0 =	vmul.f32 v1, v0;
	_ =	sdelay $0x1  }
0xca: {  	[tilespmem:s17+$0x60] =	vst v0  }
0xcb: {  	v0 =	vld [tilespmem:s11+$0x30]  }
0xcc: {  	v63 =	vld [tilespmem:s2+$0x70];
	_ =	sdelay $0x4  }
0xcd: {  	v0 =	vmul.f32 v63, v0;
	_ =	sdelay $0x1  }
0xce: {  	[tilespmem:s17+$0x70] =	vst v0  }
0xcf: {  	[spmem:s1] =	stream.indirect.scatter.add.f32 [tilespmem:s29], [sflag:$0x3], $0x20, s9, s23, $0xb8;
	[tilespmem:$0x1EC00] =	vst v63  }
0xd0: {  	_ =	swait.ge [sflag:s21], $0x1000  }
0xd1: {  	p0 =	sne.s32 s0, $0xC8;
	[sflag:s21] =	ssyncset.done $0x0  }
.Ltmp1:
0xd2: {  	[sflag:s21] =	ssyncadd.s32 $0xFFFFF000;
	(pc) =	sbr.rel @p0 .LBB2_2-.Ltmp1, $4  }
0xd3: {  	[spmem:s1] =	stream.indirect.scatter.add.f32 [tilespmem:s30], [sflag:$0x3], $0x20, s8, s23, $0xb8;
	[tilespmem:$0x1EC00] =	vst v63  }
0xd4: {  	_ =	swait.ge [sflag:s21], $0x1000  }
0xd5: {  	[sflag:s21] =	ssyncset.done $0x0  }
0xd6: {  	[sflag:s21] =	ssyncadd.s32 $0xFFFFF000  }
0xd7: {  	[bflag:$0x0] =	sbarrier.arrive $0xFFFF  }
0xd8: {  	[hbm:s16], [sflag:s13] =	dma.local [spmem:s20], $0x3100  }
0xd9: {  	_ =	swait.ge [sflag:s21], $0x3100  }
0xda: {  	s31 =	sadd.s32 $0x1, s31;
	s0 =	rddreg [dreg:$0x8]  }
0xdb: {  	p0 =	sne.s32 s31, s0  }
.Ltmp2:
0xdc: {  	_ = 	snop;
	(pc) =	sbr.rel @p0 .LBB2_1-.Ltmp2, $3  }
0xdd: {  	_ =	sdelay $0x1  }
0xde: {  	[sflag:s21] =	ssyncset.done $0x0  }
0xdf: {  	[sflag:s21] =	ssyncadd.s32 $0xFFFFCF00  }
0xe0: {  	_ =	sfence.sel $0x180000  }
0xe1: {  	[bflag:$0x0] =	sbarrier.arrive $0xFFFF  }
0xe2: {  	_ =	strace $0x9000004A  }
0xe3: {  	s0 =	stileid.u32;
	[bflag:$0x2] =	sbarrier.arrive $0xFFFF  }
0xe4: {  	p0 =	sne.s32 s0, $0x0;
	s0 =	rddreg [dreg:$0x2]  }
0xe5: {  	s0 =	sadd.s32 @!p0 $0x100000, s0  }
0xe6: {  	[sflag:s0] =	ssyncadd.tile.s32 @!p0 $0x1;
	_ =	shalt  }
.Lfunc_end2:
_tile_overlayer_lowered:
.L_overlay_start_2:
0xe7: {  	(tag) =	ssettag $0x2  }
0xe8: {  	s0 =	rddreg [dreg:$0x0];
	s2 =	stileid.u32  }
0xe9: {  	s1 =	rddreg [dreg:$0x1];
	p0 =	sne.s32 s2, $0x0  }
0xea: {  	s3 =	rddreg [dreg:$0x2];
	[bflag:$0x3] =	sbarrier.arrive $0xFFFF;
	s2 =	simm.s32 @!p0 $0x1C03  }
0xeb: {  	[timem:s3], [sflag:s2] =	dma.local @!p0 [hbm:s0], s1  }
0xec: {  	s0 =	simm.s32 @!p0 $0x3  }
0xed: {  	_ =	swait.ge @!p0 [sflag:s0], s1  }
0xee: {  	s1 =	ssub.s32 @!p0 $0x0, s1;
	[sflag:s0] =	ssyncset.done @!p0 $0x0  }
0xef: {  	[sflag:s0] =	ssyncadd.s32 @!p0 s1  }
0xf0: {  	[bflag:$0x3] =	sbarrier.arrive $0xFFFF  }
0xf1: {  	_ =	shalt  }

// kernel: kernel.16.cloned.1.call-start
scs
__scs_entry_jumppad:
0x0: {  	(pc) =	sbr.rel $0x88, $3  }
0x1: {  	(tag) =	ssettag $0x0;
	lr =	simm.s32 $0x1  }
0x2: {  	[smem:$0x3F78] =	sst lr;
	_ =	strace $0xD0000000  }
0x3: {  	_ = 	snop  }
0x4: {  	_ = 	snop  }
0x5: {  	_ = 	snop  }
0x6: {  	_ = 	snop  }
0x7: {  	_ = 	snop  }
__scs_overlays_trampoline_lowered:
0x8: {  	[smem:$0x3F87] =	sst s0  }
0x9: {  	[smem:$0x3F88] =	sst s1  }
0xa: {  	[smem:$0x3F89] =	sst s2  }
0xb: {  	[smem:$0x3F8A] =	sst s3  }
0xc: {  	[smem:$0x3F8B] =	sst s4  }
0xd: {  	[smem:$0x3F8C] =	sst s5  }
0xe: {  	[smem:$0x3F8D] =	sst s6  }
0xf: {  	[smem:$0x3F8E] =	sst s7  }
0x10: {  	[smem:$0x3F8F] =	sst s8  }
0x11: {  	[smem:$0x3F90] =	sst s9;
	s0 =	simm.s32 @!p0 $0x0  }
0x12: {  	s1 =	sld [smem:$0x3F76];
	s0 =	simm.s32 @p0 $0x1  }
0x13: {  	[smem:$0x3F91] =	sst s0;
	s0 =	simm.s32 @!p1 $0x0  }
0x14: {  	s2 =	sld [smem:$0x3F75];
	s0 =	simm.s32 @p1 $0x1  }
0x15: {  	[smem:$0x3F92] =	sst s0;
	s0 =	simm.s32 @!p2 $0x0  }
0x16: {  	s3 =	sld [smem:$0x3FDB];
	s0 =	simm.s32 @p2 $0x1  }
0x17: {  	s4 =	simm.s32 $0x1BF5;
	[smem:$0x3F94] =	sst s0  }
0x18: {  	s0 =	sld [smem:$0x3F77];
	_ =	swait.ge [sflag:s4], $0x0  }
0x19: {  	s7 =	sld [smem:$0x3F78]  }
0x1a: {  	s8 =	sadd.s32 $0xFFFFE003, lr  }
0x1b: {  	s9 =	sadd.s32 $0xFFFFFEF7, lr;
	s5 =	simm.s32 $0xFFFFFFFF;
	p2 =	slt.u32 s8, $0xFFFFF086  }
0x1c: {  	p1 =	slt.u32 s9, $0xF7A;
	s5 =	simm.s32 @!p2 $0x0  }
0x1d: {  	s5 =	simm.s32 @p1 $0x1;
	p0 =	seq.s32 s7, s2  }
0x1e: {  	s7 =	smul.u32 @!p0 $0xF7A, s2;
	p2 =	seq.s32 @!p0 s5, $0x0  }
0x1f: {  	s9 =	smul.u32 $0xF7A, s1;
	s8 =	simm.s32 @!p0 $0x1BF5;
	p2 =	por !p2, p0  }
0x20: {  	[sflag:s8] =	ssyncset.s32 @!p0 $0xFFFFF086;
	s6 =	sadd.s32 @!p0 s3, s7;
	s7 =	simm.s32 @!p0 $0x108  }
0x21: {  	s3 =	sadd.s32 s3, s9;
	s6 =	sadd.s32 @!p0 $0x88, s6;
	s7 =	simm.s32 @p2 $0x1082  }
0x22: {  	[simem:s7], [sflag:s8] =	dma.local @!p0 [hbm:s6], $0xF7A  }
0x23: {  	s9 =	sor.u32 $0xD0000000, s2;
	s6 =	simm.s32 $0x108;
	_ =	swait.ge @!p0 [sflag:s8], $0x0  }
0x24: {  	s3 =	sadd.s32 $0x88, s3;
	s6 =	simm.s32 @!p1 $0x1082;
	[sflag:s4] =	ssyncset.s32 $0xFFFFF086  }
0x25: {  	[simem:s6], [sflag:s4] =	dma.local [hbm:s3], $0xF7A  }
0x26: {  	[smem:$0x3F78] =	sst s1;
	(tag) =	ssettag s2;
	_ =	strace s9  }
0x27: {  	s1 =	sld [smem:$0x3F88]  }
0x28: {  	s2 =	sld [smem:$0x3F89]  }
0x29: {  	s4 =	sld [smem:$0x3F8B]  }
0x2a: {  	p0 =	seq.s32 s5, $0x0;
	s5 =	sld [smem:$0x3F8C]  }
0x2b: {  	s6 =	sld [smem:$0x3F8D]  }
0x2c: {  	s7 =	sld [smem:$0x3F8E]  }
0x2d: {  	s3 =	simm.s32 $0x108;
	s8 =	sld [smem:$0x3F8F]  }
0x2e: {  	s3 =	simm.s32 @!p0 $0x1082;
	s9 =	sld [smem:$0x3F90]  }
0x2f: {  	lr =	sadd.s32 s0, s3;
	s0 =	sld [smem:$0x3F87]  }
0x30: {  	s3 =	sld [smem:$0x3F8A]  }
0x31: {  	[smem:$0x3F93] =	sst s10  }
0x32: {  	s10 =	sld [smem:$0x3F91];
	_ =	sdelay $0x3  }
0x33: {  	p0 =	seq.s32 s10, $0x1;
	s10 =	sld [smem:$0x3F93];
	_ =	sdelay $0x3  }
0x34: {  	[smem:$0x3F93] =	sst s10  }
0x35: {  	s10 =	sld [smem:$0x3F92];
	_ =	sdelay $0x3  }
0x36: {  	p1 =	seq.s32 s10, $0x1;
	s10 =	sld [smem:$0x3F93];
	_ =	sdelay $0x3  }
0x37: {  	[smem:$0x3F93] =	sst s10  }
0x38: {  	s10 =	sld [smem:$0x3F94]  }
0x39: {  	_ = 	snop;
	(pc) =	sbr.ind lr, $3  }
0x3a: {  	_ = 	snop  }
0x3b: {  	_ = 	snop  }
0x3c: {  	p2 =	seq.s32 s10, $0x1;
	s10 =	sld [smem:$0x3F93]  }
0x3d: {  	_ =	shalt  }
0x3e: {  	_ =	shalt  }
0x3f: {  	_ =	shalt  }
0x40: {  	_ =	shalt  }
0x41: {  	_ =	shalt  }
0x42: {  	_ =	shalt  }
0x43: {  	_ =	shalt  }
0x44: {  	_ =	shalt  }
0x45: {  	_ =	shalt  }
0x46: {  	_ =	shalt  }
0x47: {  	_ =	shalt  }
0x48: {  	_ =	shalt  }
0x49: {  	_ =	shalt  }
0x4a: {  	_ =	shalt  }
0x4b: {  	_ =	shalt  }
0x4c: {  	_ =	shalt  }
0x4d: {  	_ =	shalt  }
0x4e: {  	_ =	shalt  }
0x4f: {  	_ =	shalt  }
0x50: {  	_ =	shalt  }
0x51: {  	_ =	shalt  }
0x52: {  	_ =	shalt  }
0x53: {  	_ =	shalt  }
0x54: {  	_ =	shalt  }
0x55: {  	_ =	shalt  }
0x56: {  	_ =	shalt  }
0x57: {  	_ =	shalt  }
0x58: {  	_ =	shalt  }
0x59: {  	_ =	shalt  }
0x5a: {  	_ =	shalt  }
0x5b: {  	_ =	shalt  }
0x5c: {  	_ =	shalt  }
0x5d: {  	_ =	shalt  }
0x5e: {  	_ =	shalt  }
0x5f: {  	_ =	shalt  }
0x60: {  	_ =	shalt  }
0x61: {  	_ =	shalt  }
0x62: {  	_ =	shalt  }
0x63: {  	_ =	shalt  }
0x64: {  	_ =	shalt  }
0x65: {  	_ =	shalt  }
0x66: {  	_ =	shalt  }
0x67: {  	_ =	shalt  }
0x68: {  	_ =	shalt  }
0x69: {  	_ =	shalt  }
0x6a: {  	_ =	shalt  }
0x6b: {  	_ =	shalt  }
0x6c: {  	_ =	shalt  }
0x6d: {  	_ =	shalt  }
0x6e: {  	_ =	shalt  }
0x6f: {  	_ =	shalt  }
0x70: {  	_ =	shalt  }
0x71: {  	_ =	shalt  }
0x72: {  	_ =	shalt  }
0x73: {  	_ =	shalt  }
0x74: {  	_ =	shalt  }
0x75: {  	_ =	shalt  }
0x76: {  	_ =	shalt  }
0x77: {  	_ =	shalt  }
0x78: {  	_ =	shalt  }
0x79: {  	_ =	shalt  }
0x7a: {  	_ =	shalt  }
0x7b: {  	_ =	shalt  }
0x7c: {  	_ =	shalt  }
0x7d: {  	_ =	shalt  }
0x7e: {  	_ =	shalt  }
0x7f: {  	_ =	shalt  }
0x80: {  	_ =	shalt  }
0x81: {  	_ =	shalt  }
0x82: {  	_ =	shalt  }
0x83: {  	_ =	shalt  }
0x84: {  	_ =	shalt  }
0x85: {  	_ =	shalt  }
0x86: {  	_ =	shalt  }
0x87: {  	_ =	shalt  }
.Lfunc_end0:
.L_simem_size_0:
called_computation.2_lowered:
.L_overlay_start_0:
0x88: {  	s2 =	sld [smem:$0x3FD9]  }
0x89: {  	s3 =	sld [smem:$0x3FFE];
	_ =	sdelay $0x1  }
0x8a: {  	s1 =	srdreg.scid  }
0x8b: {  	s0 =	sand.u32 $0x1, s1  }
0x8c: {  	s16 =	sshll.u32 s0, $0xA;
	s2 =	sadd.s32 s3, s2  }
0x8d: {  	s2 =	sadd.s32 s2, s16  }
0x8e: {  	[smem:$0x3F9F] =	sst s2  }
0x8f: {  	_ = 	snop  }
0x90: {  	(tm) =	ssettm $0x1  }
0x91: {  	s17 =	sld [smem:$0x3FFB];
	_ =	sdelay $0x3  }
0x92: {  	_ =	strace s17  }
0x93: {  	s2 =	sld [smem:$0x3FFC];
	_ =	sdelay $0x3  }
0x94: {  	_ =	strace s2  }
0x95: {  	s2 =	sld [smem:$0x3FFD];
	_ =	sdelay $0x3  }
0x96: {  	_ =	strace s2  }
0x97: {  	_ =	strace $0x8FFFFFFF  }
0x98: {  	s18 =	sld [smem:$0x3FDB];
	_ =	sdelay $0x1  }
0x99: {  	s19 =	simm.s32 $_scs_section_size  }
0x9a: {  	s4 =	simm.s32 $_size__tile_overlayer_lowered;
	s5 =	simm.s32 $_tile_overlayer_lowered  }
0x9b: {  	s22 =	simm.s32 $0x1BFF;
	s21 =	sshll.u32 s5, $0x1;
	s2 =	sadd.s32 s19, s18  }
0x9c: {  	s6 =	simm.s32 $0x0;
	s20 =	sshll.u32 s4, $0x1;
	s4 =	sadd.s32 s21, s2  }
0x9d: {  	[timem:s6], [sflag:s22] =	dma.local [hbm:s4], s20  }
0x9e: {  	_ =	swait.ge [sflag:s22], s20  }
0x9f: {  	s3 =	ssub.s32 $0x0, s20;
	[sflag:s22] =	ssyncset.done $0x0  }
0xa0: {  	[sflag:s22] =	ssyncadd.s32 s3;
	_ =	sdelay $0x1  }
0xa1: {  	s23 =	simm.s32 $0x1B8B  }
0xa2: {  	_ =	swait.ge [sflag:s23], $0x1  }
0xa3: {  	[sflag:s23] =	ssyncset.done $0x0  }
0xa4: {  	s25 =	simm.s32 $0x1B8E;
	s24 =	sld [smem:$0x3FFE];
	[sflag:s23] =	ssyncadd.s32 $0xFFFFFFFF  }
0xa5: {  	s26 =	simm.s32 $execute0_lowered;
	[smem:$0x3FD2] =	sst s25  }
0xa6: {  	s4 =	sshll.u32 s26, $0x1;
	_ =	strace $0x8000004C;
	[dreg:$0x1] =	wrdreg $0xFFFFFFFF  }
0xa7: {  	s28 =	simm.s32 $_size_execute0_lowered;
	s2 =	sadd.s32 s2, s4;
	[dreg:$0x0] =	wrdreg $0x0  }
0xa8: {  	s4 =	sshll.u32 s28, $0x1;
	[dreg:$0x2] =	wrdreg s2  }
0xa9: {  	[dreg:$0x3] =	wrdreg s4  }
0xaa: {  	[dreg:$0x4] =	wrdreg $0xC0  }
0xab: {  	_ =	task [dreg:s6], $0x5FFFF  }
0xac: {  	[dreg:$0x1] =	wrdreg $0xFFFFFFFF  }
0xad: {  	[dreg:$0x0] =	wrdreg $0x60  }
0xae: {  	[dreg:$0x2] =	wrdreg s24  }
0xaf: {  	[dreg:$0x3] =	wrdreg $0x64000  }
0xb0: {  	[dreg:$0x4] =	wrdreg $0x9  }
0xb1: {  	_ =	task.clear_ibuf [dreg:s6], $0x5FFFF;
	_ =	strace $0x9000004C  }
0xb2: {  	s29 =	simm.s32 $0x9;
	_ =	strace $0x8000004E  }
0xb3: {  	_ =	swait.ge [sflag:s29], $0x1  }
0xb4: {  	[sflag:s29] =	ssyncadd.s32 $0xFFFFFFFF  }
0xb5: {  	_ =	strace $0x9000004E  }
0xb6: {  	_ =	sfence  }
0xb7: {  	s30 =	sld [smem:$0x0];
	_ =	sdelay $0x2  }
0xb8: {  	s31 =	sshll.u32 s1, $0xD;
	s1 =	sshrl.u32 s1, $0x2  }
0xb9: {  	s3 =	sand.u32 $0x4000, s31;
	s1 =	sadd.s32 s1, s30  }
0xba: {  	s0 =	sor.u32 s3, s0;
	s1 =	sshll.u32 s1, $0x11  }
0xbb: {  	s0 =	sor.u32 s1, s0  }
0xbc: {  	s0 =	sadd.s32 $0x8F2B, s0  }
0xbd: {  	[sflag:s0] =	ssyncadd.remote.s32 $0x1  }
0xbe: {  	_ =	sfence.sel $0xFFFF  }
0xbf: {  	[dreg:$0x0] =	wrdreg $0xFFFFFFFF;
	(pc) =	sbr.abs _section_cstart, $3  }
0xc0: {  	[dreg:$0x1] =	wrdreg $0xFFFFFFFF  }
0xc1: {  	_ =	task.clear_ibuf [dreg:s6], $0x2FFFF;
	_ =	strace $0x9FFFFFFF  }
0xc2: {  	(tm) =	ssettm $0x7FFFFFFF  }
0xc3: {  	_ =	shalt  }
tec
execute0_lowered:
.L_overlay_start_1:
0x0: {  	(tag) =	ssettag $0x1  }
0x1: {  	s0 =	rddreg [dreg:$0x0]  }
0x2: {  	s1 =	rddreg [dreg:$0x1];
	s3 =	simm.s32 $0x0;
	s16 =	stileid.u32  }
0x3: {  	s11 =	srdreg.scid;
	s28 =	simm.s32 $0x1;
	s29 =	simm.s32 $0x4400  }
0x4: {  	s30 =	simm.s32 $0x5400;
	s31 =	simm.s32 $0x0;
	[smem:$0x7FF] =	sst s3  }
0x5: {  	s2 =	sadd.s32 $0x82000, s0;
	s4 =	sadd.s32 $0x51000, s0;
	s9 =	smul.u32 $0x18800, s16  }
0x6: {  	s8 =	sadd.s32 $0x9BA000, s0;
	s10 =	sadd.s32 $0x69A000, s0;
	s5 =	smul.u32 $0xC800, s16  }
0x7: {  	s6 =	sadd.s32 $0x38000, s0;
	s7 =	sadd.s32 $0x1F000, s0;
	s11 =	sand.u32 $0x1, s11  }
0x8: {  	s24 =	sshll.u32 s16, $0x6;
	s26 =	smul.u32 $0x32000, s16;
	_ =	strace $0x8000004D  }
0x9: {  	s13 =	ssub.s32 $0x2, s11;
	p0 =	seq.s32 s11, $0x0;
	p1 =	seq.s32 s11, $0x1  }
0xa: {  	s12 =	sshrl.u32 s9, $0x3;
	s14 =	sshrl.u32 s5, $0x3;
	s19 =	sshrl.u32 s13, $0x1  }
0xb: {  	s9 =	sadd.s32 s9, s1;
	s10 =	smov.u32 @p0 s8;
	s8 =	simm.s32 $0xFD000  }
0xc: {  	s4 =	smov.u32 @p0 s2;
	s0 =	sadd.s32 s12, s0;
	s15 =	sor.u32 $0x10, s14  }
0xd: {  	s12 =	ssub.s32 s13, s19;
	s20 =	sadd.s32 s6, s14;
	s22 =	sadd.s32 s7, s14  }
0xe: {  	s13 =	sor.u32 $0x1C03, s24;
	s8 =	simm.s32 @!p1 $0x12E000;
	[dreg:$0x3] =	wrdreg s20  }
0xf: {  	s24 =	simm.s32 $0x400;
	s21 =	sadd.s32 s6, s15;
	[dreg:$0x5] =	wrdreg s22  }
0x10: {  	s23 =	sadd.s32 s7, s15;
	s25 =	sadd.s32 $0xCC000, s0;
	[dreg:$0x4] =	wrdreg s21  }
0x11: {  	s12 =	smax.u32 s12, $0x1;
	s15 =	sadd.s32 s10, s26;
	[dreg:$0x6] =	wrdreg s23  }
0x12: {  	s16 =	sadd.s32 s8, s0;
	s20 =	sshrl.u32 s9, $0x3;
	[dreg:$0x7] =	wrdreg s25  }
0x13: {  	s22 =	simm.s32 $0x2;
	s26 =	simm.s32 $0x2400;
	[dreg:$0x8] =	wrdreg s12  }
0x14: {  	s21 =	simm.s32 $0x3;
	s23 =	simm.s32 $0x80;
	s25 =	simm.s32 $0x1400  }
.LBB2_1:
0x15: {  	s0 =	rddreg [dreg:$0x3]  }
0x16: {  	s11 =	rddreg [dreg:$0x4]  }
0x17: {  	[tilespmem:s3], [sflag:$0x2] =	stream.linear.gather [hbm4b:s0+s3], $0x80, $0x38;
	[tilespmem:$0x1EC00] =	vst v63  }
0x18: {  	s2 =	simm.s32 $0x100;
	s12 =	rddreg [dreg:$0x5]  }
0x19: {  	[tilespmem:s2], [sflag:$0x2] =	stream.linear.gather [hbm4b:s11+s3], $0x80, $0x38;
	[tilespmem:$0x1EC00] =	vst v63  }
0x1a: {  	s14 =	simm.s32 $0x200;
	s17 =	rddreg [dreg:$0x6]  }
0x1b: {  	[tilespmem:s14], [sflag:$0x2] =	stream.linear.gather [hbm4b:s12+s3], $0x80, $0x38;
	[tilespmem:$0x1EC00] =	vst v63  }
0x1c: {  	s18 =	simm.s32 $0x300;
	s19 =	rddreg [dreg:$0x7]  }
0x1d: {  	[tilespmem:s18], [sflag:$0x2] =	stream.linear.gather [hbm4b:s17+s3], $0x80, $0x38;
	[tilespmem:$0x1EC00] =	vst v63  }
0x1e: {  	[spmem:s20], [sflag:s13] =	dma.local [hbm:s19], $0x3100  }
0x1f: {  	_ =	swait.ge [sflag:s21], $0x3100  }
0x20: {  	[sflag:s21] =	ssyncset.done $0x0  }
0x21: {  	[sflag:s21] =	ssyncadd.s32 $0xFFFFCF00  }
0x22: {  	s0 =	simm.s32 $0x0;
	[bflag:$0x0] =	sbarrier.arrive $0xFFFF  }
.LBB2_2:
0x23: {  	_ =	swait.ge [sflag:s22], $0x80  }
0x24: {  	[sflag:s22] =	ssyncset.done $0x0  }
0x25: {  	[sflag:s22] =	ssyncadd.s32 $0xFFFFFF80  }
0x26: {  	_ =	swait.ge [sflag:s22], $0x80  }
0x27: {  	[sflag:s22] =	ssyncset.done $0x0  }
0x28: {  	[sflag:s22] =	ssyncadd.s32 $0xFFFFFF80  }
0x29: {  	_ =	swait.ge [sflag:s22], $0x80  }
0x2a: {  	[sflag:s22] =	ssyncset.done $0x0  }
0x2b: {  	[sflag:s22] =	ssyncadd.s32 $0xFFFFFF80  }
0x2c: {  	_ =	swait.ge [sflag:s22], $0x80  }
0x2d: {  	s19 =	sshll.u32 s0, $0x7;
	[sflag:s22] =	ssyncset.done $0x0  }
0x2e: {  	s8 =	sand.u32 $0x80, s19;
	[sflag:s22] =	ssyncadd.s32 $0xFFFFFF80  }
0x2f: {  	[tilespmem:s24], [sflag:$0x1] =	stream.indirect.gather [hbm4b:s4+s23], $0x20, s8, s23, $0xb8;
	[tilespmem:$0x1EC00] =	vst v63  }
0x30: {  	s2 =	smov.u32 s0;
	s0 =	sor.u32 $0x100, s8  }
0x31: {  	[tilespmem:s25], [sflag:$0x1] =	stream.indirect.gather [hbm4b:s4+s23], $0x20, s0, s23, $0xb8;
	[tilespmem:$0x1EC00] =	vst v63  }
0x32: {  	p0 =	seq.s32 s2, $0xC7;
	s0 =	sadd.s32 $0x1, s2  }
0x33: {  	s9 =	sshll.u32 @!p0 s0, $0x8  }
0x34: {  	s9 =	sadd.s32 @!p0 s5, s9  }
0x35: {  	s10 =	sshll.u32 @!p0 s0, $0x7;
	s9 =	sshrl.u32 @!p0 s9, $0x3  }
0x36: {  	s12 =	simm.s32 @!p0 $0x0;
	s10 =	sand.u32 @!p0 $0x80, s10;
	s11 =	sadd.s32 @!p0 s6, s9  }
0x37: {  	[tilespmem:s10], [sflag:$0x2] =	stream.linear.gather @!p0 [hbm4b:s11+s12], $0x80, $0x38;
	[tilespmem:$0x1EC00] =	vst v63  }
0x38: {  	s11 =	sor.u32 @!p0 $0x10, s9  }
0x39: {  	s14 =	sor.u32 @!p0 $0x100, s10;
	s17 =	sadd.s32 @!p0 s6, s11  }
0x3a: {  	[tilespmem:s14], [sflag:$0x2] =	stream.linear.gather @!p0 [hbm4b:s17+s12], $0x80, $0x38;
	[tilespmem:$0x1EC00] =	vst v63  }
0x3b: {  	s9 =	sadd.s32 @!p0 s7, s9;
	s14 =	sor.u32 @!p0 $0x200, s10  }
0x3c: {  	[tilespmem:s14], [sflag:$0x2] =	stream.linear.gather @!p0 [hbm4b:s9+s12], $0x80, $0x38;
	[tilespmem:$0x1EC00] =	vst v63  }
0x3d: {  	s2 =	sshll.u32 s2, $0xA;
	s9 =	sor.u32 @!p0 $0x300, s10;
	s10 =	sadd.s32 @!p0 s7, s11  }
0x3e: {  	[tilespmem:s9], [sflag:$0x2] =	stream.linear.gather @!p0 [hbm4b:s10+s12], $0x80, $0x38;
	[tilespmem:$0x1EC00] =	vst v63  }
0x3f: {  	s2 =	sadd.s32 s15, s2  }
0x40: {  	[tilespmem:s26], [sflag:$0x3] =	stream.linear.gather [hbm4b:s2+s3], $0x2000, $0x38;
	[tilespmem:$0x1EC00] =	vst v63  }
0x41: {  	_ =	swait.ge [sflag:s21], $0x2000  }
0x42: {  	[sflag:s21] =	ssyncset.done $0x0  }
0x43: {  	[sflag:s21] =	ssyncadd.s32 $0xFFFFE000  }
0x44: {  	_ =	swait.ge [sflag:s28], $0x1000  }
0x45: {  	[sflag:s28] =	ssyncset.done $0x0  }
0x46: {  	[sflag:s28] =	ssyncadd.s32 $0xFFFFF000  }
0x47: {  	_ =	swait.ge [sflag:s28], $0x1000  }
0x48: {  	[sflag:s28] =	ssyncset.done $0x0  }
0x49: {  	s18 =	simm.s32 $0x440;
	[sflag:s28] =	ssyncadd.s32 $0xFFFFF000  }
0x4a: {  	s2 =	simm.s32 $0x3400;
	v0 =	vld [tilespmem:s18+$0xFFFFFFC0]  }
0x4b: {  	v1 =	vld [tilespmem:s2+$0xFFFFF000];
	_ =	sdelay $0x4  }
0x4c: {  	v0 =	vmul.f32 v1, v0  }
0x4d: {  	s17 =	simm.s32 $0x5400  }
0x4e: {  	[tilespmem:s17+$0xFFFFF000] =	vst v0  }
0x4f: {  	v0 =	vld [tilespmem:s2+$0xFFFFF010]  }
0x50: {  	v1 =	vld [tilespmem:s18+$0xFFFFFFD0];
	_ =	sdelay $0x4  }
0x51: {  	v0 =	vmul.f32 v0, v1;
	_ =	sdelay $0x1  }
0x52: {  	s19 =	simm.s32 $0x1440;
	[tilespmem:s17+$0xFFFFF010] =	vst v0  }
0x53: {  	v0 =	vld [tilespmem:s19+$0xFFFFFFC0]  }
0x54: {  	v1 =	vld [tilespmem:s2+$0x0];
	_ =	sdelay $0x4  }
0x55: {  	v0 =	vmul.f32 v1, v0;
	_ =	sdelay $0x1  }
0x56: {  	[tilespmem:s17+$0x0] =	vst v0  }
0x57: {  	v0 =	vld [tilespmem:s19+$0xFFFFFFD0]  }
0x58: {  	v1 =	vld [tilespmem:s2+$0x10];
	_ =	sdelay $0x4  }
0x59: {  	v0 =	vmul.f32 v1, v0;
	_ =	sdelay $0x1  }
0x5a: {  	[tilespmem:s17+$0x10] =	vst v0  }
0x5b: {  	v0 =	vld [tilespmem:s18+$0xFFFFFFE0]  }
0x5c: {  	v1 =	vld [tilespmem:s2+$0xFFFFF020];
	_ =	sdelay $0x4  }
0x5d: {  	v0 =	vmul.f32 v1, v0;
	_ =	sdelay $0x1  }
0x5e: {  	[tilespmem:s17+$0xFFFFF020] =	vst v0  }
0x5f: {  	v0 =	vld [tilespmem:s18+$0xFFFFFFF0]  }
0x60: {  	v1 =	vld [tilespmem:s2+$0xFFFFF030];
	_ =	sdelay $0x4  }
0x61: {  	v0 =	vmul.f32 v1, v0;
	_ =	sdelay $0x1  }
0x62: {  	[tilespmem:s17+$0xFFFFF030] =	vst v0  }
0x63: {  	v0 =	vld [tilespmem:s19+$0xFFFFFFE0]  }
0x64: {  	v1 =	vld [tilespmem:s2+$0x20];
	_ =	sdelay $0x4  }
0x65: {  	v0 =	vmul.f32 v1, v0;
	_ =	sdelay $0x1  }
0x66: {  	[tilespmem:s17+$0x20] =	vst v0  }
0x67: {  	v0 =	vld [tilespmem:s19+$0xFFFFFFF0]  }
0x68: {  	v1 =	vld [tilespmem:s2+$0x30];
	_ =	sdelay $0x4  }
0x69: {  	v0 =	vmul.f32 v1, v0;
	_ =	sdelay $0x1  }
0x6a: {  	[tilespmem:s17+$0x30] =	vst v0  }
0x6b: {  	v0 =	vld [tilespmem:s18+$0x0]  }
0x6c: {  	v1 =	vld [tilespmem:s2+$0xFFFFF040];
	_ =	sdelay $0x4  }
0x6d: {  	v0 =	vmul.f32 v1, v0;
	_ =	sdelay $0x1  }
0x6e: {  	[tilespmem:s17+$0xFFFFF040] =	vst v0  }
0x6f: {  	v0 =	vld [tilespmem:s18+$0x10]  }
0x70: {  	v1 =	vld [tilespmem:s2+$0xFFFFF050];
	_ =	sdelay $0x4  }
0x71: {  	v0 =	vmul.f32 v1, v0;
	_ =	sdelay $0x1  }
0x72: {  	[tilespmem:s17+$0xFFFFF050] =	vst v0  }
0x73: {  	v0 =	vld [tilespmem:s19+$0x0]  }
0x74: {  	v1 =	vld [tilespmem:s2+$0x40];
	_ =	sdelay $0x4  }
0x75: {  	v0 =	vmul.f32 v1, v0;
	_ =	sdelay $0x1  }
0x76: {  	[tilespmem:s17+$0x40] =	vst v0  }
0x77: {  	v0 =	vld [tilespmem:s19+$0x10]  }
0x78: {  	v1 =	vld [tilespmem:s2+$0x50];
	_ =	sdelay $0x4  }
0x79: {  	v0 =	vmul.f32 v1, v0;
	_ =	sdelay $0x1  }
0x7a: {  	[tilespmem:s17+$0x50] =	vst v0  }
0x7b: {  	v0 =	vld [tilespmem:s18+$0x20]  }
0x7c: {  	v1 =	vld [tilespmem:s2+$0xFFFFF060];
	_ =	sdelay $0x4  }
0x7d: {  	v0 =	vmul.f32 v1, v0;
	_ =	sdelay $0x1  }
0x7e: {  	[tilespmem:s17+$0xFFFFF060] =	vst v0  }
0x7f: {  	v0 =	vld [tilespmem:s18+$0x30]  }
0x80: {  	v1 =	vld [tilespmem:s2+$0xFFFFF070];
	_ =	sdelay $0x4  }
0x81: {  	v0 =	vmul.f32 v1, v0;
	_ =	sdelay $0x1  }
0x82: {  	[tilespmem:s17+$0xFFFFF070] =	vst v0  }
0x83: {  	s14 =	simm.s32 $0x5480;
	s11 =	simm.s32 $0x1440;
	s9 =	sor.u32 $0x200, s8;
	v0 =	vld [tilespmem:s19+$0x20]  }
0x84: {  	s8 =	sor.u32 $0x300, s8;
	s10 =	simm.s32 $0x0;
	s12 =	simm.s32 $0x3480;
	v1 =	vld [tilespmem:s2+$0x60]  }
.LBB2_3:
0x85: {  	s10 =	sadd.s32 $0x4, s10;
	s18 =	sadd.s32 $0x80, s18;
	s19 =	sadd.s32 $0x80, s19  }
0x86: {  	p0 =	slt.u32 s10, $0x7C;
	_ =	sdelay $0x2  }
0x87: {  	v0 =	vmul.f32 v1, v0;
	_ =	sdelay $0x1  }
0x88: {  	[tilespmem:s17+$0x60] =	vst v0  }
0x89: {  	v0 =	vld [tilespmem:s11+$0x30];
	s11 =	smov.u32 s19  }
0x8a: {  	v1 =	vld [tilespmem:s2+$0x70];
	s2 =	smov.u32 s12;
	_ =	sdelay $0x4  }
0x8b: {  	v0 =	vmul.f32 v1, v0;
	_ =	sdelay $0x1  }
0x8c: {  	[tilespmem:s17+$0x70] =	vst v0;
	s17 =	smov.u32 s14  }
0x8d: {  	v0 =	vld [tilespmem:s18+$0xFFFFFFC0]  }
0x8e: {  	v1 =	vld [tilespmem:s12+$0xFFFFF000];
	_ =	sdelay $0x4  }
0x8f: {  	v0 =	vmul.f32 v1, v0;
	_ =	sdelay $0x1  }
0x90: {  	[tilespmem:s14+$0xFFFFF000] =	vst v0  }
0x91: {  	v0 =	vld [tilespmem:s12+$0xFFFFF010]  }
0x92: {  	v1 =	vld [tilespmem:s18+$0xFFFFFFD0];
	_ =	sdelay $0x4  }
0x93: {  	v0 =	vmul.f32 v0, v1;
	_ =	sdelay $0x1  }
0x94: {  	[tilespmem:s14+$0xFFFFF010] =	vst v0  }
0x95: {  	v0 =	vld [tilespmem:s19+$0xFFFFFFC0]  }
0x96: {  	v1 =	vld [tilespmem:s12+$0x0];
	_ =	sdelay $0x4  }
0x97: {  	v0 =	vmul.f32 v1, v0;
	_ =	sdelay $0x1  }
0x98: {  	[tilespmem:s14+$0x0] =	vst v0  }
0x99: {  	v0 =	vld [tilespmem:s19+$0xFFFFFFD0]  }
0x9a: {  	v1 =	vld [tilespmem:s12+$0x10];
	_ =	sdelay $0x4  }
0x9b: {  	v0 =	vmul.f32 v1, v0;
	_ =	sdelay $0x1  }
0x9c: {  	[tilespmem:s14+$0x10] =	vst v0  }
0x9d: {  	v0 =	vld [tilespmem:s18+$0xFFFFFFE0]  }
0x9e: {  	v1 =	vld [tilespmem:s12+$0xFFFFF020];
	_ =	sdelay $0x4  }
0x9f: {  	v0 =	vmul.f32 v1, v0;
	_ =	sdelay $0x1  }
0xa0: {  	[tilespmem:s14+$0xFFFFF020] =	vst v0  }
0xa1: {  	v0 =	vld [tilespmem:s18+$0xFFFFFFF0]  }
0xa2: {  	v1 =	vld [tilespmem:s12+$0xFFFFF030];
	_ =	sdelay $0x4  }
0xa3: {  	v0 =	vmul.f32 v1, v0;
	_ =	sdelay $0x1  }
0xa4: {  	[tilespmem:s14+$0xFFFFF030] =	vst v0  }
0xa5: {  	v0 =	vld [tilespmem:s19+$0xFFFFFFE0]  }
0xa6: {  	v1 =	vld [tilespmem:s12+$0x20];
	_ =	sdelay $0x4  }
0xa7: {  	v0 =	vmul.f32 v1, v0;
	_ =	sdelay $0x1  }
0xa8: {  	[tilespmem:s14+$0x20] =	vst v0  }
0xa9: {  	v0 =	vld [tilespmem:s19+$0xFFFFFFF0]  }
0xaa: {  	v1 =	vld [tilespmem:s12+$0x30];
	_ =	sdelay $0x4  }
0xab: {  	v0 =	vmul.f32 v1, v0;
	_ =	sdelay $0x1  }
0xac: {  	[tilespmem:s14+$0x30] =	vst v0  }
0xad: {  	v0 =	vld [tilespmem:s18+$0x0]  }
0xae: {  	v1 =	vld [tilespmem:s12+$0xFFFFF040];
	_ =	sdelay $0x4  }
0xaf: {  	v0 =	vmul.f32 v1, v0;
	_ =	sdelay $0x1  }
0xb0: {  	[tilespmem:s14+$0xFFFFF040] =	vst v0  }
0xb1: {  	v0 =	vld [tilespmem:s18+$0x10]  }
0xb2: {  	v1 =	vld [tilespmem:s12+$0xFFFFF050];
	_ =	sdelay $0x4  }
0xb3: {  	v0 =	vmul.f32 v1, v0;
	_ =	sdelay $0x1  }
0xb4: {  	[tilespmem:s14+$0xFFFFF050] =	vst v0  }
0xb5: {  	v0 =	vld [tilespmem:s19+$0x0]  }
0xb6: {  	v1 =	vld [tilespmem:s12+$0x40];
	_ =	sdelay $0x4  }
0xb7: {  	v0 =	vmul.f32 v1, v0;
	_ =	sdelay $0x1  }
0xb8: {  	[tilespmem:s14+$0x40] =	vst v0  }
0xb9: {  	v0 =	vld [tilespmem:s19+$0x10]  }
0xba: {  	v1 =	vld [tilespmem:s12+$0x50];
	_ =	sdelay $0x4  }
0xbb: {  	v0 =	vmul.f32 v1, v0;
	_ =	sdelay $0x1  }
0xbc: {  	[tilespmem:s14+$0x50] =	vst v0  }
0xbd: {  	v0 =	vld [tilespmem:s18+$0x20]  }
0xbe: {  	v1 =	vld [tilespmem:s12+$0xFFFFF060];
	_ =	sdelay $0x4  }
0xbf: {  	v0 =	vmul.f32 v1, v0;
	_ =	sdelay $0x1  }
0xc0: {  	[tilespmem:s14+$0xFFFFF060] =	vst v0  }
0xc1: {  	v0 =	vld [tilespmem:s18+$0x30]  }
0xc2: {  	v1 =	vld [tilespmem:s12+$0xFFFFF070];
	_ =	sdelay $0x4  }
.Ltmp0:
0xc3: {  	v0 =	vmul.f32 v1, v0;
	(pc) =	sbr.rel @p0 .LBB2_3-.Ltmp0, $4  }
0xc4: {  	_ = 	snop  }
0xc5: {  	[tilespmem:s14+$0xFFFFF070] =	vst v0  }
0xc6: {  	v0 =	vld [tilespmem:s19+$0x20]  }
0xc7: {  	s12 =	sadd.s32 $0x80, s12;
	s14 =	sadd.s32 $0x80, s14;
	v1 =	vld [tilespmem:s2+$0x60]  }
0xc8: {  	_ =	sdelay $0x3  }
0xc9: {  	v0 =	vmul.f32 v1, v0;
	_ =	sdelay $0x1  }
0xca: {  	[tilespmem:s17+$0x60] =	vst v0  }
0xcb: {  	v0 =	vld [tilespmem:s11+$0x30]  }
0xcc: {  	v63 =	vld [tilespmem:s2+$0x70];
	_ =	sdelay $0x4  }
0xcd: {  	v0 =	vmul.f32 v63, v0;
	_ =	sdelay $0x1  }
0xce: {  	[tilespmem:s17+$0x70] =	vst v0  }
0xcf: {  	[spmem:s1] =	stream.indirect.scatter.add.f32 [tilespmem:s29], [sflag:$0x3], $0x20, s9, s23, $0xb8;
	[tilespmem:$0x1EC00] =	vst v63  }
0xd0: {  	_ =	swait.ge [sflag:s21], $0x1000  }
0xd1: {  	p0 =	sne.s32 s0, $0xC8;
	[sflag:s21] =	ssyncset.done $0x0  }
.Ltmp1:
0xd2: {  	[sflag:s21] =	ssyncadd.s32 $0xFFFFF000;
	(pc) =	sbr.rel @p0 .LBB2_2-.Ltmp1, $4  }
0xd3: {  	[spmem:s1] =	stream.indirect.scatter.add.f32 [tilespmem:s30], [sflag:$0x3], $0x20, s8, s23, $0xb8;
	[tilespmem:$0x1EC00] =	vst v63  }
0xd4: {  	_ =	swait.ge [sflag:s21], $0x1000  }
0xd5: {  	[sflag:s21] =	ssyncset.done $0x0  }
0xd6: {  	[sflag:s21] =	ssyncadd.s32 $0xFFFFF000  }
0xd7: {  	[bflag:$0x0] =	sbarrier.arrive $0xFFFF  }
0xd8: {  	[hbm:s16], [sflag:s13] =	dma.local [spmem:s20], $0x3100  }
0xd9: {  	_ =	swait.ge [sflag:s21], $0x3100  }
0xda: {  	s31 =	sadd.s32 $0x1, s31;
	s0 =	rddreg [dreg:$0x8]  }
0xdb: {  	p0 =	sne.s32 s31, s0  }
.Ltmp2:
0xdc: {  	_ = 	snop;
	(pc) =	sbr.rel @p0 .LBB2_1-.Ltmp2, $3  }
0xdd: {  	_ =	sdelay $0x1  }
0xde: {  	[sflag:s21] =	ssyncset.done $0x0  }
0xdf: {  	[sflag:s21] =	ssyncadd.s32 $0xFFFFCF00  }
0xe0: {  	_ =	sfence.sel $0x180000  }
0xe1: {  	[bflag:$0x0] =	sbarrier.arrive $0xFFFF  }
0xe2: {  	_ =	strace $0x9000004D  }
0xe3: {  	s0 =	stileid.u32;
	[bflag:$0x2] =	sbarrier.arrive $0xFFFF  }
0xe4: {  	p0 =	sne.s32 s0, $0x0;
	s0 =	rddreg [dreg:$0x2]  }
0xe5: {  	s0 =	sadd.s32 @!p0 $0x100000, s0  }
0xe6: {  	[sflag:s0] =	ssyncadd.tile.s32 @!p0 $0x1;
	_ =	shalt  }
.Lfunc_end2:
_tile_overlayer_lowered:
.L_overlay_start_2:
0xe7: {  	(tag) =	ssettag $0x2  }
0xe8: {  	s0 =	rddreg [dreg:$0x0];
	s2 =	stileid.u32  }
0xe9: {  	s1 =	rddreg [dreg:$0x1];
	p0 =	sne.s32 s2, $0x0  }
0xea: {  	s3 =	rddreg [dreg:$0x2];
	[bflag:$0x3] =	sbarrier.arrive $0xFFFF;
	s2 =	simm.s32 @!p0 $0x1C03  }
0xeb: {  	[timem:s3], [sflag:s2] =	dma.local @!p0 [hbm:s0], s1  }
0xec: {  	s0 =	simm.s32 @!p0 $0x3  }
0xed: {  	_ =	swait.ge @!p0 [sflag:s0], s1  }
0xee: {  	s1 =	ssub.s32 @!p0 $0x0, s1;
	[sflag:s0] =	ssyncset.done @!p0 $0x0  }
0xef: {  	[sflag:s0] =	ssyncadd.s32 @!p0 s1  }
0xf0: {  	[bflag:$0x3] =	sbarrier.arrive $0xFFFF  }
0xf1: {  	_ =	shalt  }

</sc_bundles>
